<compile_context>
chip_gen: v7x
topology: tpu7x:2x2x1
jax: 0.10.2.dev20260603
libtpu: 0.0.44.dev20260713+nightly
codegen_flags: <defaults>
</compile_context>

<pallas_src>
import jax
import jax.numpy as jnp
from jax import lax
from jax.experimental import pallas as pl
from jax.experimental.pallas import tpu as pltpu
from jax.experimental.pallas import tpu_sc as plsc

N = 10000
D = 128
E = 320000

NC = 2
NS = 16
NW = NC * NS
F = D // NW
W = F * N
CE = 8000
NCHUNK = E // CE
B = 4
NEG = float("-inf")


def _sc_body(hn_hbm, src_hbm, dst_hbm, out_hbm,
             hn_l, acc, srcb0, srcb1, dstb0, dstb1, sem_e, sem_o):
    srcb = (srcb0, srcb1)
    dstb = (dstb0, dstb1)
    wid = lax.axis_index("s") * NC + lax.axis_index("c")
    base = wid * W

    pltpu.sync_copy(hn_hbm.at[pl.ds(base, W)], hn_l)

    neg16 = jnp.full((16,), NEG, jnp.float32)

    def _init(i, carry):
        for u in range(8):
            acc[pl.ds(i * 128 + u * 16, 16)] = neg16
        return carry

    lax.fori_loop(0, W // 128, _init, 0)

    def _gat(x, idx):
        return x.at[idx].get(mode="promise_in_bounds")

    iota = lax.iota(jnp.int32, 16)
    iota_next = jnp.minimum(iota + 1, 15)
    back = [(k, jnp.maximum(iota - k, 0)) for k in (1, 2, 4, 8)]

    def _groups(slot, nbuf):
        def _batch(ib, carry):
            ge = []
            for g in range(B):
                sv = srcb[slot][pl.ds(ib * (16 * B) + g * 16, 16)]
                dv = dstb[slot][pl.ds(ib * (16 * B) + g * 16, 16)]
                kd, vi = plsc.sort_key_val(dv, iota)
                svp = _gat(sv, vi)
                is_end = (kd != _gat(kd, iota_next)) | (iota == 15)
                conds = [(kd == _gat(kd, idxk)) & (iota >= k)
                         for k, idxk in back]
                dfps, vals = [], []
                for f in range(F):
                    sfp = svp + (f * N)
                    dfp = kd + (f * N)
                    hs = plsc.load_gather(hn_l, [sfp])
                    hd = plsc.load_gather(hn_l, [dfp])
                    sg = 1.0 / (1.0 + jnp.exp(-(hs + hd)))
                    val = sg * hs
                    for c, (_, idxk) in zip(conds, back):
                        val = jnp.where(
                            c, jnp.maximum(val, _gat(val, idxk)), val)
                    cur = plsc.load_gather(acc, [dfp])
                    dfps.append(dfp)
                    vals.append(jnp.maximum(val, cur))
                ge.append((is_end, dfps, vals))
            for is_end, dfps, vals in ge:
                for f in range(F):
                    plsc.store_scatter(acc, [dfps[f]], vals[f], mask=is_end)
            pend = []
            for is_end, dfps, vals in ge:
                for f in range(F):
                    chk = plsc.load_gather(acc, [dfps[f]])
                    pend.append(is_end & (chk < vals[f]))

            def _any(ps):
                a = ps[0]
                for p in ps[1:]:
                    a = a | p
                return jnp.any(a)

            def _step(ps):
                j = 0
                for is_end, dfps, vals in ge:
                    for f in range(F):
                        plsc.store_scatter(acc, [dfps[f]], vals[f],
                                           mask=ps[j])
                        j += 1
                out = []
                j = 0
                for is_end, dfps, vals in ge:
                    for f in range(F):
                        chk = plsc.load_gather(acc, [dfps[f]])
                        out.append(is_end & (chk < vals[f]))
                        j += 1
                return tuple(out)

            lax.while_loop(_any, _step, tuple(pend))
            return carry

        lax.fori_loop(0, CE // (16 * B), _batch, nbuf)

    def _start(k, slot):
        pltpu.async_copy(src_hbm.at[pl.ds(k * CE, CE)], srcb[slot], sem_e)
        pltpu.async_copy(dst_hbm.at[pl.ds(k * CE, CE)], dstb[slot], sem_o)

    def _wait(slot):
        pltpu.make_async_copy(src_hbm.at[pl.ds(0, CE)], srcb[slot], sem_e).wait()
        pltpu.make_async_copy(dst_hbm.at[pl.ds(0, CE)], dstb[slot], sem_o).wait()

    _start(0, 0)

    def _pair(j, carry):
        k = j * 2
        _start(k + 1, 1)
        _wait(0)
        _groups(0, carry)
        pl.when(k + 2 < NCHUNK)(lambda: _start(k + 2, 0))
        _wait(1)
        _groups(1, carry)
        return carry

    lax.fori_loop(0, NCHUNK // 2, _pair, 0)

    pltpu.sync_copy(acc, out_hbm.at[pl.ds(base, W)])


_sc_segmax = pl.kernel(
    _sc_body,
    out_type=jax.ShapeDtypeStruct((N * D,), jnp.float32),
    mesh=plsc.VectorSubcoreMesh(
        core_axis_name="c", subcore_axis_name="s",
        num_cores=NC, num_subcores=NS),
    compiler_params=pltpu.CompilerParams(needs_layout_passes=False),
    scratch_types=[
        pltpu.VMEM((W,), jnp.float32),
        pltpu.VMEM((W,), jnp.float32),
        pltpu.VMEM((CE,), jnp.int32),
        pltpu.VMEM((CE,), jnp.int32),
        pltpu.VMEM((CE,), jnp.int32),
        pltpu.VMEM((CE,), jnp.int32),
        pltpu.SemaphoreType.DMA,
        pltpu.SemaphoreType.DMA,
    ],
)


def _tc_scale_body(h_ref, norm_ref, out_ref):
    out_ref[...] = h_ref[...] * norm_ref[...]


_tc_scale = pl.pallas_call(
    _tc_scale_body,
    grid=(10,),
    in_specs=[pl.BlockSpec((1000, D), lambda i: (i, 0)),
              pl.BlockSpec((1000, 1), lambda i: (i, 0))],
    out_specs=pl.BlockSpec((1000, D), lambda i: (i, 0)),
    out_shape=jax.ShapeDtypeStruct((N, D), jnp.float32),
)


def _tc_finish_body(hn_ref, c_ref, norm_ref, hout_ref, b_ref):
    hn = hn_ref[...]
    c = c_ref[...]
    cf = jnp.where(jnp.isfinite(c), c, 0.0)
    nrm = jnp.sqrt(jnp.sum(hn * hn, axis=1, keepdims=True)
                   + jnp.sum(cf * cf, axis=1, keepdims=True))
    inv = 1.0 / jnp.maximum(nrm, 1e-12)
    hout_ref[...] = cf * norm_ref[...]
    b_ref[...] = jnp.concatenate([hn * inv, cf * inv], axis=1)


_tc_finish = pl.pallas_call(
    _tc_finish_body,
    grid=(10,),
    in_specs=[pl.BlockSpec((1000, D), lambda i: (i, 0)),
              pl.BlockSpec((1000, D), lambda i: (i, 0)),
              pl.BlockSpec((1000, 1), lambda i: (i, 0))],
    out_specs=[pl.BlockSpec((1000, D), lambda i: (i, 0)),
               pl.BlockSpec((1000, 2 * D), lambda i: (i, 0))],
    out_shape=[jax.ShapeDtypeStruct((N, D), jnp.float32),
               jax.ShapeDtypeStruct((N, 2 * D), jnp.float32)],
)


def kernel(h, norm, edge_index):
    h = h.astype(jnp.float32)
    norm = norm.astype(jnp.float32)
    src = edge_index[0].astype(jnp.int32)
    dst = edge_index[1].astype(jnp.int32)
    hn = _tc_scale(h, norm)
    hn_t = jnp.transpose(hn).reshape(-1)
    c_t = _sc_segmax(hn_t, src, dst)
    c = jnp.transpose(c_t.reshape(D, N))
    h_out, b = _tc_finish(hn, c, norm)
    return (h_out, b)

# --- scband reference (transcript-rebuilt; emitter-appended) ---
"""Pipeline reference for scband-activation-graph-sage-edge-layer-50027779064261 (READ-ONLY COPY).

The authoritative reference and input builder live on the scoring server;
editing this copy changes nothing except your own understanding.
"""

import jax, jax.numpy as jnp
import numpy as np

N_NODES = 10000
N_EDGES = 320000
D = 128

def setup_inputs(seed: int = 0) -> dict:
    key = jax.random.key(seed)
    k1, k2, k3 = jax.random.split(key, 3)
    h = jax.random.normal(k1, (N_NODES, D), dtype=jnp.float32)
    norm = jax.random.uniform(k2, (N_NODES, 1), dtype=jnp.float32)
    edge_index = jax.random.randint(k3, (2, N_EDGES), 0, N_NODES, dtype=jnp.int64)
    return {"h": h, "norm": norm, "edge_index": edge_index}

def reference(h, norm, edge_index):
    # dropout(p=0.0) in eval -> identity
    N = h.shape[0]
    h = h * norm
    src = edge_index[0]
    dst = edge_index[1]
    # message_func: Ah_j = Ah[src]; e_ij = Bh[src] + Bh[dst]  (Ah = Bh = h)
    Ah_j = jnp.take(h, src, axis=0)
    e_ij = jnp.take(h, src, axis=0) + jnp.take(h, dst, axis=0)
    # reduce_func: sigma * Ah_j, activation=None, max over mailbox (per-dst segment max)
    msg = jax.nn.sigmoid(e_ij) * Ah_j
    c = jax.ops.segment_max(msg, dst, num_segments=N)
    # DGL zero-fills nodes with no incoming messages
    c = jnp.where(jnp.isfinite(c), c, jnp.zeros_like(c))
    # apply_mod (UpdateModule): first call, 'b' not in node data -> bundle = cat(h, c)
    bundle = jnp.concatenate([h, c], axis=1)
    # F.normalize(p=2, dim=1): x / max(||x||_2, eps)
    nrm = jnp.sqrt(jnp.sum(bundle * bundle, axis=1, keepdims=True))
    bundle = bundle / jnp.maximum(nrm, 1e-12)
    # activation is None -> skip
    b = bundle
    h_new = c
    # after update_all: h = h * norm; batch_norm=False -> skip
    h_out = h_new * norm
    return (h_out, b)

if __name__ == "__main__":
    import jax
    _d = setup_inputs()
    print(jax.jit(kernel)(*tuple(_d.values())))

</pallas_src>

<mosaic_0001>
#map = affine_map<(d0, d1) -> (0)>
module attributes {stable_mosaic.version = 14 : i64} {
  func.func @_sc_body(%arg0: i32, %arg1: i32, %arg2: memref<1280000xf32, #tpu.memory_space<hbm>>, %arg3: memref<320000xi32, #tpu.memory_space<hbm>>, %arg4: memref<320000xi32, #tpu.memory_space<hbm>>, %arg5: memref<1280000xf32, #tpu.memory_space<hbm>>, %arg6: memref<40000xf32, #tpu.memory_space<vmem>>, %arg7: memref<40000xf32, #tpu.memory_space<vmem>>, %arg8: memref<8000xi32, #tpu.memory_space<vmem>>, %arg9: memref<8000xi32, #tpu.memory_space<vmem>>, %arg10: memref<8000xi32, #tpu.memory_space<vmem>>, %arg11: memref<8000xi32, #tpu.memory_space<vmem>>, %arg12: memref<!tpu.dma_semaphore, #tpu.memory_space<semaphore_mem>>, %arg13: memref<!tpu.dma_semaphore, #tpu.memory_space<semaphore_mem>>) attributes {dimension_semantics = [#tpu.dimension_semantics<core_parallel>, #tpu.dimension_semantics<subcore_parallel>], iteration_bounds = array<i64: 2, 16>, scalar_prefetch = 0 : i64, scratch_operands = 8 : i64, tpu.core_type = #tpu.core_type<sc_vector_subcore>, window_params = [{transform_indices = #map}, {transform_indices = #map}, {transform_indices = #map}, {transform_indices = #map}]} {
    %mul3A = arith.constant 2 : i32
    %mul3A_0 = arith.muli %arg1, %mul3A : i32
    %add3A = arith.addi %mul3A_0, %arg0 : i32
    %mul3A_1 = arith.constant 40000 : i32
    %mul3A_2 = arith.muli %add3A, %mul3A_1 : i32
    "tpu.region"() ({
      %run_scoped3A = tpu.sem_alloc : memref<!tpu.dma_semaphore, #tpu.memory_space<semaphore_mem>>
      %dma_start3A_49 = tpu.memref_slice %arg2[%mul3A_2] : memref<1280000xf32, #tpu.memory_space<hbm>> -> memref<40000xf32, #tpu.memory_space<hbm>>
      %dma_start3A_50 = tpu.memref_slice %arg2[%mul3A_2] : memref<1280000xf32, #tpu.memory_space<hbm>> -> memref<40000xf32, #tpu.memory_space<hbm>>
      tpu.enqueue_dma source(%dma_start3A_50 : memref<40000xf32, #tpu.memory_space<hbm>>) target(%arg6 : memref<40000xf32, #tpu.memory_space<vmem>>) target_semaphore(%run_scoped3A : memref<!tpu.dma_semaphore, #tpu.memory_space<semaphore_mem>>)
      %dma_wait3A = tpu.memref_slice %arg2[%mul3A_2] : memref<1280000xf32, #tpu.memory_space<hbm>> -> memref<40000xf32, #tpu.memory_space<hbm>>
      %dma_wait3A_51 = tpu.memref_slice %arg2[%mul3A_2] : memref<1280000xf32, #tpu.memory_space<hbm>> -> memref<40000xf32, #tpu.memory_space<hbm>>
      tpu.wait_dma2 semaphore(%run_scoped3A : memref<!tpu.dma_semaphore, #tpu.memory_space<semaphore_mem>>) src(%dma_wait3A_51 : memref<40000xf32, #tpu.memory_space<hbm>>) dst(%arg6 : memref<40000xf32, #tpu.memory_space<vmem>>)
      tpu.yield
    }) : () -> ()
    %broadcast_in_dim3A = arith.constant 0xFF800000 : f32
    %broadcast_in_dim3A_3 = vector.broadcast %broadcast_in_dim3A : f32 to vector<16xf32>
    %scan3A = arith.constant 0 : i32
    %scan3A_4 = arith.constant 0 : i32
    %scan3A_5 = arith.constant 312 : i32
    %scan3A_6 = arith.addi %scan3A_4, %scan3A_5 : i32
    %scan3A_7 = arith.constant 1 : i32
    scf.for %scan3A_49 = %scan3A_4 to %scan3A_6 step %scan3A_7  : i32 {
      %mul3A_50 = arith.constant 128 : i32
      %mul3A_51 = arith.muli %scan3A_49, %mul3A_50 : i32
      %add3A_52 = arith.constant 0 : i32
      %add3A_53 = arith.addi %mul3A_51, %add3A_52 : i32
      %swap3A = arith.index_cast %add3A_53 : i32 to index
      %swap3A_54 = tpu.vector_load %arg7[%swap3A] {strides = array<i32>} : memref<40000xf32, #tpu.memory_space<vmem>>, vector<16xf32>,
      tpu.vector_store %arg7[%swap3A], %broadcast_in_dim3A_3 {strides = array<i32>} : memref<40000xf32, #tpu.memory_space<vmem>>, vector<16xf32>,
      %mul3A_55 = arith.constant 128 : i32
      %mul3A_56 = arith.muli %scan3A_49, %mul3A_55 : i32
      %add3A_57 = arith.constant 16 : i32
      %add3A_58 = arith.addi %mul3A_56, %add3A_57 : i32
      %swap3A_59 = arith.index_cast %add3A_58 : i32 to index
      %swap3A_60 = tpu.vector_load %arg7[%swap3A_59] {strides = array<i32>} : memref<40000xf32, #tpu.memory_space<vmem>>, vector<16xf32>,
      tpu.vector_store %arg7[%swap3A_59], %broadcast_in_dim3A_3 {strides = array<i32>} : memref<40000xf32, #tpu.memory_space<vmem>>, vector<16xf32>,
      %mul3A_61 = arith.constant 128 : i32
      %mul3A_62 = arith.muli %scan3A_49, %mul3A_61 : i32
      %add3A_63 = arith.constant 32 : i32
      %add3A_64 = arith.addi %mul3A_62, %add3A_63 : i32
      %swap3A_65 = arith.index_cast %add3A_64 : i32 to index
      %swap3A_66 = tpu.vector_load %arg7[%swap3A_65] {strides = array<i32>} : memref<40000xf32, #tpu.memory_space<vmem>>, vector<16xf32>,
      tpu.vector_store %arg7[%swap3A_65], %broadcast_in_dim3A_3 {strides = array<i32>} : memref<40000xf32, #tpu.memory_space<vmem>>, vector<16xf32>,
      %mul3A_67 = arith.constant 128 : i32
      %mul3A_68 = arith.muli %scan3A_49, %mul3A_67 : i32
      %add3A_69 = arith.constant 48 : i32
      %add3A_70 = arith.addi %mul3A_68, %add3A_69 : i32
      %swap3A_71 = arith.index_cast %add3A_70 : i32 to index
      %swap3A_72 = tpu.vector_load %arg7[%swap3A_71] {strides = array<i32>} : memref<40000xf32, #tpu.memory_space<vmem>>, vector<16xf32>,
      tpu.vector_store %arg7[%swap3A_71], %broadcast_in_dim3A_3 {strides = array<i32>} : memref<40000xf32, #tpu.memory_space<vmem>>, vector<16xf32>,
      %mul3A_73 = arith.constant 128 : i32
      %mul3A_74 = arith.muli %scan3A_49, %mul3A_73 : i32
      %add3A_75 = arith.constant 64 : i32
      %add3A_76 = arith.addi %mul3A_74, %add3A_75 : i32
      %swap3A_77 = arith.index_cast %add3A_76 : i32 to index
      %swap3A_78 = tpu.vector_load %arg7[%swap3A_77] {strides = array<i32>} : memref<40000xf32, #tpu.memory_space<vmem>>, vector<16xf32>,
      tpu.vector_store %arg7[%swap3A_77], %broadcast_in_dim3A_3 {strides = array<i32>} : memref<40000xf32, #tpu.memory_space<vmem>>, vector<16xf32>,
      %mul3A_79 = arith.constant 128 : i32
      %mul3A_80 = arith.muli %scan3A_49, %mul3A_79 : i32
      %add3A_81 = arith.constant 80 : i32
      %add3A_82 = arith.addi %mul3A_80, %add3A_81 : i32
      %swap3A_83 = arith.index_cast %add3A_82 : i32 to index
      %swap3A_84 = tpu.vector_load %arg7[%swap3A_83] {strides = array<i32>} : memref<40000xf32, #tpu.memory_space<vmem>>, vector<16xf32>,
      tpu.vector_store %arg7[%swap3A_83], %broadcast_in_dim3A_3 {strides = array<i32>} : memref<40000xf32, #tpu.memory_space<vmem>>, vector<16xf32>,
      %mul3A_85 = arith.constant 128 : i32
      %mul3A_86 = arith.muli %scan3A_49, %mul3A_85 : i32
      %add3A_87 = arith.constant 96 : i32
      %add3A_88 = arith.addi %mul3A_86, %add3A_87 : i32
      %swap3A_89 = arith.index_cast %add3A_88 : i32 to index
      %swap3A_90 = tpu.vector_load %arg7[%swap3A_89] {strides = array<i32>} : memref<40000xf32, #tpu.memory_space<vmem>>, vector<16xf32>,
      tpu.vector_store %arg7[%swap3A_89], %broadcast_in_dim3A_3 {strides = array<i32>} : memref<40000xf32, #tpu.memory_space<vmem>>, vector<16xf32>,
      %mul3A_91 = arith.constant 128 : i32
      %mul3A_92 = arith.muli %scan3A_49, %mul3A_91 : i32
      %add3A_93 = arith.constant 112 : i32
      %add3A_94 = arith.addi %mul3A_92, %add3A_93 : i32
      %swap3A_95 = arith.index_cast %add3A_94 : i32 to index
      %swap3A_96 = tpu.vector_load %arg7[%swap3A_95] {strides = array<i32>} : memref<40000xf32, #tpu.memory_space<vmem>>, vector<16xf32>,
      tpu.vector_store %arg7[%swap3A_95], %broadcast_in_dim3A_3 {strides = array<i32>} : memref<40000xf32, #tpu.memory_space<vmem>>, vector<16xf32>,
    }
    %scan3A_8 = arith.constant 312 : i32
    %iota3A = tpu.iota {dimensions = array<i32: 0>} : vector<16xi32>
    %add3A_9 = arith.constant 1 : i32
    %add3A_10 = vector.broadcast %add3A_9 : i32 to vector<16xi32>
    %add3A_11 = arith.addi %iota3A, %add3A_10 : vector<16xi32>
    %min3A = arith.constant 15 : i32
    %min3A_12 = vector.broadcast %min3A : i32 to vector<16xi32>
    %min3A_13 = arith.minsi %add3A_11, %min3A_12 : vector<16xi32>
    %sub3A = arith.constant 1 : i32
    %sub3A_14 = vector.broadcast %sub3A : i32 to vector<16xi32>
    %sub3A_15 = arith.subi %iota3A, %sub3A_14 : vector<16xi32>
    %max3A = arith.constant 0 : i32
    %max3A_16 = vector.broadcast %max3A : i32 to vector<16xi32>
    %max3A_17 = arith.maxsi %sub3A_15, %max3A_16 : vector<16xi32>
    %sub3A_18 = arith.constant 2 : i32
    %sub3A_19 = vector.broadcast %sub3A_18 : i32 to vector<16xi32>
    %sub3A_20 = arith.subi %iota3A, %sub3A_19 : vector<16xi32>
    %max3A_21 = arith.constant 0 : i32
    %max3A_22 = vector.broadcast %max3A_21 : i32 to vector<16xi32>
    %max3A_23 = arith.maxsi %sub3A_20, %max3A_22 : vector<16xi32>
    %sub3A_24 = arith.constant 4 : i32
    %sub3A_25 = vector.broadcast %sub3A_24 : i32 to vector<16xi32>
    %sub3A_26 = arith.subi %iota3A, %sub3A_25 : vector<16xi32>
    %max3A_27 = arith.constant 0 : i32
    %max3A_28 = vector.broadcast %max3A_27 : i32 to vector<16xi32>
    %max3A_29 = arith.maxsi %sub3A_26, %max3A_28 : vector<16xi32>
    %sub3A_30 = arith.constant 8 : i32
    %sub3A_31 = vector.broadcast %sub3A_30 : i32 to vector<16xi32>
    %sub3A_32 = arith.subi %iota3A, %sub3A_31 : vector<16xi32>
    %max3A_33 = arith.constant 0 : i32
    %max3A_34 = vector.broadcast %max3A_33 : i32 to vector<16xi32>
    %max3A_35 = arith.maxsi %sub3A_32, %max3A_34 : vector<16xi32>
    %dma_start3A = arith.constant 0 : i32
    %dma_start3A_36 = tpu.memref_slice %arg3[%dma_start3A] : memref<320000xi32, #tpu.memory_space<hbm>> -> memref<8000xi32, #tpu.memory_space<hbm>>
    %dma_start3A_37 = arith.constant 0 : i32
    %dma_start3A_38 = tpu.memref_slice %arg3[%dma_start3A_37] : memref<320000xi32, #tpu.memory_space<hbm>> -> memref<8000xi32, #tpu.memory_space<hbm>>
    tpu.enqueue_dma source(%dma_start3A_38 : memref<8000xi32, #tpu.memory_space<hbm>>) target(%arg8 : memref<8000xi32, #tpu.memory_space<vmem>>) target_semaphore(%arg12 : memref<!tpu.dma_semaphore, #tpu.memory_space<semaphore_mem>>)
    %dma_start3A_39 = arith.constant 0 : i32
    %dma_start3A_40 = tpu.memref_slice %arg4[%dma_start3A_39] : memref<320000xi32, #tpu.memory_space<hbm>> -> memref<8000xi32, #tpu.memory_space<hbm>>
    %dma_start3A_41 = arith.constant 0 : i32
    %dma_start3A_42 = tpu.memref_slice %arg4[%dma_start3A_41] : memref<320000xi32, #tpu.memory_space<hbm>> -> memref<8000xi32, #tpu.memory_space<hbm>>
    tpu.enqueue_dma source(%dma_start3A_42 : memref<8000xi32, #tpu.memory_space<hbm>>) target(%arg10 : memref<8000xi32, #tpu.memory_space<vmem>>) target_semaphore(%arg13 : memref<!tpu.dma_semaphore, #tpu.memory_space<semaphore_mem>>)
    %scan3A_43 = arith.constant 0 : i32
    %scan3A_44 = arith.constant 0 : i32
    %scan3A_45 = arith.constant 20 : i32
    %scan3A_46 = arith.addi %scan3A_44, %scan3A_45 : i32
    %scan3A_47 = arith.constant 1 : i32
    scf.for %scan3A_49 = %scan3A_44 to %scan3A_46 step %scan3A_47  : i32 {
      %mul3A_50 = arith.constant 2 : i32
      %mul3A_51 = arith.muli %scan3A_49, %mul3A_50 : i32
      %add3A_52 = arith.constant 1 : i32
      %add3A_53 = arith.addi %mul3A_51, %add3A_52 : i32
      %mul3A_54 = arith.constant 8000 : i32
      %mul3A_55 = arith.muli %add3A_53, %mul3A_54 : i32
      %dma_start3A_56 = tpu.memref_slice %arg3[%mul3A_55] : memref<320000xi32, #tpu.memory_space<hbm>> -> memref<8000xi32, #tpu.memory_space<hbm>>
      %dma_start3A_57 = tpu.memref_slice %arg3[%mul3A_55] : memref<320000xi32, #tpu.memory_space<hbm>> -> memref<8000xi32, #tpu.memory_space<hbm>>
      tpu.enqueue_dma source(%dma_start3A_57 : memref<8000xi32, #tpu.memory_space<hbm>>) target(%arg9 : memref<8000xi32, #tpu.memory_space<vmem>>) target_semaphore(%arg12 : memref<!tpu.dma_semaphore, #tpu.memory_space<semaphore_mem>>)
      %mul3A_58 = arith.constant 8000 : i32
      %mul3A_59 = arith.muli %add3A_53, %mul3A_58 : i32
      %dma_start3A_60 = tpu.memref_slice %arg4[%mul3A_59] : memref<320000xi32, #tpu.memory_space<hbm>> -> memref<8000xi32, #tpu.memory_space<hbm>>
      %dma_start3A_61 = tpu.memref_slice %arg4[%mul3A_59] : memref<320000xi32, #tpu.memory_space<hbm>> -> memref<8000xi32, #tpu.memory_space<hbm>>
      tpu.enqueue_dma source(%dma_start3A_61 : memref<8000xi32, #tpu.memory_space<hbm>>) target(%arg11 : memref<8000xi32, #tpu.memory_space<vmem>>) target_semaphore(%arg13 : memref<!tpu.dma_semaphore, #tpu.memory_space<semaphore_mem>>)
      %dma_wait3A = arith.constant 0 : i32
      %dma_wait3A_62 = tpu.memref_slice %arg3[%dma_wait3A] : memref<320000xi32, #tpu.memory_space<hbm>> -> memref<8000xi32, #tpu.memory_space<hbm>>
      %dma_wait3A_63 = arith.constant 0 : i32
      %dma_wait3A_64 = tpu.memref_slice %arg3[%dma_wait3A_63] : memref<320000xi32, #tpu.memory_space<hbm>> -> memref<8000xi32, #tpu.memory_space<hbm>>
      tpu.wait_dma2 semaphore(%arg12 : memref<!tpu.dma_semaphore, #tpu.memory_space<semaphore_mem>>) src(%dma_wait3A_64 : memref<8000xi32, #tpu.memory_space<hbm>>) dst(%arg8 : memref<8000xi32, #tpu.memory_space<vmem>>)
      %dma_wait3A_65 = arith.constant 0 : i32
      %dma_wait3A_66 = tpu.memref_slice %arg4[%dma_wait3A_65] : memref<320000xi32, #tpu.memory_space<hbm>> -> memref<8000xi32, #tpu.memory_space<hbm>>
      %dma_wait3A_67 = arith.constant 0 : i32
      %dma_wait3A_68 = tpu.memref_slice %arg4[%dma_wait3A_67] : memref<320000xi32, #tpu.memory_space<hbm>> -> memref<8000xi32, #tpu.memory_space<hbm>>
      tpu.wait_dma2 semaphore(%arg13 : memref<!tpu.dma_semaphore, #tpu.memory_space<semaphore_mem>>) src(%dma_wait3A_68 : memref<8000xi32, #tpu.memory_space<hbm>>) dst(%arg10 : memref<8000xi32, #tpu.memory_space<vmem>>)
      %scan3A_69 = arith.constant 0 : i32
      %scan3A_70 = arith.constant 125 : i32
      %scan3A_71 = arith.addi %scan3A_69, %scan3A_70 : i32
      %scan3A_72 = arith.constant 1 : i32
      scf.for %scan3A_91 = %scan3A_69 to %scan3A_71 step %scan3A_72  : i32 {
        %mul3A_92 = arith.constant 64 : i32
        %mul3A_93 = arith.muli %scan3A_91, %mul3A_92 : i32
        %add3A_94 = arith.constant 0 : i32
        %add3A_95 = arith.addi %mul3A_93, %add3A_94 : i32
        %get3A = arith.index_cast %add3A_95 : i32 to index
        %get3A_96 = tpu.vector_load %arg8[%get3A] {strides = array<i32>} : memref<8000xi32, #tpu.memory_space<vmem>>, vector<16xi32>,
        %mul3A_97 = arith.constant 64 : i32
        %mul3A_98 = arith.muli %scan3A_91, %mul3A_97 : i32
        %add3A_99 = arith.constant 0 : i32
        %add3A_100 = arith.addi %mul3A_98, %add3A_99 : i32
        %get3A_101 = arith.index_cast %add3A_100 : i32 to index
        %get3A_102 = tpu.vector_load %arg10[%get3A_101] {strides = array<i32>} : memref<8000xi32, #tpu.memory_space<vmem>>, vector<16xi32>,
        %masked_sort3A = arith.constant dense<true> : vector<16xi1>
        %masked_sort3A_103 = arith.constant -2147483648 : i32
        %masked_sort3A_104 = vector.broadcast %masked_sort3A_103 : i32 to vector<16xi32>
        %masked_sort3A_105 = arith.xori %get3A_102, %masked_sort3A_104 : vector<16xi32>
        %masked_sort3A_106, %masked_sort3A_107, %masked_sort3A_108 = tpu.sort %masked_sort3A_105, %iota3A masked %masked_sort3A : (vector<16xi32>, vector<16xi32>, vector<16xi1>) -> (vector<16xi1>, vector<16xi32>, vector<16xi32>)
        %masked_sort3A_109 = arith.xori %masked_sort3A_107, %masked_sort3A_104 : vector<16xi32>
        %lt3A_110 = arith.constant 0 : i32
        %lt3A_111 = vector.broadcast %lt3A_110 : i32 to vector<16xi32>
        %lt3A_112 = arith.cmpi slt, %masked_sort3A_108, %lt3A_111 : vector<16xi32>
        %add3A_113 = arith.constant 16 : i32
        %add3A_114 = vector.broadcast %add3A_113 : i32 to vector<16xi32>
        %add3A_115 = arith.addi %masked_sort3A_108, %add3A_114 : vector<16xi32>
        %select_n3A = arith.select %lt3A_112, %add3A_115, %masked_sort3A_108 : vector<16xi1>, vector<16xi32>
        %broadcast_in_dim3A_116 = vector.shape_cast %select_n3A : vector<16xi32> to vector<16x1xi32>
        %gather3A = vector.shape_cast %broadcast_in_dim3A_116 : vector<16x1xi32> to vector<16xi32>
        %gather3A_117 = tpu.dynamic_gather %get3A_96[%gather3A] in [0] : vector<16xi32>, vector<16xi32> -> vector<16xi32>
        %lt3A_118 = arith.constant 0 : i32
        %lt3A_119 = vector.broadcast %lt3A_118 : i32 to vector<16xi32>
        %lt3A_120 = arith.cmpi slt, %min3A_13, %lt3A_119 : vector<16xi32>
        %add3A_121 = arith.constant 16 : i32
        %add3A_122 = vector.broadcast %add3A_121 : i32 to vector<16xi32>
        %add3A_123 = arith.addi %min3A_13, %add3A_122 : vector<16xi32>
        %select_n3A_124 = arith.select %lt3A_120, %add3A_123, %min3A_13 : vector<16xi1>, vector<16xi32>
        %broadcast_in_dim3A_125 = vector.shape_cast %select_n3A_124 : vector<16xi32> to vector<16x1xi32>
        %gather3A_126 = vector.shape_cast %broadcast_in_dim3A_125 : vector<16x1xi32> to vector<16xi32>
        %gather3A_127 = tpu.dynamic_gather %masked_sort3A_109[%gather3A_126] in [0] : vector<16xi32>, vector<16xi32> -> vector<16xi32>
        %ne3A = arith.cmpi ne, %masked_sort3A_109, %gather3A_127 : vector<16xi32>
        %eq3A = arith.constant 15 : i32
        %eq3A_128 = vector.broadcast %eq3A : i32 to vector<16xi32>
        %eq3A_129 = arith.cmpi eq, %iota3A, %eq3A_128 : vector<16xi32>
        %or3A = arith.ori %ne3A, %eq3A_129 : vector<16xi1>
        %lt3A_130 = arith.constant 0 : i32
        %lt3A_131 = vector.broadcast %lt3A_130 : i32 to vector<16xi32>
        %lt3A_132 = arith.cmpi slt, %max3A_17, %lt3A_131 : vector<16xi32>
        %add3A_133 = arith.constant 16 : i32
        %add3A_134 = vector.broadcast %add3A_133 : i32 to vector<16xi32>
        %add3A_135 = arith.addi %max3A_17, %add3A_134 : vector<16xi32>
        %select_n3A_136 = arith.select %lt3A_132, %add3A_135, %max3A_17 : vector<16xi1>, vector<16xi32>
        %broadcast_in_dim3A_137 = vector.shape_cast %select_n3A_136 : vector<16xi32> to vector<16x1xi32>
        %gather3A_138 = vector.shape_cast %broadcast_in_dim3A_137 : vector<16x1xi32> to vector<16xi32>
        %gather3A_139 = tpu.dynamic_gather %masked_sort3A_109[%gather3A_138] in [0] : vector<16xi32>, vector<16xi32> -> vector<16xi32>
        %eq3A_140 = arith.cmpi eq, %masked_sort3A_109, %gather3A_139 : vector<16xi32>
        %ge3A = arith.constant 1 : i32
        %ge3A_141 = vector.broadcast %ge3A : i32 to vector<16xi32>
        %ge3A_142 = arith.cmpi sge, %iota3A, %ge3A_141 : vector<16xi32>
        %and3A = arith.andi %eq3A_140, %ge3A_142 : vector<16xi1>
        %lt3A_143 = arith.constant 0 : i32
        %lt3A_144 = vector.broadcast %lt3A_143 : i32 to vector<16xi32>
        %lt3A_145 = arith.cmpi slt, %max3A_23, %lt3A_144 : vector<16xi32>
        %add3A_146 = arith.constant 16 : i32
        %add3A_147 = vector.broadcast %add3A_146 : i32 to vector<16xi32>
        %add3A_148 = arith.addi %max3A_23, %add3A_147 : vector<16xi32>
        %select_n3A_149 = arith.select %lt3A_145, %add3A_148, %max3A_23 : vector<16xi1>, vector<16xi32>
        %broadcast_in_dim3A_150 = vector.shape_cast %select_n3A_149 : vector<16xi32> to vector<16x1xi32>
        %gather3A_151 = vector.shape_cast %broadcast_in_dim3A_150 : vector<16x1xi32> to vector<16xi32>
        %gather3A_152 = tpu.dynamic_gather %masked_sort3A_109[%gather3A_151] in [0] : vector<16xi32>, vector<16xi32> -> vector<16xi32>
        %eq3A_153 = arith.cmpi eq, %masked_sort3A_109, %gather3A_152 : vector<16xi32>
        %ge3A_154 = arith.constant 2 : i32
        %ge3A_155 = vector.broadcast %ge3A_154 : i32 to vector<16xi32>
        %ge3A_156 = arith.cmpi sge, %iota3A, %ge3A_155 : vector<16xi32>
        %and3A_157 = arith.andi %eq3A_153, %ge3A_156 : vector<16xi1>
        %lt3A_158 = arith.constant 0 : i32
        %lt3A_159 = vector.broadcast %lt3A_158 : i32 to vector<16xi32>
        %lt3A_160 = arith.cmpi slt, %max3A_29, %lt3A_159 : vector<16xi32>
        %add3A_161 = arith.constant 16 : i32
        %add3A_162 = vector.broadcast %add3A_161 : i32 to vector<16xi32>
        %add3A_163 = arith.addi %max3A_29, %add3A_162 : vector<16xi32>
        %select_n3A_164 = arith.select %lt3A_160, %add3A_163, %max3A_29 : vector<16xi1>, vector<16xi32>
        %broadcast_in_dim3A_165 = vector.shape_cast %select_n3A_164 : vector<16xi32> to vector<16x1xi32>
        %gather3A_166 = vector.shape_cast %broadcast_in_dim3A_165 : vector<16x1xi32> to vector<16xi32>
        %gather3A_167 = tpu.dynamic_gather %masked_sort3A_109[%gather3A_166] in [0] : vector<16xi32>, vector<16xi32> -> vector<16xi32>
        %eq3A_168 = arith.cmpi eq, %masked_sort3A_109, %gather3A_167 : vector<16xi32>
        %ge3A_169 = arith.constant 4 : i32
        %ge3A_170 = vector.broadcast %ge3A_169 : i32 to vector<16xi32>
        %ge3A_171 = arith.cmpi sge, %iota3A, %ge3A_170 : vector<16xi32>
        %and3A_172 = arith.andi %eq3A_168, %ge3A_171 : vector<16xi1>
        %lt3A_173 = arith.constant 0 : i32
        %lt3A_174 = vector.broadcast %lt3A_173 : i32 to vector<16xi32>
        %lt3A_175 = arith.cmpi slt, %max3A_35, %lt3A_174 : vector<16xi32>
        %add3A_176 = arith.constant 16 : i32
        %add3A_177 = vector.broadcast %add3A_176 : i32 to vector<16xi32>
        %add3A_178 = arith.addi %max3A_35, %add3A_177 : vector<16xi32>
        %select_n3A_179 = arith.select %lt3A_175, %add3A_178, %max3A_35 : vector<16xi1>, vector<16xi32>
        %broadcast_in_dim3A_180 = vector.shape_cast %select_n3A_179 : vector<16xi32> to vector<16x1xi32>
        %gather3A_181 = vector.shape_cast %broadcast_in_dim3A_180 : vector<16x1xi32> to vector<16xi32>
        %gather3A_182 = tpu.dynamic_gather %masked_sort3A_109[%gather3A_181] in [0] : vector<16xi32>, vector<16xi32> -> vector<16xi32>
        %eq3A_183 = arith.cmpi eq, %masked_sort3A_109, %gather3A_182 : vector<16xi32>
        %ge3A_184 = arith.constant 8 : i32
        %ge3A_185 = vector.broadcast %ge3A_184 : i32 to vector<16xi32>
        %ge3A_186 = arith.cmpi sge, %iota3A, %ge3A_185 : vector<16xi32>
        %and3A_187 = arith.andi %eq3A_183, %ge3A_186 : vector<16xi1>
        %add3A_188 = arith.constant 0 : i32
        %add3A_189 = vector.broadcast %add3A_188 : i32 to vector<16xi32>
        %add3A_190 = arith.addi %gather3A_117, %add3A_189 : vector<16xi32>
        %add3A_191 = arith.constant 0 : i32
        %add3A_192 = vector.broadcast %add3A_191 : i32 to vector<16xi32>
        %add3A_193 = arith.addi %masked_sort3A_109, %add3A_192 : vector<16xi32>
        %gather3A_194 = tpu.vector_load_idx %arg6[%add3A_190] : memref<40000xf32, #tpu.memory_space<vmem>>[vector<16xi32>], vector<16xf32>,
        %gather3A_195 = tpu.vector_load_idx %arg6[%add3A_193] : memref<40000xf32, #tpu.memory_space<vmem>>[vector<16xi32>], vector<16xf32>,
        %add3A_196 = arith.addf %gather3A_194, %gather3A_195 : vector<16xf32>
        %neg3A = arith.constant 0.000000e+00 : f32
        %neg3A_197 = vector.broadcast %neg3A : f32 to vector<16xf32>
        %neg3A_198 = arith.subf %neg3A_197, %add3A_196 : vector<16xf32>
        %exp3A = math.exp %neg3A_198 : vector<16xf32>
        %add3A_199 = arith.constant 1.000000e+00 : f32
        %add3A_200 = vector.broadcast %add3A_199 : f32 to vector<16xf32>
        %add3A_201 = arith.addf %add3A_200, %exp3A : vector<16xf32>
        %div3A = arith.constant 1.000000e+00 : f32
        %div3A_202 = vector.broadcast %div3A : f32 to vector<16xf32>
        %div3A_203 = arith.divf %div3A_202, %add3A_201 : vector<16xf32>
        %mul3A_204 = arith.mulf %div3A_203, %gather3A_194 : vector<16xf32>
        %lt3A_205 = arith.constant 0 : i32
        %lt3A_206 = vector.broadcast %lt3A_205 : i32 to vector<16xi32>
        %lt3A_207 = arith.cmpi slt, %max3A_17, %lt3A_206 : vector<16xi32>
        %add3A_208 = arith.constant 16 : i32
        %add3A_209 = vector.broadcast %add3A_208 : i32 to vector<16xi32>
        %add3A_210 = arith.addi %max3A_17, %add3A_209 : vector<16xi32>
        %select_n3A_211 = arith.select %lt3A_207, %add3A_210, %max3A_17 : vector<16xi1>, vector<16xi32>
        %broadcast_in_dim3A_212 = vector.shape_cast %select_n3A_211 : vector<16xi32> to vector<16x1xi32>
        %gather3A_213 = vector.shape_cast %broadcast_in_dim3A_212 : vector<16x1xi32> to vector<16xi32>
        %gather3A_214 = tpu.dynamic_gather %mul3A_204[%gather3A_213] in [0] : vector<16xf32>, vector<16xi32> -> vector<16xf32>
        %max3A_215 = arith.maximumf %mul3A_204, %gather3A_214 : vector<16xf32>
        %select_n3A_216 = arith.select %and3A, %max3A_215, %mul3A_204 : vector<16xi1>, vector<16xf32>
        %lt3A_217 = arith.constant 0 : i32
        %lt3A_218 = vector.broadcast %lt3A_217 : i32 to vector<16xi32>
        %lt3A_219 = arith.cmpi slt, %max3A_23, %lt3A_218 : vector<16xi32>
        %add3A_220 = arith.constant 16 : i32
        %add3A_221 = vector.broadcast %add3A_220 : i32 to vector<16xi32>
        %add3A_222 = arith.addi %max3A_23, %add3A_221 : vector<16xi32>
        %select_n3A_223 = arith.select %lt3A_219, %add3A_222, %max3A_23 : vector<16xi1>, vector<16xi32>
        %broadcast_in_dim3A_224 = vector.shape_cast %select_n3A_223 : vector<16xi32> to vector<16x1xi32>
        %gather3A_225 = vector.shape_cast %broadcast_in_dim3A_224 : vector<16x1xi32> to vector<16xi32>
        %gather3A_226 = tpu.dynamic_gather %select_n3A_216[%gather3A_225] in [0] : vector<16xf32>, vector<16xi32> -> vector<16xf32>
        %max3A_227 = arith.maximumf %select_n3A_216, %gather3A_226 : vector<16xf32>
        %select_n3A_228 = arith.select %and3A_157, %max3A_227, %select_n3A_216 : vector<16xi1>, vector<16xf32>
        %lt3A_229 = arith.constant 0 : i32
        %lt3A_230 = vector.broadcast %lt3A_229 : i32 to vector<16xi32>
        %lt3A_231 = arith.cmpi slt, %max3A_29, %lt3A_230 : vector<16xi32>
        %add3A_232 = arith.constant 16 : i32
        %add3A_233 = vector.broadcast %add3A_232 : i32 to vector<16xi32>
        %add3A_234 = arith.addi %max3A_29, %add3A_233 : vector<16xi32>
        %select_n3A_235 = arith.select %lt3A_231, %add3A_234, %max3A_29 : vector<16xi1>, vector<16xi32>
        %broadcast_in_dim3A_236 = vector.shape_cast %select_n3A_235 : vector<16xi32> to vector<16x1xi32>
        %gather3A_237 = vector.shape_cast %broadcast_in_dim3A_236 : vector<16x1xi32> to vector<16xi32>
        %gather3A_238 = tpu.dynamic_gather %select_n3A_228[%gather3A_237] in [0] : vector<16xf32>, vector<16xi32> -> vector<16xf32>
        %max3A_239 = arith.maximumf %select_n3A_228, %gather3A_238 : vector<16xf32>
        %select_n3A_240 = arith.select %and3A_172, %max3A_239, %select_n3A_228 : vector<16xi1>, vector<16xf32>
        %lt3A_241 = arith.constant 0 : i32
        %lt3A_242 = vector.broadcast %lt3A_241 : i32 to vector<16xi32>
        %lt3A_243 = arith.cmpi slt, %max3A_35, %lt3A_242 : vector<16xi32>
        %add3A_244 = arith.constant 16 : i32
        %add3A_245 = vector.broadcast %add3A_244 : i32 to vector<16xi32>
        %add3A_246 = arith.addi %max3A_35, %add3A_245 : vector<16xi32>
        %select_n3A_247 = arith.select %lt3A_243, %add3A_246, %max3A_35 : vector<16xi1>, vector<16xi32>
        %broadcast_in_dim3A_248 = vector.shape_cast %select_n3A_247 : vector<16xi32> to vector<16x1xi32>
        %gather3A_249 = vector.shape_cast %broadcast_in_dim3A_248 : vector<16x1xi32> to vector<16xi32>
        %gather3A_250 = tpu.dynamic_gather %select_n3A_240[%gather3A_249] in [0] : vector<16xf32>, vector<16xi32> -> vector<16xf32>
        %max3A_251 = arith.maximumf %select_n3A_240, %gather3A_250 : vector<16xf32>
        %select_n3A_252 = arith.select %and3A_187, %max3A_251, %select_n3A_240 : vector<16xi1>, vector<16xf32>
        %gather3A_253 = tpu.vector_load_idx %arg7[%add3A_193] : memref<40000xf32, #tpu.memory_space<vmem>>[vector<16xi32>], vector<16xf32>,
        %max3A_254 = arith.maximumf %select_n3A_252, %gather3A_253 : vector<16xf32>
        %add3A_255 = arith.constant 10000 : i32
        %add3A_256 = vector.broadcast %add3A_255 : i32 to vector<16xi32>
        %add3A_257 = arith.addi %gather3A_117, %add3A_256 : vector<16xi32>
        %add3A_258 = arith.constant 10000 : i32
        %add3A_259 = vector.broadcast %add3A_258 : i32 to vector<16xi32>
        %add3A_260 = arith.addi %masked_sort3A_109, %add3A_259 : vector<16xi32>
        %gather3A_261 = tpu.vector_load_idx %arg6[%add3A_257] : memref<40000xf32, #tpu.memory_space<vmem>>[vector<16xi32>], vector<16xf32>,
        %gather3A_262 = tpu.vector_load_idx %arg6[%add3A_260] : memref<40000xf32, #tpu.memory_space<vmem>>[vector<16xi32>], vector<16xf32>,
        %add3A_263 = arith.addf %gather3A_261, %gather3A_262 : vector<16xf32>
        %neg3A_264 = arith.constant 0.000000e+00 : f32
        %neg3A_265 = vector.broadcast %neg3A_264 : f32 to vector<16xf32>
        %neg3A_266 = arith.subf %neg3A_265, %add3A_263 : vector<16xf32>
        %exp3A_267 = math.exp %neg3A_266 : vector<16xf32>
        %add3A_268 = arith.constant 1.000000e+00 : f32
        %add3A_269 = vector.broadcast %add3A_268 : f32 to vector<16xf32>
        %add3A_270 = arith.addf %add3A_269, %exp3A_267 : vector<16xf32>
        %div3A_271 = arith.constant 1.000000e+00 : f32
        %div3A_272 = vector.broadcast %div3A_271 : f32 to vector<16xf32>
        %div3A_273 = arith.divf %div3A_272, %add3A_270 : vector<16xf32>
        %mul3A_274 = arith.mulf %div3A_273, %gather3A_261 : vector<16xf32>
        %lt3A_275 = arith.constant 0 : i32
        %lt3A_276 = vector.broadcast %lt3A_275 : i32 to vector<16xi32>
        %lt3A_277 = arith.cmpi slt, %max3A_17, %lt3A_276 : vector<16xi32>
        %add3A_278 = arith.constant 16 : i32
        %add3A_279 = vector.broadcast %add3A_278 : i32 to vector<16xi32>
        %add3A_280 = arith.addi %max3A_17, %add3A_279 : vector<16xi32>
        %select_n3A_281 = arith.select %lt3A_277, %add3A_280, %max3A_17 : vector<16xi1>, vector<16xi32>
        %broadcast_in_dim3A_282 = vector.shape_cast %select_n3A_281 : vector<16xi32> to vector<16x1xi32>
        %gather3A_283 = vector.shape_cast %broadcast_in_dim3A_282 : vector<16x1xi32> to vector<16xi32>
        %gather3A_284 = tpu.dynamic_gather %mul3A_274[%gather3A_283] in [0] : vector<16xf32>, vector<16xi32> -> vector<16xf32>
        %max3A_285 = arith.maximumf %mul3A_274, %gather3A_284 : vector<16xf32>
        %select_n3A_286 = arith.select %and3A, %max3A_285, %mul3A_274 : vector<16xi1>, vector<16xf32>
        %lt3A_287 = arith.constant 0 : i32
        %lt3A_288 = vector.broadcast %lt3A_287 : i32 to vector<16xi32>
        %lt3A_289 = arith.cmpi slt, %max3A_23, %lt3A_288 : vector<16xi32>
        %add3A_290 = arith.constant 16 : i32
        %add3A_291 = vector.broadcast %add3A_290 : i32 to vector<16xi32>
        %add3A_292 = arith.addi %max3A_23, %add3A_291 : vector<16xi32>
        %select_n3A_293 = arith.select %lt3A_289, %add3A_292, %max3A_23 : vector<16xi1>, vector<16xi32>
        %broadcast_in_dim3A_294 = vector.shape_cast %select_n3A_293 : vector<16xi32> to vector<16x1xi32>
        %gather3A_295 = vector.shape_cast %broadcast_in_dim3A_294 : vector<16x1xi32> to vector<16xi32>
        %gather3A_296 = tpu.dynamic_gather %select_n3A_286[%gather3A_295] in [0] : vector<16xf32>, vector<16xi32> -> vector<16xf32>
        %max3A_297 = arith.maximumf %select_n3A_286, %gather3A_296 : vector<16xf32>
        %select_n3A_298 = arith.select %and3A_157, %max3A_297, %select_n3A_286 : vector<16xi1>, vector<16xf32>
        %lt3A_299 = arith.constant 0 : i32
        %lt3A_300 = vector.broadcast %lt3A_299 : i32 to vector<16xi32>
        %lt3A_301 = arith.cmpi slt, %max3A_29, %lt3A_300 : vector<16xi32>
        %add3A_302 = arith.constant 16 : i32
        %add3A_303 = vector.broadcast %add3A_302 : i32 to vector<16xi32>
        %add3A_304 = arith.addi %max3A_29, %add3A_303 : vector<16xi32>
        %select_n3A_305 = arith.select %lt3A_301, %add3A_304, %max3A_29 : vector<16xi1>, vector<16xi32>
        %broadcast_in_dim3A_306 = vector.shape_cast %select_n3A_305 : vector<16xi32> to vector<16x1xi32>
        %gather3A_307 = vector.shape_cast %broadcast_in_dim3A_306 : vector<16x1xi32> to vector<16xi32>
        %gather3A_308 = tpu.dynamic_gather %select_n3A_298[%gather3A_307] in [0] : vector<16xf32>, vector<16xi32> -> vector<16xf32>
        %max3A_309 = arith.maximumf %select_n3A_298, %gather3A_308 : vector<16xf32>
        %select_n3A_310 = arith.select %and3A_172, %max3A_309, %select_n3A_298 : vector<16xi1>, vector<16xf32>
        %lt3A_311 = arith.constant 0 : i32
        %lt3A_312 = vector.broadcast %lt3A_311 : i32 to vector<16xi32>
        %lt3A_313 = arith.cmpi slt, %max3A_35, %lt3A_312 : vector<16xi32>
        %add3A_314 = arith.constant 16 : i32
        %add3A_315 = vector.broadcast %add3A_314 : i32 to vector<16xi32>
        %add3A_316 = arith.addi %max3A_35, %add3A_315 : vector<16xi32>
        %select_n3A_317 = arith.select %lt3A_313, %add3A_316, %max3A_35 : vector<16xi1>, vector<16xi32>
        %broadcast_in_dim3A_318 = vector.shape_cast %select_n3A_317 : vector<16xi32> to vector<16x1xi32>
        %gather3A_319 = vector.shape_cast %broadcast_in_dim3A_318 : vector<16x1xi32> to vector<16xi32>
        %gather3A_320 = tpu.dynamic_gather %select_n3A_310[%gather3A_319] in [0] : vector<16xf32>, vector<16xi32> -> vector<16xf32>
        %max3A_321 = arith.maximumf %select_n3A_310, %gather3A_320 : vector<16xf32>
        %select_n3A_322 = arith.select %and3A_187, %max3A_321, %select_n3A_310 : vector<16xi1>, vector<16xf32>
        %gather3A_323 = tpu.vector_load_idx %arg7[%add3A_260] : memref<40000xf32, #tpu.memory_space<vmem>>[vector<16xi32>], vector<16xf32>,
        %max3A_324 = arith.maximumf %select_n3A_322, %gather3A_323 : vector<16xf32>
        %add3A_325 = arith.constant 20000 : i32
        %add3A_326 = vector.broadcast %add3A_325 : i32 to vector<16xi32>
        %add3A_327 = arith.addi %gather3A_117, %add3A_326 : vector<16xi32>
        %add3A_328 = arith.constant 20000 : i32
        %add3A_329 = vector.broadcast %add3A_328 : i32 to vector<16xi32>
        %add3A_330 = arith.addi %masked_sort3A_109, %add3A_329 : vector<16xi32>
        %gather3A_331 = tpu.vector_load_idx %arg6[%add3A_327] : memref<40000xf32, #tpu.memory_space<vmem>>[vector<16xi32>], vector<16xf32>,
        %gather3A_332 = tpu.vector_load_idx %arg6[%add3A_330] : memref<40000xf32, #tpu.memory_space<vmem>>[vector<16xi32>], vector<16xf32>,
        %add3A_333 = arith.addf %gather3A_331, %gather3A_332 : vector<16xf32>
        %neg3A_334 = arith.constant 0.000000e+00 : f32
        %neg3A_335 = vector.broadcast %neg3A_334 : f32 to vector<16xf32>
        %neg3A_336 = arith.subf %neg3A_335, %add3A_333 : vector<16xf32>
        %exp3A_337 = math.exp %neg3A_336 : vector<16xf32>
        %add3A_338 = arith.constant 1.000000e+00 : f32
        %add3A_339 = vector.broadcast %add3A_338 : f32 to vector<16xf32>
        %add3A_340 = arith.addf %add3A_339, %exp3A_337 : vector<16xf32>
        %div3A_341 = arith.constant 1.000000e+00 : f32
        %div3A_342 = vector.broadcast %div3A_341 : f32 to vector<16xf32>
        %div3A_343 = arith.divf %div3A_342, %add3A_340 : vector<16xf32>
        %mul3A_344 = arith.mulf %div3A_343, %gather3A_331 : vector<16xf32>
        %lt3A_345 = arith.constant 0 : i32
        %lt3A_346 = vector.broadcast %lt3A_345 : i32 to vector<16xi32>
        %lt3A_347 = arith.cmpi slt, %max3A_17, %lt3A_346 : vector<16xi32>
        %add3A_348 = arith.constant 16 : i32
        %add3A_349 = vector.broadcast %add3A_348 : i32 to vector<16xi32>
        %add3A_350 = arith.addi %max3A_17, %add3A_349 : vector<16xi32>
        %select_n3A_351 = arith.select %lt3A_347, %add3A_350, %max3A_17 : vector<16xi1>, vector<16xi32>
        %broadcast_in_dim3A_352 = vector.shape_cast %select_n3A_351 : vector<16xi32> to vector<16x1xi32>
        %gather3A_353 = vector.shape_cast %broadcast_in_dim3A_352 : vector<16x1xi32> to vector<16xi32>
        %gather3A_354 = tpu.dynamic_gather %mul3A_344[%gather3A_353] in [0] : vector<16xf32>, vector<16xi32> -> vector<16xf32>
        %max3A_355 = arith.maximumf %mul3A_344, %gather3A_354 : vector<16xf32>
        %select_n3A_356 = arith.select %and3A, %max3A_355, %mul3A_344 : vector<16xi1>, vector<16xf32>
        %lt3A_357 = arith.constant 0 : i32
        %lt3A_358 = vector.broadcast %lt3A_357 : i32 to vector<16xi32>
        %lt3A_359 = arith.cmpi slt, %max3A_23, %lt3A_358 : vector<16xi32>
        %add3A_360 = arith.constant 16 : i32
        %add3A_361 = vector.broadcast %add3A_360 : i32 to vector<16xi32>
        %add3A_362 = arith.addi %max3A_23, %add3A_361 : vector<16xi32>
        %select_n3A_363 = arith.select %lt3A_359, %add3A_362, %max3A_23 : vector<16xi1>, vector<16xi32>
        %broadcast_in_dim3A_364 = vector.shape_cast %select_n3A_363 : vector<16xi32> to vector<16x1xi32>
        %gather3A_365 = vector.shape_cast %broadcast_in_dim3A_364 : vector<16x1xi32> to vector<16xi32>
        %gather3A_366 = tpu.dynamic_gather %select_n3A_356[%gather3A_365] in [0] : vector<16xf32>, vector<16xi32> -> vector<16xf32>
        %max3A_367 = arith.maximumf %select_n3A_356, %gather3A_366 : vector<16xf32>
        %select_n3A_368 = arith.select %and3A_157, %max3A_367, %select_n3A_356 : vector<16xi1>, vector<16xf32>
        %lt3A_369 = arith.constant 0 : i32
        %lt3A_370 = vector.broadcast %lt3A_369 : i32 to vector<16xi32>
        %lt3A_371 = arith.cmpi slt, %max3A_29, %lt3A_370 : vector<16xi32>
        %add3A_372 = arith.constant 16 : i32
        %add3A_373 = vector.broadcast %add3A_372 : i32 to vector<16xi32>
        %add3A_374 = arith.addi %max3A_29, %add3A_373 : vector<16xi32>
        %select_n3A_375 = arith.select %lt3A_371, %add3A_374, %max3A_29 : vector<16xi1>, vector<16xi32>
        %broadcast_in_dim3A_376 = vector.shape_cast %select_n3A_375 : vector<16xi32> to vector<16x1xi32>
        %gather3A_377 = vector.shape_cast %broadcast_in_dim3A_376 : vector<16x1xi32> to vector<16xi32>
        %gather3A_378 = tpu.dynamic_gather %select_n3A_368[%gather3A_377] in [0] : vector<16xf32>, vector<16xi32> -> vector<16xf32>
        %max3A_379 = arith.maximumf %select_n3A_368, %gather3A_378 : vector<16xf32>
        %select_n3A_380 = arith.select %and3A_172, %max3A_379, %select_n3A_368 : vector<16xi1>, vector<16xf32>
        %lt3A_381 = arith.constant 0 : i32
        %lt3A_382 = vector.broadcast %lt3A_381 : i32 to vector<16xi32>
        %lt3A_383 = arith.cmpi slt, %max3A_35, %lt3A_382 : vector<16xi32>
        %add3A_384 = arith.constant 16 : i32
        %add3A_385 = vector.broadcast %add3A_384 : i32 to vector<16xi32>
        %add3A_386 = arith.addi %max3A_35, %add3A_385 : vector<16xi32>
        %select_n3A_387 = arith.select %lt3A_383, %add3A_386, %max3A_35 : vector<16xi1>, vector<16xi32>
        %broadcast_in_dim3A_388 = vector.shape_cast %select_n3A_387 : vector<16xi32> to vector<16x1xi32>
        %gather3A_389 = vector.shape_cast %broadcast_in_dim3A_388 : vector<16x1xi32> to vector<16xi32>
        %gather3A_390 = tpu.dynamic_gather %select_n3A_380[%gather3A_389] in [0] : vector<16xf32>, vector<16xi32> -> vector<16xf32>
        %max3A_391 = arith.maximumf %select_n3A_380, %gather3A_390 : vector<16xf32>
        %select_n3A_392 = arith.select %and3A_187, %max3A_391, %select_n3A_380 : vector<16xi1>, vector<16xf32>
        %gather3A_393 = tpu.vector_load_idx %arg7[%add3A_330] : memref<40000xf32, #tpu.memory_space<vmem>>[vector<16xi32>], vector<16xf32>,
        %max3A_394 = arith.maximumf %select_n3A_392, %gather3A_393 : vector<16xf32>
        %add3A_395 = arith.constant 30000 : i32
        %add3A_396 = vector.broadcast %add3A_395 : i32 to vector<16xi32>
        %add3A_397 = arith.addi %gather3A_117, %add3A_396 : vector<16xi32>
        %add3A_398 = arith.constant 30000 : i32
        %add3A_399 = vector.broadcast %add3A_398 : i32 to vector<16xi32>
        %add3A_400 = arith.addi %masked_sort3A_109, %add3A_399 : vector<16xi32>
        %gather3A_401 = tpu.vector_load_idx %arg6[%add3A_397] : memref<40000xf32, #tpu.memory_space<vmem>>[vector<16xi32>], vector<16xf32>,
        %gather3A_402 = tpu.vector_load_idx %arg6[%add3A_400] : memref<40000xf32, #tpu.memory_space<vmem>>[vector<16xi32>], vector<16xf32>,
        %add3A_403 = arith.addf %gather3A_401, %gather3A_402 : vector<16xf32>
        %neg3A_404 = arith.constant 0.000000e+00 : f32
        %neg3A_405 = vector.broadcast %neg3A_404 : f32 to vector<16xf32>
        %neg3A_406 = arith.subf %neg3A_405, %add3A_403 : vector<16xf32>
        %exp3A_407 = math.exp %neg3A_406 : vector<16xf32>
        %add3A_408 = arith.constant 1.000000e+00 : f32
        %add3A_409 = vector.broadcast %add3A_408 : f32 to vector<16xf32>
        %add3A_410 = arith.addf %add3A_409, %exp3A_407 : vector<16xf32>
        %div3A_411 = arith.constant 1.000000e+00 : f32
        %div3A_412 = vector.broadcast %div3A_411 : f32 to vector<16xf32>
        %div3A_413 = arith.divf %div3A_412, %add3A_410 : vector<16xf32>
        %mul3A_414 = arith.mulf %div3A_413, %gather3A_401 : vector<16xf32>
        %lt3A_415 = arith.constant 0 : i32
        %lt3A_416 = vector.broadcast %lt3A_415 : i32 to vector<16xi32>
        %lt3A_417 = arith.cmpi slt, %max3A_17, %lt3A_416 : vector<16xi32>
        %add3A_418 = arith.constant 16 : i32
        %add3A_419 = vector.broadcast %add3A_418 : i32 to vector<16xi32>
        %add3A_420 = arith.addi %max3A_17, %add3A_419 : vector<16xi32>
        %select_n3A_421 = arith.select %lt3A_417, %add3A_420, %max3A_17 : vector<16xi1>, vector<16xi32>
        %broadcast_in_dim3A_422 = vector.shape_cast %select_n3A_421 : vector<16xi32> to vector<16x1xi32>
        %gather3A_423 = vector.shape_cast %broadcast_in_dim3A_422 : vector<16x1xi32> to vector<16xi32>
        %gather3A_424 = tpu.dynamic_gather %mul3A_414[%gather3A_423] in [0] : vector<16xf32>, vector<16xi32> -> vector<16xf32>
        %max3A_425 = arith.maximumf %mul3A_414, %gather3A_424 : vector<16xf32>
        %select_n3A_426 = arith.select %and3A, %max3A_425, %mul3A_414 : vector<16xi1>, vector<16xf32>
        %lt3A_427 = arith.constant 0 : i32
        %lt3A_428 = vector.broadcast %lt3A_427 : i32 to vector<16xi32>
        %lt3A_429 = arith.cmpi slt, %max3A_23, %lt3A_428 : vector<16xi32>
        %add3A_430 = arith.constant 16 : i32
        %add3A_431 = vector.broadcast %add3A_430 : i32 to vector<16xi32>
        %add3A_432 = arith.addi %max3A_23, %add3A_431 : vector<16xi32>
        %select_n3A_433 = arith.select %lt3A_429, %add3A_432, %max3A_23 : vector<16xi1>, vector<16xi32>
        %broadcast_in_dim3A_434 = vector.shape_cast %select_n3A_433 : vector<16xi32> to vector<16x1xi32>
        %gather3A_435 = vector.shape_cast %broadcast_in_dim3A_434 : vector<16x1xi32> to vector<16xi32>
        %gather3A_436 = tpu.dynamic_gather %select_n3A_426[%gather3A_435] in [0] : vector<16xf32>, vector<16xi32> -> vector<16xf32>
        %max3A_437 = arith.maximumf %select_n3A_426, %gather3A_436 : vector<16xf32>
        %select_n3A_438 = arith.select %and3A_157, %max3A_437, %select_n3A_426 : vector<16xi1>, vector<16xf32>
        %lt3A_439 = arith.constant 0 : i32
        %lt3A_440 = vector.broadcast %lt3A_439 : i32 to vector<16xi32>
        %lt3A_441 = arith.cmpi slt, %max3A_29, %lt3A_440 : vector<16xi32>
        %add3A_442 = arith.constant 16 : i32
        %add3A_443 = vector.broadcast %add3A_442 : i32 to vector<16xi32>
        %add3A_444 = arith.addi %max3A_29, %add3A_443 : vector<16xi32>
        %select_n3A_445 = arith.select %lt3A_441, %add3A_444, %max3A_29 : vector<16xi1>, vector<16xi32>
        %broadcast_in_dim3A_446 = vector.shape_cast %select_n3A_445 : vector<16xi32> to vector<16x1xi32>
        %gather3A_447 = vector.shape_cast %broadcast_in_dim3A_446 : vector<16x1xi32> to vector<16xi32>
        %gather3A_448 = tpu.dynamic_gather %select_n3A_438[%gather3A_447] in [0] : vector<16xf32>, vector<16xi32> -> vector<16xf32>
        %max3A_449 = arith.maximumf %select_n3A_438, %gather3A_448 : vector<16xf32>
        %select_n3A_450 = arith.select %and3A_172, %max3A_449, %select_n3A_438 : vector<16xi1>, vector<16xf32>
        %lt3A_451 = arith.constant 0 : i32
        %lt3A_452 = vector.broadcast %lt3A_451 : i32 to vector<16xi32>
        %lt3A_453 = arith.cmpi slt, %max3A_35, %lt3A_452 : vector<16xi32>
        %add3A_454 = arith.constant 16 : i32
        %add3A_455 = vector.broadcast %add3A_454 : i32 to vector<16xi32>
        %add3A_456 = arith.addi %max3A_35, %add3A_455 : vector<16xi32>
        %select_n3A_457 = arith.select %lt3A_453, %add3A_456, %max3A_35 : vector<16xi1>, vector<16xi32>
        %broadcast_in_dim3A_458 = vector.shape_cast %select_n3A_457 : vector<16xi32> to vector<16x1xi32>
        %gather3A_459 = vector.shape_cast %broadcast_in_dim3A_458 : vector<16x1xi32> to vector<16xi32>
        %gather3A_460 = tpu.dynamic_gather %select_n3A_450[%gather3A_459] in [0] : vector<16xf32>, vector<16xi32> -> vector<16xf32>
        %max3A_461 = arith.maximumf %select_n3A_450, %gather3A_460 : vector<16xf32>
        %select_n3A_462 = arith.select %and3A_187, %max3A_461, %select_n3A_450 : vector<16xi1>, vector<16xf32>
        %gather3A_463 = tpu.vector_load_idx %arg7[%add3A_400] : memref<40000xf32, #tpu.memory_space<vmem>>[vector<16xi32>], vector<16xf32>,
        %max3A_464 = arith.maximumf %select_n3A_462, %gather3A_463 : vector<16xf32>
        %mul3A_465 = arith.constant 64 : i32
        %mul3A_466 = arith.muli %scan3A_91, %mul3A_465 : i32
        %add3A_467 = arith.constant 16 : i32
        %add3A_468 = arith.addi %mul3A_466, %add3A_467 : i32
        %get3A_469 = arith.index_cast %add3A_468 : i32 to index
        %get3A_470 = tpu.vector_load %arg8[%get3A_469] {strides = array<i32>} : memref<8000xi32, #tpu.memory_space<vmem>>, vector<16xi32>,
        %mul3A_471 = arith.constant 64 : i32
        %mul3A_472 = arith.muli %scan3A_91, %mul3A_471 : i32
        %add3A_473 = arith.constant 16 : i32
        %add3A_474 = arith.addi %mul3A_472, %add3A_473 : i32
        %get3A_475 = arith.index_cast %add3A_474 : i32 to index
        %get3A_476 = tpu.vector_load %arg10[%get3A_475] {strides = array<i32>} : memref<8000xi32, #tpu.memory_space<vmem>>, vector<16xi32>,
        %masked_sort3A_477 = arith.constant dense<true> : vector<16xi1>
        %masked_sort3A_478 = arith.constant -2147483648 : i32
        %masked_sort3A_479 = vector.broadcast %masked_sort3A_478 : i32 to vector<16xi32>
        %masked_sort3A_480 = arith.xori %get3A_476, %masked_sort3A_479 : vector<16xi32>
        %masked_sort3A_481, %masked_sort3A_482, %masked_sort3A_483 = tpu.sort %masked_sort3A_480, %iota3A masked %masked_sort3A_477 : (vector<16xi32>, vector<16xi32>, vector<16xi1>) -> (vector<16xi1>, vector<16xi32>, vector<16xi32>)
        %masked_sort3A_484 = arith.xori %masked_sort3A_482, %masked_sort3A_479 : vector<16xi32>
        %lt3A_485 = arith.constant 0 : i32
        %lt3A_486 = vector.broadcast %lt3A_485 : i32 to vector<16xi32>
        %lt3A_487 = arith.cmpi slt, %masked_sort3A_483, %lt3A_486 : vector<16xi32>
        %add3A_488 = arith.constant 16 : i32
        %add3A_489 = vector.broadcast %add3A_488 : i32 to vector<16xi32>
        %add3A_490 = arith.addi %masked_sort3A_483, %add3A_489 : vector<16xi32>
        %select_n3A_491 = arith.select %lt3A_487, %add3A_490, %masked_sort3A_483 : vector<16xi1>, vector<16xi32>
        %broadcast_in_dim3A_492 = vector.shape_cast %select_n3A_491 : vector<16xi32> to vector<16x1xi32>
        %gather3A_493 = vector.shape_cast %broadcast_in_dim3A_492 : vector<16x1xi32> to vector<16xi32>
        %gather3A_494 = tpu.dynamic_gather %get3A_470[%gather3A_493] in [0] : vector<16xi32>, vector<16xi32> -> vector<16xi32>
        %lt3A_495 = arith.constant 0 : i32
        %lt3A_496 = vector.broadcast %lt3A_495 : i32 to vector<16xi32>
        %lt3A_497 = arith.cmpi slt, %min3A_13, %lt3A_496 : vector<16xi32>
        %add3A_498 = arith.constant 16 : i32
        %add3A_499 = vector.broadcast %add3A_498 : i32 to vector<16xi32>
        %add3A_500 = arith.addi %min3A_13, %add3A_499 : vector<16xi32>
        %select_n3A_501 = arith.select %lt3A_497, %add3A_500, %min3A_13 : vector<16xi1>, vector<16xi32>
        %broadcast_in_dim3A_502 = vector.shape_cast %select_n3A_501 : vector<16xi32> to vector<16x1xi32>
        %gather3A_503 = vector.shape_cast %broadcast_in_dim3A_502 : vector<16x1xi32> to vector<16xi32>
        %gather3A_504 = tpu.dynamic_gather %masked_sort3A_484[%gather3A_503] in [0] : vector<16xi32>, vector<16xi32> -> vector<16xi32>
        %ne3A_505 = arith.cmpi ne, %masked_sort3A_484, %gather3A_504 : vector<16xi32>
        %eq3A_506 = arith.constant 15 : i32
        %eq3A_507 = vector.broadcast %eq3A_506 : i32 to vector<16xi32>
        %eq3A_508 = arith.cmpi eq, %iota3A, %eq3A_507 : vector<16xi32>
        %or3A_509 = arith.ori %ne3A_505, %eq3A_508 : vector<16xi1>
        %lt3A_510 = arith.constant 0 : i32
        %lt3A_511 = vector.broadcast %lt3A_510 : i32 to vector<16xi32>
        %lt3A_512 = arith.cmpi slt, %max3A_17, %lt3A_511 : vector<16xi32>
        %add3A_513 = arith.constant 16 : i32
        %add3A_514 = vector.broadcast %add3A_513 : i32 to vector<16xi32>
        %add3A_515 = arith.addi %max3A_17, %add3A_514 : vector<16xi32>
        %select_n3A_516 = arith.select %lt3A_512, %add3A_515, %max3A_17 : vector<16xi1>, vector<16xi32>
        %broadcast_in_dim3A_517 = vector.shape_cast %select_n3A_516 : vector<16xi32> to vector<16x1xi32>
        %gather3A_518 = vector.shape_cast %broadcast_in_dim3A_517 : vector<16x1xi32> to vector<16xi32>
        %gather3A_519 = tpu.dynamic_gather %masked_sort3A_484[%gather3A_518] in [0] : vector<16xi32>, vector<16xi32> -> vector<16xi32>
        %eq3A_520 = arith.cmpi eq, %masked_sort3A_484, %gather3A_519 : vector<16xi32>
        %ge3A_521 = arith.constant 1 : i32
        %ge3A_522 = vector.broadcast %ge3A_521 : i32 to vector<16xi32>
        %ge3A_523 = arith.cmpi sge, %iota3A, %ge3A_522 : vector<16xi32>
        %and3A_524 = arith.andi %eq3A_520, %ge3A_523 : vector<16xi1>
        %lt3A_525 = arith.constant 0 : i32
        %lt3A_526 = vector.broadcast %lt3A_525 : i32 to vector<16xi32>
        %lt3A_527 = arith.cmpi slt, %max3A_23, %lt3A_526 : vector<16xi32>
        %add3A_528 = arith.constant 16 : i32
        %add3A_529 = vector.broadcast %add3A_528 : i32 to vector<16xi32>
        %add3A_530 = arith.addi %max3A_23, %add3A_529 : vector<16xi32>
        %select_n3A_531 = arith.select %lt3A_527, %add3A_530, %max3A_23 : vector<16xi1>, vector<16xi32>
        %broadcast_in_dim3A_532 = vector.shape_cast %select_n3A_531 : vector<16xi32> to vector<16x1xi32>
        %gather3A_533 = vector.shape_cast %broadcast_in_dim3A_532 : vector<16x1xi32> to vector<16xi32>
        %gather3A_534 = tpu.dynamic_gather %masked_sort3A_484[%gather3A_533] in [0] : vector<16xi32>, vector<16xi32> -> vector<16xi32>
        %eq3A_535 = arith.cmpi eq, %masked_sort3A_484, %gather3A_534 : vector<16xi32>
        %ge3A_536 = arith.constant 2 : i32
        %ge3A_537 = vector.broadcast %ge3A_536 : i32 to vector<16xi32>
        %ge3A_538 = arith.cmpi sge, %iota3A, %ge3A_537 : vector<16xi32>
        %and3A_539 = arith.andi %eq3A_535, %ge3A_538 : vector<16xi1>
        %lt3A_540 = arith.constant 0 : i32
        %lt3A_541 = vector.broadcast %lt3A_540 : i32 to vector<16xi32>
        %lt3A_542 = arith.cmpi slt, %max3A_29, %lt3A_541 : vector<16xi32>
        %add3A_543 = arith.constant 16 : i32
        %add3A_544 = vector.broadcast %add3A_543 : i32 to vector<16xi32>
        %add3A_545 = arith.addi %max3A_29, %add3A_544 : vector<16xi32>
        %select_n3A_546 = arith.select %lt3A_542, %add3A_545, %max3A_29 : vector<16xi1>, vector<16xi32>
        %broadcast_in_dim3A_547 = vector.shape_cast %select_n3A_546 : vector<16xi32> to vector<16x1xi32>
        %gather3A_548 = vector.shape_cast %broadcast_in_dim3A_547 : vector<16x1xi32> to vector<16xi32>
        %gather3A_549 = tpu.dynamic_gather %masked_sort3A_484[%gather3A_548] in [0] : vector<16xi32>, vector<16xi32> -> vector<16xi32>
        %eq3A_550 = arith.cmpi eq, %masked_sort3A_484, %gather3A_549 : vector<16xi32>
        %ge3A_551 = arith.constant 4 : i32
        %ge3A_552 = vector.broadcast %ge3A_551 : i32 to vector<16xi32>
        %ge3A_553 = arith.cmpi sge, %iota3A, %ge3A_552 : vector<16xi32>
        %and3A_554 = arith.andi %eq3A_550, %ge3A_553 : vector<16xi1>
        %lt3A_555 = arith.constant 0 : i32
        %lt3A_556 = vector.broadcast %lt3A_555 : i32 to vector<16xi32>
        %lt3A_557 = arith.cmpi slt, %max3A_35, %lt3A_556 : vector<16xi32>
        %add3A_558 = arith.constant 16 : i32
        %add3A_559 = vector.broadcast %add3A_558 : i32 to vector<16xi32>
        %add3A_560 = arith.addi %max3A_35, %add3A_559 : vector<16xi32>
        %select_n3A_561 = arith.select %lt3A_557, %add3A_560, %max3A_35 : vector<16xi1>, vector<16xi32>
        %broadcast_in_dim3A_562 = vector.shape_cast %select_n3A_561 : vector<16xi32> to vector<16x1xi32>
        %gather3A_563 = vector.shape_cast %broadcast_in_dim3A_562 : vector<16x1xi32> to vector<16xi32>
        %gather3A_564 = tpu.dynamic_gather %masked_sort3A_484[%gather3A_563] in [0] : vector<16xi32>, vector<16xi32> -> vector<16xi32>
        %eq3A_565 = arith.cmpi eq, %masked_sort3A_484, %gather3A_564 : vector<16xi32>
        %ge3A_566 = arith.constant 8 : i32
        %ge3A_567 = vector.broadcast %ge3A_566 : i32 to vector<16xi32>
        %ge3A_568 = arith.cmpi sge, %iota3A, %ge3A_567 : vector<16xi32>
        %and3A_569 = arith.andi %eq3A_565, %ge3A_568 : vector<16xi1>
        %add3A_570 = arith.constant 0 : i32
        %add3A_571 = vector.broadcast %add3A_570 : i32 to vector<16xi32>
        %add3A_572 = arith.addi %gather3A_494, %add3A_571 : vector<16xi32>
        %add3A_573 = arith.constant 0 : i32
        %add3A_574 = vector.broadcast %add3A_573 : i32 to vector<16xi32>
        %add3A_575 = arith.addi %masked_sort3A_484, %add3A_574 : vector<16xi32>
        %gather3A_576 = tpu.vector_load_idx %arg6[%add3A_572] : memref<40000xf32, #tpu.memory_space<vmem>>[vector<16xi32>], vector<16xf32>,
        %gather3A_577 = tpu.vector_load_idx %arg6[%add3A_575] : memref<40000xf32, #tpu.memory_space<vmem>>[vector<16xi32>], vector<16xf32>,
        %add3A_578 = arith.addf %gather3A_576, %gather3A_577 : vector<16xf32>
        %neg3A_579 = arith.constant 0.000000e+00 : f32
        %neg3A_580 = vector.broadcast %neg3A_579 : f32 to vector<16xf32>
        %neg3A_581 = arith.subf %neg3A_580, %add3A_578 : vector<16xf32>
        %exp3A_582 = math.exp %neg3A_581 : vector<16xf32>
        %add3A_583 = arith.constant 1.000000e+00 : f32
        %add3A_584 = vector.broadcast %add3A_583 : f32 to vector<16xf32>
        %add3A_585 = arith.addf %add3A_584, %exp3A_582 : vector<16xf32>
        %div3A_586 = arith.constant 1.000000e+00 : f32
        %div3A_587 = vector.broadcast %div3A_586 : f32 to vector<16xf32>
        %div3A_588 = arith.divf %div3A_587, %add3A_585 : vector<16xf32>
        %mul3A_589 = arith.mulf %div3A_588, %gather3A_576 : vector<16xf32>
        %lt3A_590 = arith.constant 0 : i32
        %lt3A_591 = vector.broadcast %lt3A_590 : i32 to vector<16xi32>
        %lt3A_592 = arith.cmpi slt, %max3A_17, %lt3A_591 : vector<16xi32>
        %add3A_593 = arith.constant 16 : i32
        %add3A_594 = vector.broadcast %add3A_593 : i32 to vector<16xi32>
        %add3A_595 = arith.addi %max3A_17, %add3A_594 : vector<16xi32>
        %select_n3A_596 = arith.select %lt3A_592, %add3A_595, %max3A_17 : vector<16xi1>, vector<16xi32>
        %broadcast_in_dim3A_597 = vector.shape_cast %select_n3A_596 : vector<16xi32> to vector<16x1xi32>
        %gather3A_598 = vector.shape_cast %broadcast_in_dim3A_597 : vector<16x1xi32> to vector<16xi32>
        %gather3A_599 = tpu.dynamic_gather %mul3A_589[%gather3A_598] in [0] : vector<16xf32>, vector<16xi32> -> vector<16xf32>
        %max3A_600 = arith.maximumf %mul3A_589, %gather3A_599 : vector<16xf32>
        %select_n3A_601 = arith.select %and3A_524, %max3A_600, %mul3A_589 : vector<16xi1>, vector<16xf32>
        %lt3A_602 = arith.constant 0 : i32
        %lt3A_603 = vector.broadcast %lt3A_602 : i32 to vector<16xi32>
        %lt3A_604 = arith.cmpi slt, %max3A_23, %lt3A_603 : vector<16xi32>
        %add3A_605 = arith.constant 16 : i32
        %add3A_606 = vector.broadcast %add3A_605 : i32 to vector<16xi32>
        %add3A_607 = arith.addi %max3A_23, %add3A_606 : vector<16xi32>
        %select_n3A_608 = arith.select %lt3A_604, %add3A_607, %max3A_23 : vector<16xi1>, vector<16xi32>
        %broadcast_in_dim3A_609 = vector.shape_cast %select_n3A_608 : vector<16xi32> to vector<16x1xi32>
        %gather3A_610 = vector.shape_cast %broadcast_in_dim3A_609 : vector<16x1xi32> to vector<16xi32>
        %gather3A_611 = tpu.dynamic_gather %select_n3A_601[%gather3A_610] in [0] : vector<16xf32>, vector<16xi32> -> vector<16xf32>
        %max3A_612 = arith.maximumf %select_n3A_601, %gather3A_611 : vector<16xf32>
        %select_n3A_613 = arith.select %and3A_539, %max3A_612, %select_n3A_601 : vector<16xi1>, vector<16xf32>
        %lt3A_614 = arith.constant 0 : i32
        %lt3A_615 = vector.broadcast %lt3A_614 : i32 to vector<16xi32>
        %lt3A_616 = arith.cmpi slt, %max3A_29, %lt3A_615 : vector<16xi32>
        %add3A_617 = arith.constant 16 : i32
        %add3A_618 = vector.broadcast %add3A_617 : i32 to vector<16xi32>
        %add3A_619 = arith.addi %max3A_29, %add3A_618 : vector<16xi32>
        %select_n3A_620 = arith.select %lt3A_616, %add3A_619, %max3A_29 : vector<16xi1>, vector<16xi32>
        %broadcast_in_dim3A_621 = vector.shape_cast %select_n3A_620 : vector<16xi32> to vector<16x1xi32>
        %gather3A_622 = vector.shape_cast %broadcast_in_dim3A_621 : vector<16x1xi32> to vector<16xi32>
        %gather3A_623 = tpu.dynamic_gather %select_n3A_613[%gather3A_622] in [0] : vector<16xf32>, vector<16xi32> -> vector<16xf32>
        %max3A_624 = arith.maximumf %select_n3A_613, %gather3A_623 : vector<16xf32>
        %select_n3A_625 = arith.select %and3A_554, %max3A_624, %select_n3A_613 : vector<16xi1>, vector<16xf32>
        %lt3A_626 = arith.constant 0 : i32
        %lt3A_627 = vector.broadcast %lt3A_626 : i32 to vector<16xi32>
        %lt3A_628 = arith.cmpi slt, %max3A_35, %lt3A_627 : vector<16xi32>
        %add3A_629 = arith.constant 16 : i32
        %add3A_630 = vector.broadcast %add3A_629 : i32 to vector<16xi32>
        %add3A_631 = arith.addi %max3A_35, %add3A_630 : vector<16xi32>
        %select_n3A_632 = arith.select %lt3A_628, %add3A_631, %max3A_35 : vector<16xi1>, vector<16xi32>
        %broadcast_in_dim3A_633 = vector.shape_cast %select_n3A_632 : vector<16xi32> to vector<16x1xi32>
        %gather3A_634 = vector.shape_cast %broadcast_in_dim3A_633 : vector<16x1xi32> to vector<16xi32>
        %gather3A_635 = tpu.dynamic_gather %select_n3A_625[%gather3A_634] in [0] : vector<16xf32>, vector<16xi32> -> vector<16xf32>
        %max3A_636 = arith.maximumf %select_n3A_625, %gather3A_635 : vector<16xf32>
        %select_n3A_637 = arith.select %and3A_569, %max3A_636, %select_n3A_625 : vector<16xi1>, vector<16xf32>
        %gather3A_638 = tpu.vector_load_idx %arg7[%add3A_575] : memref<40000xf32, #tpu.memory_space<vmem>>[vector<16xi32>], vector<16xf32>,
        %max3A_639 = arith.maximumf %select_n3A_637, %gather3A_638 : vector<16xf32>
        %add3A_640 = arith.constant 10000 : i32
        %add3A_641 = vector.broadcast %add3A_640 : i32 to vector<16xi32>
        %add3A_642 = arith.addi %gather3A_494, %add3A_641 : vector<16xi32>
        %add3A_643 = arith.constant 10000 : i32
        %add3A_644 = vector.broadcast %add3A_643 : i32 to vector<16xi32>
        %add3A_645 = arith.addi %masked_sort3A_484, %add3A_644 : vector<16xi32>
        %gather3A_646 = tpu.vector_load_idx %arg6[%add3A_642] : memref<40000xf32, #tpu.memory_space<vmem>>[vector<16xi32>], vector<16xf32>,
        %gather3A_647 = tpu.vector_load_idx %arg6[%add3A_645] : memref<40000xf32, #tpu.memory_space<vmem>>[vector<16xi32>], vector<16xf32>,
        %add3A_648 = arith.addf %gather3A_646, %gather3A_647 : vector<16xf32>
        %neg3A_649 = arith.constant 0.000000e+00 : f32
        %neg3A_650 = vector.broadcast %neg3A_649 : f32 to vector<16xf32>
        %neg3A_651 = arith.subf %neg3A_650, %add3A_648 : vector<16xf32>
        %exp3A_652 = math.exp %neg3A_651 : vector<16xf32>
        %add3A_653 = arith.constant 1.000000e+00 : f32
        %add3A_654 = vector.broadcast %add3A_653 : f32 to vector<16xf32>
        %add3A_655 = arith.addf %add3A_654, %exp3A_652 : vector<16xf32>
        %div3A_656 = arith.constant 1.000000e+00 : f32
        %div3A_657 = vector.broadcast %div3A_656 : f32 to vector<16xf32>
        %div3A_658 = arith.divf %div3A_657, %add3A_655 : vector<16xf32>
        %mul3A_659 = arith.mulf %div3A_658, %gather3A_646 : vector<16xf32>
        %lt3A_660 = arith.constant 0 : i32
        %lt3A_661 = vector.broadcast %lt3A_660 : i32 to vector<16xi32>
        %lt3A_662 = arith.cmpi slt, %max3A_17, %lt3A_661 : vector<16xi32>
        %add3A_663 = arith.constant 16 : i32
        %add3A_664 = vector.broadcast %add3A_663 : i32 to vector<16xi32>
        %add3A_665 = arith.addi %max3A_17, %add3A_664 : vector<16xi32>
        %select_n3A_666 = arith.select %lt3A_662, %add3A_665, %max3A_17 : vector<16xi1>, vector<16xi32>
        %broadcast_in_dim3A_667 = vector.shape_cast %select_n3A_666 : vector<16xi32> to vector<16x1xi32>
        %gather3A_668 = vector.shape_cast %broadcast_in_dim3A_667 : vector<16x1xi32> to vector<16xi32>
        %gather3A_669 = tpu.dynamic_gather %mul3A_659[%gather3A_668] in [0] : vector<16xf32>, vector<16xi32> -> vector<16xf32>
        %max3A_670 = arith.maximumf %mul3A_659, %gather3A_669 : vector<16xf32>
        %select_n3A_671 = arith.select %and3A_524, %max3A_670, %mul3A_659 : vector<16xi1>, vector<16xf32>
        %lt3A_672 = arith.constant 0 : i32
        %lt3A_673 = vector.broadcast %lt3A_672 : i32 to vector<16xi32>
        %lt3A_674 = arith.cmpi slt, %max3A_23, %lt3A_673 : vector<16xi32>
        %add3A_675 = arith.constant 16 : i32
        %add3A_676 = vector.broadcast %add3A_675 : i32 to vector<16xi32>
        %add3A_677 = arith.addi %max3A_23, %add3A_676 : vector<16xi32>
        %select_n3A_678 = arith.select %lt3A_674, %add3A_677, %max3A_23 : vector<16xi1>, vector<16xi32>
        %broadcast_in_dim3A_679 = vector.shape_cast %select_n3A_678 : vector<16xi32> to vector<16x1xi32>
        %gather3A_680 = vector.shape_cast %broadcast_in_dim3A_679 : vector<16x1xi32> to vector<16xi32>
        %gather3A_681 = tpu.dynamic_gather %select_n3A_671[%gather3A_680] in [0] : vector<16xf32>, vector<16xi32> -> vector<16xf32>
        %max3A_682 = arith.maximumf %select_n3A_671, %gather3A_681 : vector<16xf32>
        %select_n3A_683 = arith.select %and3A_539, %max3A_682, %select_n3A_671 : vector<16xi1>, vector<16xf32>
        %lt3A_684 = arith.constant 0 : i32
        %lt3A_685 = vector.broadcast %lt3A_684 : i32 to vector<16xi32>
        %lt3A_686 = arith.cmpi slt, %max3A_29, %lt3A_685 : vector<16xi32>
        %add3A_687 = arith.constant 16 : i32
        %add3A_688 = vector.broadcast %add3A_687 : i32 to vector<16xi32>
        %add3A_689 = arith.addi %max3A_29, %add3A_688 : vector<16xi32>
        %select_n3A_690 = arith.select %lt3A_686, %add3A_689, %max3A_29 : vector<16xi1>, vector<16xi32>
        %broadcast_in_dim3A_691 = vector.shape_cast %select_n3A_690 : vector<16xi32> to vector<16x1xi32>
        %gather3A_692 = vector.shape_cast %broadcast_in_dim3A_691 : vector<16x1xi32> to vector<16xi32>
        %gather3A_693 = tpu.dynamic_gather %select_n3A_683[%gather3A_692] in [0] : vector<16xf32>, vector<16xi32> -> vector<16xf32>
        %max3A_694 = arith.maximumf %select_n3A_683, %gather3A_693 : vector<16xf32>
        %select_n3A_695 = arith.select %and3A_554, %max3A_694, %select_n3A_683 : vector<16xi1>, vector<16xf32>
        %lt3A_696 = arith.constant 0 : i32
        %lt3A_697 = vector.broadcast %lt3A_696 : i32 to vector<16xi32>
        %lt3A_698 = arith.cmpi slt, %max3A_35, %lt3A_697 : vector<16xi32>
        %add3A_699 = arith.constant 16 : i32
        %add3A_700 = vector.broadcast %add3A_699 : i32 to vector<16xi32>
        %add3A_701 = arith.addi %max3A_35, %add3A_700 : vector<16xi32>
        %select_n3A_702 = arith.select %lt3A_698, %add3A_701, %max3A_35 : vector<16xi1>, vector<16xi32>
        %broadcast_in_dim3A_703 = vector.shape_cast %select_n3A_702 : vector<16xi32> to vector<16x1xi32>
        %gather3A_704 = vector.shape_cast %broadcast_in_dim3A_703 : vector<16x1xi32> to vector<16xi32>
        %gather3A_705 = tpu.dynamic_gather %select_n3A_695[%gather3A_704] in [0] : vector<16xf32>, vector<16xi32> -> vector<16xf32>
        %max3A_706 = arith.maximumf %select_n3A_695, %gather3A_705 : vector<16xf32>
        %select_n3A_707 = arith.select %and3A_569, %max3A_706, %select_n3A_695 : vector<16xi1>, vector<16xf32>
        %gather3A_708 = tpu.vector_load_idx %arg7[%add3A_645] : memref<40000xf32, #tpu.memory_space<vmem>>[vector<16xi32>], vector<16xf32>,
        %max3A_709 = arith.maximumf %select_n3A_707, %gather3A_708 : vector<16xf32>
        %add3A_710 = arith.constant 20000 : i32
        %add3A_711 = vector.broadcast %add3A_710 : i32 to vector<16xi32>
        %add3A_712 = arith.addi %gather3A_494, %add3A_711 : vector<16xi32>
        %add3A_713 = arith.constant 20000 : i32
        %add3A_714 = vector.broadcast %add3A_713 : i32 to vector<16xi32>
        %add3A_715 = arith.addi %masked_sort3A_484, %add3A_714 : vector<16xi32>
        %gather3A_716 = tpu.vector_load_idx %arg6[%add3A_712] : memref<40000xf32, #tpu.memory_space<vmem>>[vector<16xi32>], vector<16xf32>,
        %gather3A_717 = tpu.vector_load_idx %arg6[%add3A_715] : memref<40000xf32, #tpu.memory_space<vmem>>[vector<16xi32>], vector<16xf32>,
        %add3A_718 = arith.addf %gather3A_716, %gather3A_717 : vector<16xf32>
        %neg3A_719 = arith.constant 0.000000e+00 : f32
        %neg3A_720 = vector.broadcast %neg3A_719 : f32 to vector<16xf32>
        %neg3A_721 = arith.subf %neg3A_720, %add3A_718 : vector<16xf32>
        %exp3A_722 = math.exp %neg3A_721 : vector<16xf32>
        %add3A_723 = arith.constant 1.000000e+00 : f32
        %add3A_724 = vector.broadcast %add3A_723 : f32 to vector<16xf32>
        %add3A_725 = arith.addf %add3A_724, %exp3A_722 : vector<16xf32>
        %div3A_726 = arith.constant 1.000000e+00 : f32
        %div3A_727 = vector.broadcast %div3A_726 : f32 to vector<16xf32>
        %div3A_728 = arith.divf %div3A_727, %add3A_725 : vector<16xf32>
        %mul3A_729 = arith.mulf %div3A_728, %gather3A_716 : vector<16xf32>
        %lt3A_730 = arith.constant 0 : i32
        %lt3A_731 = vector.broadcast %lt3A_730 : i32 to vector<16xi32>
        %lt3A_732 = arith.cmpi slt, %max3A_17, %lt3A_731 : vector<16xi32>
        %add3A_733 = arith.constant 16 : i32
        %add3A_734 = vector.broadcast %add3A_733 : i32 to vector<16xi32>
        %add3A_735 = arith.addi %max3A_17, %add3A_734 : vector<16xi32>
        %select_n3A_736 = arith.select %lt3A_732, %add3A_735, %max3A_17 : vector<16xi1>, vector<16xi32>
        %broadcast_in_dim3A_737 = vector.shape_cast %select_n3A_736 : vector<16xi32> to vector<16x1xi32>
        %gather3A_738 = vector.shape_cast %broadcast_in_dim3A_737 : vector<16x1xi32> to vector<16xi32>
        %gather3A_739 = tpu.dynamic_gather %mul3A_729[%gather3A_738] in [0] : vector<16xf32>, vector<16xi32> -> vector<16xf32>
        %max3A_740 = arith.maximumf %mul3A_729, %gather3A_739 : vector<16xf32>
        %select_n3A_741 = arith.select %and3A_524, %max3A_740, %mul3A_729 : vector<16xi1>, vector<16xf32>
        %lt3A_742 = arith.constant 0 : i32
        %lt3A_743 = vector.broadcast %lt3A_742 : i32 to vector<16xi32>
        %lt3A_744 = arith.cmpi slt, %max3A_23, %lt3A_743 : vector<16xi32>
        %add3A_745 = arith.constant 16 : i32
        %add3A_746 = vector.broadcast %add3A_745 : i32 to vector<16xi32>
        %add3A_747 = arith.addi %max3A_23, %add3A_746 : vector<16xi32>
        %select_n3A_748 = arith.select %lt3A_744, %add3A_747, %max3A_23 : vector<16xi1>, vector<16xi32>
        %broadcast_in_dim3A_749 = vector.shape_cast %select_n3A_748 : vector<16xi32> to vector<16x1xi32>
        %gather3A_750 = vector.shape_cast %broadcast_in_dim3A_749 : vector<16x1xi32> to vector<16xi32>
        %gather3A_751 = tpu.dynamic_gather %select_n3A_741[%gather3A_750] in [0] : vector<16xf32>, vector<16xi32> -> vector<16xf32>
        %max3A_752 = arith.maximumf %select_n3A_741, %gather3A_751 : vector<16xf32>
        %select_n3A_753 = arith.select %and3A_539, %max3A_752, %select_n3A_741 : vector<16xi1>, vector<16xf32>
        %lt3A_754 = arith.constant 0 : i32
        %lt3A_755 = vector.broadcast %lt3A_754 : i32 to vector<16xi32>
        %lt3A_756 = arith.cmpi slt, %max3A_29, %lt3A_755 : vector<16xi32>
        %add3A_757 = arith.constant 16 : i32
        %add3A_758 = vector.broadcast %add3A_757 : i32 to vector<16xi32>
        %add3A_759 = arith.addi %max3A_29, %add3A_758 : vector<16xi32>
        %select_n3A_760 = arith.select %lt3A_756, %add3A_759, %max3A_29 : vector<16xi1>, vector<16xi32>
        %broadcast_in_dim3A_761 = vector.shape_cast %select_n3A_760 : vector<16xi32> to vector<16x1xi32>
        %gather3A_762 = vector.shape_cast %broadcast_in_dim3A_761 : vector<16x1xi32> to vector<16xi32>
        %gather3A_763 = tpu.dynamic_gather %select_n3A_753[%gather3A_762] in [0] : vector<16xf32>, vector<16xi32> -> vector<16xf32>
        %max3A_764 = arith.maximumf %select_n3A_753, %gather3A_763 : vector<16xf32>
        %select_n3A_765 = arith.select %and3A_554, %max3A_764, %select_n3A_753 : vector<16xi1>, vector<16xf32>
        %lt3A_766 = arith.constant 0 : i32
        %lt3A_767 = vector.broadcast %lt3A_766 : i32 to vector<16xi32>
        %lt3A_768 = arith.cmpi slt, %max3A_35, %lt3A_767 : vector<16xi32>
        %add3A_769 = arith.constant 16 : i32
        %add3A_770 = vector.broadcast %add3A_769 : i32 to vector<16xi32>
        %add3A_771 = arith.addi %max3A_35, %add3A_770 : vector<16xi32>
        %select_n3A_772 = arith.select %lt3A_768, %add3A_771, %max3A_35 : vector<16xi1>, vector<16xi32>
        %broadcast_in_dim3A_773 = vector.shape_cast %select_n3A_772 : vector<16xi32> to vector<16x1xi32>
        %gather3A_774 = vector.shape_cast %broadcast_in_dim3A_773 : vector<16x1xi32> to vector<16xi32>
        %gather3A_775 = tpu.dynamic_gather %select_n3A_765[%gather3A_774] in [0] : vector<16xf32>, vector<16xi32> -> vector<16xf32>
        %max3A_776 = arith.maximumf %select_n3A_765, %gather3A_775 : vector<16xf32>
        %select_n3A_777 = arith.select %and3A_569, %max3A_776, %select_n3A_765 : vector<16xi1>, vector<16xf32>
        %gather3A_778 = tpu.vector_load_idx %arg7[%add3A_715] : memref<40000xf32, #tpu.memory_space<vmem>>[vector<16xi32>], vector<16xf32>,
        %max3A_779 = arith.maximumf %select_n3A_777, %gather3A_778 : vector<16xf32>
        %add3A_780 = arith.constant 30000 : i32
        %add3A_781 = vector.broadcast %add3A_780 : i32 to vector<16xi32>
        %add3A_782 = arith.addi %gather3A_494, %add3A_781 : vector<16xi32>
        %add3A_783 = arith.constant 30000 : i32
        %add3A_784 = vector.broadcast %add3A_783 : i32 to vector<16xi32>
        %add3A_785 = arith.addi %masked_sort3A_484, %add3A_784 : vector<16xi32>
        %gather3A_786 = tpu.vector_load_idx %arg6[%add3A_782] : memref<40000xf32, #tpu.memory_space<vmem>>[vector<16xi32>], vector<16xf32>,
        %gather3A_787 = tpu.vector_load_idx %arg6[%add3A_785] : memref<40000xf32, #tpu.memory_space<vmem>>[vector<16xi32>], vector<16xf32>,
        %add3A_788 = arith.addf %gather3A_786, %gather3A_787 : vector<16xf32>
        %neg3A_789 = arith.constant 0.000000e+00 : f32
        %neg3A_790 = vector.broadcast %neg3A_789 : f32 to vector<16xf32>
        %neg3A_791 = arith.subf %neg3A_790, %add3A_788 : vector<16xf32>
        %exp3A_792 = math.exp %neg3A_791 : vector<16xf32>
        %add3A_793 = arith.constant 1.000000e+00 : f32
        %add3A_794 = vector.broadcast %add3A_793 : f32 to vector<16xf32>
        %add3A_795 = arith.addf %add3A_794, %exp3A_792 : vector<16xf32>
        %div3A_796 = arith.constant 1.000000e+00 : f32
        %div3A_797 = vector.broadcast %div3A_796 : f32 to vector<16xf32>
        %div3A_798 = arith.divf %div3A_797, %add3A_795 : vector<16xf32>
        %mul3A_799 = arith.mulf %div3A_798, %gather3A_786 : vector<16xf32>
        %lt3A_800 = arith.constant 0 : i32
        %lt3A_801 = vector.broadcast %lt3A_800 : i32 to vector<16xi32>
        %lt3A_802 = arith.cmpi slt, %max3A_17, %lt3A_801 : vector<16xi32>
        %add3A_803 = arith.constant 16 : i32
        %add3A_804 = vector.broadcast %add3A_803 : i32 to vector<16xi32>
        %add3A_805 = arith.addi %max3A_17, %add3A_804 : vector<16xi32>
        %select_n3A_806 = arith.select %lt3A_802, %add3A_805, %max3A_17 : vector<16xi1>, vector<16xi32>
        %broadcast_in_dim3A_807 = vector.shape_cast %select_n3A_806 : vector<16xi32> to vector<16x1xi32>
        %gather3A_808 = vector.shape_cast %broadcast_in_dim3A_807 : vector<16x1xi32> to vector<16xi32>
        %gather3A_809 = tpu.dynamic_gather %mul3A_799[%gather3A_808] in [0] : vector<16xf32>, vector<16xi32> -> vector<16xf32>
        %max3A_810 = arith.maximumf %mul3A_799, %gather3A_809 : vector<16xf32>
        %select_n3A_811 = arith.select %and3A_524, %max3A_810, %mul3A_799 : vector<16xi1>, vector<16xf32>
        %lt3A_812 = arith.constant 0 : i32
        %lt3A_813 = vector.broadcast %lt3A_812 : i32 to vector<16xi32>
        %lt3A_814 = arith.cmpi slt, %max3A_23, %lt3A_813 : vector<16xi32>
        %add3A_815 = arith.constant 16 : i32
        %add3A_816 = vector.broadcast %add3A_815 : i32 to vector<16xi32>
        %add3A_817 = arith.addi %max3A_23, %add3A_816 : vector<16xi32>
        %select_n3A_818 = arith.select %lt3A_814, %add3A_817, %max3A_23 : vector<16xi1>, vector<16xi32>
        %broadcast_in_dim3A_819 = vector.shape_cast %select_n3A_818 : vector<16xi32> to vector<16x1xi32>
        %gather3A_820 = vector.shape_cast %broadcast_in_dim3A_819 : vector<16x1xi32> to vector<16xi32>
        %gather3A_821 = tpu.dynamic_gather %select_n3A_811[%gather3A_820] in [0] : vector<16xf32>, vector<16xi32> -> vector<16xf32>
        %max3A_822 = arith.maximumf %select_n3A_811, %gather3A_821 : vector<16xf32>
        %select_n3A_823 = arith.select %and3A_539, %max3A_822, %select_n3A_811 : vector<16xi1>, vector<16xf32>
        %lt3A_824 = arith.constant 0 : i32
        %lt3A_825 = vector.broadcast %lt3A_824 : i32 to vector<16xi32>
        %lt3A_826 = arith.cmpi slt, %max3A_29, %lt3A_825 : vector<16xi32>
        %add3A_827 = arith.constant 16 : i32
        %add3A_828 = vector.broadcast %add3A_827 : i32 to vector<16xi32>
        %add3A_829 = arith.addi %max3A_29, %add3A_828 : vector<16xi32>
        %select_n3A_830 = arith.select %lt3A_826, %add3A_829, %max3A_29 : vector<16xi1>, vector<16xi32>
        %broadcast_in_dim3A_831 = vector.shape_cast %select_n3A_830 : vector<16xi32> to vector<16x1xi32>
        %gather3A_832 = vector.shape_cast %broadcast_in_dim3A_831 : vector<16x1xi32> to vector<16xi32>
        %gather3A_833 = tpu.dynamic_gather %select_n3A_823[%gather3A_832] in [0] : vector<16xf32>, vector<16xi32> -> vector<16xf32>
        %max3A_834 = arith.maximumf %select_n3A_823, %gather3A_833 : vector<16xf32>
        %select_n3A_835 = arith.select %and3A_554, %max3A_834, %select_n3A_823 : vector<16xi1>, vector<16xf32>
        %lt3A_836 = arith.constant 0 : i32
        %lt3A_837 = vector.broadcast %lt3A_836 : i32 to vector<16xi32>
        %lt3A_838 = arith.cmpi slt, %max3A_35, %lt3A_837 : vector<16xi32>
        %add3A_839 = arith.constant 16 : i32
        %add3A_840 = vector.broadcast %add3A_839 : i32 to vector<16xi32>
        %add3A_841 = arith.addi %max3A_35, %add3A_840 : vector<16xi32>
        %select_n3A_842 = arith.select %lt3A_838, %add3A_841, %max3A_35 : vector<16xi1>, vector<16xi32>
        %broadcast_in_dim3A_843 = vector.shape_cast %select_n3A_842 : vector<16xi32> to vector<16x1xi32>
        %gather3A_844 = vector.shape_cast %broadcast_in_dim3A_843 : vector<16x1xi32> to vector<16xi32>
        %gather3A_845 = tpu.dynamic_gather %select_n3A_835[%gather3A_844] in [0] : vector<16xf32>, vector<16xi32> -> vector<16xf32>
        %max3A_846 = arith.maximumf %select_n3A_835, %gather3A_845 : vector<16xf32>
        %select_n3A_847 = arith.select %and3A_569, %max3A_846, %select_n3A_835 : vector<16xi1>, vector<16xf32>
        %gather3A_848 = tpu.vector_load_idx %arg7[%add3A_785] : memref<40000xf32, #tpu.memory_space<vmem>>[vector<16xi32>], vector<16xf32>,
        %max3A_849 = arith.maximumf %select_n3A_847, %gather3A_848 : vector<16xf32>
        %mul3A_850 = arith.constant 64 : i32
        %mul3A_851 = arith.muli %scan3A_91, %mul3A_850 : i32
        %add3A_852 = arith.constant 32 : i32
        %add3A_853 = arith.addi %mul3A_851, %add3A_852 : i32
        %get3A_854 = arith.index_cast %add3A_853 : i32 to index
        %get3A_855 = tpu.vector_load %arg8[%get3A_854] {strides = array<i32>} : memref<8000xi32, #tpu.memory_space<vmem>>, vector<16xi32>,
        %mul3A_856 = arith.constant 64 : i32
        %mul3A_857 = arith.muli %scan3A_91, %mul3A_856 : i32
        %add3A_858 = arith.constant 32 : i32
        %add3A_859 = arith.addi %mul3A_857, %add3A_858 : i32
        %get3A_860 = arith.index_cast %add3A_859 : i32 to index
        %get3A_861 = tpu.vector_load %arg10[%get3A_860] {strides = array<i32>} : memref<8000xi32, #tpu.memory_space<vmem>>, vector<16xi32>,
        %masked_sort3A_862 = arith.constant dense<true> : vector<16xi1>
        %masked_sort3A_863 = arith.constant -2147483648 : i32
        %masked_sort3A_864 = vector.broadcast %masked_sort3A_863 : i32 to vector<16xi32>
        %masked_sort3A_865 = arith.xori %get3A_861, %masked_sort3A_864 : vector<16xi32>
        %masked_sort3A_866, %masked_sort3A_867, %masked_sort3A_868 = tpu.sort %masked_sort3A_865, %iota3A masked %masked_sort3A_862 : (vector<16xi32>, vector<16xi32>, vector<16xi1>) -> (vector<16xi1>, vector<16xi32>, vector<16xi32>)
        %masked_sort3A_869 = arith.xori %masked_sort3A_867, %masked_sort3A_864 : vector<16xi32>
        %lt3A_870 = arith.constant 0 : i32
        %lt3A_871 = vector.broadcast %lt3A_870 : i32 to vector<16xi32>
        %lt3A_872 = arith.cmpi slt, %masked_sort3A_868, %lt3A_871 : vector<16xi32>
        %add3A_873 = arith.constant 16 : i32
        %add3A_874 = vector.broadcast %add3A_873 : i32 to vector<16xi32>
        %add3A_875 = arith.addi %masked_sort3A_868, %add3A_874 : vector<16xi32>
        %select_n3A_876 = arith.select %lt3A_872, %add3A_875, %masked_sort3A_868 : vector<16xi1>, vector<16xi32>
        %broadcast_in_dim3A_877 = vector.shape_cast %select_n3A_876 : vector<16xi32> to vector<16x1xi32>
        %gather3A_878 = vector.shape_cast %broadcast_in_dim3A_877 : vector<16x1xi32> to vector<16xi32>
        %gather3A_879 = tpu.dynamic_gather %get3A_855[%gather3A_878] in [0] : vector<16xi32>, vector<16xi32> -> vector<16xi32>
        %lt3A_880 = arith.constant 0 : i32
        %lt3A_881 = vector.broadcast %lt3A_880 : i32 to vector<16xi32>
        %lt3A_882 = arith.cmpi slt, %min3A_13, %lt3A_881 : vector<16xi32>
        %add3A_883 = arith.constant 16 : i32
        %add3A_884 = vector.broadcast %add3A_883 : i32 to vector<16xi32>
        %add3A_885 = arith.addi %min3A_13, %add3A_884 : vector<16xi32>
        %select_n3A_886 = arith.select %lt3A_882, %add3A_885, %min3A_13 : vector<16xi1>, vector<16xi32>
        %broadcast_in_dim3A_887 = vector.shape_cast %select_n3A_886 : vector<16xi32> to vector<16x1xi32>
        %gather3A_888 = vector.shape_cast %broadcast_in_dim3A_887 : vector<16x1xi32> to vector<16xi32>
        %gather3A_889 = tpu.dynamic_gather %masked_sort3A_869[%gather3A_888] in [0] : vector<16xi32>, vector<16xi32> -> vector<16xi32>
        %ne3A_890 = arith.cmpi ne, %masked_sort3A_869, %gather3A_889 : vector<16xi32>
        %eq3A_891 = arith.constant 15 : i32
        %eq3A_892 = vector.broadcast %eq3A_891 : i32 to vector<16xi32>
        %eq3A_893 = arith.cmpi eq, %iota3A, %eq3A_892 : vector<16xi32>
        %or3A_894 = arith.ori %ne3A_890, %eq3A_893 : vector<16xi1>
        %lt3A_895 = arith.constant 0 : i32
        %lt3A_896 = vector.broadcast %lt3A_895 : i32 to vector<16xi32>
        %lt3A_897 = arith.cmpi slt, %max3A_17, %lt3A_896 : vector<16xi32>
        %add3A_898 = arith.constant 16 : i32
        %add3A_899 = vector.broadcast %add3A_898 : i32 to vector<16xi32>
        %add3A_900 = arith.addi %max3A_17, %add3A_899 : vector<16xi32>
        %select_n3A_901 = arith.select %lt3A_897, %add3A_900, %max3A_17 : vector<16xi1>, vector<16xi32>
        %broadcast_in_dim3A_902 = vector.shape_cast %select_n3A_901 : vector<16xi32> to vector<16x1xi32>
        %gather3A_903 = vector.shape_cast %broadcast_in_dim3A_902 : vector<16x1xi32> to vector<16xi32>
        %gather3A_904 = tpu.dynamic_gather %masked_sort3A_869[%gather3A_903] in [0] : vector<16xi32>, vector<16xi32> -> vector<16xi32>
        %eq3A_905 = arith.cmpi eq, %masked_sort3A_869, %gather3A_904 : vector<16xi32>
        %ge3A_906 = arith.constant 1 : i32
        %ge3A_907 = vector.broadcast %ge3A_906 : i32 to vector<16xi32>
        %ge3A_908 = arith.cmpi sge, %iota3A, %ge3A_907 : vector<16xi32>
        %and3A_909 = arith.andi %eq3A_905, %ge3A_908 : vector<16xi1>
        %lt3A_910 = arith.constant 0 : i32
        %lt3A_911 = vector.broadcast %lt3A_910 : i32 to vector<16xi32>
        %lt3A_912 = arith.cmpi slt, %max3A_23, %lt3A_911 : vector<16xi32>
        %add3A_913 = arith.constant 16 : i32
        %add3A_914 = vector.broadcast %add3A_913 : i32 to vector<16xi32>
        %add3A_915 = arith.addi %max3A_23, %add3A_914 : vector<16xi32>
        %select_n3A_916 = arith.select %lt3A_912, %add3A_915, %max3A_23 : vector<16xi1>, vector<16xi32>
        %broadcast_in_dim3A_917 = vector.shape_cast %select_n3A_916 : vector<16xi32> to vector<16x1xi32>
        %gather3A_918 = vector.shape_cast %broadcast_in_dim3A_917 : vector<16x1xi32> to vector<16xi32>
        %gather3A_919 = tpu.dynamic_gather %masked_sort3A_869[%gather3A_918] in [0] : vector<16xi32>, vector<16xi32> -> vector<16xi32>
        %eq3A_920 = arith.cmpi eq, %masked_sort3A_869, %gather3A_919 : vector<16xi32>
        %ge3A_921 = arith.constant 2 : i32
        %ge3A_922 = vector.broadcast %ge3A_921 : i32 to vector<16xi32>
        %ge3A_923 = arith.cmpi sge, %iota3A, %ge3A_922 : vector<16xi32>
        %and3A_924 = arith.andi %eq3A_920, %ge3A_923 : vector<16xi1>
        %lt3A_925 = arith.constant 0 : i32
        %lt3A_926 = vector.broadcast %lt3A_925 : i32 to vector<16xi32>
        %lt3A_927 = arith.cmpi slt, %max3A_29, %lt3A_926 : vector<16xi32>
        %add3A_928 = arith.constant 16 : i32
        %add3A_929 = vector.broadcast %add3A_928 : i32 to vector<16xi32>
        %add3A_930 = arith.addi %max3A_29, %add3A_929 : vector<16xi32>
        %select_n3A_931 = arith.select %lt3A_927, %add3A_930, %max3A_29 : vector<16xi1>, vector<16xi32>
        %broadcast_in_dim3A_932 = vector.shape_cast %select_n3A_931 : vector<16xi32> to vector<16x1xi32>
        %gather3A_933 = vector.shape_cast %broadcast_in_dim3A_932 : vector<16x1xi32> to vector<16xi32>
        %gather3A_934 = tpu.dynamic_gather %masked_sort3A_869[%gather3A_933] in [0] : vector<16xi32>, vector<16xi32> -> vector<16xi32>
        %eq3A_935 = arith.cmpi eq, %masked_sort3A_869, %gather3A_934 : vector<16xi32>
        %ge3A_936 = arith.constant 4 : i32
        %ge3A_937 = vector.broadcast %ge3A_936 : i32 to vector<16xi32>
        %ge3A_938 = arith.cmpi sge, %iota3A, %ge3A_937 : vector<16xi32>
        %and3A_939 = arith.andi %eq3A_935, %ge3A_938 : vector<16xi1>
        %lt3A_940 = arith.constant 0 : i32
        %lt3A_941 = vector.broadcast %lt3A_940 : i32 to vector<16xi32>
        %lt3A_942 = arith.cmpi slt, %max3A_35, %lt3A_941 : vector<16xi32>
        %add3A_943 = arith.constant 16 : i32
        %add3A_944 = vector.broadcast %add3A_943 : i32 to vector<16xi32>
        %add3A_945 = arith.addi %max3A_35, %add3A_944 : vector<16xi32>
        %select_n3A_946 = arith.select %lt3A_942, %add3A_945, %max3A_35 : vector<16xi1>, vector<16xi32>
        %broadcast_in_dim3A_947 = vector.shape_cast %select_n3A_946 : vector<16xi32> to vector<16x1xi32>
        %gather3A_948 = vector.shape_cast %broadcast_in_dim3A_947 : vector<16x1xi32> to vector<16xi32>
        %gather3A_949 = tpu.dynamic_gather %masked_sort3A_869[%gather3A_948] in [0] : vector<16xi32>, vector<16xi32> -> vector<16xi32>
        %eq3A_950 = arith.cmpi eq, %masked_sort3A_869, %gather3A_949 : vector<16xi32>
        %ge3A_951 = arith.constant 8 : i32
        %ge3A_952 = vector.broadcast %ge3A_951 : i32 to vector<16xi32>
        %ge3A_953 = arith.cmpi sge, %iota3A, %ge3A_952 : vector<16xi32>
        %and3A_954 = arith.andi %eq3A_950, %ge3A_953 : vector<16xi1>
        %add3A_955 = arith.constant 0 : i32
        %add3A_956 = vector.broadcast %add3A_955 : i32 to vector<16xi32>
        %add3A_957 = arith.addi %gather3A_879, %add3A_956 : vector<16xi32>
        %add3A_958 = arith.constant 0 : i32
        %add3A_959 = vector.broadcast %add3A_958 : i32 to vector<16xi32>
        %add3A_960 = arith.addi %masked_sort3A_869, %add3A_959 : vector<16xi32>
        %gather3A_961 = tpu.vector_load_idx %arg6[%add3A_957] : memref<40000xf32, #tpu.memory_space<vmem>>[vector<16xi32>], vector<16xf32>,
        %gather3A_962 = tpu.vector_load_idx %arg6[%add3A_960] : memref<40000xf32, #tpu.memory_space<vmem>>[vector<16xi32>], vector<16xf32>,
        %add3A_963 = arith.addf %gather3A_961, %gather3A_962 : vector<16xf32>
        %neg3A_964 = arith.constant 0.000000e+00 : f32
        %neg3A_965 = vector.broadcast %neg3A_964 : f32 to vector<16xf32>
        %neg3A_966 = arith.subf %neg3A_965, %add3A_963 : vector<16xf32>
        %exp3A_967 = math.exp %neg3A_966 : vector<16xf32>
        %add3A_968 = arith.constant 1.000000e+00 : f32
        %add3A_969 = vector.broadcast %add3A_968 : f32 to vector<16xf32>
        %add3A_970 = arith.addf %add3A_969, %exp3A_967 : vector<16xf32>
        %div3A_971 = arith.constant 1.000000e+00 : f32
        %div3A_972 = vector.broadcast %div3A_971 : f32 to vector<16xf32>
        %div3A_973 = arith.divf %div3A_972, %add3A_970 : vector<16xf32>
        %mul3A_974 = arith.mulf %div3A_973, %gather3A_961 : vector<16xf32>
        %lt3A_975 = arith.constant 0 : i32
        %lt3A_976 = vector.broadcast %lt3A_975 : i32 to vector<16xi32>
        %lt3A_977 = arith.cmpi slt, %max3A_17, %lt3A_976 : vector<16xi32>
        %add3A_978 = arith.constant 16 : i32
        %add3A_979 = vector.broadcast %add3A_978 : i32 to vector<16xi32>
        %add3A_980 = arith.addi %max3A_17, %add3A_979 : vector<16xi32>
        %select_n3A_981 = arith.select %lt3A_977, %add3A_980, %max3A_17 : vector<16xi1>, vector<16xi32>
        %broadcast_in_dim3A_982 = vector.shape_cast %select_n3A_981 : vector<16xi32> to vector<16x1xi32>
        %gather3A_983 = vector.shape_cast %broadcast_in_dim3A_982 : vector<16x1xi32> to vector<16xi32>
        %gather3A_984 = tpu.dynamic_gather %mul3A_974[%gather3A_983] in [0] : vector<16xf32>, vector<16xi32> -> vector<16xf32>
        %max3A_985 = arith.maximumf %mul3A_974, %gather3A_984 : vector<16xf32>
        %select_n3A_986 = arith.select %and3A_909, %max3A_985, %mul3A_974 : vector<16xi1>, vector<16xf32>
        %lt3A_987 = arith.constant 0 : i32
        %lt3A_988 = vector.broadcast %lt3A_987 : i32 to vector<16xi32>
        %lt3A_989 = arith.cmpi slt, %max3A_23, %lt3A_988 : vector<16xi32>
        %add3A_990 = arith.constant 16 : i32
        %add3A_991 = vector.broadcast %add3A_990 : i32 to vector<16xi32>
        %add3A_992 = arith.addi %max3A_23, %add3A_991 : vector<16xi32>
        %select_n3A_993 = arith.select %lt3A_989, %add3A_992, %max3A_23 : vector<16xi1>, vector<16xi32>
        %broadcast_in_dim3A_994 = vector.shape_cast %select_n3A_993 : vector<16xi32> to vector<16x1xi32>
        %gather3A_995 = vector.shape_cast %broadcast_in_dim3A_994 : vector<16x1xi32> to vector<16xi32>
        %gather3A_996 = tpu.dynamic_gather %select_n3A_986[%gather3A_995] in [0] : vector<16xf32>, vector<16xi32> -> vector<16xf32>
        %max3A_997 = arith.maximumf %select_n3A_986, %gather3A_996 : vector<16xf32>
        %select_n3A_998 = arith.select %and3A_924, %max3A_997, %select_n3A_986 : vector<16xi1>, vector<16xf32>
        %lt3A_999 = arith.constant 0 : i32
        %lt3A_1000 = vector.broadcast %lt3A_999 : i32 to vector<16xi32>
        %lt3A_1001 = arith.cmpi slt, %max3A_29, %lt3A_1000 : vector<16xi32>
        %add3A_1002 = arith.constant 16 : i32
        %add3A_1003 = vector.broadcast %add3A_1002 : i32 to vector<16xi32>
        %add3A_1004 = arith.addi %max3A_29, %add3A_1003 : vector<16xi32>
        %select_n3A_1005 = arith.select %lt3A_1001, %add3A_1004, %max3A_29 : vector<16xi1>, vector<16xi32>
        %broadcast_in_dim3A_1006 = vector.shape_cast %select_n3A_1005 : vector<16xi32> to vector<16x1xi32>
        %gather3A_1007 = vector.shape_cast %broadcast_in_dim3A_1006 : vector<16x1xi32> to vector<16xi32>
        %gather3A_1008 = tpu.dynamic_gather %select_n3A_998[%gather3A_1007] in [0] : vector<16xf32>, vector<16xi32> -> vector<16xf32>
        %max3A_1009 = arith.maximumf %select_n3A_998, %gather3A_1008 : vector<16xf32>
        %select_n3A_1010 = arith.select %and3A_939, %max3A_1009, %select_n3A_998 : vector<16xi1>, vector<16xf32>
        %lt3A_1011 = arith.constant 0 : i32
        %lt3A_1012 = vector.broadcast %lt3A_1011 : i32 to vector<16xi32>
        %lt3A_1013 = arith.cmpi slt, %max3A_35, %lt3A_1012 : vector<16xi32>
        %add3A_1014 = arith.constant 16 : i32
        %add3A_1015 = vector.broadcast %add3A_1014 : i32 to vector<16xi32>
        %add3A_1016 = arith.addi %max3A_35, %add3A_1015 : vector<16xi32>
        %select_n3A_1017 = arith.select %lt3A_1013, %add3A_1016, %max3A_35 : vector<16xi1>, vector<16xi32>
        %broadcast_in_dim3A_1018 = vector.shape_cast %select_n3A_1017 : vector<16xi32> to vector<16x1xi32>
        %gather3A_1019 = vector.shape_cast %broadcast_in_dim3A_1018 : vector<16x1xi32> to vector<16xi32>
        %gather3A_1020 = tpu.dynamic_gather %select_n3A_1010[%gather3A_1019] in [0] : vector<16xf32>, vector<16xi32> -> vector<16xf32>
        %max3A_1021 = arith.maximumf %select_n3A_1010, %gather3A_1020 : vector<16xf32>
        %select_n3A_1022 = arith.select %and3A_954, %max3A_1021, %select_n3A_1010 : vector<16xi1>, vector<16xf32>
        %gather3A_1023 = tpu.vector_load_idx %arg7[%add3A_960] : memref<40000xf32, #tpu.memory_space<vmem>>[vector<16xi32>], vector<16xf32>,
        %max3A_1024 = arith.maximumf %select_n3A_1022, %gather3A_1023 : vector<16xf32>
        %add3A_1025 = arith.constant 10000 : i32
        %add3A_1026 = vector.broadcast %add3A_1025 : i32 to vector<16xi32>
        %add3A_1027 = arith.addi %gather3A_879, %add3A_1026 : vector<16xi32>
        %add3A_1028 = arith.constant 10000 : i32
        %add3A_1029 = vector.broadcast %add3A_1028 : i32 to vector<16xi32>
        %add3A_1030 = arith.addi %masked_sort3A_869, %add3A_1029 : vector<16xi32>
        %gather3A_1031 = tpu.vector_load_idx %arg6[%add3A_1027] : memref<40000xf32, #tpu.memory_space<vmem>>[vector<16xi32>], vector<16xf32>,
        %gather3A_1032 = tpu.vector_load_idx %arg6[%add3A_1030] : memref<40000xf32, #tpu.memory_space<vmem>>[vector<16xi32>], vector<16xf32>,
        %add3A_1033 = arith.addf %gather3A_1031, %gather3A_1032 : vector<16xf32>
        %neg3A_1034 = arith.constant 0.000000e+00 : f32
        %neg3A_1035 = vector.broadcast %neg3A_1034 : f32 to vector<16xf32>
        %neg3A_1036 = arith.subf %neg3A_1035, %add3A_1033 : vector<16xf32>
        %exp3A_1037 = math.exp %neg3A_1036 : vector<16xf32>
        %add3A_1038 = arith.constant 1.000000e+00 : f32
        %add3A_1039 = vector.broadcast %add3A_1038 : f32 to vector<16xf32>
        %add3A_1040 = arith.addf %add3A_1039, %exp3A_1037 : vector<16xf32>
        %div3A_1041 = arith.constant 1.000000e+00 : f32
        %div3A_1042 = vector.broadcast %div3A_1041 : f32 to vector<16xf32>
        %div3A_1043 = arith.divf %div3A_1042, %add3A_1040 : vector<16xf32>
        %mul3A_1044 = arith.mulf %div3A_1043, %gather3A_1031 : vector<16xf32>
        %lt3A_1045 = arith.constant 0 : i32
        %lt3A_1046 = vector.broadcast %lt3A_1045 : i32 to vector<16xi32>
        %lt3A_1047 = arith.cmpi slt, %max3A_17, %lt3A_1046 : vector<16xi32>
        %add3A_1048 = arith.constant 16 : i32
        %add3A_1049 = vector.broadcast %add3A_1048 : i32 to vector<16xi32>
        %add3A_1050 = arith.addi %max3A_17, %add3A_1049 : vector<16xi32>
        %select_n3A_1051 = arith.select %lt3A_1047, %add3A_1050, %max3A_17 : vector<16xi1>, vector<16xi32>
        %broadcast_in_dim3A_1052 = vector.shape_cast %select_n3A_1051 : vector<16xi32> to vector<16x1xi32>
        %gather3A_1053 = vector.shape_cast %broadcast_in_dim3A_1052 : vector<16x1xi32> to vector<16xi32>
        %gather3A_1054 = tpu.dynamic_gather %mul3A_1044[%gather3A_1053] in [0] : vector<16xf32>, vector<16xi32> -> vector<16xf32>
        %max3A_1055 = arith.maximumf %mul3A_1044, %gather3A_1054 : vector<16xf32>
        %select_n3A_1056 = arith.select %and3A_909, %max3A_1055, %mul3A_1044 : vector<16xi1>, vector<16xf32>
        %lt3A_1057 = arith.constant 0 : i32
        %lt3A_1058 = vector.broadcast %lt3A_1057 : i32 to vector<16xi32>
        %lt3A_1059 = arith.cmpi slt, %max3A_23, %lt3A_1058 : vector<16xi32>
        %add3A_1060 = arith.constant 16 : i32
        %add3A_1061 = vector.broadcast %add3A_1060 : i32 to vector<16xi32>
        %add3A_1062 = arith.addi %max3A_23, %add3A_1061 : vector<16xi32>
        %select_n3A_1063 = arith.select %lt3A_1059, %add3A_1062, %max3A_23 : vector<16xi1>, vector<16xi32>
        %broadcast_in_dim3A_1064 = vector.shape_cast %select_n3A_1063 : vector<16xi32> to vector<16x1xi32>
        %gather3A_1065 = vector.shape_cast %broadcast_in_dim3A_1064 : vector<16x1xi32> to vector<16xi32>
        %gather3A_1066 = tpu.dynamic_gather %select_n3A_1056[%gather3A_1065] in [0] : vector<16xf32>, vector<16xi32> -> vector<16xf32>
        %max3A_1067 = arith.maximumf %select_n3A_1056, %gather3A_1066 : vector<16xf32>
        %select_n3A_1068 = arith.select %and3A_924, %max3A_1067, %select_n3A_1056 : vector<16xi1>, vector<16xf32>
        %lt3A_1069 = arith.constant 0 : i32
        %lt3A_1070 = vector.broadcast %lt3A_1069 : i32 to vector<16xi32>
        %lt3A_1071 = arith.cmpi slt, %max3A_29, %lt3A_1070 : vector<16xi32>
        %add3A_1072 = arith.constant 16 : i32
        %add3A_1073 = vector.broadcast %add3A_1072 : i32 to vector<16xi32>
        %add3A_1074 = arith.addi %max3A_29, %add3A_1073 : vector<16xi32>
        %select_n3A_1075 = arith.select %lt3A_1071, %add3A_1074, %max3A_29 : vector<16xi1>, vector<16xi32>
        %broadcast_in_dim3A_1076 = vector.shape_cast %select_n3A_1075 : vector<16xi32> to vector<16x1xi32>
        %gather3A_1077 = vector.shape_cast %broadcast_in_dim3A_1076 : vector<16x1xi32> to vector<16xi32>
        %gather3A_1078 = tpu.dynamic_gather %select_n3A_1068[%gather3A_1077] in [0] : vector<16xf32>, vector<16xi32> -> vector<16xf32>
        %max3A_1079 = arith.maximumf %select_n3A_1068, %gather3A_1078 : vector<16xf32>
        %select_n3A_1080 = arith.select %and3A_939, %max3A_1079, %select_n3A_1068 : vector<16xi1>, vector<16xf32>
        %lt3A_1081 = arith.constant 0 : i32
        %lt3A_1082 = vector.broadcast %lt3A_1081 : i32 to vector<16xi32>
        %lt3A_1083 = arith.cmpi slt, %max3A_35, %lt3A_1082 : vector<16xi32>
        %add3A_1084 = arith.constant 16 : i32
        %add3A_1085 = vector.broadcast %add3A_1084 : i32 to vector<16xi32>
        %add3A_1086 = arith.addi %max3A_35, %add3A_1085 : vector<16xi32>
        %select_n3A_1087 = arith.select %lt3A_1083, %add3A_1086, %max3A_35 : vector<16xi1>, vector<16xi32>
        %broadcast_in_dim3A_1088 = vector.shape_cast %select_n3A_1087 : vector<16xi32> to vector<16x1xi32>
        %gather3A_1089 = vector.shape_cast %broadcast_in_dim3A_1088 : vector<16x1xi32> to vector<16xi32>
        %gather3A_1090 = tpu.dynamic_gather %select_n3A_1080[%gather3A_1089] in [0] : vector<16xf32>, vector<16xi32> -> vector<16xf32>
        %max3A_1091 = arith.maximumf %select_n3A_1080, %gather3A_1090 : vector<16xf32>
        %select_n3A_1092 = arith.select %and3A_954, %max3A_1091, %select_n3A_1080 : vector<16xi1>, vector<16xf32>
        %gather3A_1093 = tpu.vector_load_idx %arg7[%add3A_1030] : memref<40000xf32, #tpu.memory_space<vmem>>[vector<16xi32>], vector<16xf32>,
        %max3A_1094 = arith.maximumf %select_n3A_1092, %gather3A_1093 : vector<16xf32>
        %add3A_1095 = arith.constant 20000 : i32
        %add3A_1096 = vector.broadcast %add3A_1095 : i32 to vector<16xi32>
        %add3A_1097 = arith.addi %gather3A_879, %add3A_1096 : vector<16xi32>
        %add3A_1098 = arith.constant 20000 : i32
        %add3A_1099 = vector.broadcast %add3A_1098 : i32 to vector<16xi32>
        %add3A_1100 = arith.addi %masked_sort3A_869, %add3A_1099 : vector<16xi32>
        %gather3A_1101 = tpu.vector_load_idx %arg6[%add3A_1097] : memref<40000xf32, #tpu.memory_space<vmem>>[vector<16xi32>], vector<16xf32>,
        %gather3A_1102 = tpu.vector_load_idx %arg6[%add3A_1100] : memref<40000xf32, #tpu.memory_space<vmem>>[vector<16xi32>], vector<16xf32>,
        %add3A_1103 = arith.addf %gather3A_1101, %gather3A_1102 : vector<16xf32>
        %neg3A_1104 = arith.constant 0.000000e+00 : f32
        %neg3A_1105 = vector.broadcast %neg3A_1104 : f32 to vector<16xf32>
        %neg3A_1106 = arith.subf %neg3A_1105, %add3A_1103 : vector<16xf32>
        %exp3A_1107 = math.exp %neg3A_1106 : vector<16xf32>
        %add3A_1108 = arith.constant 1.000000e+00 : f32
        %add3A_1109 = vector.broadcast %add3A_1108 : f32 to vector<16xf32>
        %add3A_1110 = arith.addf %add3A_1109, %exp3A_1107 : vector<16xf32>
        %div3A_1111 = arith.constant 1.000000e+00 : f32
        %div3A_1112 = vector.broadcast %div3A_1111 : f32 to vector<16xf32>
        %div3A_1113 = arith.divf %div3A_1112, %add3A_1110 : vector<16xf32>
        %mul3A_1114 = arith.mulf %div3A_1113, %gather3A_1101 : vector<16xf32>
        %lt3A_1115 = arith.constant 0 : i32
        %lt3A_1116 = vector.broadcast %lt3A_1115 : i32 to vector<16xi32>
        %lt3A_1117 = arith.cmpi slt, %max3A_17, %lt3A_1116 : vector<16xi32>
        %add3A_1118 = arith.constant 16 : i32
        %add3A_1119 = vector.broadcast %add3A_1118 : i32 to vector<16xi32>
        %add3A_1120 = arith.addi %max3A_17, %add3A_1119 : vector<16xi32>
        %select_n3A_1121 = arith.select %lt3A_1117, %add3A_1120, %max3A_17 : vector<16xi1>, vector<16xi32>
        %broadcast_in_dim3A_1122 = vector.shape_cast %select_n3A_1121 : vector<16xi32> to vector<16x1xi32>
        %gather3A_1123 = vector.shape_cast %broadcast_in_dim3A_1122 : vector<16x1xi32> to vector<16xi32>
        %gather3A_1124 = tpu.dynamic_gather %mul3A_1114[%gather3A_1123] in [0] : vector<16xf32>, vector<16xi32> -> vector<16xf32>
        %max3A_1125 = arith.maximumf %mul3A_1114, %gather3A_1124 : vector<16xf32>
        %select_n3A_1126 = arith.select %and3A_909, %max3A_1125, %mul3A_1114 : vector<16xi1>, vector<16xf32>
        %lt3A_1127 = arith.constant 0 : i32
        %lt3A_1128 = vector.broadcast %lt3A_1127 : i32 to vector<16xi32>
        %lt3A_1129 = arith.cmpi slt, %max3A_23, %lt3A_1128 : vector<16xi32>
        %add3A_1130 = arith.constant 16 : i32
        %add3A_1131 = vector.broadcast %add3A_1130 : i32 to vector<16xi32>
        %add3A_1132 = arith.addi %max3A_23, %add3A_1131 : vector<16xi32>
        %select_n3A_1133 = arith.select %lt3A_1129, %add3A_1132, %max3A_23 : vector<16xi1>, vector<16xi32>
        %broadcast_in_dim3A_1134 = vector.shape_cast %select_n3A_1133 : vector<16xi32> to vector<16x1xi32>
        %gather3A_1135 = vector.shape_cast %broadcast_in_dim3A_1134 : vector<16x1xi32> to vector<16xi32>
        %gather3A_1136 = tpu.dynamic_gather %select_n3A_1126[%gather3A_1135] in [0] : vector<16xf32>, vector<16xi32> -> vector<16xf32>
        %max3A_1137 = arith.maximumf %select_n3A_1126, %gather3A_1136 : vector<16xf32>
        %select_n3A_1138 = arith.select %and3A_924, %max3A_1137, %select_n3A_1126 : vector<16xi1>, vector<16xf32>
        %lt3A_1139 = arith.constant 0 : i32
        %lt3A_1140 = vector.broadcast %lt3A_1139 : i32 to vector<16xi32>
        %lt3A_1141 = arith.cmpi slt, %max3A_29, %lt3A_1140 : vector<16xi32>
        %add3A_1142 = arith.constant 16 : i32
        %add3A_1143 = vector.broadcast %add3A_1142 : i32 to vector<16xi32>
        %add3A_1144 = arith.addi %max3A_29, %add3A_1143 : vector<16xi32>
        %select_n3A_1145 = arith.select %lt3A_1141, %add3A_1144, %max3A_29 : vector<16xi1>, vector<16xi32>
        %broadcast_in_dim3A_1146 = vector.shape_cast %select_n3A_1145 : vector<16xi32> to vector<16x1xi32>
        %gather3A_1147 = vector.shape_cast %broadcast_in_dim3A_1146 : vector<16x1xi32> to vector<16xi32>
        %gather3A_1148 = tpu.dynamic_gather %select_n3A_1138[%gather3A_1147] in [0] : vector<16xf32>, vector<16xi32> -> vector<16xf32>
        %max3A_1149 = arith.maximumf %select_n3A_1138, %gather3A_1148 : vector<16xf32>
        %select_n3A_1150 = arith.select %and3A_939, %max3A_1149, %select_n3A_1138 : vector<16xi1>, vector<16xf32>
        %lt3A_1151 = arith.constant 0 : i32
        %lt3A_1152 = vector.broadcast %lt3A_1151 : i32 to vector<16xi32>
        %lt3A_1153 = arith.cmpi slt, %max3A_35, %lt3A_1152 : vector<16xi32>
        %add3A_1154 = arith.constant 16 : i32
        %add3A_1155 = vector.broadcast %add3A_1154 : i32 to vector<16xi32>
        %add3A_1156 = arith.addi %max3A_35, %add3A_1155 : vector<16xi32>
        %select_n3A_1157 = arith.select %lt3A_1153, %add3A_1156, %max3A_35 : vector<16xi1>, vector<16xi32>
        %broadcast_in_dim3A_1158 = vector.shape_cast %select_n3A_1157 : vector<16xi32> to vector<16x1xi32>
        %gather3A_1159 = vector.shape_cast %broadcast_in_dim3A_1158 : vector<16x1xi32> to vector<16xi32>
        %gather3A_1160 = tpu.dynamic_gather %select_n3A_1150[%gather3A_1159] in [0] : vector<16xf32>, vector<16xi32> -> vector<16xf32>
        %max3A_1161 = arith.maximumf %select_n3A_1150, %gather3A_1160 : vector<16xf32>
        %select_n3A_1162 = arith.select %and3A_954, %max3A_1161, %select_n3A_1150 : vector<16xi1>, vector<16xf32>
        %gather3A_1163 = tpu.vector_load_idx %arg7[%add3A_1100] : memref<40000xf32, #tpu.memory_space<vmem>>[vector<16xi32>], vector<16xf32>,
        %max3A_1164 = arith.maximumf %select_n3A_1162, %gather3A_1163 : vector<16xf32>
        %add3A_1165 = arith.constant 30000 : i32
        %add3A_1166 = vector.broadcast %add3A_1165 : i32 to vector<16xi32>
        %add3A_1167 = arith.addi %gather3A_879, %add3A_1166 : vector<16xi32>
        %add3A_1168 = arith.constant 30000 : i32
        %add3A_1169 = vector.broadcast %add3A_1168 : i32 to vector<16xi32>
        %add3A_1170 = arith.addi %masked_sort3A_869, %add3A_1169 : vector<16xi32>
        %gather3A_1171 = tpu.vector_load_idx %arg6[%add3A_1167] : memref<40000xf32, #tpu.memory_space<vmem>>[vector<16xi32>], vector<16xf32>,
        %gather3A_1172 = tpu.vector_load_idx %arg6[%add3A_1170] : memref<40000xf32, #tpu.memory_space<vmem>>[vector<16xi32>], vector<16xf32>,
        %add3A_1173 = arith.addf %gather3A_1171, %gather3A_1172 : vector<16xf32>
        %neg3A_1174 = arith.constant 0.000000e+00 : f32
        %neg3A_1175 = vector.broadcast %neg3A_1174 : f32 to vector<16xf32>
        %neg3A_1176 = arith.subf %neg3A_1175, %add3A_1173 : vector<16xf32>
        %exp3A_1177 = math.exp %neg3A_1176 : vector<16xf32>
        %add3A_1178 = arith.constant 1.000000e+00 : f32
        %add3A_1179 = vector.broadcast %add3A_1178 : f32 to vector<16xf32>
        %add3A_1180 = arith.addf %add3A_1179, %exp3A_1177 : vector<16xf32>
        %div3A_1181 = arith.constant 1.000000e+00 : f32
        %div3A_1182 = vector.broadcast %div3A_1181 : f32 to vector<16xf32>
        %div3A_1183 = arith.divf %div3A_1182, %add3A_1180 : vector<16xf32>
        %mul3A_1184 = arith.mulf %div3A_1183, %gather3A_1171 : vector<16xf32>
        %lt3A_1185 = arith.constant 0 : i32
        %lt3A_1186 = vector.broadcast %lt3A_1185 : i32 to vector<16xi32>
        %lt3A_1187 = arith.cmpi slt, %max3A_17, %lt3A_1186 : vector<16xi32>
        %add3A_1188 = arith.constant 16 : i32
        %add3A_1189 = vector.broadcast %add3A_1188 : i32 to vector<16xi32>
        %add3A_1190 = arith.addi %max3A_17, %add3A_1189 : vector<16xi32>
        %select_n3A_1191 = arith.select %lt3A_1187, %add3A_1190, %max3A_17 : vector<16xi1>, vector<16xi32>
        %broadcast_in_dim3A_1192 = vector.shape_cast %select_n3A_1191 : vector<16xi32> to vector<16x1xi32>
        %gather3A_1193 = vector.shape_cast %broadcast_in_dim3A_1192 : vector<16x1xi32> to vector<16xi32>
        %gather3A_1194 = tpu.dynamic_gather %mul3A_1184[%gather3A_1193] in [0] : vector<16xf32>, vector<16xi32> -> vector<16xf32>
        %max3A_1195 = arith.maximumf %mul3A_1184, %gather3A_1194 : vector<16xf32>
        %select_n3A_1196 = arith.select %and3A_909, %max3A_1195, %mul3A_1184 : vector<16xi1>, vector<16xf32>
        %lt3A_1197 = arith.constant 0 : i32
        %lt3A_1198 = vector.broadcast %lt3A_1197 : i32 to vector<16xi32>
        %lt3A_1199 = arith.cmpi slt, %max3A_23, %lt3A_1198 : vector<16xi32>
        %add3A_1200 = arith.constant 16 : i32
        %add3A_1201 = vector.broadcast %add3A_1200 : i32 to vector<16xi32>
        %add3A_1202 = arith.addi %max3A_23, %add3A_1201 : vector<16xi32>
        %select_n3A_1203 = arith.select %lt3A_1199, %add3A_1202, %max3A_23 : vector<16xi1>, vector<16xi32>
        %broadcast_in_dim3A_1204 = vector.shape_cast %select_n3A_1203 : vector<16xi32> to vector<16x1xi32>
        %gather3A_1205 = vector.shape_cast %broadcast_in_dim3A_1204 : vector<16x1xi32> to vector<16xi32>
        %gather3A_1206 = tpu.dynamic_gather %select_n3A_1196[%gather3A_1205] in [0] : vector<16xf32>, vector<16xi32> -> vector<16xf32>
        %max3A_1207 = arith.maximumf %select_n3A_1196, %gather3A_1206 : vector<16xf32>
        %select_n3A_1208 = arith.select %and3A_924, %max3A_1207, %select_n3A_1196 : vector<16xi1>, vector<16xf32>
        %lt3A_1209 = arith.constant 0 : i32
        %lt3A_1210 = vector.broadcast %lt3A_1209 : i32 to vector<16xi32>
        %lt3A_1211 = arith.cmpi slt, %max3A_29, %lt3A_1210 : vector<16xi32>
        %add3A_1212 = arith.constant 16 : i32
        %add3A_1213 = vector.broadcast %add3A_1212 : i32 to vector<16xi32>
        %add3A_1214 = arith.addi %max3A_29, %add3A_1213 : vector<16xi32>
        %select_n3A_1215 = arith.select %lt3A_1211, %add3A_1214, %max3A_29 : vector<16xi1>, vector<16xi32>
        %broadcast_in_dim3A_1216 = vector.shape_cast %select_n3A_1215 : vector<16xi32> to vector<16x1xi32>
        %gather3A_1217 = vector.shape_cast %broadcast_in_dim3A_1216 : vector<16x1xi32> to vector<16xi32>
        %gather3A_1218 = tpu.dynamic_gather %select_n3A_1208[%gather3A_1217] in [0] : vector<16xf32>, vector<16xi32> -> vector<16xf32>
        %max3A_1219 = arith.maximumf %select_n3A_1208, %gather3A_1218 : vector<16xf32>
        %select_n3A_1220 = arith.select %and3A_939, %max3A_1219, %select_n3A_1208 : vector<16xi1>, vector<16xf32>
        %lt3A_1221 = arith.constant 0 : i32
        %lt3A_1222 = vector.broadcast %lt3A_1221 : i32 to vector<16xi32>
        %lt3A_1223 = arith.cmpi slt, %max3A_35, %lt3A_1222 : vector<16xi32>
        %add3A_1224 = arith.constant 16 : i32
        %add3A_1225 = vector.broadcast %add3A_1224 : i32 to vector<16xi32>
        %add3A_1226 = arith.addi %max3A_35, %add3A_1225 : vector<16xi32>
        %select_n3A_1227 = arith.select %lt3A_1223, %add3A_1226, %max3A_35 : vector<16xi1>, vector<16xi32>
        %broadcast_in_dim3A_1228 = vector.shape_cast %select_n3A_1227 : vector<16xi32> to vector<16x1xi32>
        %gather3A_1229 = vector.shape_cast %broadcast_in_dim3A_1228 : vector<16x1xi32> to vector<16xi32>
        %gather3A_1230 = tpu.dynamic_gather %select_n3A_1220[%gather3A_1229] in [0] : vector<16xf32>, vector<16xi32> -> vector<16xf32>
        %max3A_1231 = arith.maximumf %select_n3A_1220, %gather3A_1230 : vector<16xf32>
        %select_n3A_1232 = arith.select %and3A_954, %max3A_1231, %select_n3A_1220 : vector<16xi1>, vector<16xf32>
        %gather3A_1233 = tpu.vector_load_idx %arg7[%add3A_1170] : memref<40000xf32, #tpu.memory_space<vmem>>[vector<16xi32>], vector<16xf32>,
        %max3A_1234 = arith.maximumf %select_n3A_1232, %gather3A_1233 : vector<16xf32>
        %mul3A_1235 = arith.constant 64 : i32
        %mul3A_1236 = arith.muli %scan3A_91, %mul3A_1235 : i32
        %add3A_1237 = arith.constant 48 : i32
        %add3A_1238 = arith.addi %mul3A_1236, %add3A_1237 : i32
        %get3A_1239 = arith.index_cast %add3A_1238 : i32 to index
        %get3A_1240 = tpu.vector_load %arg8[%get3A_1239] {strides = array<i32>} : memref<8000xi32, #tpu.memory_space<vmem>>, vector<16xi32>,
        %mul3A_1241 = arith.constant 64 : i32
        %mul3A_1242 = arith.muli %scan3A_91, %mul3A_1241 : i32
        %add3A_1243 = arith.constant 48 : i32
        %add3A_1244 = arith.addi %mul3A_1242, %add3A_1243 : i32
        %get3A_1245 = arith.index_cast %add3A_1244 : i32 to index
        %get3A_1246 = tpu.vector_load %arg10[%get3A_1245] {strides = array<i32>} : memref<8000xi32, #tpu.memory_space<vmem>>, vector<16xi32>,
        %masked_sort3A_1247 = arith.constant dense<true> : vector<16xi1>
        %masked_sort3A_1248 = arith.constant -2147483648 : i32
        %masked_sort3A_1249 = vector.broadcast %masked_sort3A_1248 : i32 to vector<16xi32>
        %masked_sort3A_1250 = arith.xori %get3A_1246, %masked_sort3A_1249 : vector<16xi32>
        %masked_sort3A_1251, %masked_sort3A_1252, %masked_sort3A_1253 = tpu.sort %masked_sort3A_1250, %iota3A masked %masked_sort3A_1247 : (vector<16xi32>, vector<16xi32>, vector<16xi1>) -> (vector<16xi1>, vector<16xi32>, vector<16xi32>)
        %masked_sort3A_1254 = arith.xori %masked_sort3A_1252, %masked_sort3A_1249 : vector<16xi32>
        %lt3A_1255 = arith.constant 0 : i32
        %lt3A_1256 = vector.broadcast %lt3A_1255 : i32 to vector<16xi32>
        %lt3A_1257 = arith.cmpi slt, %masked_sort3A_1253, %lt3A_1256 : vector<16xi32>
        %add3A_1258 = arith.constant 16 : i32
        %add3A_1259 = vector.broadcast %add3A_1258 : i32 to vector<16xi32>
        %add3A_1260 = arith.addi %masked_sort3A_1253, %add3A_1259 : vector<16xi32>
        %select_n3A_1261 = arith.select %lt3A_1257, %add3A_1260, %masked_sort3A_1253 : vector<16xi1>, vector<16xi32>
        %broadcast_in_dim3A_1262 = vector.shape_cast %select_n3A_1261 : vector<16xi32> to vector<16x1xi32>
        %gather3A_1263 = vector.shape_cast %broadcast_in_dim3A_1262 : vector<16x1xi32> to vector<16xi32>
        %gather3A_1264 = tpu.dynamic_gather %get3A_1240[%gather3A_1263] in [0] : vector<16xi32>, vector<16xi32> -> vector<16xi32>
        %lt3A_1265 = arith.constant 0 : i32
        %lt3A_1266 = vector.broadcast %lt3A_1265 : i32 to vector<16xi32>
        %lt3A_1267 = arith.cmpi slt, %min3A_13, %lt3A_1266 : vector<16xi32>
        %add3A_1268 = arith.constant 16 : i32
        %add3A_1269 = vector.broadcast %add3A_1268 : i32 to vector<16xi32>
        %add3A_1270 = arith.addi %min3A_13, %add3A_1269 : vector<16xi32>
        %select_n3A_1271 = arith.select %lt3A_1267, %add3A_1270, %min3A_13 : vector<16xi1>, vector<16xi32>
        %broadcast_in_dim3A_1272 = vector.shape_cast %select_n3A_1271 : vector<16xi32> to vector<16x1xi32>
        %gather3A_1273 = vector.shape_cast %broadcast_in_dim3A_1272 : vector<16x1xi32> to vector<16xi32>
        %gather3A_1274 = tpu.dynamic_gather %masked_sort3A_1254[%gather3A_1273] in [0] : vector<16xi32>, vector<16xi32> -> vector<16xi32>
        %ne3A_1275 = arith.cmpi ne, %masked_sort3A_1254, %gather3A_1274 : vector<16xi32>
        %eq3A_1276 = arith.constant 15 : i32
        %eq3A_1277 = vector.broadcast %eq3A_1276 : i32 to vector<16xi32>
        %eq3A_1278 = arith.cmpi eq, %iota3A, %eq3A_1277 : vector<16xi32>
        %or3A_1279 = arith.ori %ne3A_1275, %eq3A_1278 : vector<16xi1>
        %lt3A_1280 = arith.constant 0 : i32
        %lt3A_1281 = vector.broadcast %lt3A_1280 : i32 to vector<16xi32>
        %lt3A_1282 = arith.cmpi slt, %max3A_17, %lt3A_1281 : vector<16xi32>
        %add3A_1283 = arith.constant 16 : i32
        %add3A_1284 = vector.broadcast %add3A_1283 : i32 to vector<16xi32>
        %add3A_1285 = arith.addi %max3A_17, %add3A_1284 : vector<16xi32>
        %select_n3A_1286 = arith.select %lt3A_1282, %add3A_1285, %max3A_17 : vector<16xi1>, vector<16xi32>
        %broadcast_in_dim3A_1287 = vector.shape_cast %select_n3A_1286 : vector<16xi32> to vector<16x1xi32>
        %gather3A_1288 = vector.shape_cast %broadcast_in_dim3A_1287 : vector<16x1xi32> to vector<16xi32>
        %gather3A_1289 = tpu.dynamic_gather %masked_sort3A_1254[%gather3A_1288] in [0] : vector<16xi32>, vector<16xi32> -> vector<16xi32>
        %eq3A_1290 = arith.cmpi eq, %masked_sort3A_1254, %gather3A_1289 : vector<16xi32>
        %ge3A_1291 = arith.constant 1 : i32
        %ge3A_1292 = vector.broadcast %ge3A_1291 : i32 to vector<16xi32>
        %ge3A_1293 = arith.cmpi sge, %iota3A, %ge3A_1292 : vector<16xi32>
        %and3A_1294 = arith.andi %eq3A_1290, %ge3A_1293 : vector<16xi1>
        %lt3A_1295 = arith.constant 0 : i32
        %lt3A_1296 = vector.broadcast %lt3A_1295 : i32 to vector<16xi32>
        %lt3A_1297 = arith.cmpi slt, %max3A_23, %lt3A_1296 : vector<16xi32>
        %add3A_1298 = arith.constant 16 : i32
        %add3A_1299 = vector.broadcast %add3A_1298 : i32 to vector<16xi32>
        %add3A_1300 = arith.addi %max3A_23, %add3A_1299 : vector<16xi32>
        %select_n3A_1301 = arith.select %lt3A_1297, %add3A_1300, %max3A_23 : vector<16xi1>, vector<16xi32>
        %broadcast_in_dim3A_1302 = vector.shape_cast %select_n3A_1301 : vector<16xi32> to vector<16x1xi32>
        %gather3A_1303 = vector.shape_cast %broadcast_in_dim3A_1302 : vector<16x1xi32> to vector<16xi32>
        %gather3A_1304 = tpu.dynamic_gather %masked_sort3A_1254[%gather3A_1303] in [0] : vector<16xi32>, vector<16xi32> -> vector<16xi32>
        %eq3A_1305 = arith.cmpi eq, %masked_sort3A_1254, %gather3A_1304 : vector<16xi32>
        %ge3A_1306 = arith.constant 2 : i32
        %ge3A_1307 = vector.broadcast %ge3A_1306 : i32 to vector<16xi32>
        %ge3A_1308 = arith.cmpi sge, %iota3A, %ge3A_1307 : vector<16xi32>
        %and3A_1309 = arith.andi %eq3A_1305, %ge3A_1308 : vector<16xi1>
        %lt3A_1310 = arith.constant 0 : i32
        %lt3A_1311 = vector.broadcast %lt3A_1310 : i32 to vector<16xi32>
        %lt3A_1312 = arith.cmpi slt, %max3A_29, %lt3A_1311 : vector<16xi32>
        %add3A_1313 = arith.constant 16 : i32
        %add3A_1314 = vector.broadcast %add3A_1313 : i32 to vector<16xi32>
        %add3A_1315 = arith.addi %max3A_29, %add3A_1314 : vector<16xi32>
        %select_n3A_1316 = arith.select %lt3A_1312, %add3A_1315, %max3A_29 : vector<16xi1>, vector<16xi32>
        %broadcast_in_dim3A_1317 = vector.shape_cast %select_n3A_1316 : vector<16xi32> to vector<16x1xi32>
        %gather3A_1318 = vector.shape_cast %broadcast_in_dim3A_1317 : vector<16x1xi32> to vector<16xi32>
        %gather3A_1319 = tpu.dynamic_gather %masked_sort3A_1254[%gather3A_1318] in [0] : vector<16xi32>, vector<16xi32> -> vector<16xi32>
        %eq3A_1320 = arith.cmpi eq, %masked_sort3A_1254, %gather3A_1319 : vector<16xi32>
        %ge3A_1321 = arith.constant 4 : i32
        %ge3A_1322 = vector.broadcast %ge3A_1321 : i32 to vector<16xi32>
        %ge3A_1323 = arith.cmpi sge, %iota3A, %ge3A_1322 : vector<16xi32>
        %and3A_1324 = arith.andi %eq3A_1320, %ge3A_1323 : vector<16xi1>
        %lt3A_1325 = arith.constant 0 : i32
        %lt3A_1326 = vector.broadcast %lt3A_1325 : i32 to vector<16xi32>
        %lt3A_1327 = arith.cmpi slt, %max3A_35, %lt3A_1326 : vector<16xi32>
        %add3A_1328 = arith.constant 16 : i32
        %add3A_1329 = vector.broadcast %add3A_1328 : i32 to vector<16xi32>
        %add3A_1330 = arith.addi %max3A_35, %add3A_1329 : vector<16xi32>
        %select_n3A_1331 = arith.select %lt3A_1327, %add3A_1330, %max3A_35 : vector<16xi1>, vector<16xi32>
        %broadcast_in_dim3A_1332 = vector.shape_cast %select_n3A_1331 : vector<16xi32> to vector<16x1xi32>
        %gather3A_1333 = vector.shape_cast %broadcast_in_dim3A_1332 : vector<16x1xi32> to vector<16xi32>
        %gather3A_1334 = tpu.dynamic_gather %masked_sort3A_1254[%gather3A_1333] in [0] : vector<16xi32>, vector<16xi32> -> vector<16xi32>
        %eq3A_1335 = arith.cmpi eq, %masked_sort3A_1254, %gather3A_1334 : vector<16xi32>
        %ge3A_1336 = arith.constant 8 : i32
        %ge3A_1337 = vector.broadcast %ge3A_1336 : i32 to vector<16xi32>
        %ge3A_1338 = arith.cmpi sge, %iota3A, %ge3A_1337 : vector<16xi32>
        %and3A_1339 = arith.andi %eq3A_1335, %ge3A_1338 : vector<16xi1>
        %add3A_1340 = arith.constant 0 : i32
        %add3A_1341 = vector.broadcast %add3A_1340 : i32 to vector<16xi32>
        %add3A_1342 = arith.addi %gather3A_1264, %add3A_1341 : vector<16xi32>
        %add3A_1343 = arith.constant 0 : i32
        %add3A_1344 = vector.broadcast %add3A_1343 : i32 to vector<16xi32>
        %add3A_1345 = arith.addi %masked_sort3A_1254, %add3A_1344 : vector<16xi32>
        %gather3A_1346 = tpu.vector_load_idx %arg6[%add3A_1342] : memref<40000xf32, #tpu.memory_space<vmem>>[vector<16xi32>], vector<16xf32>,
        %gather3A_1347 = tpu.vector_load_idx %arg6[%add3A_1345] : memref<40000xf32, #tpu.memory_space<vmem>>[vector<16xi32>], vector<16xf32>,
        %add3A_1348 = arith.addf %gather3A_1346, %gather3A_1347 : vector<16xf32>
        %neg3A_1349 = arith.constant 0.000000e+00 : f32
        %neg3A_1350 = vector.broadcast %neg3A_1349 : f32 to vector<16xf32>
        %neg3A_1351 = arith.subf %neg3A_1350, %add3A_1348 : vector<16xf32>
        %exp3A_1352 = math.exp %neg3A_1351 : vector<16xf32>
        %add3A_1353 = arith.constant 1.000000e+00 : f32
        %add3A_1354 = vector.broadcast %add3A_1353 : f32 to vector<16xf32>
        %add3A_1355 = arith.addf %add3A_1354, %exp3A_1352 : vector<16xf32>
        %div3A_1356 = arith.constant 1.000000e+00 : f32
        %div3A_1357 = vector.broadcast %div3A_1356 : f32 to vector<16xf32>
        %div3A_1358 = arith.divf %div3A_1357, %add3A_1355 : vector<16xf32>
        %mul3A_1359 = arith.mulf %div3A_1358, %gather3A_1346 : vector<16xf32>
        %lt3A_1360 = arith.constant 0 : i32
        %lt3A_1361 = vector.broadcast %lt3A_1360 : i32 to vector<16xi32>
        %lt3A_1362 = arith.cmpi slt, %max3A_17, %lt3A_1361 : vector<16xi32>
        %add3A_1363 = arith.constant 16 : i32
        %add3A_1364 = vector.broadcast %add3A_1363 : i32 to vector<16xi32>
        %add3A_1365 = arith.addi %max3A_17, %add3A_1364 : vector<16xi32>
        %select_n3A_1366 = arith.select %lt3A_1362, %add3A_1365, %max3A_17 : vector<16xi1>, vector<16xi32>
        %broadcast_in_dim3A_1367 = vector.shape_cast %select_n3A_1366 : vector<16xi32> to vector<16x1xi32>
        %gather3A_1368 = vector.shape_cast %broadcast_in_dim3A_1367 : vector<16x1xi32> to vector<16xi32>
        %gather3A_1369 = tpu.dynamic_gather %mul3A_1359[%gather3A_1368] in [0] : vector<16xf32>, vector<16xi32> -> vector<16xf32>
        %max3A_1370 = arith.maximumf %mul3A_1359, %gather3A_1369 : vector<16xf32>
        %select_n3A_1371 = arith.select %and3A_1294, %max3A_1370, %mul3A_1359 : vector<16xi1>, vector<16xf32>
        %lt3A_1372 = arith.constant 0 : i32
        %lt3A_1373 = vector.broadcast %lt3A_1372 : i32 to vector<16xi32>
        %lt3A_1374 = arith.cmpi slt, %max3A_23, %lt3A_1373 : vector<16xi32>
        %add3A_1375 = arith.constant 16 : i32
        %add3A_1376 = vector.broadcast %add3A_1375 : i32 to vector<16xi32>
        %add3A_1377 = arith.addi %max3A_23, %add3A_1376 : vector<16xi32>
        %select_n3A_1378 = arith.select %lt3A_1374, %add3A_1377, %max3A_23 : vector<16xi1>, vector<16xi32>
        %broadcast_in_dim3A_1379 = vector.shape_cast %select_n3A_1378 : vector<16xi32> to vector<16x1xi32>
        %gather3A_1380 = vector.shape_cast %broadcast_in_dim3A_1379 : vector<16x1xi32> to vector<16xi32>
        %gather3A_1381 = tpu.dynamic_gather %select_n3A_1371[%gather3A_1380] in [0] : vector<16xf32>, vector<16xi32> -> vector<16xf32>
        %max3A_1382 = arith.maximumf %select_n3A_1371, %gather3A_1381 : vector<16xf32>
        %select_n3A_1383 = arith.select %and3A_1309, %max3A_1382, %select_n3A_1371 : vector<16xi1>, vector<16xf32>
        %lt3A_1384 = arith.constant 0 : i32
        %lt3A_1385 = vector.broadcast %lt3A_1384 : i32 to vector<16xi32>
        %lt3A_1386 = arith.cmpi slt, %max3A_29, %lt3A_1385 : vector<16xi32>
        %add3A_1387 = arith.constant 16 : i32
        %add3A_1388 = vector.broadcast %add3A_1387 : i32 to vector<16xi32>
        %add3A_1389 = arith.addi %max3A_29, %add3A_1388 : vector<16xi32>
        %select_n3A_1390 = arith.select %lt3A_1386, %add3A_1389, %max3A_29 : vector<16xi1>, vector<16xi32>
        %broadcast_in_dim3A_1391 = vector.shape_cast %select_n3A_1390 : vector<16xi32> to vector<16x1xi32>
        %gather3A_1392 = vector.shape_cast %broadcast_in_dim3A_1391 : vector<16x1xi32> to vector<16xi32>
        %gather3A_1393 = tpu.dynamic_gather %select_n3A_1383[%gather3A_1392] in [0] : vector<16xf32>, vector<16xi32> -> vector<16xf32>
        %max3A_1394 = arith.maximumf %select_n3A_1383, %gather3A_1393 : vector<16xf32>
        %select_n3A_1395 = arith.select %and3A_1324, %max3A_1394, %select_n3A_1383 : vector<16xi1>, vector<16xf32>
        %lt3A_1396 = arith.constant 0 : i32
        %lt3A_1397 = vector.broadcast %lt3A_1396 : i32 to vector<16xi32>
        %lt3A_1398 = arith.cmpi slt, %max3A_35, %lt3A_1397 : vector<16xi32>
        %add3A_1399 = arith.constant 16 : i32
        %add3A_1400 = vector.broadcast %add3A_1399 : i32 to vector<16xi32>
        %add3A_1401 = arith.addi %max3A_35, %add3A_1400 : vector<16xi32>
        %select_n3A_1402 = arith.select %lt3A_1398, %add3A_1401, %max3A_35 : vector<16xi1>, vector<16xi32>
        %broadcast_in_dim3A_1403 = vector.shape_cast %select_n3A_1402 : vector<16xi32> to vector<16x1xi32>
        %gather3A_1404 = vector.shape_cast %broadcast_in_dim3A_1403 : vector<16x1xi32> to vector<16xi32>
        %gather3A_1405 = tpu.dynamic_gather %select_n3A_1395[%gather3A_1404] in [0] : vector<16xf32>, vector<16xi32> -> vector<16xf32>
        %max3A_1406 = arith.maximumf %select_n3A_1395, %gather3A_1405 : vector<16xf32>
        %select_n3A_1407 = arith.select %and3A_1339, %max3A_1406, %select_n3A_1395 : vector<16xi1>, vector<16xf32>
        %gather3A_1408 = tpu.vector_load_idx %arg7[%add3A_1345] : memref<40000xf32, #tpu.memory_space<vmem>>[vector<16xi32>], vector<16xf32>,
        %max3A_1409 = arith.maximumf %select_n3A_1407, %gather3A_1408 : vector<16xf32>
        %add3A_1410 = arith.constant 10000 : i32
        %add3A_1411 = vector.broadcast %add3A_1410 : i32 to vector<16xi32>
        %add3A_1412 = arith.addi %gather3A_1264, %add3A_1411 : vector<16xi32>
        %add3A_1413 = arith.constant 10000 : i32
        %add3A_1414 = vector.broadcast %add3A_1413 : i32 to vector<16xi32>
        %add3A_1415 = arith.addi %masked_sort3A_1254, %add3A_1414 : vector<16xi32>
        %gather3A_1416 = tpu.vector_load_idx %arg6[%add3A_1412] : memref<40000xf32, #tpu.memory_space<vmem>>[vector<16xi32>], vector<16xf32>,
        %gather3A_1417 = tpu.vector_load_idx %arg6[%add3A_1415] : memref<40000xf32, #tpu.memory_space<vmem>>[vector<16xi32>], vector<16xf32>,
        %add3A_1418 = arith.addf %gather3A_1416, %gather3A_1417 : vector<16xf32>
        %neg3A_1419 = arith.constant 0.000000e+00 : f32
        %neg3A_1420 = vector.broadcast %neg3A_1419 : f32 to vector<16xf32>
        %neg3A_1421 = arith.subf %neg3A_1420, %add3A_1418 : vector<16xf32>
        %exp3A_1422 = math.exp %neg3A_1421 : vector<16xf32>
        %add3A_1423 = arith.constant 1.000000e+00 : f32
        %add3A_1424 = vector.broadcast %add3A_1423 : f32 to vector<16xf32>
        %add3A_1425 = arith.addf %add3A_1424, %exp3A_1422 : vector<16xf32>
        %div3A_1426 = arith.constant 1.000000e+00 : f32
        %div3A_1427 = vector.broadcast %div3A_1426 : f32 to vector<16xf32>
        %div3A_1428 = arith.divf %div3A_1427, %add3A_1425 : vector<16xf32>
        %mul3A_1429 = arith.mulf %div3A_1428, %gather3A_1416 : vector<16xf32>
        %lt3A_1430 = arith.constant 0 : i32
        %lt3A_1431 = vector.broadcast %lt3A_1430 : i32 to vector<16xi32>
        %lt3A_1432 = arith.cmpi slt, %max3A_17, %lt3A_1431 : vector<16xi32>
        %add3A_1433 = arith.constant 16 : i32
        %add3A_1434 = vector.broadcast %add3A_1433 : i32 to vector<16xi32>
        %add3A_1435 = arith.addi %max3A_17, %add3A_1434 : vector<16xi32>
        %select_n3A_1436 = arith.select %lt3A_1432, %add3A_1435, %max3A_17 : vector<16xi1>, vector<16xi32>
        %broadcast_in_dim3A_1437 = vector.shape_cast %select_n3A_1436 : vector<16xi32> to vector<16x1xi32>
        %gather3A_1438 = vector.shape_cast %broadcast_in_dim3A_1437 : vector<16x1xi32> to vector<16xi32>
        %gather3A_1439 = tpu.dynamic_gather %mul3A_1429[%gather3A_1438] in [0] : vector<16xf32>, vector<16xi32> -> vector<16xf32>
        %max3A_1440 = arith.maximumf %mul3A_1429, %gather3A_1439 : vector<16xf32>
        %select_n3A_1441 = arith.select %and3A_1294, %max3A_1440, %mul3A_1429 : vector<16xi1>, vector<16xf32>
        %lt3A_1442 = arith.constant 0 : i32
        %lt3A_1443 = vector.broadcast %lt3A_1442 : i32 to vector<16xi32>
        %lt3A_1444 = arith.cmpi slt, %max3A_23, %lt3A_1443 : vector<16xi32>
        %add3A_1445 = arith.constant 16 : i32
        %add3A_1446 = vector.broadcast %add3A_1445 : i32 to vector<16xi32>
        %add3A_1447 = arith.addi %max3A_23, %add3A_1446 : vector<16xi32>
        %select_n3A_1448 = arith.select %lt3A_1444, %add3A_1447, %max3A_23 : vector<16xi1>, vector<16xi32>
        %broadcast_in_dim3A_1449 = vector.shape_cast %select_n3A_1448 : vector<16xi32> to vector<16x1xi32>
        %gather3A_1450 = vector.shape_cast %broadcast_in_dim3A_1449 : vector<16x1xi32> to vector<16xi32>
        %gather3A_1451 = tpu.dynamic_gather %select_n3A_1441[%gather3A_1450] in [0] : vector<16xf32>, vector<16xi32> -> vector<16xf32>
        %max3A_1452 = arith.maximumf %select_n3A_1441, %gather3A_1451 : vector<16xf32>
        %select_n3A_1453 = arith.select %and3A_1309, %max3A_1452, %select_n3A_1441 : vector<16xi1>, vector<16xf32>
        %lt3A_1454 = arith.constant 0 : i32
        %lt3A_1455 = vector.broadcast %lt3A_1454 : i32 to vector<16xi32>
        %lt3A_1456 = arith.cmpi slt, %max3A_29, %lt3A_1455 : vector<16xi32>
        %add3A_1457 = arith.constant 16 : i32
        %add3A_1458 = vector.broadcast %add3A_1457 : i32 to vector<16xi32>
        %add3A_1459 = arith.addi %max3A_29, %add3A_1458 : vector<16xi32>
        %select_n3A_1460 = arith.select %lt3A_1456, %add3A_1459, %max3A_29 : vector<16xi1>, vector<16xi32>
        %broadcast_in_dim3A_1461 = vector.shape_cast %select_n3A_1460 : vector<16xi32> to vector<16x1xi32>
        %gather3A_1462 = vector.shape_cast %broadcast_in_dim3A_1461 : vector<16x1xi32> to vector<16xi32>
        %gather3A_1463 = tpu.dynamic_gather %select_n3A_1453[%gather3A_1462] in [0] : vector<16xf32>, vector<16xi32> -> vector<16xf32>
        %max3A_1464 = arith.maximumf %select_n3A_1453, %gather3A_1463 : vector<16xf32>
        %select_n3A_1465 = arith.select %and3A_1324, %max3A_1464, %select_n3A_1453 : vector<16xi1>, vector<16xf32>
        %lt3A_1466 = arith.constant 0 : i32
        %lt3A_1467 = vector.broadcast %lt3A_1466 : i32 to vector<16xi32>
        %lt3A_1468 = arith.cmpi slt, %max3A_35, %lt3A_1467 : vector<16xi32>
        %add3A_1469 = arith.constant 16 : i32
        %add3A_1470 = vector.broadcast %add3A_1469 : i32 to vector<16xi32>
        %add3A_1471 = arith.addi %max3A_35, %add3A_1470 : vector<16xi32>
        %select_n3A_1472 = arith.select %lt3A_1468, %add3A_1471, %max3A_35 : vector<16xi1>, vector<16xi32>
        %broadcast_in_dim3A_1473 = vector.shape_cast %select_n3A_1472 : vector<16xi32> to vector<16x1xi32>
        %gather3A_1474 = vector.shape_cast %broadcast_in_dim3A_1473 : vector<16x1xi32> to vector<16xi32>
        %gather3A_1475 = tpu.dynamic_gather %select_n3A_1465[%gather3A_1474] in [0] : vector<16xf32>, vector<16xi32> -> vector<16xf32>
        %max3A_1476 = arith.maximumf %select_n3A_1465, %gather3A_1475 : vector<16xf32>
        %select_n3A_1477 = arith.select %and3A_1339, %max3A_1476, %select_n3A_1465 : vector<16xi1>, vector<16xf32>
        %gather3A_1478 = tpu.vector_load_idx %arg7[%add3A_1415] : memref<40000xf32, #tpu.memory_space<vmem>>[vector<16xi32>], vector<16xf32>,
        %max3A_1479 = arith.maximumf %select_n3A_1477, %gather3A_1478 : vector<16xf32>
        %add3A_1480 = arith.constant 20000 : i32
        %add3A_1481 = vector.broadcast %add3A_1480 : i32 to vector<16xi32>
        %add3A_1482 = arith.addi %gather3A_1264, %add3A_1481 : vector<16xi32>
        %add3A_1483 = arith.constant 20000 : i32
        %add3A_1484 = vector.broadcast %add3A_1483 : i32 to vector<16xi32>
        %add3A_1485 = arith.addi %masked_sort3A_1254, %add3A_1484 : vector<16xi32>
        %gather3A_1486 = tpu.vector_load_idx %arg6[%add3A_1482] : memref<40000xf32, #tpu.memory_space<vmem>>[vector<16xi32>], vector<16xf32>,
        %gather3A_1487 = tpu.vector_load_idx %arg6[%add3A_1485] : memref<40000xf32, #tpu.memory_space<vmem>>[vector<16xi32>], vector<16xf32>,
        %add3A_1488 = arith.addf %gather3A_1486, %gather3A_1487 : vector<16xf32>
        %neg3A_1489 = arith.constant 0.000000e+00 : f32
        %neg3A_1490 = vector.broadcast %neg3A_1489 : f32 to vector<16xf32>
        %neg3A_1491 = arith.subf %neg3A_1490, %add3A_1488 : vector<16xf32>
        %exp3A_1492 = math.exp %neg3A_1491 : vector<16xf32>
        %add3A_1493 = arith.constant 1.000000e+00 : f32
        %add3A_1494 = vector.broadcast %add3A_1493 : f32 to vector<16xf32>
        %add3A_1495 = arith.addf %add3A_1494, %exp3A_1492 : vector<16xf32>
        %div3A_1496 = arith.constant 1.000000e+00 : f32
        %div3A_1497 = vector.broadcast %div3A_1496 : f32 to vector<16xf32>
        %div3A_1498 = arith.divf %div3A_1497, %add3A_1495 : vector<16xf32>
        %mul3A_1499 = arith.mulf %div3A_1498, %gather3A_1486 : vector<16xf32>
        %lt3A_1500 = arith.constant 0 : i32
        %lt3A_1501 = vector.broadcast %lt3A_1500 : i32 to vector<16xi32>
        %lt3A_1502 = arith.cmpi slt, %max3A_17, %lt3A_1501 : vector<16xi32>
        %add3A_1503 = arith.constant 16 : i32
        %add3A_1504 = vector.broadcast %add3A_1503 : i32 to vector<16xi32>
        %add3A_1505 = arith.addi %max3A_17, %add3A_1504 : vector<16xi32>
        %select_n3A_1506 = arith.select %lt3A_1502, %add3A_1505, %max3A_17 : vector<16xi1>, vector<16xi32>
        %broadcast_in_dim3A_1507 = vector.shape_cast %select_n3A_1506 : vector<16xi32> to vector<16x1xi32>
        %gather3A_1508 = vector.shape_cast %broadcast_in_dim3A_1507 : vector<16x1xi32> to vector<16xi32>
        %gather3A_1509 = tpu.dynamic_gather %mul3A_1499[%gather3A_1508] in [0] : vector<16xf32>, vector<16xi32> -> vector<16xf32>
        %max3A_1510 = arith.maximumf %mul3A_1499, %gather3A_1509 : vector<16xf32>
        %select_n3A_1511 = arith.select %and3A_1294, %max3A_1510, %mul3A_1499 : vector<16xi1>, vector<16xf32>
        %lt3A_1512 = arith.constant 0 : i32
        %lt3A_1513 = vector.broadcast %lt3A_1512 : i32 to vector<16xi32>
        %lt3A_1514 = arith.cmpi slt, %max3A_23, %lt3A_1513 : vector<16xi32>
        %add3A_1515 = arith.constant 16 : i32
        %add3A_1516 = vector.broadcast %add3A_1515 : i32 to vector<16xi32>
        %add3A_1517 = arith.addi %max3A_23, %add3A_1516 : vector<16xi32>
        %select_n3A_1518 = arith.select %lt3A_1514, %add3A_1517, %max3A_23 : vector<16xi1>, vector<16xi32>
        %broadcast_in_dim3A_1519 = vector.shape_cast %select_n3A_1518 : vector<16xi32> to vector<16x1xi32>
        %gather3A_1520 = vector.shape_cast %broadcast_in_dim3A_1519 : vector<16x1xi32> to vector<16xi32>
        %gather3A_1521 = tpu.dynamic_gather %select_n3A_1511[%gather3A_1520] in [0] : vector<16xf32>, vector<16xi32> -> vector<16xf32>
        %max3A_1522 = arith.maximumf %select_n3A_1511, %gather3A_1521 : vector<16xf32>
        %select_n3A_1523 = arith.select %and3A_1309, %max3A_1522, %select_n3A_1511 : vector<16xi1>, vector<16xf32>
        %lt3A_1524 = arith.constant 0 : i32
        %lt3A_1525 = vector.broadcast %lt3A_1524 : i32 to vector<16xi32>
        %lt3A_1526 = arith.cmpi slt, %max3A_29, %lt3A_1525 : vector<16xi32>
        %add3A_1527 = arith.constant 16 : i32
        %add3A_1528 = vector.broadcast %add3A_1527 : i32 to vector<16xi32>
        %add3A_1529 = arith.addi %max3A_29, %add3A_1528 : vector<16xi32>
        %select_n3A_1530 = arith.select %lt3A_1526, %add3A_1529, %max3A_29 : vector<16xi1>, vector<16xi32>
        %broadcast_in_dim3A_1531 = vector.shape_cast %select_n3A_1530 : vector<16xi32> to vector<16x1xi32>
        %gather3A_1532 = vector.shape_cast %broadcast_in_dim3A_1531 : vector<16x1xi32> to vector<16xi32>
        %gather3A_1533 = tpu.dynamic_gather %select_n3A_1523[%gather3A_1532] in [0] : vector<16xf32>, vector<16xi32> -> vector<16xf32>
        %max3A_1534 = arith.maximumf %select_n3A_1523, %gather3A_1533 : vector<16xf32>
        %select_n3A_1535 = arith.select %and3A_1324, %max3A_1534, %select_n3A_1523 : vector<16xi1>, vector<16xf32>
        %lt3A_1536 = arith.constant 0 : i32
        %lt3A_1537 = vector.broadcast %lt3A_1536 : i32 to vector<16xi32>
        %lt3A_1538 = arith.cmpi slt, %max3A_35, %lt3A_1537 : vector<16xi32>
        %add3A_1539 = arith.constant 16 : i32
        %add3A_1540 = vector.broadcast %add3A_1539 : i32 to vector<16xi32>
        %add3A_1541 = arith.addi %max3A_35, %add3A_1540 : vector<16xi32>
        %select_n3A_1542 = arith.select %lt3A_1538, %add3A_1541, %max3A_35 : vector<16xi1>, vector<16xi32>
        %broadcast_in_dim3A_1543 = vector.shape_cast %select_n3A_1542 : vector<16xi32> to vector<16x1xi32>
        %gather3A_1544 = vector.shape_cast %broadcast_in_dim3A_1543 : vector<16x1xi32> to vector<16xi32>
        %gather3A_1545 = tpu.dynamic_gather %select_n3A_1535[%gather3A_1544] in [0] : vector<16xf32>, vector<16xi32> -> vector<16xf32>
        %max3A_1546 = arith.maximumf %select_n3A_1535, %gather3A_1545 : vector<16xf32>
        %select_n3A_1547 = arith.select %and3A_1339, %max3A_1546, %select_n3A_1535 : vector<16xi1>, vector<16xf32>
        %gather3A_1548 = tpu.vector_load_idx %arg7[%add3A_1485] : memref<40000xf32, #tpu.memory_space<vmem>>[vector<16xi32>], vector<16xf32>,
        %max3A_1549 = arith.maximumf %select_n3A_1547, %gather3A_1548 : vector<16xf32>
        %add3A_1550 = arith.constant 30000 : i32
        %add3A_1551 = vector.broadcast %add3A_1550 : i32 to vector<16xi32>
        %add3A_1552 = arith.addi %gather3A_1264, %add3A_1551 : vector<16xi32>
        %add3A_1553 = arith.constant 30000 : i32
        %add3A_1554 = vector.broadcast %add3A_1553 : i32 to vector<16xi32>
        %add3A_1555 = arith.addi %masked_sort3A_1254, %add3A_1554 : vector<16xi32>
        %gather3A_1556 = tpu.vector_load_idx %arg6[%add3A_1552] : memref<40000xf32, #tpu.memory_space<vmem>>[vector<16xi32>], vector<16xf32>,
        %gather3A_1557 = tpu.vector_load_idx %arg6[%add3A_1555] : memref<40000xf32, #tpu.memory_space<vmem>>[vector<16xi32>], vector<16xf32>,
        %add3A_1558 = arith.addf %gather3A_1556, %gather3A_1557 : vector<16xf32>
        %neg3A_1559 = arith.constant 0.000000e+00 : f32
        %neg3A_1560 = vector.broadcast %neg3A_1559 : f32 to vector<16xf32>
        %neg3A_1561 = arith.subf %neg3A_1560, %add3A_1558 : vector<16xf32>
        %exp3A_1562 = math.exp %neg3A_1561 : vector<16xf32>
        %add3A_1563 = arith.constant 1.000000e+00 : f32
        %add3A_1564 = vector.broadcast %add3A_1563 : f32 to vector<16xf32>
        %add3A_1565 = arith.addf %add3A_1564, %exp3A_1562 : vector<16xf32>
        %div3A_1566 = arith.constant 1.000000e+00 : f32
        %div3A_1567 = vector.broadcast %div3A_1566 : f32 to vector<16xf32>
        %div3A_1568 = arith.divf %div3A_1567, %add3A_1565 : vector<16xf32>
        %mul3A_1569 = arith.mulf %div3A_1568, %gather3A_1556 : vector<16xf32>
        %lt3A_1570 = arith.constant 0 : i32
        %lt3A_1571 = vector.broadcast %lt3A_1570 : i32 to vector<16xi32>
        %lt3A_1572 = arith.cmpi slt, %max3A_17, %lt3A_1571 : vector<16xi32>
        %add3A_1573 = arith.constant 16 : i32
        %add3A_1574 = vector.broadcast %add3A_1573 : i32 to vector<16xi32>
        %add3A_1575 = arith.addi %max3A_17, %add3A_1574 : vector<16xi32>
        %select_n3A_1576 = arith.select %lt3A_1572, %add3A_1575, %max3A_17 : vector<16xi1>, vector<16xi32>
        %broadcast_in_dim3A_1577 = vector.shape_cast %select_n3A_1576 : vector<16xi32> to vector<16x1xi32>
        %gather3A_1578 = vector.shape_cast %broadcast_in_dim3A_1577 : vector<16x1xi32> to vector<16xi32>
        %gather3A_1579 = tpu.dynamic_gather %mul3A_1569[%gather3A_1578] in [0] : vector<16xf32>, vector<16xi32> -> vector<16xf32>
        %max3A_1580 = arith.maximumf %mul3A_1569, %gather3A_1579 : vector<16xf32>
        %select_n3A_1581 = arith.select %and3A_1294, %max3A_1580, %mul3A_1569 : vector<16xi1>, vector<16xf32>
        %lt3A_1582 = arith.constant 0 : i32
        %lt3A_1583 = vector.broadcast %lt3A_1582 : i32 to vector<16xi32>
        %lt3A_1584 = arith.cmpi slt, %max3A_23, %lt3A_1583 : vector<16xi32>
        %add3A_1585 = arith.constant 16 : i32
        %add3A_1586 = vector.broadcast %add3A_1585 : i32 to vector<16xi32>
        %add3A_1587 = arith.addi %max3A_23, %add3A_1586 : vector<16xi32>
        %select_n3A_1588 = arith.select %lt3A_1584, %add3A_1587, %max3A_23 : vector<16xi1>, vector<16xi32>
        %broadcast_in_dim3A_1589 = vector.shape_cast %select_n3A_1588 : vector<16xi32> to vector<16x1xi32>
        %gather3A_1590 = vector.shape_cast %broadcast_in_dim3A_1589 : vector<16x1xi32> to vector<16xi32>
        %gather3A_1591 = tpu.dynamic_gather %select_n3A_1581[%gather3A_1590] in [0] : vector<16xf32>, vector<16xi32> -> vector<16xf32>
        %max3A_1592 = arith.maximumf %select_n3A_1581, %gather3A_1591 : vector<16xf32>
        %select_n3A_1593 = arith.select %and3A_1309, %max3A_1592, %select_n3A_1581 : vector<16xi1>, vector<16xf32>
        %lt3A_1594 = arith.constant 0 : i32
        %lt3A_1595 = vector.broadcast %lt3A_1594 : i32 to vector<16xi32>
        %lt3A_1596 = arith.cmpi slt, %max3A_29, %lt3A_1595 : vector<16xi32>
        %add3A_1597 = arith.constant 16 : i32
        %add3A_1598 = vector.broadcast %add3A_1597 : i32 to vector<16xi32>
        %add3A_1599 = arith.addi %max3A_29, %add3A_1598 : vector<16xi32>
        %select_n3A_1600 = arith.select %lt3A_1596, %add3A_1599, %max3A_29 : vector<16xi1>, vector<16xi32>
        %broadcast_in_dim3A_1601 = vector.shape_cast %select_n3A_1600 : vector<16xi32> to vector<16x1xi32>
        %gather3A_1602 = vector.shape_cast %broadcast_in_dim3A_1601 : vector<16x1xi32> to vector<16xi32>
        %gather3A_1603 = tpu.dynamic_gather %select_n3A_1593[%gather3A_1602] in [0] : vector<16xf32>, vector<16xi32> -> vector<16xf32>
        %max3A_1604 = arith.maximumf %select_n3A_1593, %gather3A_1603 : vector<16xf32>
        %select_n3A_1605 = arith.select %and3A_1324, %max3A_1604, %select_n3A_1593 : vector<16xi1>, vector<16xf32>
        %lt3A_1606 = arith.constant 0 : i32
        %lt3A_1607 = vector.broadcast %lt3A_1606 : i32 to vector<16xi32>
        %lt3A_1608 = arith.cmpi slt, %max3A_35, %lt3A_1607 : vector<16xi32>
        %add3A_1609 = arith.constant 16 : i32
        %add3A_1610 = vector.broadcast %add3A_1609 : i32 to vector<16xi32>
        %add3A_1611 = arith.addi %max3A_35, %add3A_1610 : vector<16xi32>
        %select_n3A_1612 = arith.select %lt3A_1608, %add3A_1611, %max3A_35 : vector<16xi1>, vector<16xi32>
        %broadcast_in_dim3A_1613 = vector.shape_cast %select_n3A_1612 : vector<16xi32> to vector<16x1xi32>
        %gather3A_1614 = vector.shape_cast %broadcast_in_dim3A_1613 : vector<16x1xi32> to vector<16xi32>
        %gather3A_1615 = tpu.dynamic_gather %select_n3A_1605[%gather3A_1614] in [0] : vector<16xf32>, vector<16xi32> -> vector<16xf32>
        %max3A_1616 = arith.maximumf %select_n3A_1605, %gather3A_1615 : vector<16xf32>
        %select_n3A_1617 = arith.select %and3A_1339, %max3A_1616, %select_n3A_1605 : vector<16xi1>, vector<16xf32>
        %gather3A_1618 = tpu.vector_load_idx %arg7[%add3A_1555] : memref<40000xf32, #tpu.memory_space<vmem>>[vector<16xi32>], vector<16xf32>,
        %max3A_1619 = arith.maximumf %select_n3A_1617, %gather3A_1618 : vector<16xf32>
        tpu.vector_store_idx %arg7[%add3A_193], %max3A_254 masked %or3A : memref<40000xf32, #tpu.memory_space<vmem>>[vector<16xi32>], vector<16xf32>, vector<16xi1>
        tpu.vector_store_idx %arg7[%add3A_260], %max3A_324 masked %or3A : memref<40000xf32, #tpu.memory_space<vmem>>[vector<16xi32>], vector<16xf32>, vector<16xi1>
        tpu.vector_store_idx %arg7[%add3A_330], %max3A_394 masked %or3A : memref<40000xf32, #tpu.memory_space<vmem>>[vector<16xi32>], vector<16xf32>, vector<16xi1>
        tpu.vector_store_idx %arg7[%add3A_400], %max3A_464 masked %or3A : memref<40000xf32, #tpu.memory_space<vmem>>[vector<16xi32>], vector<16xf32>, vector<16xi1>
        tpu.vector_store_idx %arg7[%add3A_575], %max3A_639 masked %or3A_509 : memref<40000xf32, #tpu.memory_space<vmem>>[vector<16xi32>], vector<16xf32>, vector<16xi1>
        tpu.vector_store_idx %arg7[%add3A_645], %max3A_709 masked %or3A_509 : memref<40000xf32, #tpu.memory_space<vmem>>[vector<16xi32>], vector<16xf32>, vector<16xi1>
        tpu.vector_store_idx %arg7[%add3A_715], %max3A_779 masked %or3A_509 : memref<40000xf32, #tpu.memory_space<vmem>>[vector<16xi32>], vector<16xf32>, vector<16xi1>
        tpu.vector_store_idx %arg7[%add3A_785], %max3A_849 masked %or3A_509 : memref<40000xf32, #tpu.memory_space<vmem>>[vector<16xi32>], vector<16xf32>, vector<16xi1>
        tpu.vector_store_idx %arg7[%add3A_960], %max3A_1024 masked %or3A_894 : memref<40000xf32, #tpu.memory_space<vmem>>[vector<16xi32>], vector<16xf32>, vector<16xi1>
        tpu.vector_store_idx %arg7[%add3A_1030], %max3A_1094 masked %or3A_894 : memref<40000xf32, #tpu.memory_space<vmem>>[vector<16xi32>], vector<16xf32>, vector<16xi1>
        tpu.vector_store_idx %arg7[%add3A_1100], %max3A_1164 masked %or3A_894 : memref<40000xf32, #tpu.memory_space<vmem>>[vector<16xi32>], vector<16xf32>, vector<16xi1>
        tpu.vector_store_idx %arg7[%add3A_1170], %max3A_1234 masked %or3A_894 : memref<40000xf32, #tpu.memory_space<vmem>>[vector<16xi32>], vector<16xf32>, vector<16xi1>
        tpu.vector_store_idx %arg7[%add3A_1345], %max3A_1409 masked %or3A_1279 : memref<40000xf32, #tpu.memory_space<vmem>>[vector<16xi32>], vector<16xf32>, vector<16xi1>
        tpu.vector_store_idx %arg7[%add3A_1415], %max3A_1479 masked %or3A_1279 : memref<40000xf32, #tpu.memory_space<vmem>>[vector<16xi32>], vector<16xf32>, vector<16xi1>
        tpu.vector_store_idx %arg7[%add3A_1485], %max3A_1549 masked %or3A_1279 : memref<40000xf32, #tpu.memory_space<vmem>>[vector<16xi32>], vector<16xf32>, vector<16xi1>
        tpu.vector_store_idx %arg7[%add3A_1555], %max3A_1619 masked %or3A_1279 : memref<40000xf32, #tpu.memory_space<vmem>>[vector<16xi32>], vector<16xf32>, vector<16xi1>
        %gather3A_1620 = tpu.vector_load_idx %arg7[%add3A_193] : memref<40000xf32, #tpu.memory_space<vmem>>[vector<16xi32>], vector<16xf32>,
        %lt3A_1621 = arith.cmpf olt, %gather3A_1620, %max3A_254 : vector<16xf32>
        %and3A_1622 = arith.andi %or3A, %lt3A_1621 : vector<16xi1>
        %gather3A_1623 = tpu.vector_load_idx %arg7[%add3A_260] : memref<40000xf32, #tpu.memory_space<vmem>>[vector<16xi32>], vector<16xf32>,
        %lt3A_1624 = arith.cmpf olt, %gather3A_1623, %max3A_324 : vector<16xf32>
        %and3A_1625 = arith.andi %or3A, %lt3A_1624 : vector<16xi1>
        %gather3A_1626 = tpu.vector_load_idx %arg7[%add3A_330] : memref<40000xf32, #tpu.memory_space<vmem>>[vector<16xi32>], vector<16xf32>,
        %lt3A_1627 = arith.cmpf olt, %gather3A_1626, %max3A_394 : vector<16xf32>
        %and3A_1628 = arith.andi %or3A, %lt3A_1627 : vector<16xi1>
        %gather3A_1629 = tpu.vector_load_idx %arg7[%add3A_400] : memref<40000xf32, #tpu.memory_space<vmem>>[vector<16xi32>], vector<16xf32>,
        %lt3A_1630 = arith.cmpf olt, %gather3A_1629, %max3A_464 : vector<16xf32>
        %and3A_1631 = arith.andi %or3A, %lt3A_1630 : vector<16xi1>
        %gather3A_1632 = tpu.vector_load_idx %arg7[%add3A_575] : memref<40000xf32, #tpu.memory_space<vmem>>[vector<16xi32>], vector<16xf32>,
        %lt3A_1633 = arith.cmpf olt, %gather3A_1632, %max3A_639 : vector<16xf32>
        %and3A_1634 = arith.andi %or3A_509, %lt3A_1633 : vector<16xi1>
        %gather3A_1635 = tpu.vector_load_idx %arg7[%add3A_645] : memref<40000xf32, #tpu.memory_space<vmem>>[vector<16xi32>], vector<16xf32>,
        %lt3A_1636 = arith.cmpf olt, %gather3A_1635, %max3A_709 : vector<16xf32>
        %and3A_1637 = arith.andi %or3A_509, %lt3A_1636 : vector<16xi1>
        %gather3A_1638 = tpu.vector_load_idx %arg7[%add3A_715] : memref<40000xf32, #tpu.memory_space<vmem>>[vector<16xi32>], vector<16xf32>,
        %lt3A_1639 = arith.cmpf olt, %gather3A_1638, %max3A_779 : vector<16xf32>
        %and3A_1640 = arith.andi %or3A_509, %lt3A_1639 : vector<16xi1>
        %gather3A_1641 = tpu.vector_load_idx %arg7[%add3A_785] : memref<40000xf32, #tpu.memory_space<vmem>>[vector<16xi32>], vector<16xf32>,
        %lt3A_1642 = arith.cmpf olt, %gather3A_1641, %max3A_849 : vector<16xf32>
        %and3A_1643 = arith.andi %or3A_509, %lt3A_1642 : vector<16xi1>
        %gather3A_1644 = tpu.vector_load_idx %arg7[%add3A_960] : memref<40000xf32, #tpu.memory_space<vmem>>[vector<16xi32>], vector<16xf32>,
        %lt3A_1645 = arith.cmpf olt, %gather3A_1644, %max3A_1024 : vector<16xf32>
        %and3A_1646 = arith.andi %or3A_894, %lt3A_1645 : vector<16xi1>
        %gather3A_1647 = tpu.vector_load_idx %arg7[%add3A_1030] : memref<40000xf32, #tpu.memory_space<vmem>>[vector<16xi32>], vector<16xf32>,
        %lt3A_1648 = arith.cmpf olt, %gather3A_1647, %max3A_1094 : vector<16xf32>
        %and3A_1649 = arith.andi %or3A_894, %lt3A_1648 : vector<16xi1>
        %gather3A_1650 = tpu.vector_load_idx %arg7[%add3A_1100] : memref<40000xf32, #tpu.memory_space<vmem>>[vector<16xi32>], vector<16xf32>,
        %lt3A_1651 = arith.cmpf olt, %gather3A_1650, %max3A_1164 : vector<16xf32>
        %and3A_1652 = arith.andi %or3A_894, %lt3A_1651 : vector<16xi1>
        %gather3A_1653 = tpu.vector_load_idx %arg7[%add3A_1170] : memref<40000xf32, #tpu.memory_space<vmem>>[vector<16xi32>], vector<16xf32>,
        %lt3A_1654 = arith.cmpf olt, %gather3A_1653, %max3A_1234 : vector<16xf32>
        %and3A_1655 = arith.andi %or3A_894, %lt3A_1654 : vector<16xi1>
        %gather3A_1656 = tpu.vector_load_idx %arg7[%add3A_1345] : memref<40000xf32, #tpu.memory_space<vmem>>[vector<16xi32>], vector<16xf32>,
        %lt3A_1657 = arith.cmpf olt, %gather3A_1656, %max3A_1409 : vector<16xf32>
        %and3A_1658 = arith.andi %or3A_1279, %lt3A_1657 : vector<16xi1>
        %gather3A_1659 = tpu.vector_load_idx %arg7[%add3A_1415] : memref<40000xf32, #tpu.memory_space<vmem>>[vector<16xi32>], vector<16xf32>,
        %lt3A_1660 = arith.cmpf olt, %gather3A_1659, %max3A_1479 : vector<16xf32>
        %and3A_1661 = arith.andi %or3A_1279, %lt3A_1660 : vector<16xi1>
        %gather3A_1662 = tpu.vector_load_idx %arg7[%add3A_1485] : memref<40000xf32, #tpu.memory_space<vmem>>[vector<16xi32>], vector<16xf32>,
        %lt3A_1663 = arith.cmpf olt, %gather3A_1662, %max3A_1549 : vector<16xf32>
        %and3A_1664 = arith.andi %or3A_1279, %lt3A_1663 : vector<16xi1>
        %gather3A_1665 = tpu.vector_load_idx %arg7[%add3A_1555] : memref<40000xf32, #tpu.memory_space<vmem>>[vector<16xi32>], vector<16xf32>,
        %lt3A_1666 = arith.cmpf olt, %gather3A_1665, %max3A_1619 : vector<16xf32>
        %and3A_1667 = arith.andi %or3A_1279, %lt3A_1666 : vector<16xi1>
        %while3A:16 = scf.while (%while3A_1668 = %and3A_1622, %while3A_1669 = %and3A_1625, %while3A_1670 = %and3A_1628, %while3A_1671 = %and3A_1631, %while3A_1672 = %and3A_1634, %while3A_1673 = %and3A_1637, %while3A_1674 = %and3A_1640, %while3A_1675 = %and3A_1643, %while3A_1676 = %and3A_1646, %while3A_1677 = %and3A_1649, %while3A_1678 = %and3A_1652, %while3A_1679 = %and3A_1655, %while3A_1680 = %and3A_1658, %while3A_1681 = %and3A_1661, %while3A_1682 = %and3A_1664, %while3A_1683 = %and3A_1667) : (vector<16xi1>, vector<16xi1>, vector<16xi1>, vector<16xi1>, vector<16xi1>, vector<16xi1>, vector<16xi1>, vector<16xi1>, vector<16xi1>, vector<16xi1>, vector<16xi1>, vector<16xi1>, vector<16xi1>, vector<16xi1>, vector<16xi1>, vector<16xi1>) -> (vector<16xi1>, vector<16xi1>, vector<16xi1>, vector<16xi1>, vector<16xi1>, vector<16xi1>, vector<16xi1>, vector<16xi1>, vector<16xi1>, vector<16xi1>, vector<16xi1>, vector<16xi1>, vector<16xi1>, vector<16xi1>, vector<16xi1>, vector<16xi1>) {
          %or3A_1684 = arith.ori %while3A_1668, %while3A_1669 : vector<16xi1>
          %or3A_1685 = arith.ori %or3A_1684, %while3A_1670 : vector<16xi1>
          %or3A_1686 = arith.ori %or3A_1685, %while3A_1671 : vector<16xi1>
          %or3A_1687 = arith.ori %or3A_1686, %while3A_1672 : vector<16xi1>
          %or3A_1688 = arith.ori %or3A_1687, %while3A_1673 : vector<16xi1>
          %or3A_1689 = arith.ori %or3A_1688, %while3A_1674 : vector<16xi1>
          %or3A_1690 = arith.ori %or3A_1689, %while3A_1675 : vector<16xi1>
          %or3A_1691 = arith.ori %or3A_1690, %while3A_1676 : vector<16xi1>
          %or3A_1692 = arith.ori %or3A_1691, %while3A_1677 : vector<16xi1>
          %or3A_1693 = arith.ori %or3A_1692, %while3A_1678 : vector<16xi1>
          %or3A_1694 = arith.ori %or3A_1693, %while3A_1679 : vector<16xi1>
          %or3A_1695 = arith.ori %or3A_1694, %while3A_1680 : vector<16xi1>
          %or3A_1696 = arith.ori %or3A_1695, %while3A_1681 : vector<16xi1>
          %or3A_1697 = arith.ori %or3A_1696, %while3A_1682 : vector<16xi1>
          %or3A_1698 = arith.ori %or3A_1697, %while3A_1683 : vector<16xi1>
          %reduce_or3A = arith.constant 1.000000e+00 : f32
          %reduce_or3A_1699 = arith.constant 0.000000e+00 : f32
          %reduce_or3A_1700 = vector.broadcast %reduce_or3A : f32 to vector<16xf32>
          %reduce_or3A_1701 = vector.broadcast %reduce_or3A_1699 : f32 to vector<16xf32>
          %reduce_or3A_1702 = arith.select %or3A_1698, %reduce_or3A_1700, %reduce_or3A_1701 : vector<16xi1>, vector<16xf32>
          %reduce_or3A_1703 = arith.constant true
          %reduce_or3A_1704 = vector.broadcast %reduce_or3A_1703 : i1 to vector<16xi1>
          %reduce_or3A_1705 = tpu.scan <max>, %reduce_or3A_1702 masked %reduce_or3A_1704 : vector<16xf32>, vector<16xi1> -> vector<16xf32>
          %reduce_or3A_1706 = vector.extract %reduce_or3A_1705[15] : f32 from vector<16xf32>
          %reduce_or3A_1707 = arith.constant 0.000000e+00 : f32
          %reduce_or3A_1708 = arith.cmpf ogt, %reduce_or3A_1706, %reduce_or3A_1707 : f32
          scf.condition(%reduce_or3A_1708) %while3A_1668, %while3A_1669, %while3A_1670, %while3A_1671, %while3A_1672, %while3A_1673, %while3A_1674, %while3A_1675, %while3A_1676, %while3A_1677, %while3A_1678, %while3A_1679, %while3A_1680, %while3A_1681, %while3A_1682, %while3A_1683 : vector<16xi1>, vector<16xi1>, vector<16xi1>, vector<16xi1>, vector<16xi1>, vector<16xi1>, vector<16xi1>, vector<16xi1>, vector<16xi1>, vector<16xi1>, vector<16xi1>, vector<16xi1>, vector<16xi1>, vector<16xi1>, vector<16xi1>, vector<16xi1>
        } do {
        ^bb0(%while3A_1668: vector<16xi1>, %while3A_1669: vector<16xi1>, %while3A_1670: vector<16xi1>, %while3A_1671: vector<16xi1>, %while3A_1672: vector<16xi1>, %while3A_1673: vector<16xi1>, %while3A_1674: vector<16xi1>, %while3A_1675: vector<16xi1>, %while3A_1676: vector<16xi1>, %while3A_1677: vector<16xi1>, %while3A_1678: vector<16xi1>, %while3A_1679: vector<16xi1>, %while3A_1680: vector<16xi1>, %while3A_1681: vector<16xi1>, %while3A_1682: vector<16xi1>, %while3A_1683: vector<16xi1>):
          tpu.vector_store_idx %arg7[%add3A_193], %max3A_254 masked %while3A_1668 : memref<40000xf32, #tpu.memory_space<vmem>>[vector<16xi32>], vector<16xf32>, vector<16xi1>
          tpu.vector_store_idx %arg7[%add3A_260], %max3A_324 masked %while3A_1669 : memref<40000xf32, #tpu.memory_space<vmem>>[vector<16xi32>], vector<16xf32>, vector<16xi1>
          tpu.vector_store_idx %arg7[%add3A_330], %max3A_394 masked %while3A_1670 : memref<40000xf32, #tpu.memory_space<vmem>>[vector<16xi32>], vector<16xf32>, vector<16xi1>
          tpu.vector_store_idx %arg7[%add3A_400], %max3A_464 masked %while3A_1671 : memref<40000xf32, #tpu.memory_space<vmem>>[vector<16xi32>], vector<16xf32>, vector<16xi1>
          tpu.vector_store_idx %arg7[%add3A_575], %max3A_639 masked %while3A_1672 : memref<40000xf32, #tpu.memory_space<vmem>>[vector<16xi32>], vector<16xf32>, vector<16xi1>
          tpu.vector_store_idx %arg7[%add3A_645], %max3A_709 masked %while3A_1673 : memref<40000xf32, #tpu.memory_space<vmem>>[vector<16xi32>], vector<16xf32>, vector<16xi1>
          tpu.vector_store_idx %arg7[%add3A_715], %max3A_779 masked %while3A_1674 : memref<40000xf32, #tpu.memory_space<vmem>>[vector<16xi32>], vector<16xf32>, vector<16xi1>
          tpu.vector_store_idx %arg7[%add3A_785], %max3A_849 masked %while3A_1675 : memref<40000xf32, #tpu.memory_space<vmem>>[vector<16xi32>], vector<16xf32>, vector<16xi1>
          tpu.vector_store_idx %arg7[%add3A_960], %max3A_1024 masked %while3A_1676 : memref<40000xf32, #tpu.memory_space<vmem>>[vector<16xi32>], vector<16xf32>, vector<16xi1>
          tpu.vector_store_idx %arg7[%add3A_1030], %max3A_1094 masked %while3A_1677 : memref<40000xf32, #tpu.memory_space<vmem>>[vector<16xi32>], vector<16xf32>, vector<16xi1>
          tpu.vector_store_idx %arg7[%add3A_1100], %max3A_1164 masked %while3A_1678 : memref<40000xf32, #tpu.memory_space<vmem>>[vector<16xi32>], vector<16xf32>, vector<16xi1>
          tpu.vector_store_idx %arg7[%add3A_1170], %max3A_1234 masked %while3A_1679 : memref<40000xf32, #tpu.memory_space<vmem>>[vector<16xi32>], vector<16xf32>, vector<16xi1>
          tpu.vector_store_idx %arg7[%add3A_1345], %max3A_1409 masked %while3A_1680 : memref<40000xf32, #tpu.memory_space<vmem>>[vector<16xi32>], vector<16xf32>, vector<16xi1>
          tpu.vector_store_idx %arg7[%add3A_1415], %max3A_1479 masked %while3A_1681 : memref<40000xf32, #tpu.memory_space<vmem>>[vector<16xi32>], vector<16xf32>, vector<16xi1>
          tpu.vector_store_idx %arg7[%add3A_1485], %max3A_1549 masked %while3A_1682 : memref<40000xf32, #tpu.memory_space<vmem>>[vector<16xi32>], vector<16xf32>, vector<16xi1>
          tpu.vector_store_idx %arg7[%add3A_1555], %max3A_1619 masked %while3A_1683 : memref<40000xf32, #tpu.memory_space<vmem>>[vector<16xi32>], vector<16xf32>, vector<16xi1>
          %gather3A_1684 = tpu.vector_load_idx %arg7[%add3A_193] : memref<40000xf32, #tpu.memory_space<vmem>>[vector<16xi32>], vector<16xf32>,
          %lt3A_1685 = arith.cmpf olt, %gather3A_1684, %max3A_254 : vector<16xf32>
          %and3A_1686 = arith.andi %or3A, %lt3A_1685 : vector<16xi1>
          %gather3A_1687 = tpu.vector_load_idx %arg7[%add3A_260] : memref<40000xf32, #tpu.memory_space<vmem>>[vector<16xi32>], vector<16xf32>,
          %lt3A_1688 = arith.cmpf olt, %gather3A_1687, %max3A_324 : vector<16xf32>
          %and3A_1689 = arith.andi %or3A, %lt3A_1688 : vector<16xi1>
          %gather3A_1690 = tpu.vector_load_idx %arg7[%add3A_330] : memref<40000xf32, #tpu.memory_space<vmem>>[vector<16xi32>], vector<16xf32>,
          %lt3A_1691 = arith.cmpf olt, %gather3A_1690, %max3A_394 : vector<16xf32>
          %and3A_1692 = arith.andi %or3A, %lt3A_1691 : vector<16xi1>
          %gather3A_1693 = tpu.vector_load_idx %arg7[%add3A_400] : memref<40000xf32, #tpu.memory_space<vmem>>[vector<16xi32>], vector<16xf32>,
          %lt3A_1694 = arith.cmpf olt, %gather3A_1693, %max3A_464 : vector<16xf32>
          %and3A_1695 = arith.andi %or3A, %lt3A_1694 : vector<16xi1>
          %gather3A_1696 = tpu.vector_load_idx %arg7[%add3A_575] : memref<40000xf32, #tpu.memory_space<vmem>>[vector<16xi32>], vector<16xf32>,
          %lt3A_1697 = arith.cmpf olt, %gather3A_1696, %max3A_639 : vector<16xf32>
          %and3A_1698 = arith.andi %or3A_509, %lt3A_1697 : vector<16xi1>
          %gather3A_1699 = tpu.vector_load_idx %arg7[%add3A_645] : memref<40000xf32, #tpu.memory_space<vmem>>[vector<16xi32>], vector<16xf32>,
          %lt3A_1700 = arith.cmpf olt, %gather3A_1699, %max3A_709 : vector<16xf32>
          %and3A_1701 = arith.andi %or3A_509, %lt3A_1700 : vector<16xi1>
          %gather3A_1702 = tpu.vector_load_idx %arg7[%add3A_715] : memref<40000xf32, #tpu.memory_space<vmem>>[vector<16xi32>], vector<16xf32>,
          %lt3A_1703 = arith.cmpf olt, %gather3A_1702, %max3A_779 : vector<16xf32>
          %and3A_1704 = arith.andi %or3A_509, %lt3A_1703 : vector<16xi1>
          %gather3A_1705 = tpu.vector_load_idx %arg7[%add3A_785] : memref<40000xf32, #tpu.memory_space<vmem>>[vector<16xi32>], vector<16xf32>,
          %lt3A_1706 = arith.cmpf olt, %gather3A_1705, %max3A_849 : vector<16xf32>
          %and3A_1707 = arith.andi %or3A_509, %lt3A_1706 : vector<16xi1>
          %gather3A_1708 = tpu.vector_load_idx %arg7[%add3A_960] : memref<40000xf32, #tpu.memory_space<vmem>>[vector<16xi32>], vector<16xf32>,
          %lt3A_1709 = arith.cmpf olt, %gather3A_1708, %max3A_1024 : vector<16xf32>
          %and3A_1710 = arith.andi %or3A_894, %lt3A_1709 : vector<16xi1>
          %gather3A_1711 = tpu.vector_load_idx %arg7[%add3A_1030] : memref<40000xf32, #tpu.memory_space<vmem>>[vector<16xi32>], vector<16xf32>,
          %lt3A_1712 = arith.cmpf olt, %gather3A_1711, %max3A_1094 : vector<16xf32>
          %and3A_1713 = arith.andi %or3A_894, %lt3A_1712 : vector<16xi1>
          %gather3A_1714 = tpu.vector_load_idx %arg7[%add3A_1100] : memref<40000xf32, #tpu.memory_space<vmem>>[vector<16xi32>], vector<16xf32>,
          %lt3A_1715 = arith.cmpf olt, %gather3A_1714, %max3A_1164 : vector<16xf32>
          %and3A_1716 = arith.andi %or3A_894, %lt3A_1715 : vector<16xi1>
          %gather3A_1717 = tpu.vector_load_idx %arg7[%add3A_1170] : memref<40000xf32, #tpu.memory_space<vmem>>[vector<16xi32>], vector<16xf32>,
          %lt3A_1718 = arith.cmpf olt, %gather3A_1717, %max3A_1234 : vector<16xf32>
          %and3A_1719 = arith.andi %or3A_894, %lt3A_1718 : vector<16xi1>
          %gather3A_1720 = tpu.vector_load_idx %arg7[%add3A_1345] : memref<40000xf32, #tpu.memory_space<vmem>>[vector<16xi32>], vector<16xf32>,
          %lt3A_1721 = arith.cmpf olt, %gather3A_1720, %max3A_1409 : vector<16xf32>
          %and3A_1722 = arith.andi %or3A_1279, %lt3A_1721 : vector<16xi1>
          %gather3A_1723 = tpu.vector_load_idx %arg7[%add3A_1415] : memref<40000xf32, #tpu.memory_space<vmem>>[vector<16xi32>], vector<16xf32>,
          %lt3A_1724 = arith.cmpf olt, %gather3A_1723, %max3A_1479 : vector<16xf32>
          %and3A_1725 = arith.andi %or3A_1279, %lt3A_1724 : vector<16xi1>
          %gather3A_1726 = tpu.vector_load_idx %arg7[%add3A_1485] : memref<40000xf32, #tpu.memory_space<vmem>>[vector<16xi32>], vector<16xf32>,
          %lt3A_1727 = arith.cmpf olt, %gather3A_1726, %max3A_1549 : vector<16xf32>
          %and3A_1728 = arith.andi %or3A_1279, %lt3A_1727 : vector<16xi1>
          %gather3A_1729 = tpu.vector_load_idx %arg7[%add3A_1555] : memref<40000xf32, #tpu.memory_space<vmem>>[vector<16xi32>], vector<16xf32>,
          %lt3A_1730 = arith.cmpf olt, %gather3A_1729, %max3A_1619 : vector<16xf32>
          %and3A_1731 = arith.andi %or3A_1279, %lt3A_1730 : vector<16xi1>
          scf.yield %and3A_1686, %and3A_1689, %and3A_1692, %and3A_1695, %and3A_1698, %and3A_1701, %and3A_1704, %and3A_1707, %and3A_1710, %and3A_1713, %and3A_1716, %and3A_1719, %and3A_1722, %and3A_1725, %and3A_1728, %and3A_1731 : vector<16xi1>, vector<16xi1>, vector<16xi1>, vector<16xi1>, vector<16xi1>, vector<16xi1>, vector<16xi1>, vector<16xi1>, vector<16xi1>, vector<16xi1>, vector<16xi1>, vector<16xi1>, vector<16xi1>, vector<16xi1>, vector<16xi1>, vector<16xi1>
        }
      }
      %scan3A_73 = arith.constant 125 : i32
      %add3A_74 = arith.constant 2 : i32
      %add3A_75 = arith.addi %mul3A_51, %add3A_74 : i32
      %lt3A = arith.constant 40 : i32
      %lt3A_76 = arith.cmpi slt, %add3A_75, %lt3A : i32
      %convert_element_type3A = arith.extui %lt3A_76 : i1 to i32
      %cond3A = arith.constant 0 : i32
      %cond3A_77 = arith.cmpi ne, %convert_element_type3A, %cond3A : i32
      scf.if %cond3A_77 {
        %add3A_91 = arith.constant 2 : i32
        %add3A_92 = arith.addi %mul3A_51, %add3A_91 : i32
        %mul3A_93 = arith.constant 8000 : i32
        %mul3A_94 = arith.muli %add3A_92, %mul3A_93 : i32
        %dma_start3A_95 = tpu.memref_slice %arg3[%mul3A_94] : memref<320000xi32, #tpu.memory_space<hbm>> -> memref<8000xi32, #tpu.memory_space<hbm>>
        %dma_start3A_96 = tpu.memref_slice %arg3[%mul3A_94] : memref<320000xi32, #tpu.memory_space<hbm>> -> memref<8000xi32, #tpu.memory_space<hbm>>
        tpu.enqueue_dma source(%dma_start3A_96 : memref<8000xi32, #tpu.memory_space<hbm>>) target(%arg8 : memref<8000xi32, #tpu.memory_space<vmem>>) target_semaphore(%arg12 : memref<!tpu.dma_semaphore, #tpu.memory_space<semaphore_mem>>)
        %mul3A_97 = arith.constant 8000 : i32
        %mul3A_98 = arith.muli %add3A_92, %mul3A_97 : i32
        %dma_start3A_99 = tpu.memref_slice %arg4[%mul3A_98] : memref<320000xi32, #tpu.memory_space<hbm>> -> memref<8000xi32, #tpu.memory_space<hbm>>
        %dma_start3A_100 = tpu.memref_slice %arg4[%mul3A_98] : memref<320000xi32, #tpu.memory_space<hbm>> -> memref<8000xi32, #tpu.memory_space<hbm>>
        tpu.enqueue_dma source(%dma_start3A_100 : memref<8000xi32, #tpu.memory_space<hbm>>) target(%arg10 : memref<8000xi32, #tpu.memory_space<vmem>>) target_semaphore(%arg13 : memref<!tpu.dma_semaphore, #tpu.memory_space<semaphore_mem>>)
      } else {
      }
      %dma_wait3A_78 = arith.constant 0 : i32
      %dma_wait3A_79 = tpu.memref_slice %arg3[%dma_wait3A_78] : memref<320000xi32, #tpu.memory_space<hbm>> -> memref<8000xi32, #tpu.memory_space<hbm>>
      %dma_wait3A_80 = arith.constant 0 : i32
      %dma_wait3A_81 = tpu.memref_slice %arg3[%dma_wait3A_80] : memref<320000xi32, #tpu.memory_space<hbm>> -> memref<8000xi32, #tpu.memory_space<hbm>>
      tpu.wait_dma2 semaphore(%arg12 : memref<!tpu.dma_semaphore, #tpu.memory_space<semaphore_mem>>) src(%dma_wait3A_81 : memref<8000xi32, #tpu.memory_space<hbm>>) dst(%arg9 : memref<8000xi32, #tpu.memory_space<vmem>>)
      %dma_wait3A_82 = arith.constant 0 : i32
      %dma_wait3A_83 = tpu.memref_slice %arg4[%dma_wait3A_82] : memref<320000xi32, #tpu.memory_space<hbm>> -> memref<8000xi32, #tpu.memory_space<hbm>>
      %dma_wait3A_84 = arith.constant 0 : i32
      %dma_wait3A_85 = tpu.memref_slice %arg4[%dma_wait3A_84] : memref<320000xi32, #tpu.memory_space<hbm>> -> memref<8000xi32, #tpu.memory_space<hbm>>
      tpu.wait_dma2 semaphore(%arg13 : memref<!tpu.dma_semaphore, #tpu.memory_space<semaphore_mem>>) src(%dma_wait3A_85 : memref<8000xi32, #tpu.memory_space<hbm>>) dst(%arg11 : memref<8000xi32, #tpu.memory_space<vmem>>)
      %scan3A_86 = arith.constant 0 : i32
      %scan3A_87 = arith.constant 125 : i32
      %scan3A_88 = arith.addi %scan3A_86, %scan3A_87 : i32
      %scan3A_89 = arith.constant 1 : i32
      scf.for %scan3A_91 = %scan3A_86 to %scan3A_88 step %scan3A_89  : i32 {
        %mul3A_92 = arith.constant 64 : i32
        %mul3A_93 = arith.muli %scan3A_91, %mul3A_92 : i32
        %add3A_94 = arith.constant 0 : i32
        %add3A_95 = arith.addi %mul3A_93, %add3A_94 : i32
        %get3A = arith.index_cast %add3A_95 : i32 to index
        %get3A_96 = tpu.vector_load %arg9[%get3A] {strides = array<i32>} : memref<8000xi32, #tpu.memory_space<vmem>>, vector<16xi32>,
        %mul3A_97 = arith.constant 64 : i32
        %mul3A_98 = arith.muli %scan3A_91, %mul3A_97 : i32
        %add3A_99 = arith.constant 0 : i32
        %add3A_100 = arith.addi %mul3A_98, %add3A_99 : i32
        %get3A_101 = arith.index_cast %add3A_100 : i32 to index
        %get3A_102 = tpu.vector_load %arg11[%get3A_101] {strides = array<i32>} : memref<8000xi32, #tpu.memory_space<vmem>>, vector<16xi32>,
        %masked_sort3A = arith.constant dense<true> : vector<16xi1>
        %masked_sort3A_103 = arith.constant -2147483648 : i32
        %masked_sort3A_104 = vector.broadcast %masked_sort3A_103 : i32 to vector<16xi32>
        %masked_sort3A_105 = arith.xori %get3A_102, %masked_sort3A_104 : vector<16xi32>
        %masked_sort3A_106, %masked_sort3A_107, %masked_sort3A_108 = tpu.sort %masked_sort3A_105, %iota3A masked %masked_sort3A : (vector<16xi32>, vector<16xi32>, vector<16xi1>) -> (vector<16xi1>, vector<16xi32>, vector<16xi32>)
        %masked_sort3A_109 = arith.xori %masked_sort3A_107, %masked_sort3A_104 : vector<16xi32>
        %lt3A_110 = arith.constant 0 : i32
        %lt3A_111 = vector.broadcast %lt3A_110 : i32 to vector<16xi32>
        %lt3A_112 = arith.cmpi slt, %masked_sort3A_108, %lt3A_111 : vector<16xi32>
        %add3A_113 = arith.constant 16 : i32
        %add3A_114 = vector.broadcast %add3A_113 : i32 to vector<16xi32>
        %add3A_115 = arith.addi %masked_sort3A_108, %add3A_114 : vector<16xi32>
        %select_n3A = arith.select %lt3A_112, %add3A_115, %masked_sort3A_108 : vector<16xi1>, vector<16xi32>
        %broadcast_in_dim3A_116 = vector.shape_cast %select_n3A : vector<16xi32> to vector<16x1xi32>
        %gather3A = vector.shape_cast %broadcast_in_dim3A_116 : vector<16x1xi32> to vector<16xi32>
        %gather3A_117 = tpu.dynamic_gather %get3A_96[%gather3A] in [0] : vector<16xi32>, vector<16xi32> -> vector<16xi32>
        %lt3A_118 = arith.constant 0 : i32
        %lt3A_119 = vector.broadcast %lt3A_118 : i32 to vector<16xi32>
        %lt3A_120 = arith.cmpi slt, %min3A_13, %lt3A_119 : vector<16xi32>
        %add3A_121 = arith.constant 16 : i32
        %add3A_122 = vector.broadcast %add3A_121 : i32 to vector<16xi32>
        %add3A_123 = arith.addi %min3A_13, %add3A_122 : vector<16xi32>
        %select_n3A_124 = arith.select %lt3A_120, %add3A_123, %min3A_13 : vector<16xi1>, vector<16xi32>
        %broadcast_in_dim3A_125 = vector.shape_cast %select_n3A_124 : vector<16xi32> to vector<16x1xi32>
        %gather3A_126 = vector.shape_cast %broadcast_in_dim3A_125 : vector<16x1xi32> to vector<16xi32>
        %gather3A_127 = tpu.dynamic_gather %masked_sort3A_109[%gather3A_126] in [0] : vector<16xi32>, vector<16xi32> -> vector<16xi32>
        %ne3A = arith.cmpi ne, %masked_sort3A_109, %gather3A_127 : vector<16xi32>
        %eq3A = arith.constant 15 : i32
        %eq3A_128 = vector.broadcast %eq3A : i32 to vector<16xi32>
        %eq3A_129 = arith.cmpi eq, %iota3A, %eq3A_128 : vector<16xi32>
        %or3A = arith.ori %ne3A, %eq3A_129 : vector<16xi1>
        %lt3A_130 = arith.constant 0 : i32
        %lt3A_131 = vector.broadcast %lt3A_130 : i32 to vector<16xi32>
        %lt3A_132 = arith.cmpi slt, %max3A_17, %lt3A_131 : vector<16xi32>
        %add3A_133 = arith.constant 16 : i32
        %add3A_134 = vector.broadcast %add3A_133 : i32 to vector<16xi32>
        %add3A_135 = arith.addi %max3A_17, %add3A_134 : vector<16xi32>
        %select_n3A_136 = arith.select %lt3A_132, %add3A_135, %max3A_17 : vector<16xi1>, vector<16xi32>
        %broadcast_in_dim3A_137 = vector.shape_cast %select_n3A_136 : vector<16xi32> to vector<16x1xi32>
        %gather3A_138 = vector.shape_cast %broadcast_in_dim3A_137 : vector<16x1xi32> to vector<16xi32>
        %gather3A_139 = tpu.dynamic_gather %masked_sort3A_109[%gather3A_138] in [0] : vector<16xi32>, vector<16xi32> -> vector<16xi32>
        %eq3A_140 = arith.cmpi eq, %masked_sort3A_109, %gather3A_139 : vector<16xi32>
        %ge3A = arith.constant 1 : i32
        %ge3A_141 = vector.broadcast %ge3A : i32 to vector<16xi32>
        %ge3A_142 = arith.cmpi sge, %iota3A, %ge3A_141 : vector<16xi32>
        %and3A = arith.andi %eq3A_140, %ge3A_142 : vector<16xi1>
        %lt3A_143 = arith.constant 0 : i32
        %lt3A_144 = vector.broadcast %lt3A_143 : i32 to vector<16xi32>
        %lt3A_145 = arith.cmpi slt, %max3A_23, %lt3A_144 : vector<16xi32>
        %add3A_146 = arith.constant 16 : i32
        %add3A_147 = vector.broadcast %add3A_146 : i32 to vector<16xi32>
        %add3A_148 = arith.addi %max3A_23, %add3A_147 : vector<16xi32>
        %select_n3A_149 = arith.select %lt3A_145, %add3A_148, %max3A_23 : vector<16xi1>, vector<16xi32>
        %broadcast_in_dim3A_150 = vector.shape_cast %select_n3A_149 : vector<16xi32> to vector<16x1xi32>
        %gather3A_151 = vector.shape_cast %broadcast_in_dim3A_150 : vector<16x1xi32> to vector<16xi32>
        %gather3A_152 = tpu.dynamic_gather %masked_sort3A_109[%gather3A_151] in [0] : vector<16xi32>, vector<16xi32> -> vector<16xi32>
        %eq3A_153 = arith.cmpi eq, %masked_sort3A_109, %gather3A_152 : vector<16xi32>
        %ge3A_154 = arith.constant 2 : i32
        %ge3A_155 = vector.broadcast %ge3A_154 : i32 to vector<16xi32>
        %ge3A_156 = arith.cmpi sge, %iota3A, %ge3A_155 : vector<16xi32>
        %and3A_157 = arith.andi %eq3A_153, %ge3A_156 : vector<16xi1>
        %lt3A_158 = arith.constant 0 : i32
        %lt3A_159 = vector.broadcast %lt3A_158 : i32 to vector<16xi32>
        %lt3A_160 = arith.cmpi slt, %max3A_29, %lt3A_159 : vector<16xi32>
        %add3A_161 = arith.constant 16 : i32
        %add3A_162 = vector.broadcast %add3A_161 : i32 to vector<16xi32>
        %add3A_163 = arith.addi %max3A_29, %add3A_162 : vector<16xi32>
        %select_n3A_164 = arith.select %lt3A_160, %add3A_163, %max3A_29 : vector<16xi1>, vector<16xi32>
        %broadcast_in_dim3A_165 = vector.shape_cast %select_n3A_164 : vector<16xi32> to vector<16x1xi32>
        %gather3A_166 = vector.shape_cast %broadcast_in_dim3A_165 : vector<16x1xi32> to vector<16xi32>
        %gather3A_167 = tpu.dynamic_gather %masked_sort3A_109[%gather3A_166] in [0] : vector<16xi32>, vector<16xi32> -> vector<16xi32>
        %eq3A_168 = arith.cmpi eq, %masked_sort3A_109, %gather3A_167 : vector<16xi32>
        %ge3A_169 = arith.constant 4 : i32
        %ge3A_170 = vector.broadcast %ge3A_169 : i32 to vector<16xi32>
        %ge3A_171 = arith.cmpi sge, %iota3A, %ge3A_170 : vector<16xi32>
        %and3A_172 = arith.andi %eq3A_168, %ge3A_171 : vector<16xi1>
        %lt3A_173 = arith.constant 0 : i32
        %lt3A_174 = vector.broadcast %lt3A_173 : i32 to vector<16xi32>
        %lt3A_175 = arith.cmpi slt, %max3A_35, %lt3A_174 : vector<16xi32>
        %add3A_176 = arith.constant 16 : i32
        %add3A_177 = vector.broadcast %add3A_176 : i32 to vector<16xi32>
        %add3A_178 = arith.addi %max3A_35, %add3A_177 : vector<16xi32>
        %select_n3A_179 = arith.select %lt3A_175, %add3A_178, %max3A_35 : vector<16xi1>, vector<16xi32>
        %broadcast_in_dim3A_180 = vector.shape_cast %select_n3A_179 : vector<16xi32> to vector<16x1xi32>
        %gather3A_181 = vector.shape_cast %broadcast_in_dim3A_180 : vector<16x1xi32> to vector<16xi32>
        %gather3A_182 = tpu.dynamic_gather %masked_sort3A_109[%gather3A_181] in [0] : vector<16xi32>, vector<16xi32> -> vector<16xi32>
        %eq3A_183 = arith.cmpi eq, %masked_sort3A_109, %gather3A_182 : vector<16xi32>
        %ge3A_184 = arith.constant 8 : i32
        %ge3A_185 = vector.broadcast %ge3A_184 : i32 to vector<16xi32>
        %ge3A_186 = arith.cmpi sge, %iota3A, %ge3A_185 : vector<16xi32>
        %and3A_187 = arith.andi %eq3A_183, %ge3A_186 : vector<16xi1>
        %add3A_188 = arith.constant 0 : i32
        %add3A_189 = vector.broadcast %add3A_188 : i32 to vector<16xi32>
        %add3A_190 = arith.addi %gather3A_117, %add3A_189 : vector<16xi32>
        %add3A_191 = arith.constant 0 : i32
        %add3A_192 = vector.broadcast %add3A_191 : i32 to vector<16xi32>
        %add3A_193 = arith.addi %masked_sort3A_109, %add3A_192 : vector<16xi32>
        %gather3A_194 = tpu.vector_load_idx %arg6[%add3A_190] : memref<40000xf32, #tpu.memory_space<vmem>>[vector<16xi32>], vector<16xf32>,
        %gather3A_195 = tpu.vector_load_idx %arg6[%add3A_193] : memref<40000xf32, #tpu.memory_space<vmem>>[vector<16xi32>], vector<16xf32>,
        %add3A_196 = arith.addf %gather3A_194, %gather3A_195 : vector<16xf32>
        %neg3A = arith.constant 0.000000e+00 : f32
        %neg3A_197 = vector.broadcast %neg3A : f32 to vector<16xf32>
        %neg3A_198 = arith.subf %neg3A_197, %add3A_196 : vector<16xf32>
        %exp3A = math.exp %neg3A_198 : vector<16xf32>
        %add3A_199 = arith.constant 1.000000e+00 : f32
        %add3A_200 = vector.broadcast %add3A_199 : f32 to vector<16xf32>
        %add3A_201 = arith.addf %add3A_200, %exp3A : vector<16xf32>
        %div3A = arith.constant 1.000000e+00 : f32
        %div3A_202 = vector.broadcast %div3A : f32 to vector<16xf32>
        %div3A_203 = arith.divf %div3A_202, %add3A_201 : vector<16xf32>
        %mul3A_204 = arith.mulf %div3A_203, %gather3A_194 : vector<16xf32>
        %lt3A_205 = arith.constant 0 : i32
        %lt3A_206 = vector.broadcast %lt3A_205 : i32 to vector<16xi32>
        %lt3A_207 = arith.cmpi slt, %max3A_17, %lt3A_206 : vector<16xi32>
        %add3A_208 = arith.constant 16 : i32
        %add3A_209 = vector.broadcast %add3A_208 : i32 to vector<16xi32>
        %add3A_210 = arith.addi %max3A_17, %add3A_209 : vector<16xi32>
        %select_n3A_211 = arith.select %lt3A_207, %add3A_210, %max3A_17 : vector<16xi1>, vector<16xi32>
        %broadcast_in_dim3A_212 = vector.shape_cast %select_n3A_211 : vector<16xi32> to vector<16x1xi32>
        %gather3A_213 = vector.shape_cast %broadcast_in_dim3A_212 : vector<16x1xi32> to vector<16xi32>
        %gather3A_214 = tpu.dynamic_gather %mul3A_204[%gather3A_213] in [0] : vector<16xf32>, vector<16xi32> -> vector<16xf32>
        %max3A_215 = arith.maximumf %mul3A_204, %gather3A_214 : vector<16xf32>
        %select_n3A_216 = arith.select %and3A, %max3A_215, %mul3A_204 : vector<16xi1>, vector<16xf32>
        %lt3A_217 = arith.constant 0 : i32
        %lt3A_218 = vector.broadcast %lt3A_217 : i32 to vector<16xi32>
        %lt3A_219 = arith.cmpi slt, %max3A_23, %lt3A_218 : vector<16xi32>
        %add3A_220 = arith.constant 16 : i32
        %add3A_221 = vector.broadcast %add3A_220 : i32 to vector<16xi32>
        %add3A_222 = arith.addi %max3A_23, %add3A_221 : vector<16xi32>
        %select_n3A_223 = arith.select %lt3A_219, %add3A_222, %max3A_23 : vector<16xi1>, vector<16xi32>
        %broadcast_in_dim3A_224 = vector.shape_cast %select_n3A_223 : vector<16xi32> to vector<16x1xi32>
        %gather3A_225 = vector.shape_cast %broadcast_in_dim3A_224 : vector<16x1xi32> to vector<16xi32>
        %gather3A_226 = tpu.dynamic_gather %select_n3A_216[%gather3A_225] in [0] : vector<16xf32>, vector<16xi32> -> vector<16xf32>
        %max3A_227 = arith.maximumf %select_n3A_216, %gather3A_226 : vector<16xf32>
        %select_n3A_228 = arith.select %and3A_157, %max3A_227, %select_n3A_216 : vector<16xi1>, vector<16xf32>
        %lt3A_229 = arith.constant 0 : i32
        %lt3A_230 = vector.broadcast %lt3A_229 : i32 to vector<16xi32>
        %lt3A_231 = arith.cmpi slt, %max3A_29, %lt3A_230 : vector<16xi32>
        %add3A_232 = arith.constant 16 : i32
        %add3A_233 = vector.broadcast %add3A_232 : i32 to vector<16xi32>
        %add3A_234 = arith.addi %max3A_29, %add3A_233 : vector<16xi32>
        %select_n3A_235 = arith.select %lt3A_231, %add3A_234, %max3A_29 : vector<16xi1>, vector<16xi32>
        %broadcast_in_dim3A_236 = vector.shape_cast %select_n3A_235 : vector<16xi32> to vector<16x1xi32>
        %gather3A_237 = vector.shape_cast %broadcast_in_dim3A_236 : vector<16x1xi32> to vector<16xi32>
        %gather3A_238 = tpu.dynamic_gather %select_n3A_228[%gather3A_237] in [0] : vector<16xf32>, vector<16xi32> -> vector<16xf32>
        %max3A_239 = arith.maximumf %select_n3A_228, %gather3A_238 : vector<16xf32>
        %select_n3A_240 = arith.select %and3A_172, %max3A_239, %select_n3A_228 : vector<16xi1>, vector<16xf32>
        %lt3A_241 = arith.constant 0 : i32
        %lt3A_242 = vector.broadcast %lt3A_241 : i32 to vector<16xi32>
        %lt3A_243 = arith.cmpi slt, %max3A_35, %lt3A_242 : vector<16xi32>
        %add3A_244 = arith.constant 16 : i32
        %add3A_245 = vector.broadcast %add3A_244 : i32 to vector<16xi32>
        %add3A_246 = arith.addi %max3A_35, %add3A_245 : vector<16xi32>
        %select_n3A_247 = arith.select %lt3A_243, %add3A_246, %max3A_35 : vector<16xi1>, vector<16xi32>
        %broadcast_in_dim3A_248 = vector.shape_cast %select_n3A_247 : vector<16xi32> to vector<16x1xi32>
        %gather3A_249 = vector.shape_cast %broadcast_in_dim3A_248 : vector<16x1xi32> to vector<16xi32>
        %gather3A_250 = tpu.dynamic_gather %select_n3A_240[%gather3A_249] in [0] : vector<16xf32>, vector<16xi32> -> vector<16xf32>
        %max3A_251 = arith.maximumf %select_n3A_240, %gather3A_250 : vector<16xf32>
        %select_n3A_252 = arith.select %and3A_187, %max3A_251, %select_n3A_240 : vector<16xi1>, vector<16xf32>
        %gather3A_253 = tpu.vector_load_idx %arg7[%add3A_193] : memref<40000xf32, #tpu.memory_space<vmem>>[vector<16xi32>], vector<16xf32>,
        %max3A_254 = arith.maximumf %select_n3A_252, %gather3A_253 : vector<16xf32>
        %add3A_255 = arith.constant 10000 : i32
        %add3A_256 = vector.broadcast %add3A_255 : i32 to vector<16xi32>
        %add3A_257 = arith.addi %gather3A_117, %add3A_256 : vector<16xi32>
        %add3A_258 = arith.constant 10000 : i32
        %add3A_259 = vector.broadcast %add3A_258 : i32 to vector<16xi32>
        %add3A_260 = arith.addi %masked_sort3A_109, %add3A_259 : vector<16xi32>
        %gather3A_261 = tpu.vector_load_idx %arg6[%add3A_257] : memref<40000xf32, #tpu.memory_space<vmem>>[vector<16xi32>], vector<16xf32>,
        %gather3A_262 = tpu.vector_load_idx %arg6[%add3A_260] : memref<40000xf32, #tpu.memory_space<vmem>>[vector<16xi32>], vector<16xf32>,
        %add3A_263 = arith.addf %gather3A_261, %gather3A_262 : vector<16xf32>
        %neg3A_264 = arith.constant 0.000000e+00 : f32
        %neg3A_265 = vector.broadcast %neg3A_264 : f32 to vector<16xf32>
        %neg3A_266 = arith.subf %neg3A_265, %add3A_263 : vector<16xf32>
        %exp3A_267 = math.exp %neg3A_266 : vector<16xf32>
        %add3A_268 = arith.constant 1.000000e+00 : f32
        %add3A_269 = vector.broadcast %add3A_268 : f32 to vector<16xf32>
        %add3A_270 = arith.addf %add3A_269, %exp3A_267 : vector<16xf32>
        %div3A_271 = arith.constant 1.000000e+00 : f32
        %div3A_272 = vector.broadcast %div3A_271 : f32 to vector<16xf32>
        %div3A_273 = arith.divf %div3A_272, %add3A_270 : vector<16xf32>
        %mul3A_274 = arith.mulf %div3A_273, %gather3A_261 : vector<16xf32>
        %lt3A_275 = arith.constant 0 : i32
        %lt3A_276 = vector.broadcast %lt3A_275 : i32 to vector<16xi32>
        %lt3A_277 = arith.cmpi slt, %max3A_17, %lt3A_276 : vector<16xi32>
        %add3A_278 = arith.constant 16 : i32
        %add3A_279 = vector.broadcast %add3A_278 : i32 to vector<16xi32>
        %add3A_280 = arith.addi %max3A_17, %add3A_279 : vector<16xi32>
        %select_n3A_281 = arith.select %lt3A_277, %add3A_280, %max3A_17 : vector<16xi1>, vector<16xi32>
        %broadcast_in_dim3A_282 = vector.shape_cast %select_n3A_281 : vector<16xi32> to vector<16x1xi32>
        %gather3A_283 = vector.shape_cast %broadcast_in_dim3A_282 : vector<16x1xi32> to vector<16xi32>
        %gather3A_284 = tpu.dynamic_gather %mul3A_274[%gather3A_283] in [0] : vector<16xf32>, vector<16xi32> -> vector<16xf32>
        %max3A_285 = arith.maximumf %mul3A_274, %gather3A_284 : vector<16xf32>
        %select_n3A_286 = arith.select %and3A, %max3A_285, %mul3A_274 : vector<16xi1>, vector<16xf32>
        %lt3A_287 = arith.constant 0 : i32
        %lt3A_288 = vector.broadcast %lt3A_287 : i32 to vector<16xi32>
        %lt3A_289 = arith.cmpi slt, %max3A_23, %lt3A_288 : vector<16xi32>
        %add3A_290 = arith.constant 16 : i32
        %add3A_291 = vector.broadcast %add3A_290 : i32 to vector<16xi32>
        %add3A_292 = arith.addi %max3A_23, %add3A_291 : vector<16xi32>
        %select_n3A_293 = arith.select %lt3A_289, %add3A_292, %max3A_23 : vector<16xi1>, vector<16xi32>
        %broadcast_in_dim3A_294 = vector.shape_cast %select_n3A_293 : vector<16xi32> to vector<16x1xi32>
        %gather3A_295 = vector.shape_cast %broadcast_in_dim3A_294 : vector<16x1xi32> to vector<16xi32>
        %gather3A_296 = tpu.dynamic_gather %select_n3A_286[%gather3A_295] in [0] : vector<16xf32>, vector<16xi32> -> vector<16xf32>
        %max3A_297 = arith.maximumf %select_n3A_286, %gather3A_296 : vector<16xf32>
        %select_n3A_298 = arith.select %and3A_157, %max3A_297, %select_n3A_286 : vector<16xi1>, vector<16xf32>
        %lt3A_299 = arith.constant 0 : i32
        %lt3A_300 = vector.broadcast %lt3A_299 : i32 to vector<16xi32>
        %lt3A_301 = arith.cmpi slt, %max3A_29, %lt3A_300 : vector<16xi32>
        %add3A_302 = arith.constant 16 : i32
        %add3A_303 = vector.broadcast %add3A_302 : i32 to vector<16xi32>
        %add3A_304 = arith.addi %max3A_29, %add3A_303 : vector<16xi32>
        %select_n3A_305 = arith.select %lt3A_301, %add3A_304, %max3A_29 : vector<16xi1>, vector<16xi32>
        %broadcast_in_dim3A_306 = vector.shape_cast %select_n3A_305 : vector<16xi32> to vector<16x1xi32>
        %gather3A_307 = vector.shape_cast %broadcast_in_dim3A_306 : vector<16x1xi32> to vector<16xi32>
        %gather3A_308 = tpu.dynamic_gather %select_n3A_298[%gather3A_307] in [0] : vector<16xf32>, vector<16xi32> -> vector<16xf32>
        %max3A_309 = arith.maximumf %select_n3A_298, %gather3A_308 : vector<16xf32>
        %select_n3A_310 = arith.select %and3A_172, %max3A_309, %select_n3A_298 : vector<16xi1>, vector<16xf32>
        %lt3A_311 = arith.constant 0 : i32
        %lt3A_312 = vector.broadcast %lt3A_311 : i32 to vector<16xi32>
        %lt3A_313 = arith.cmpi slt, %max3A_35, %lt3A_312 : vector<16xi32>
        %add3A_314 = arith.constant 16 : i32
        %add3A_315 = vector.broadcast %add3A_314 : i32 to vector<16xi32>
        %add3A_316 = arith.addi %max3A_35, %add3A_315 : vector<16xi32>
        %select_n3A_317 = arith.select %lt3A_313, %add3A_316, %max3A_35 : vector<16xi1>, vector<16xi32>
        %broadcast_in_dim3A_318 = vector.shape_cast %select_n3A_317 : vector<16xi32> to vector<16x1xi32>
        %gather3A_319 = vector.shape_cast %broadcast_in_dim3A_318 : vector<16x1xi32> to vector<16xi32>
        %gather3A_320 = tpu.dynamic_gather %select_n3A_310[%gather3A_319] in [0] : vector<16xf32>, vector<16xi32> -> vector<16xf32>
        %max3A_321 = arith.maximumf %select_n3A_310, %gather3A_320 : vector<16xf32>
        %select_n3A_322 = arith.select %and3A_187, %max3A_321, %select_n3A_310 : vector<16xi1>, vector<16xf32>
        %gather3A_323 = tpu.vector_load_idx %arg7[%add3A_260] : memref<40000xf32, #tpu.memory_space<vmem>>[vector<16xi32>], vector<16xf32>,
        %max3A_324 = arith.maximumf %select_n3A_322, %gather3A_323 : vector<16xf32>
        %add3A_325 = arith.constant 20000 : i32
        %add3A_326 = vector.broadcast %add3A_325 : i32 to vector<16xi32>
        %add3A_327 = arith.addi %gather3A_117, %add3A_326 : vector<16xi32>
        %add3A_328 = arith.constant 20000 : i32
        %add3A_329 = vector.broadcast %add3A_328 : i32 to vector<16xi32>
        %add3A_330 = arith.addi %masked_sort3A_109, %add3A_329 : vector<16xi32>
        %gather3A_331 = tpu.vector_load_idx %arg6[%add3A_327] : memref<40000xf32, #tpu.memory_space<vmem>>[vector<16xi32>], vector<16xf32>,
        %gather3A_332 = tpu.vector_load_idx %arg6[%add3A_330] : memref<40000xf32, #tpu.memory_space<vmem>>[vector<16xi32>], vector<16xf32>,
        %add3A_333 = arith.addf %gather3A_331, %gather3A_332 : vector<16xf32>
        %neg3A_334 = arith.constant 0.000000e+00 : f32
        %neg3A_335 = vector.broadcast %neg3A_334 : f32 to vector<16xf32>
        %neg3A_336 = arith.subf %neg3A_335, %add3A_333 : vector<16xf32>
        %exp3A_337 = math.exp %neg3A_336 : vector<16xf32>
        %add3A_338 = arith.constant 1.000000e+00 : f32
        %add3A_339 = vector.broadcast %add3A_338 : f32 to vector<16xf32>
        %add3A_340 = arith.addf %add3A_339, %exp3A_337 : vector<16xf32>
        %div3A_341 = arith.constant 1.000000e+00 : f32
        %div3A_342 = vector.broadcast %div3A_341 : f32 to vector<16xf32>
        %div3A_343 = arith.divf %div3A_342, %add3A_340 : vector<16xf32>
        %mul3A_344 = arith.mulf %div3A_343, %gather3A_331 : vector<16xf32>
        %lt3A_345 = arith.constant 0 : i32
        %lt3A_346 = vector.broadcast %lt3A_345 : i32 to vector<16xi32>
        %lt3A_347 = arith.cmpi slt, %max3A_17, %lt3A_346 : vector<16xi32>
        %add3A_348 = arith.constant 16 : i32
        %add3A_349 = vector.broadcast %add3A_348 : i32 to vector<16xi32>
        %add3A_350 = arith.addi %max3A_17, %add3A_349 : vector<16xi32>
        %select_n3A_351 = arith.select %lt3A_347, %add3A_350, %max3A_17 : vector<16xi1>, vector<16xi32>
        %broadcast_in_dim3A_352 = vector.shape_cast %select_n3A_351 : vector<16xi32> to vector<16x1xi32>
        %gather3A_353 = vector.shape_cast %broadcast_in_dim3A_352 : vector<16x1xi32> to vector<16xi32>
        %gather3A_354 = tpu.dynamic_gather %mul3A_344[%gather3A_353] in [0] : vector<16xf32>, vector<16xi32> -> vector<16xf32>
        %max3A_355 = arith.maximumf %mul3A_344, %gather3A_354 : vector<16xf32>
        %select_n3A_356 = arith.select %and3A, %max3A_355, %mul3A_344 : vector<16xi1>, vector<16xf32>
        %lt3A_357 = arith.constant 0 : i32
        %lt3A_358 = vector.broadcast %lt3A_357 : i32 to vector<16xi32>
        %lt3A_359 = arith.cmpi slt, %max3A_23, %lt3A_358 : vector<16xi32>
        %add3A_360 = arith.constant 16 : i32
        %add3A_361 = vector.broadcast %add3A_360 : i32 to vector<16xi32>
        %add3A_362 = arith.addi %max3A_23, %add3A_361 : vector<16xi32>
        %select_n3A_363 = arith.select %lt3A_359, %add3A_362, %max3A_23 : vector<16xi1>, vector<16xi32>
        %broadcast_in_dim3A_364 = vector.shape_cast %select_n3A_363 : vector<16xi32> to vector<16x1xi32>
        %gather3A_365 = vector.shape_cast %broadcast_in_dim3A_364 : vector<16x1xi32> to vector<16xi32>
        %gather3A_366 = tpu.dynamic_gather %select_n3A_356[%gather3A_365] in [0] : vector<16xf32>, vector<16xi32> -> vector<16xf32>
        %max3A_367 = arith.maximumf %select_n3A_356, %gather3A_366 : vector<16xf32>
        %select_n3A_368 = arith.select %and3A_157, %max3A_367, %select_n3A_356 : vector<16xi1>, vector<16xf32>
        %lt3A_369 = arith.constant 0 : i32
        %lt3A_370 = vector.broadcast %lt3A_369 : i32 to vector<16xi32>
        %lt3A_371 = arith.cmpi slt, %max3A_29, %lt3A_370 : vector<16xi32>
        %add3A_372 = arith.constant 16 : i32
        %add3A_373 = vector.broadcast %add3A_372 : i32 to vector<16xi32>
        %add3A_374 = arith.addi %max3A_29, %add3A_373 : vector<16xi32>
        %select_n3A_375 = arith.select %lt3A_371, %add3A_374, %max3A_29 : vector<16xi1>, vector<16xi32>
        %broadcast_in_dim3A_376 = vector.shape_cast %select_n3A_375 : vector<16xi32> to vector<16x1xi32>
        %gather3A_377 = vector.shape_cast %broadcast_in_dim3A_376 : vector<16x1xi32> to vector<16xi32>
        %gather3A_378 = tpu.dynamic_gather %select_n3A_368[%gather3A_377] in [0] : vector<16xf32>, vector<16xi32> -> vector<16xf32>
        %max3A_379 = arith.maximumf %select_n3A_368, %gather3A_378 : vector<16xf32>
        %select_n3A_380 = arith.select %and3A_172, %max3A_379, %select_n3A_368 : vector<16xi1>, vector<16xf32>
        %lt3A_381 = arith.constant 0 : i32
        %lt3A_382 = vector.broadcast %lt3A_381 : i32 to vector<16xi32>
        %lt3A_383 = arith.cmpi slt, %max3A_35, %lt3A_382 : vector<16xi32>
        %add3A_384 = arith.constant 16 : i32
        %add3A_385 = vector.broadcast %add3A_384 : i32 to vector<16xi32>
        %add3A_386 = arith.addi %max3A_35, %add3A_385 : vector<16xi32>
        %select_n3A_387 = arith.select %lt3A_383, %add3A_386, %max3A_35 : vector<16xi1>, vector<16xi32>
        %broadcast_in_dim3A_388 = vector.shape_cast %select_n3A_387 : vector<16xi32> to vector<16x1xi32>
        %gather3A_389 = vector.shape_cast %broadcast_in_dim3A_388 : vector<16x1xi32> to vector<16xi32>
        %gather3A_390 = tpu.dynamic_gather %select_n3A_380[%gather3A_389] in [0] : vector<16xf32>, vector<16xi32> -> vector<16xf32>
        %max3A_391 = arith.maximumf %select_n3A_380, %gather3A_390 : vector<16xf32>
        %select_n3A_392 = arith.select %and3A_187, %max3A_391, %select_n3A_380 : vector<16xi1>, vector<16xf32>
        %gather3A_393 = tpu.vector_load_idx %arg7[%add3A_330] : memref<40000xf32, #tpu.memory_space<vmem>>[vector<16xi32>], vector<16xf32>,
        %max3A_394 = arith.maximumf %select_n3A_392, %gather3A_393 : vector<16xf32>
        %add3A_395 = arith.constant 30000 : i32
        %add3A_396 = vector.broadcast %add3A_395 : i32 to vector<16xi32>
        %add3A_397 = arith.addi %gather3A_117, %add3A_396 : vector<16xi32>
        %add3A_398 = arith.constant 30000 : i32
        %add3A_399 = vector.broadcast %add3A_398 : i32 to vector<16xi32>
        %add3A_400 = arith.addi %masked_sort3A_109, %add3A_399 : vector<16xi32>
        %gather3A_401 = tpu.vector_load_idx %arg6[%add3A_397] : memref<40000xf32, #tpu.memory_space<vmem>>[vector<16xi32>], vector<16xf32>,
        %gather3A_402 = tpu.vector_load_idx %arg6[%add3A_400] : memref<40000xf32, #tpu.memory_space<vmem>>[vector<16xi32>], vector<16xf32>,
        %add3A_403 = arith.addf %gather3A_401, %gather3A_402 : vector<16xf32>
        %neg3A_404 = arith.constant 0.000000e+00 : f32
        %neg3A_405 = vector.broadcast %neg3A_404 : f32 to vector<16xf32>
        %neg3A_406 = arith.subf %neg3A_405, %add3A_403 : vector<16xf32>
        %exp3A_407 = math.exp %neg3A_406 : vector<16xf32>
        %add3A_408 = arith.constant 1.000000e+00 : f32
        %add3A_409 = vector.broadcast %add3A_408 : f32 to vector<16xf32>
        %add3A_410 = arith.addf %add3A_409, %exp3A_407 : vector<16xf32>
        %div3A_411 = arith.constant 1.000000e+00 : f32
        %div3A_412 = vector.broadcast %div3A_411 : f32 to vector<16xf32>
        %div3A_413 = arith.divf %div3A_412, %add3A_410 : vector<16xf32>
        %mul3A_414 = arith.mulf %div3A_413, %gather3A_401 : vector<16xf32>
        %lt3A_415 = arith.constant 0 : i32
        %lt3A_416 = vector.broadcast %lt3A_415 : i32 to vector<16xi32>
        %lt3A_417 = arith.cmpi slt, %max3A_17, %lt3A_416 : vector<16xi32>
        %add3A_418 = arith.constant 16 : i32
        %add3A_419 = vector.broadcast %add3A_418 : i32 to vector<16xi32>
        %add3A_420 = arith.addi %max3A_17, %add3A_419 : vector<16xi32>
        %select_n3A_421 = arith.select %lt3A_417, %add3A_420, %max3A_17 : vector<16xi1>, vector<16xi32>
        %broadcast_in_dim3A_422 = vector.shape_cast %select_n3A_421 : vector<16xi32> to vector<16x1xi32>
        %gather3A_423 = vector.shape_cast %broadcast_in_dim3A_422 : vector<16x1xi32> to vector<16xi32>
        %gather3A_424 = tpu.dynamic_gather %mul3A_414[%gather3A_423] in [0] : vector<16xf32>, vector<16xi32> -> vector<16xf32>
        %max3A_425 = arith.maximumf %mul3A_414, %gather3A_424 : vector<16xf32>
        %select_n3A_426 = arith.select %and3A, %max3A_425, %mul3A_414 : vector<16xi1>, vector<16xf32>
        %lt3A_427 = arith.constant 0 : i32
        %lt3A_428 = vector.broadcast %lt3A_427 : i32 to vector<16xi32>
        %lt3A_429 = arith.cmpi slt, %max3A_23, %lt3A_428 : vector<16xi32>
        %add3A_430 = arith.constant 16 : i32
        %add3A_431 = vector.broadcast %add3A_430 : i32 to vector<16xi32>
        %add3A_432 = arith.addi %max3A_23, %add3A_431 : vector<16xi32>
        %select_n3A_433 = arith.select %lt3A_429, %add3A_432, %max3A_23 : vector<16xi1>, vector<16xi32>
        %broadcast_in_dim3A_434 = vector.shape_cast %select_n3A_433 : vector<16xi32> to vector<16x1xi32>
        %gather3A_435 = vector.shape_cast %broadcast_in_dim3A_434 : vector<16x1xi32> to vector<16xi32>
        %gather3A_436 = tpu.dynamic_gather %select_n3A_426[%gather3A_435] in [0] : vector<16xf32>, vector<16xi32> -> vector<16xf32>
        %max3A_437 = arith.maximumf %select_n3A_426, %gather3A_436 : vector<16xf32>
        %select_n3A_438 = arith.select %and3A_157, %max3A_437, %select_n3A_426 : vector<16xi1>, vector<16xf32>
        %lt3A_439 = arith.constant 0 : i32
        %lt3A_440 = vector.broadcast %lt3A_439 : i32 to vector<16xi32>
        %lt3A_441 = arith.cmpi slt, %max3A_29, %lt3A_440 : vector<16xi32>
        %add3A_442 = arith.constant 16 : i32
        %add3A_443 = vector.broadcast %add3A_442 : i32 to vector<16xi32>
        %add3A_444 = arith.addi %max3A_29, %add3A_443 : vector<16xi32>
        %select_n3A_445 = arith.select %lt3A_441, %add3A_444, %max3A_29 : vector<16xi1>, vector<16xi32>
        %broadcast_in_dim3A_446 = vector.shape_cast %select_n3A_445 : vector<16xi32> to vector<16x1xi32>
        %gather3A_447 = vector.shape_cast %broadcast_in_dim3A_446 : vector<16x1xi32> to vector<16xi32>
        %gather3A_448 = tpu.dynamic_gather %select_n3A_438[%gather3A_447] in [0] : vector<16xf32>, vector<16xi32> -> vector<16xf32>
        %max3A_449 = arith.maximumf %select_n3A_438, %gather3A_448 : vector<16xf32>
        %select_n3A_450 = arith.select %and3A_172, %max3A_449, %select_n3A_438 : vector<16xi1>, vector<16xf32>
        %lt3A_451 = arith.constant 0 : i32
        %lt3A_452 = vector.broadcast %lt3A_451 : i32 to vector<16xi32>
        %lt3A_453 = arith.cmpi slt, %max3A_35, %lt3A_452 : vector<16xi32>
        %add3A_454 = arith.constant 16 : i32
        %add3A_455 = vector.broadcast %add3A_454 : i32 to vector<16xi32>
        %add3A_456 = arith.addi %max3A_35, %add3A_455 : vector<16xi32>
        %select_n3A_457 = arith.select %lt3A_453, %add3A_456, %max3A_35 : vector<16xi1>, vector<16xi32>
        %broadcast_in_dim3A_458 = vector.shape_cast %select_n3A_457 : vector<16xi32> to vector<16x1xi32>
        %gather3A_459 = vector.shape_cast %broadcast_in_dim3A_458 : vector<16x1xi32> to vector<16xi32>
        %gather3A_460 = tpu.dynamic_gather %select_n3A_450[%gather3A_459] in [0] : vector<16xf32>, vector<16xi32> -> vector<16xf32>
        %max3A_461 = arith.maximumf %select_n3A_450, %gather3A_460 : vector<16xf32>
        %select_n3A_462 = arith.select %and3A_187, %max3A_461, %select_n3A_450 : vector<16xi1>, vector<16xf32>
        %gather3A_463 = tpu.vector_load_idx %arg7[%add3A_400] : memref<40000xf32, #tpu.memory_space<vmem>>[vector<16xi32>], vector<16xf32>,
        %max3A_464 = arith.maximumf %select_n3A_462, %gather3A_463 : vector<16xf32>
        %mul3A_465 = arith.constant 64 : i32
        %mul3A_466 = arith.muli %scan3A_91, %mul3A_465 : i32
        %add3A_467 = arith.constant 16 : i32
        %add3A_468 = arith.addi %mul3A_466, %add3A_467 : i32
        %get3A_469 = arith.index_cast %add3A_468 : i32 to index
        %get3A_470 = tpu.vector_load %arg9[%get3A_469] {strides = array<i32>} : memref<8000xi32, #tpu.memory_space<vmem>>, vector<16xi32>,
        %mul3A_471 = arith.constant 64 : i32
        %mul3A_472 = arith.muli %scan3A_91, %mul3A_471 : i32
        %add3A_473 = arith.constant 16 : i32
        %add3A_474 = arith.addi %mul3A_472, %add3A_473 : i32
        %get3A_475 = arith.index_cast %add3A_474 : i32 to index
        %get3A_476 = tpu.vector_load %arg11[%get3A_475] {strides = array<i32>} : memref<8000xi32, #tpu.memory_space<vmem>>, vector<16xi32>,
        %masked_sort3A_477 = arith.constant dense<true> : vector<16xi1>
        %masked_sort3A_478 = arith.constant -2147483648 : i32
        %masked_sort3A_479 = vector.broadcast %masked_sort3A_478 : i32 to vector<16xi32>
        %masked_sort3A_480 = arith.xori %get3A_476, %masked_sort3A_479 : vector<16xi32>
        %masked_sort3A_481, %masked_sort3A_482, %masked_sort3A_483 = tpu.sort %masked_sort3A_480, %iota3A masked %masked_sort3A_477 : (vector<16xi32>, vector<16xi32>, vector<16xi1>) -> (vector<16xi1>, vector<16xi32>, vector<16xi32>)
        %masked_sort3A_484 = arith.xori %masked_sort3A_482, %masked_sort3A_479 : vector<16xi32>
        %lt3A_485 = arith.constant 0 : i32
        %lt3A_486 = vector.broadcast %lt3A_485 : i32 to vector<16xi32>
        %lt3A_487 = arith.cmpi slt, %masked_sort3A_483, %lt3A_486 : vector<16xi32>
        %add3A_488 = arith.constant 16 : i32
        %add3A_489 = vector.broadcast %add3A_488 : i32 to vector<16xi32>
        %add3A_490 = arith.addi %masked_sort3A_483, %add3A_489 : vector<16xi32>
        %select_n3A_491 = arith.select %lt3A_487, %add3A_490, %masked_sort3A_483 : vector<16xi1>, vector<16xi32>
        %broadcast_in_dim3A_492 = vector.shape_cast %select_n3A_491 : vector<16xi32> to vector<16x1xi32>
        %gather3A_493 = vector.shape_cast %broadcast_in_dim3A_492 : vector<16x1xi32> to vector<16xi32>
        %gather3A_494 = tpu.dynamic_gather %get3A_470[%gather3A_493] in [0] : vector<16xi32>, vector<16xi32> -> vector<16xi32>
        %lt3A_495 = arith.constant 0 : i32
        %lt3A_496 = vector.broadcast %lt3A_495 : i32 to vector<16xi32>
        %lt3A_497 = arith.cmpi slt, %min3A_13, %lt3A_496 : vector<16xi32>
        %add3A_498 = arith.constant 16 : i32
        %add3A_499 = vector.broadcast %add3A_498 : i32 to vector<16xi32>
        %add3A_500 = arith.addi %min3A_13, %add3A_499 : vector<16xi32>
        %select_n3A_501 = arith.select %lt3A_497, %add3A_500, %min3A_13 : vector<16xi1>, vector<16xi32>
        %broadcast_in_dim3A_502 = vector.shape_cast %select_n3A_501 : vector<16xi32> to vector<16x1xi32>
        %gather3A_503 = vector.shape_cast %broadcast_in_dim3A_502 : vector<16x1xi32> to vector<16xi32>
        %gather3A_504 = tpu.dynamic_gather %masked_sort3A_484[%gather3A_503] in [0] : vector<16xi32>, vector<16xi32> -> vector<16xi32>
        %ne3A_505 = arith.cmpi ne, %masked_sort3A_484, %gather3A_504 : vector<16xi32>
        %eq3A_506 = arith.constant 15 : i32
        %eq3A_507 = vector.broadcast %eq3A_506 : i32 to vector<16xi32>
        %eq3A_508 = arith.cmpi eq, %iota3A, %eq3A_507 : vector<16xi32>
        %or3A_509 = arith.ori %ne3A_505, %eq3A_508 : vector<16xi1>
        %lt3A_510 = arith.constant 0 : i32
        %lt3A_511 = vector.broadcast %lt3A_510 : i32 to vector<16xi32>
        %lt3A_512 = arith.cmpi slt, %max3A_17, %lt3A_511 : vector<16xi32>
        %add3A_513 = arith.constant 16 : i32
        %add3A_514 = vector.broadcast %add3A_513 : i32 to vector<16xi32>
        %add3A_515 = arith.addi %max3A_17, %add3A_514 : vector<16xi32>
        %select_n3A_516 = arith.select %lt3A_512, %add3A_515, %max3A_17 : vector<16xi1>, vector<16xi32>
        %broadcast_in_dim3A_517 = vector.shape_cast %select_n3A_516 : vector<16xi32> to vector<16x1xi32>
        %gather3A_518 = vector.shape_cast %broadcast_in_dim3A_517 : vector<16x1xi32> to vector<16xi32>
        %gather3A_519 = tpu.dynamic_gather %masked_sort3A_484[%gather3A_518] in [0] : vector<16xi32>, vector<16xi32> -> vector<16xi32>
        %eq3A_520 = arith.cmpi eq, %masked_sort3A_484, %gather3A_519 : vector<16xi32>
        %ge3A_521 = arith.constant 1 : i32
        %ge3A_522 = vector.broadcast %ge3A_521 : i32 to vector<16xi32>
        %ge3A_523 = arith.cmpi sge, %iota3A, %ge3A_522 : vector<16xi32>
        %and3A_524 = arith.andi %eq3A_520, %ge3A_523 : vector<16xi1>
        %lt3A_525 = arith.constant 0 : i32
        %lt3A_526 = vector.broadcast %lt3A_525 : i32 to vector<16xi32>
        %lt3A_527 = arith.cmpi slt, %max3A_23, %lt3A_526 : vector<16xi32>
        %add3A_528 = arith.constant 16 : i32
        %add3A_529 = vector.broadcast %add3A_528 : i32 to vector<16xi32>
        %add3A_530 = arith.addi %max3A_23, %add3A_529 : vector<16xi32>
        %select_n3A_531 = arith.select %lt3A_527, %add3A_530, %max3A_23 : vector<16xi1>, vector<16xi32>
        %broadcast_in_dim3A_532 = vector.shape_cast %select_n3A_531 : vector<16xi32> to vector<16x1xi32>
        %gather3A_533 = vector.shape_cast %broadcast_in_dim3A_532 : vector<16x1xi32> to vector<16xi32>
        %gather3A_534 = tpu.dynamic_gather %masked_sort3A_484[%gather3A_533] in [0] : vector<16xi32>, vector<16xi32> -> vector<16xi32>
        %eq3A_535 = arith.cmpi eq, %masked_sort3A_484, %gather3A_534 : vector<16xi32>
        %ge3A_536 = arith.constant 2 : i32
        %ge3A_537 = vector.broadcast %ge3A_536 : i32 to vector<16xi32>
        %ge3A_538 = arith.cmpi sge, %iota3A, %ge3A_537 : vector<16xi32>
        %and3A_539 = arith.andi %eq3A_535, %ge3A_538 : vector<16xi1>
        %lt3A_540 = arith.constant 0 : i32
        %lt3A_541 = vector.broadcast %lt3A_540 : i32 to vector<16xi32>
        %lt3A_542 = arith.cmpi slt, %max3A_29, %lt3A_541 : vector<16xi32>
        %add3A_543 = arith.constant 16 : i32
        %add3A_544 = vector.broadcast %add3A_543 : i32 to vector<16xi32>
        %add3A_545 = arith.addi %max3A_29, %add3A_544 : vector<16xi32>
        %select_n3A_546 = arith.select %lt3A_542, %add3A_545, %max3A_29 : vector<16xi1>, vector<16xi32>
        %broadcast_in_dim3A_547 = vector.shape_cast %select_n3A_546 : vector<16xi32> to vector<16x1xi32>
        %gather3A_548 = vector.shape_cast %broadcast_in_dim3A_547 : vector<16x1xi32> to vector<16xi32>
        %gather3A_549 = tpu.dynamic_gather %masked_sort3A_484[%gather3A_548] in [0] : vector<16xi32>, vector<16xi32> -> vector<16xi32>
        %eq3A_550 = arith.cmpi eq, %masked_sort3A_484, %gather3A_549 : vector<16xi32>
        %ge3A_551 = arith.constant 4 : i32
        %ge3A_552 = vector.broadcast %ge3A_551 : i32 to vector<16xi32>
        %ge3A_553 = arith.cmpi sge, %iota3A, %ge3A_552 : vector<16xi32>
        %and3A_554 = arith.andi %eq3A_550, %ge3A_553 : vector<16xi1>
        %lt3A_555 = arith.constant 0 : i32
        %lt3A_556 = vector.broadcast %lt3A_555 : i32 to vector<16xi32>
        %lt3A_557 = arith.cmpi slt, %max3A_35, %lt3A_556 : vector<16xi32>
        %add3A_558 = arith.constant 16 : i32
        %add3A_559 = vector.broadcast %add3A_558 : i32 to vector<16xi32>
        %add3A_560 = arith.addi %max3A_35, %add3A_559 : vector<16xi32>
        %select_n3A_561 = arith.select %lt3A_557, %add3A_560, %max3A_35 : vector<16xi1>, vector<16xi32>
        %broadcast_in_dim3A_562 = vector.shape_cast %select_n3A_561 : vector<16xi32> to vector<16x1xi32>
        %gather3A_563 = vector.shape_cast %broadcast_in_dim3A_562 : vector<16x1xi32> to vector<16xi32>
        %gather3A_564 = tpu.dynamic_gather %masked_sort3A_484[%gather3A_563] in [0] : vector<16xi32>, vector<16xi32> -> vector<16xi32>
        %eq3A_565 = arith.cmpi eq, %masked_sort3A_484, %gather3A_564 : vector<16xi32>
        %ge3A_566 = arith.constant 8 : i32
        %ge3A_567 = vector.broadcast %ge3A_566 : i32 to vector<16xi32>
        %ge3A_568 = arith.cmpi sge, %iota3A, %ge3A_567 : vector<16xi32>
        %and3A_569 = arith.andi %eq3A_565, %ge3A_568 : vector<16xi1>
        %add3A_570 = arith.constant 0 : i32
        %add3A_571 = vector.broadcast %add3A_570 : i32 to vector<16xi32>
        %add3A_572 = arith.addi %gather3A_494, %add3A_571 : vector<16xi32>
        %add3A_573 = arith.constant 0 : i32
        %add3A_574 = vector.broadcast %add3A_573 : i32 to vector<16xi32>
        %add3A_575 = arith.addi %masked_sort3A_484, %add3A_574 : vector<16xi32>
        %gather3A_576 = tpu.vector_load_idx %arg6[%add3A_572] : memref<40000xf32, #tpu.memory_space<vmem>>[vector<16xi32>], vector<16xf32>,
        %gather3A_577 = tpu.vector_load_idx %arg6[%add3A_575] : memref<40000xf32, #tpu.memory_space<vmem>>[vector<16xi32>], vector<16xf32>,
        %add3A_578 = arith.addf %gather3A_576, %gather3A_577 : vector<16xf32>
        %neg3A_579 = arith.constant 0.000000e+00 : f32
        %neg3A_580 = vector.broadcast %neg3A_579 : f32 to vector<16xf32>
        %neg3A_581 = arith.subf %neg3A_580, %add3A_578 : vector<16xf32>
        %exp3A_582 = math.exp %neg3A_581 : vector<16xf32>
        %add3A_583 = arith.constant 1.000000e+00 : f32
        %add3A_584 = vector.broadcast %add3A_583 : f32 to vector<16xf32>
        %add3A_585 = arith.addf %add3A_584, %exp3A_582 : vector<16xf32>
        %div3A_586 = arith.constant 1.000000e+00 : f32
        %div3A_587 = vector.broadcast %div3A_586 : f32 to vector<16xf32>
        %div3A_588 = arith.divf %div3A_587, %add3A_585 : vector<16xf32>
        %mul3A_589 = arith.mulf %div3A_588, %gather3A_576 : vector<16xf32>
        %lt3A_590 = arith.constant 0 : i32
        %lt3A_591 = vector.broadcast %lt3A_590 : i32 to vector<16xi32>
        %lt3A_592 = arith.cmpi slt, %max3A_17, %lt3A_591 : vector<16xi32>
        %add3A_593 = arith.constant 16 : i32
        %add3A_594 = vector.broadcast %add3A_593 : i32 to vector<16xi32>
        %add3A_595 = arith.addi %max3A_17, %add3A_594 : vector<16xi32>
        %select_n3A_596 = arith.select %lt3A_592, %add3A_595, %max3A_17 : vector<16xi1>, vector<16xi32>
        %broadcast_in_dim3A_597 = vector.shape_cast %select_n3A_596 : vector<16xi32> to vector<16x1xi32>
        %gather3A_598 = vector.shape_cast %broadcast_in_dim3A_597 : vector<16x1xi32> to vector<16xi32>
        %gather3A_599 = tpu.dynamic_gather %mul3A_589[%gather3A_598] in [0] : vector<16xf32>, vector<16xi32> -> vector<16xf32>
        %max3A_600 = arith.maximumf %mul3A_589, %gather3A_599 : vector<16xf32>
        %select_n3A_601 = arith.select %and3A_524, %max3A_600, %mul3A_589 : vector<16xi1>, vector<16xf32>
        %lt3A_602 = arith.constant 0 : i32
        %lt3A_603 = vector.broadcast %lt3A_602 : i32 to vector<16xi32>
        %lt3A_604 = arith.cmpi slt, %max3A_23, %lt3A_603 : vector<16xi32>
        %add3A_605 = arith.constant 16 : i32
        %add3A_606 = vector.broadcast %add3A_605 : i32 to vector<16xi32>
        %add3A_607 = arith.addi %max3A_23, %add3A_606 : vector<16xi32>
        %select_n3A_608 = arith.select %lt3A_604, %add3A_607, %max3A_23 : vector<16xi1>, vector<16xi32>
        %broadcast_in_dim3A_609 = vector.shape_cast %select_n3A_608 : vector<16xi32> to vector<16x1xi32>
        %gather3A_610 = vector.shape_cast %broadcast_in_dim3A_609 : vector<16x1xi32> to vector<16xi32>
        %gather3A_611 = tpu.dynamic_gather %select_n3A_601[%gather3A_610] in [0] : vector<16xf32>, vector<16xi32> -> vector<16xf32>
        %max3A_612 = arith.maximumf %select_n3A_601, %gather3A_611 : vector<16xf32>
        %select_n3A_613 = arith.select %and3A_539, %max3A_612, %select_n3A_601 : vector<16xi1>, vector<16xf32>
        %lt3A_614 = arith.constant 0 : i32
        %lt3A_615 = vector.broadcast %lt3A_614 : i32 to vector<16xi32>
        %lt3A_616 = arith.cmpi slt, %max3A_29, %lt3A_615 : vector<16xi32>
        %add3A_617 = arith.constant 16 : i32
        %add3A_618 = vector.broadcast %add3A_617 : i32 to vector<16xi32>
        %add3A_619 = arith.addi %max3A_29, %add3A_618 : vector<16xi32>
        %select_n3A_620 = arith.select %lt3A_616, %add3A_619, %max3A_29 : vector<16xi1>, vector<16xi32>
        %broadcast_in_dim3A_621 = vector.shape_cast %select_n3A_620 : vector<16xi32> to vector<16x1xi32>
        %gather3A_622 = vector.shape_cast %broadcast_in_dim3A_621 : vector<16x1xi32> to vector<16xi32>
        %gather3A_623 = tpu.dynamic_gather %select_n3A_613[%gather3A_622] in [0] : vector<16xf32>, vector<16xi32> -> vector<16xf32>
        %max3A_624 = arith.maximumf %select_n3A_613, %gather3A_623 : vector<16xf32>
        %select_n3A_625 = arith.select %and3A_554, %max3A_624, %select_n3A_613 : vector<16xi1>, vector<16xf32>
        %lt3A_626 = arith.constant 0 : i32
        %lt3A_627 = vector.broadcast %lt3A_626 : i32 to vector<16xi32>
        %lt3A_628 = arith.cmpi slt, %max3A_35, %lt3A_627 : vector<16xi32>
        %add3A_629 = arith.constant 16 : i32
        %add3A_630 = vector.broadcast %add3A_629 : i32 to vector<16xi32>
        %add3A_631 = arith.addi %max3A_35, %add3A_630 : vector<16xi32>
        %select_n3A_632 = arith.select %lt3A_628, %add3A_631, %max3A_35 : vector<16xi1>, vector<16xi32>
        %broadcast_in_dim3A_633 = vector.shape_cast %select_n3A_632 : vector<16xi32> to vector<16x1xi32>
        %gather3A_634 = vector.shape_cast %broadcast_in_dim3A_633 : vector<16x1xi32> to vector<16xi32>
        %gather3A_635 = tpu.dynamic_gather %select_n3A_625[%gather3A_634] in [0] : vector<16xf32>, vector<16xi32> -> vector<16xf32>
        %max3A_636 = arith.maximumf %select_n3A_625, %gather3A_635 : vector<16xf32>
        %select_n3A_637 = arith.select %and3A_569, %max3A_636, %select_n3A_625 : vector<16xi1>, vector<16xf32>
        %gather3A_638 = tpu.vector_load_idx %arg7[%add3A_575] : memref<40000xf32, #tpu.memory_space<vmem>>[vector<16xi32>], vector<16xf32>,
        %max3A_639 = arith.maximumf %select_n3A_637, %gather3A_638 : vector<16xf32>
        %add3A_640 = arith.constant 10000 : i32
        %add3A_641 = vector.broadcast %add3A_640 : i32 to vector<16xi32>
        %add3A_642 = arith.addi %gather3A_494, %add3A_641 : vector<16xi32>
        %add3A_643 = arith.constant 10000 : i32
        %add3A_644 = vector.broadcast %add3A_643 : i32 to vector<16xi32>
        %add3A_645 = arith.addi %masked_sort3A_484, %add3A_644 : vector<16xi32>
        %gather3A_646 = tpu.vector_load_idx %arg6[%add3A_642] : memref<40000xf32, #tpu.memory_space<vmem>>[vector<16xi32>], vector<16xf32>,
        %gather3A_647 = tpu.vector_load_idx %arg6[%add3A_645] : memref<40000xf32, #tpu.memory_space<vmem>>[vector<16xi32>], vector<16xf32>,
        %add3A_648 = arith.addf %gather3A_646, %gather3A_647 : vector<16xf32>
        %neg3A_649 = arith.constant 0.000000e+00 : f32
        %neg3A_650 = vector.broadcast %neg3A_649 : f32 to vector<16xf32>
        %neg3A_651 = arith.subf %neg3A_650, %add3A_648 : vector<16xf32>
        %exp3A_652 = math.exp %neg3A_651 : vector<16xf32>
        %add3A_653 = arith.constant 1.000000e+00 : f32
        %add3A_654 = vector.broadcast %add3A_653 : f32 to vector<16xf32>
        %add3A_655 = arith.addf %add3A_654, %exp3A_652 : vector<16xf32>
        %div3A_656 = arith.constant 1.000000e+00 : f32
        %div3A_657 = vector.broadcast %div3A_656 : f32 to vector<16xf32>
        %div3A_658 = arith.divf %div3A_657, %add3A_655 : vector<16xf32>
        %mul3A_659 = arith.mulf %div3A_658, %gather3A_646 : vector<16xf32>
        %lt3A_660 = arith.constant 0 : i32
        %lt3A_661 = vector.broadcast %lt3A_660 : i32 to vector<16xi32>
        %lt3A_662 = arith.cmpi slt, %max3A_17, %lt3A_661 : vector<16xi32>
        %add3A_663 = arith.constant 16 : i32
        %add3A_664 = vector.broadcast %add3A_663 : i32 to vector<16xi32>
        %add3A_665 = arith.addi %max3A_17, %add3A_664 : vector<16xi32>
        %select_n3A_666 = arith.select %lt3A_662, %add3A_665, %max3A_17 : vector<16xi1>, vector<16xi32>
        %broadcast_in_dim3A_667 = vector.shape_cast %select_n3A_666 : vector<16xi32> to vector<16x1xi32>
        %gather3A_668 = vector.shape_cast %broadcast_in_dim3A_667 : vector<16x1xi32> to vector<16xi32>
        %gather3A_669 = tpu.dynamic_gather %mul3A_659[%gather3A_668] in [0] : vector<16xf32>, vector<16xi32> -> vector<16xf32>
        %max3A_670 = arith.maximumf %mul3A_659, %gather3A_669 : vector<16xf32>
        %select_n3A_671 = arith.select %and3A_524, %max3A_670, %mul3A_659 : vector<16xi1>, vector<16xf32>
        %lt3A_672 = arith.constant 0 : i32
        %lt3A_673 = vector.broadcast %lt3A_672 : i32 to vector<16xi32>
        %lt3A_674 = arith.cmpi slt, %max3A_23, %lt3A_673 : vector<16xi32>
        %add3A_675 = arith.constant 16 : i32
        %add3A_676 = vector.broadcast %add3A_675 : i32 to vector<16xi32>
        %add3A_677 = arith.addi %max3A_23, %add3A_676 : vector<16xi32>
        %select_n3A_678 = arith.select %lt3A_674, %add3A_677, %max3A_23 : vector<16xi1>, vector<16xi32>
        %broadcast_in_dim3A_679 = vector.shape_cast %select_n3A_678 : vector<16xi32> to vector<16x1xi32>
        %gather3A_680 = vector.shape_cast %broadcast_in_dim3A_679 : vector<16x1xi32> to vector<16xi32>
        %gather3A_681 = tpu.dynamic_gather %select_n3A_671[%gather3A_680] in [0] : vector<16xf32>, vector<16xi32> -> vector<16xf32>
        %max3A_682 = arith.maximumf %select_n3A_671, %gather3A_681 : vector<16xf32>
        %select_n3A_683 = arith.select %and3A_539, %max3A_682, %select_n3A_671 : vector<16xi1>, vector<16xf32>
        %lt3A_684 = arith.constant 0 : i32
        %lt3A_685 = vector.broadcast %lt3A_684 : i32 to vector<16xi32>
        %lt3A_686 = arith.cmpi slt, %max3A_29, %lt3A_685 : vector<16xi32>
        %add3A_687 = arith.constant 16 : i32
        %add3A_688 = vector.broadcast %add3A_687 : i32 to vector<16xi32>
        %add3A_689 = arith.addi %max3A_29, %add3A_688 : vector<16xi32>
        %select_n3A_690 = arith.select %lt3A_686, %add3A_689, %max3A_29 : vector<16xi1>, vector<16xi32>
        %broadcast_in_dim3A_691 = vector.shape_cast %select_n3A_690 : vector<16xi32> to vector<16x1xi32>
        %gather3A_692 = vector.shape_cast %broadcast_in_dim3A_691 : vector<16x1xi32> to vector<16xi32>
        %gather3A_693 = tpu.dynamic_gather %select_n3A_683[%gather3A_692] in [0] : vector<16xf32>, vector<16xi32> -> vector<16xf32>
        %max3A_694 = arith.maximumf %select_n3A_683, %gather3A_693 : vector<16xf32>
        %select_n3A_695 = arith.select %and3A_554, %max3A_694, %select_n3A_683 : vector<16xi1>, vector<16xf32>
        %lt3A_696 = arith.constant 0 : i32
        %lt3A_697 = vector.broadcast %lt3A_696 : i32 to vector<16xi32>
        %lt3A_698 = arith.cmpi slt, %max3A_35, %lt3A_697 : vector<16xi32>
        %add3A_699 = arith.constant 16 : i32
        %add3A_700 = vector.broadcast %add3A_699 : i32 to vector<16xi32>
        %add3A_701 = arith.addi %max3A_35, %add3A_700 : vector<16xi32>
        %select_n3A_702 = arith.select %lt3A_698, %add3A_701, %max3A_35 : vector<16xi1>, vector<16xi32>
        %broadcast_in_dim3A_703 = vector.shape_cast %select_n3A_702 : vector<16xi32> to vector<16x1xi32>
        %gather3A_704 = vector.shape_cast %broadcast_in_dim3A_703 : vector<16x1xi32> to vector<16xi32>
        %gather3A_705 = tpu.dynamic_gather %select_n3A_695[%gather3A_704] in [0] : vector<16xf32>, vector<16xi32> -> vector<16xf32>
        %max3A_706 = arith.maximumf %select_n3A_695, %gather3A_705 : vector<16xf32>
        %select_n3A_707 = arith.select %and3A_569, %max3A_706, %select_n3A_695 : vector<16xi1>, vector<16xf32>
        %gather3A_708 = tpu.vector_load_idx %arg7[%add3A_645] : memref<40000xf32, #tpu.memory_space<vmem>>[vector<16xi32>], vector<16xf32>,
        %max3A_709 = arith.maximumf %select_n3A_707, %gather3A_708 : vector<16xf32>
        %add3A_710 = arith.constant 20000 : i32
        %add3A_711 = vector.broadcast %add3A_710 : i32 to vector<16xi32>
        %add3A_712 = arith.addi %gather3A_494, %add3A_711 : vector<16xi32>
        %add3A_713 = arith.constant 20000 : i32
        %add3A_714 = vector.broadcast %add3A_713 : i32 to vector<16xi32>
        %add3A_715 = arith.addi %masked_sort3A_484, %add3A_714 : vector<16xi32>
        %gather3A_716 = tpu.vector_load_idx %arg6[%add3A_712] : memref<40000xf32, #tpu.memory_space<vmem>>[vector<16xi32>], vector<16xf32>,
        %gather3A_717 = tpu.vector_load_idx %arg6[%add3A_715] : memref<40000xf32, #tpu.memory_space<vmem>>[vector<16xi32>], vector<16xf32>,
        %add3A_718 = arith.addf %gather3A_716, %gather3A_717 : vector<16xf32>
        %neg3A_719 = arith.constant 0.000000e+00 : f32
        %neg3A_720 = vector.broadcast %neg3A_719 : f32 to vector<16xf32>
        %neg3A_721 = arith.subf %neg3A_720, %add3A_718 : vector<16xf32>
        %exp3A_722 = math.exp %neg3A_721 : vector<16xf32>
        %add3A_723 = arith.constant 1.000000e+00 : f32
        %add3A_724 = vector.broadcast %add3A_723 : f32 to vector<16xf32>
        %add3A_725 = arith.addf %add3A_724, %exp3A_722 : vector<16xf32>
        %div3A_726 = arith.constant 1.000000e+00 : f32
        %div3A_727 = vector.broadcast %div3A_726 : f32 to vector<16xf32>
        %div3A_728 = arith.divf %div3A_727, %add3A_725 : vector<16xf32>
        %mul3A_729 = arith.mulf %div3A_728, %gather3A_716 : vector<16xf32>
        %lt3A_730 = arith.constant 0 : i32
        %lt3A_731 = vector.broadcast %lt3A_730 : i32 to vector<16xi32>
        %lt3A_732 = arith.cmpi slt, %max3A_17, %lt3A_731 : vector<16xi32>
        %add3A_733 = arith.constant 16 : i32
        %add3A_734 = vector.broadcast %add3A_733 : i32 to vector<16xi32>
        %add3A_735 = arith.addi %max3A_17, %add3A_734 : vector<16xi32>
        %select_n3A_736 = arith.select %lt3A_732, %add3A_735, %max3A_17 : vector<16xi1>, vector<16xi32>
        %broadcast_in_dim3A_737 = vector.shape_cast %select_n3A_736 : vector<16xi32> to vector<16x1xi32>
        %gather3A_738 = vector.shape_cast %broadcast_in_dim3A_737 : vector<16x1xi32> to vector<16xi32>
        %gather3A_739 = tpu.dynamic_gather %mul3A_729[%gather3A_738] in [0] : vector<16xf32>, vector<16xi32> -> vector<16xf32>
        %max3A_740 = arith.maximumf %mul3A_729, %gather3A_739 : vector<16xf32>
        %select_n3A_741 = arith.select %and3A_524, %max3A_740, %mul3A_729 : vector<16xi1>, vector<16xf32>
        %lt3A_742 = arith.constant 0 : i32
        %lt3A_743 = vector.broadcast %lt3A_742 : i32 to vector<16xi32>
        %lt3A_744 = arith.cmpi slt, %max3A_23, %lt3A_743 : vector<16xi32>
        %add3A_745 = arith.constant 16 : i32
        %add3A_746 = vector.broadcast %add3A_745 : i32 to vector<16xi32>
        %add3A_747 = arith.addi %max3A_23, %add3A_746 : vector<16xi32>
        %select_n3A_748 = arith.select %lt3A_744, %add3A_747, %max3A_23 : vector<16xi1>, vector<16xi32>
        %broadcast_in_dim3A_749 = vector.shape_cast %select_n3A_748 : vector<16xi32> to vector<16x1xi32>
        %gather3A_750 = vector.shape_cast %broadcast_in_dim3A_749 : vector<16x1xi32> to vector<16xi32>
        %gather3A_751 = tpu.dynamic_gather %select_n3A_741[%gather3A_750] in [0] : vector<16xf32>, vector<16xi32> -> vector<16xf32>
        %max3A_752 = arith.maximumf %select_n3A_741, %gather3A_751 : vector<16xf32>
        %select_n3A_753 = arith.select %and3A_539, %max3A_752, %select_n3A_741 : vector<16xi1>, vector<16xf32>
        %lt3A_754 = arith.constant 0 : i32
        %lt3A_755 = vector.broadcast %lt3A_754 : i32 to vector<16xi32>
        %lt3A_756 = arith.cmpi slt, %max3A_29, %lt3A_755 : vector<16xi32>
        %add3A_757 = arith.constant 16 : i32
        %add3A_758 = vector.broadcast %add3A_757 : i32 to vector<16xi32>
        %add3A_759 = arith.addi %max3A_29, %add3A_758 : vector<16xi32>
        %select_n3A_760 = arith.select %lt3A_756, %add3A_759, %max3A_29 : vector<16xi1>, vector<16xi32>
        %broadcast_in_dim3A_761 = vector.shape_cast %select_n3A_760 : vector<16xi32> to vector<16x1xi32>
        %gather3A_762 = vector.shape_cast %broadcast_in_dim3A_761 : vector<16x1xi32> to vector<16xi32>
        %gather3A_763 = tpu.dynamic_gather %select_n3A_753[%gather3A_762] in [0] : vector<16xf32>, vector<16xi32> -> vector<16xf32>
        %max3A_764 = arith.maximumf %select_n3A_753, %gather3A_763 : vector<16xf32>
        %select_n3A_765 = arith.select %and3A_554, %max3A_764, %select_n3A_753 : vector<16xi1>, vector<16xf32>
        %lt3A_766 = arith.constant 0 : i32
        %lt3A_767 = vector.broadcast %lt3A_766 : i32 to vector<16xi32>
        %lt3A_768 = arith.cmpi slt, %max3A_35, %lt3A_767 : vector<16xi32>
        %add3A_769 = arith.constant 16 : i32
        %add3A_770 = vector.broadcast %add3A_769 : i32 to vector<16xi32>
        %add3A_771 = arith.addi %max3A_35, %add3A_770 : vector<16xi32>
        %select_n3A_772 = arith.select %lt3A_768, %add3A_771, %max3A_35 : vector<16xi1>, vector<16xi32>
        %broadcast_in_dim3A_773 = vector.shape_cast %select_n3A_772 : vector<16xi32> to vector<16x1xi32>
        %gather3A_774 = vector.shape_cast %broadcast_in_dim3A_773 : vector<16x1xi32> to vector<16xi32>
        %gather3A_775 = tpu.dynamic_gather %select_n3A_765[%gather3A_774] in [0] : vector<16xf32>, vector<16xi32> -> vector<16xf32>
        %max3A_776 = arith.maximumf %select_n3A_765, %gather3A_775 : vector<16xf32>
        %select_n3A_777 = arith.select %and3A_569, %max3A_776, %select_n3A_765 : vector<16xi1>, vector<16xf32>
        %gather3A_778 = tpu.vector_load_idx %arg7[%add3A_715] : memref<40000xf32, #tpu.memory_space<vmem>>[vector<16xi32>], vector<16xf32>,
        %max3A_779 = arith.maximumf %select_n3A_777, %gather3A_778 : vector<16xf32>
        %add3A_780 = arith.constant 30000 : i32
        %add3A_781 = vector.broadcast %add3A_780 : i32 to vector<16xi32>
        %add3A_782 = arith.addi %gather3A_494, %add3A_781 : vector<16xi32>
        %add3A_783 = arith.constant 30000 : i32
        %add3A_784 = vector.broadcast %add3A_783 : i32 to vector<16xi32>
        %add3A_785 = arith.addi %masked_sort3A_484, %add3A_784 : vector<16xi32>
        %gather3A_786 = tpu.vector_load_idx %arg6[%add3A_782] : memref<40000xf32, #tpu.memory_space<vmem>>[vector<16xi32>], vector<16xf32>,
        %gather3A_787 = tpu.vector_load_idx %arg6[%add3A_785] : memref<40000xf32, #tpu.memory_space<vmem>>[vector<16xi32>], vector<16xf32>,
        %add3A_788 = arith.addf %gather3A_786, %gather3A_787 : vector<16xf32>
        %neg3A_789 = arith.constant 0.000000e+00 : f32
        %neg3A_790 = vector.broadcast %neg3A_789 : f32 to vector<16xf32>
        %neg3A_791 = arith.subf %neg3A_790, %add3A_788 : vector<16xf32>
        %exp3A_792 = math.exp %neg3A_791 : vector<16xf32>
        %add3A_793 = arith.constant 1.000000e+00 : f32
        %add3A_794 = vector.broadcast %add3A_793 : f32 to vector<16xf32>
        %add3A_795 = arith.addf %add3A_794, %exp3A_792 : vector<16xf32>
        %div3A_796 = arith.constant 1.000000e+00 : f32
        %div3A_797 = vector.broadcast %div3A_796 : f32 to vector<16xf32>
        %div3A_798 = arith.divf %div3A_797, %add3A_795 : vector<16xf32>
        %mul3A_799 = arith.mulf %div3A_798, %gather3A_786 : vector<16xf32>
        %lt3A_800 = arith.constant 0 : i32
        %lt3A_801 = vector.broadcast %lt3A_800 : i32 to vector<16xi32>
        %lt3A_802 = arith.cmpi slt, %max3A_17, %lt3A_801 : vector<16xi32>
        %add3A_803 = arith.constant 16 : i32
        %add3A_804 = vector.broadcast %add3A_803 : i32 to vector<16xi32>
        %add3A_805 = arith.addi %max3A_17, %add3A_804 : vector<16xi32>
        %select_n3A_806 = arith.select %lt3A_802, %add3A_805, %max3A_17 : vector<16xi1>, vector<16xi32>
        %broadcast_in_dim3A_807 = vector.shape_cast %select_n3A_806 : vector<16xi32> to vector<16x1xi32>
        %gather3A_808 = vector.shape_cast %broadcast_in_dim3A_807 : vector<16x1xi32> to vector<16xi32>
        %gather3A_809 = tpu.dynamic_gather %mul3A_799[%gather3A_808] in [0] : vector<16xf32>, vector<16xi32> -> vector<16xf32>
        %max3A_810 = arith.maximumf %mul3A_799, %gather3A_809 : vector<16xf32>
        %select_n3A_811 = arith.select %and3A_524, %max3A_810, %mul3A_799 : vector<16xi1>, vector<16xf32>
        %lt3A_812 = arith.constant 0 : i32
        %lt3A_813 = vector.broadcast %lt3A_812 : i32 to vector<16xi32>
        %lt3A_814 = arith.cmpi slt, %max3A_23, %lt3A_813 : vector<16xi32>
        %add3A_815 = arith.constant 16 : i32
        %add3A_816 = vector.broadcast %add3A_815 : i32 to vector<16xi32>
        %add3A_817 = arith.addi %max3A_23, %add3A_816 : vector<16xi32>
        %select_n3A_818 = arith.select %lt3A_814, %add3A_817, %max3A_23 : vector<16xi1>, vector<16xi32>
        %broadcast_in_dim3A_819 = vector.shape_cast %select_n3A_818 : vector<16xi32> to vector<16x1xi32>
        %gather3A_820 = vector.shape_cast %broadcast_in_dim3A_819 : vector<16x1xi32> to vector<16xi32>
        %gather3A_821 = tpu.dynamic_gather %select_n3A_811[%gather3A_820] in [0] : vector<16xf32>, vector<16xi32> -> vector<16xf32>
        %max3A_822 = arith.maximumf %select_n3A_811, %gather3A_821 : vector<16xf32>
        %select_n3A_823 = arith.select %and3A_539, %max3A_822, %select_n3A_811 : vector<16xi1>, vector<16xf32>
        %lt3A_824 = arith.constant 0 : i32
        %lt3A_825 = vector.broadcast %lt3A_824 : i32 to vector<16xi32>
        %lt3A_826 = arith.cmpi slt, %max3A_29, %lt3A_825 : vector<16xi32>
        %add3A_827 = arith.constant 16 : i32
        %add3A_828 = vector.broadcast %add3A_827 : i32 to vector<16xi32>
        %add3A_829 = arith.addi %max3A_29, %add3A_828 : vector<16xi32>
        %select_n3A_830 = arith.select %lt3A_826, %add3A_829, %max3A_29 : vector<16xi1>, vector<16xi32>
        %broadcast_in_dim3A_831 = vector.shape_cast %select_n3A_830 : vector<16xi32> to vector<16x1xi32>
        %gather3A_832 = vector.shape_cast %broadcast_in_dim3A_831 : vector<16x1xi32> to vector<16xi32>
        %gather3A_833 = tpu.dynamic_gather %select_n3A_823[%gather3A_832] in [0] : vector<16xf32>, vector<16xi32> -> vector<16xf32>
        %max3A_834 = arith.maximumf %select_n3A_823, %gather3A_833 : vector<16xf32>
        %select_n3A_835 = arith.select %and3A_554, %max3A_834, %select_n3A_823 : vector<16xi1>, vector<16xf32>
        %lt3A_836 = arith.constant 0 : i32
        %lt3A_837 = vector.broadcast %lt3A_836 : i32 to vector<16xi32>
        %lt3A_838 = arith.cmpi slt, %max3A_35, %lt3A_837 : vector<16xi32>
        %add3A_839 = arith.constant 16 : i32
        %add3A_840 = vector.broadcast %add3A_839 : i32 to vector<16xi32>
        %add3A_841 = arith.addi %max3A_35, %add3A_840 : vector<16xi32>
        %select_n3A_842 = arith.select %lt3A_838, %add3A_841, %max3A_35 : vector<16xi1>, vector<16xi32>
        %broadcast_in_dim3A_843 = vector.shape_cast %select_n3A_842 : vector<16xi32> to vector<16x1xi32>
        %gather3A_844 = vector.shape_cast %broadcast_in_dim3A_843 : vector<16x1xi32> to vector<16xi32>
        %gather3A_845 = tpu.dynamic_gather %select_n3A_835[%gather3A_844] in [0] : vector<16xf32>, vector<16xi32> -> vector<16xf32>
        %max3A_846 = arith.maximumf %select_n3A_835, %gather3A_845 : vector<16xf32>
        %select_n3A_847 = arith.select %and3A_569, %max3A_846, %select_n3A_835 : vector<16xi1>, vector<16xf32>
        %gather3A_848 = tpu.vector_load_idx %arg7[%add3A_785] : memref<40000xf32, #tpu.memory_space<vmem>>[vector<16xi32>], vector<16xf32>,
        %max3A_849 = arith.maximumf %select_n3A_847, %gather3A_848 : vector<16xf32>
        %mul3A_850 = arith.constant 64 : i32
        %mul3A_851 = arith.muli %scan3A_91, %mul3A_850 : i32
        %add3A_852 = arith.constant 32 : i32
        %add3A_853 = arith.addi %mul3A_851, %add3A_852 : i32
        %get3A_854 = arith.index_cast %add3A_853 : i32 to index
        %get3A_855 = tpu.vector_load %arg9[%get3A_854] {strides = array<i32>} : memref<8000xi32, #tpu.memory_space<vmem>>, vector<16xi32>,
        %mul3A_856 = arith.constant 64 : i32
        %mul3A_857 = arith.muli %scan3A_91, %mul3A_856 : i32
        %add3A_858 = arith.constant 32 : i32
        %add3A_859 = arith.addi %mul3A_857, %add3A_858 : i32
        %get3A_860 = arith.index_cast %add3A_859 : i32 to index
        %get3A_861 = tpu.vector_load %arg11[%get3A_860] {strides = array<i32>} : memref<8000xi32, #tpu.memory_space<vmem>>, vector<16xi32>,
        %masked_sort3A_862 = arith.constant dense<true> : vector<16xi1>
        %masked_sort3A_863 = arith.constant -2147483648 : i32
        %masked_sort3A_864 = vector.broadcast %masked_sort3A_863 : i32 to vector<16xi32>
        %masked_sort3A_865 = arith.xori %get3A_861, %masked_sort3A_864 : vector<16xi32>
        %masked_sort3A_866, %masked_sort3A_867, %masked_sort3A_868 = tpu.sort %masked_sort3A_865, %iota3A masked %masked_sort3A_862 : (vector<16xi32>, vector<16xi32>, vector<16xi1>) -> (vector<16xi1>, vector<16xi32>, vector<16xi32>)
        %masked_sort3A_869 = arith.xori %masked_sort3A_867, %masked_sort3A_864 : vector<16xi32>
        %lt3A_870 = arith.constant 0 : i32
        %lt3A_871 = vector.broadcast %lt3A_870 : i32 to vector<16xi32>
        %lt3A_872 = arith.cmpi slt, %masked_sort3A_868, %lt3A_871 : vector<16xi32>
        %add3A_873 = arith.constant 16 : i32
        %add3A_874 = vector.broadcast %add3A_873 : i32 to vector<16xi32>
        %add3A_875 = arith.addi %masked_sort3A_868, %add3A_874 : vector<16xi32>
        %select_n3A_876 = arith.select %lt3A_872, %add3A_875, %masked_sort3A_868 : vector<16xi1>, vector<16xi32>
        %broadcast_in_dim3A_877 = vector.shape_cast %select_n3A_876 : vector<16xi32> to vector<16x1xi32>
        %gather3A_878 = vector.shape_cast %broadcast_in_dim3A_877 : vector<16x1xi32> to vector<16xi32>
        %gather3A_879 = tpu.dynamic_gather %get3A_855[%gather3A_878] in [0] : vector<16xi32>, vector<16xi32> -> vector<16xi32>
        %lt3A_880 = arith.constant 0 : i32
        %lt3A_881 = vector.broadcast %lt3A_880 : i32 to vector<16xi32>
        %lt3A_882 = arith.cmpi slt, %min3A_13, %lt3A_881 : vector<16xi32>
        %add3A_883 = arith.constant 16 : i32
        %add3A_884 = vector.broadcast %add3A_883 : i32 to vector<16xi32>
        %add3A_885 = arith.addi %min3A_13, %add3A_884 : vector<16xi32>
        %select_n3A_886 = arith.select %lt3A_882, %add3A_885, %min3A_13 : vector<16xi1>, vector<16xi32>
        %broadcast_in_dim3A_887 = vector.shape_cast %select_n3A_886 : vector<16xi32> to vector<16x1xi32>
        %gather3A_888 = vector.shape_cast %broadcast_in_dim3A_887 : vector<16x1xi32> to vector<16xi32>
        %gather3A_889 = tpu.dynamic_gather %masked_sort3A_869[%gather3A_888] in [0] : vector<16xi32>, vector<16xi32> -> vector<16xi32>
        %ne3A_890 = arith.cmpi ne, %masked_sort3A_869, %gather3A_889 : vector<16xi32>
        %eq3A_891 = arith.constant 15 : i32
        %eq3A_892 = vector.broadcast %eq3A_891 : i32 to vector<16xi32>
        %eq3A_893 = arith.cmpi eq, %iota3A, %eq3A_892 : vector<16xi32>
        %or3A_894 = arith.ori %ne3A_890, %eq3A_893 : vector<16xi1>
        %lt3A_895 = arith.constant 0 : i32
        %lt3A_896 = vector.broadcast %lt3A_895 : i32 to vector<16xi32>
        %lt3A_897 = arith.cmpi slt, %max3A_17, %lt3A_896 : vector<16xi32>
        %add3A_898 = arith.constant 16 : i32
        %add3A_899 = vector.broadcast %add3A_898 : i32 to vector<16xi32>
        %add3A_900 = arith.addi %max3A_17, %add3A_899 : vector<16xi32>
        %select_n3A_901 = arith.select %lt3A_897, %add3A_900, %max3A_17 : vector<16xi1>, vector<16xi32>
        %broadcast_in_dim3A_902 = vector.shape_cast %select_n3A_901 : vector<16xi32> to vector<16x1xi32>
        %gather3A_903 = vector.shape_cast %broadcast_in_dim3A_902 : vector<16x1xi32> to vector<16xi32>
        %gather3A_904 = tpu.dynamic_gather %masked_sort3A_869[%gather3A_903] in [0] : vector<16xi32>, vector<16xi32> -> vector<16xi32>
        %eq3A_905 = arith.cmpi eq, %masked_sort3A_869, %gather3A_904 : vector<16xi32>
        %ge3A_906 = arith.constant 1 : i32
        %ge3A_907 = vector.broadcast %ge3A_906 : i32 to vector<16xi32>
        %ge3A_908 = arith.cmpi sge, %iota3A, %ge3A_907 : vector<16xi32>
        %and3A_909 = arith.andi %eq3A_905, %ge3A_908 : vector<16xi1>
        %lt3A_910 = arith.constant 0 : i32
        %lt3A_911 = vector.broadcast %lt3A_910 : i32 to vector<16xi32>
        %lt3A_912 = arith.cmpi slt, %max3A_23, %lt3A_911 : vector<16xi32>
        %add3A_913 = arith.constant 16 : i32
        %add3A_914 = vector.broadcast %add3A_913 : i32 to vector<16xi32>
        %add3A_915 = arith.addi %max3A_23, %add3A_914 : vector<16xi32>
        %select_n3A_916 = arith.select %lt3A_912, %add3A_915, %max3A_23 : vector<16xi1>, vector<16xi32>
        %broadcast_in_dim3A_917 = vector.shape_cast %select_n3A_916 : vector<16xi32> to vector<16x1xi32>
        %gather3A_918 = vector.shape_cast %broadcast_in_dim3A_917 : vector<16x1xi32> to vector<16xi32>
        %gather3A_919 = tpu.dynamic_gather %masked_sort3A_869[%gather3A_918] in [0] : vector<16xi32>, vector<16xi32> -> vector<16xi32>
        %eq3A_920 = arith.cmpi eq, %masked_sort3A_869, %gather3A_919 : vector<16xi32>
        %ge3A_921 = arith.constant 2 : i32
        %ge3A_922 = vector.broadcast %ge3A_921 : i32 to vector<16xi32>
        %ge3A_923 = arith.cmpi sge, %iota3A, %ge3A_922 : vector<16xi32>
        %and3A_924 = arith.andi %eq3A_920, %ge3A_923 : vector<16xi1>
        %lt3A_925 = arith.constant 0 : i32
        %lt3A_926 = vector.broadcast %lt3A_925 : i32 to vector<16xi32>
        %lt3A_927 = arith.cmpi slt, %max3A_29, %lt3A_926 : vector<16xi32>
        %add3A_928 = arith.constant 16 : i32
        %add3A_929 = vector.broadcast %add3A_928 : i32 to vector<16xi32>
        %add3A_930 = arith.addi %max3A_29, %add3A_929 : vector<16xi32>
        %select_n3A_931 = arith.select %lt3A_927, %add3A_930, %max3A_29 : vector<16xi1>, vector<16xi32>
        %broadcast_in_dim3A_932 = vector.shape_cast %select_n3A_931 : vector<16xi32> to vector<16x1xi32>
        %gather3A_933 = vector.shape_cast %broadcast_in_dim3A_932 : vector<16x1xi32> to vector<16xi32>
        %gather3A_934 = tpu.dynamic_gather %masked_sort3A_869[%gather3A_933] in [0] : vector<16xi32>, vector<16xi32> -> vector<16xi32>
        %eq3A_935 = arith.cmpi eq, %masked_sort3A_869, %gather3A_934 : vector<16xi32>
        %ge3A_936 = arith.constant 4 : i32
        %ge3A_937 = vector.broadcast %ge3A_936 : i32 to vector<16xi32>
        %ge3A_938 = arith.cmpi sge, %iota3A, %ge3A_937 : vector<16xi32>
        %and3A_939 = arith.andi %eq3A_935, %ge3A_938 : vector<16xi1>
        %lt3A_940 = arith.constant 0 : i32
        %lt3A_941 = vector.broadcast %lt3A_940 : i32 to vector<16xi32>
        %lt3A_942 = arith.cmpi slt, %max3A_35, %lt3A_941 : vector<16xi32>
        %add3A_943 = arith.constant 16 : i32
        %add3A_944 = vector.broadcast %add3A_943 : i32 to vector<16xi32>
        %add3A_945 = arith.addi %max3A_35, %add3A_944 : vector<16xi32>
        %select_n3A_946 = arith.select %lt3A_942, %add3A_945, %max3A_35 : vector<16xi1>, vector<16xi32>
        %broadcast_in_dim3A_947 = vector.shape_cast %select_n3A_946 : vector<16xi32> to vector<16x1xi32>
        %gather3A_948 = vector.shape_cast %broadcast_in_dim3A_947 : vector<16x1xi32> to vector<16xi32>
        %gather3A_949 = tpu.dynamic_gather %masked_sort3A_869[%gather3A_948] in [0] : vector<16xi32>, vector<16xi32> -> vector<16xi32>
        %eq3A_950 = arith.cmpi eq, %masked_sort3A_869, %gather3A_949 : vector<16xi32>
        %ge3A_951 = arith.constant 8 : i32
        %ge3A_952 = vector.broadcast %ge3A_951 : i32 to vector<16xi32>
        %ge3A_953 = arith.cmpi sge, %iota3A, %ge3A_952 : vector<16xi32>
        %and3A_954 = arith.andi %eq3A_950, %ge3A_953 : vector<16xi1>
        %add3A_955 = arith.constant 0 : i32
        %add3A_956 = vector.broadcast %add3A_955 : i32 to vector<16xi32>
        %add3A_957 = arith.addi %gather3A_879, %add3A_956 : vector<16xi32>
        %add3A_958 = arith.constant 0 : i32
        %add3A_959 = vector.broadcast %add3A_958 : i32 to vector<16xi32>
        %add3A_960 = arith.addi %masked_sort3A_869, %add3A_959 : vector<16xi32>
        %gather3A_961 = tpu.vector_load_idx %arg6[%add3A_957] : memref<40000xf32, #tpu.memory_space<vmem>>[vector<16xi32>], vector<16xf32>,
        %gather3A_962 = tpu.vector_load_idx %arg6[%add3A_960] : memref<40000xf32, #tpu.memory_space<vmem>>[vector<16xi32>], vector<16xf32>,
        %add3A_963 = arith.addf %gather3A_961, %gather3A_962 : vector<16xf32>
        %neg3A_964 = arith.constant 0.000000e+00 : f32
        %neg3A_965 = vector.broadcast %neg3A_964 : f32 to vector<16xf32>
        %neg3A_966 = arith.subf %neg3A_965, %add3A_963 : vector<16xf32>
        %exp3A_967 = math.exp %neg3A_966 : vector<16xf32>
        %add3A_968 = arith.constant 1.000000e+00 : f32
        %add3A_969 = vector.broadcast %add3A_968 : f32 to vector<16xf32>
        %add3A_970 = arith.addf %add3A_969, %exp3A_967 : vector<16xf32>
        %div3A_971 = arith.constant 1.000000e+00 : f32
        %div3A_972 = vector.broadcast %div3A_971 : f32 to vector<16xf32>
        %div3A_973 = arith.divf %div3A_972, %add3A_970 : vector<16xf32>
        %mul3A_974 = arith.mulf %div3A_973, %gather3A_961 : vector<16xf32>
        %lt3A_975 = arith.constant 0 : i32
        %lt3A_976 = vector.broadcast %lt3A_975 : i32 to vector<16xi32>
        %lt3A_977 = arith.cmpi slt, %max3A_17, %lt3A_976 : vector<16xi32>
        %add3A_978 = arith.constant 16 : i32
        %add3A_979 = vector.broadcast %add3A_978 : i32 to vector<16xi32>
        %add3A_980 = arith.addi %max3A_17, %add3A_979 : vector<16xi32>
        %select_n3A_981 = arith.select %lt3A_977, %add3A_980, %max3A_17 : vector<16xi1>, vector<16xi32>
        %broadcast_in_dim3A_982 = vector.shape_cast %select_n3A_981 : vector<16xi32> to vector<16x1xi32>
        %gather3A_983 = vector.shape_cast %broadcast_in_dim3A_982 : vector<16x1xi32> to vector<16xi32>
        %gather3A_984 = tpu.dynamic_gather %mul3A_974[%gather3A_983] in [0] : vector<16xf32>, vector<16xi32> -> vector<16xf32>
        %max3A_985 = arith.maximumf %mul3A_974, %gather3A_984 : vector<16xf32>
        %select_n3A_986 = arith.select %and3A_909, %max3A_985, %mul3A_974 : vector<16xi1>, vector<16xf32>
        %lt3A_987 = arith.constant 0 : i32
        %lt3A_988 = vector.broadcast %lt3A_987 : i32 to vector<16xi32>
        %lt3A_989 = arith.cmpi slt, %max3A_23, %lt3A_988 : vector<16xi32>
        %add3A_990 = arith.constant 16 : i32
        %add3A_991 = vector.broadcast %add3A_990 : i32 to vector<16xi32>
        %add3A_992 = arith.addi %max3A_23, %add3A_991 : vector<16xi32>
        %select_n3A_993 = arith.select %lt3A_989, %add3A_992, %max3A_23 : vector<16xi1>, vector<16xi32>
        %broadcast_in_dim3A_994 = vector.shape_cast %select_n3A_993 : vector<16xi32> to vector<16x1xi32>
        %gather3A_995 = vector.shape_cast %broadcast_in_dim3A_994 : vector<16x1xi32> to vector<16xi32>
        %gather3A_996 = tpu.dynamic_gather %select_n3A_986[%gather3A_995] in [0] : vector<16xf32>, vector<16xi32> -> vector<16xf32>
        %max3A_997 = arith.maximumf %select_n3A_986, %gather3A_996 : vector<16xf32>
        %select_n3A_998 = arith.select %and3A_924, %max3A_997, %select_n3A_986 : vector<16xi1>, vector<16xf32>
        %lt3A_999 = arith.constant 0 : i32
        %lt3A_1000 = vector.broadcast %lt3A_999 : i32 to vector<16xi32>
        %lt3A_1001 = arith.cmpi slt, %max3A_29, %lt3A_1000 : vector<16xi32>
        %add3A_1002 = arith.constant 16 : i32
        %add3A_1003 = vector.broadcast %add3A_1002 : i32 to vector<16xi32>
        %add3A_1004 = arith.addi %max3A_29, %add3A_1003 : vector<16xi32>
        %select_n3A_1005 = arith.select %lt3A_1001, %add3A_1004, %max3A_29 : vector<16xi1>, vector<16xi32>
        %broadcast_in_dim3A_1006 = vector.shape_cast %select_n3A_1005 : vector<16xi32> to vector<16x1xi32>
        %gather3A_1007 = vector.shape_cast %broadcast_in_dim3A_1006 : vector<16x1xi32> to vector<16xi32>
        %gather3A_1008 = tpu.dynamic_gather %select_n3A_998[%gather3A_1007] in [0] : vector<16xf32>, vector<16xi32> -> vector<16xf32>
        %max3A_1009 = arith.maximumf %select_n3A_998, %gather3A_1008 : vector<16xf32>
        %select_n3A_1010 = arith.select %and3A_939, %max3A_1009, %select_n3A_998 : vector<16xi1>, vector<16xf32>
        %lt3A_1011 = arith.constant 0 : i32
        %lt3A_1012 = vector.broadcast %lt3A_1011 : i32 to vector<16xi32>
        %lt3A_1013 = arith.cmpi slt, %max3A_35, %lt3A_1012 : vector<16xi32>
        %add3A_1014 = arith.constant 16 : i32
        %add3A_1015 = vector.broadcast %add3A_1014 : i32 to vector<16xi32>
        %add3A_1016 = arith.addi %max3A_35, %add3A_1015 : vector<16xi32>
        %select_n3A_1017 = arith.select %lt3A_1013, %add3A_1016, %max3A_35 : vector<16xi1>, vector<16xi32>
        %broadcast_in_dim3A_1018 = vector.shape_cast %select_n3A_1017 : vector<16xi32> to vector<16x1xi32>
        %gather3A_1019 = vector.shape_cast %broadcast_in_dim3A_1018 : vector<16x1xi32> to vector<16xi32>
        %gather3A_1020 = tpu.dynamic_gather %select_n3A_1010[%gather3A_1019] in [0] : vector<16xf32>, vector<16xi32> -> vector<16xf32>
        %max3A_1021 = arith.maximumf %select_n3A_1010, %gather3A_1020 : vector<16xf32>
        %select_n3A_1022 = arith.select %and3A_954, %max3A_1021, %select_n3A_1010 : vector<16xi1>, vector<16xf32>
        %gather3A_1023 = tpu.vector_load_idx %arg7[%add3A_960] : memref<40000xf32, #tpu.memory_space<vmem>>[vector<16xi32>], vector<16xf32>,
        %max3A_1024 = arith.maximumf %select_n3A_1022, %gather3A_1023 : vector<16xf32>
        %add3A_1025 = arith.constant 10000 : i32
        %add3A_1026 = vector.broadcast %add3A_1025 : i32 to vector<16xi32>
        %add3A_1027 = arith.addi %gather3A_879, %add3A_1026 : vector<16xi32>
        %add3A_1028 = arith.constant 10000 : i32
        %add3A_1029 = vector.broadcast %add3A_1028 : i32 to vector<16xi32>
        %add3A_1030 = arith.addi %masked_sort3A_869, %add3A_1029 : vector<16xi32>
        %gather3A_1031 = tpu.vector_load_idx %arg6[%add3A_1027] : memref<40000xf32, #tpu.memory_space<vmem>>[vector<16xi32>], vector<16xf32>,
        %gather3A_1032 = tpu.vector_load_idx %arg6[%add3A_1030] : memref<40000xf32, #tpu.memory_space<vmem>>[vector<16xi32>], vector<16xf32>,
        %add3A_1033 = arith.addf %gather3A_1031, %gather3A_1032 : vector<16xf32>
        %neg3A_1034 = arith.constant 0.000000e+00 : f32
        %neg3A_1035 = vector.broadcast %neg3A_1034 : f32 to vector<16xf32>
        %neg3A_1036 = arith.subf %neg3A_1035, %add3A_1033 : vector<16xf32>
        %exp3A_1037 = math.exp %neg3A_1036 : vector<16xf32>
        %add3A_1038 = arith.constant 1.000000e+00 : f32
        %add3A_1039 = vector.broadcast %add3A_1038 : f32 to vector<16xf32>
        %add3A_1040 = arith.addf %add3A_1039, %exp3A_1037 : vector<16xf32>
        %div3A_1041 = arith.constant 1.000000e+00 : f32
        %div3A_1042 = vector.broadcast %div3A_1041 : f32 to vector<16xf32>
        %div3A_1043 = arith.divf %div3A_1042, %add3A_1040 : vector<16xf32>
        %mul3A_1044 = arith.mulf %div3A_1043, %gather3A_1031 : vector<16xf32>
        %lt3A_1045 = arith.constant 0 : i32
        %lt3A_1046 = vector.broadcast %lt3A_1045 : i32 to vector<16xi32>
        %lt3A_1047 = arith.cmpi slt, %max3A_17, %lt3A_1046 : vector<16xi32>
        %add3A_1048 = arith.constant 16 : i32
        %add3A_1049 = vector.broadcast %add3A_1048 : i32 to vector<16xi32>
        %add3A_1050 = arith.addi %max3A_17, %add3A_1049 : vector<16xi32>
        %select_n3A_1051 = arith.select %lt3A_1047, %add3A_1050, %max3A_17 : vector<16xi1>, vector<16xi32>
        %broadcast_in_dim3A_1052 = vector.shape_cast %select_n3A_1051 : vector<16xi32> to vector<16x1xi32>
        %gather3A_1053 = vector.shape_cast %broadcast_in_dim3A_1052 : vector<16x1xi32> to vector<16xi32>
        %gather3A_1054 = tpu.dynamic_gather %mul3A_1044[%gather3A_1053] in [0] : vector<16xf32>, vector<16xi32> -> vector<16xf32>
        %max3A_1055 = arith.maximumf %mul3A_1044, %gather3A_1054 : vector<16xf32>
        %select_n3A_1056 = arith.select %and3A_909, %max3A_1055, %mul3A_1044 : vector<16xi1>, vector<16xf32>
        %lt3A_1057 = arith.constant 0 : i32
        %lt3A_1058 = vector.broadcast %lt3A_1057 : i32 to vector<16xi32>
        %lt3A_1059 = arith.cmpi slt, %max3A_23, %lt3A_1058 : vector<16xi32>
        %add3A_1060 = arith.constant 16 : i32
        %add3A_1061 = vector.broadcast %add3A_1060 : i32 to vector<16xi32>
        %add3A_1062 = arith.addi %max3A_23, %add3A_1061 : vector<16xi32>
        %select_n3A_1063 = arith.select %lt3A_1059, %add3A_1062, %max3A_23 : vector<16xi1>, vector<16xi32>
        %broadcast_in_dim3A_1064 = vector.shape_cast %select_n3A_1063 : vector<16xi32> to vector<16x1xi32>
        %gather3A_1065 = vector.shape_cast %broadcast_in_dim3A_1064 : vector<16x1xi32> to vector<16xi32>
        %gather3A_1066 = tpu.dynamic_gather %select_n3A_1056[%gather3A_1065] in [0] : vector<16xf32>, vector<16xi32> -> vector<16xf32>
        %max3A_1067 = arith.maximumf %select_n3A_1056, %gather3A_1066 : vector<16xf32>
        %select_n3A_1068 = arith.select %and3A_924, %max3A_1067, %select_n3A_1056 : vector<16xi1>, vector<16xf32>
        %lt3A_1069 = arith.constant 0 : i32
        %lt3A_1070 = vector.broadcast %lt3A_1069 : i32 to vector<16xi32>
        %lt3A_1071 = arith.cmpi slt, %max3A_29, %lt3A_1070 : vector<16xi32>
        %add3A_1072 = arith.constant 16 : i32
        %add3A_1073 = vector.broadcast %add3A_1072 : i32 to vector<16xi32>
        %add3A_1074 = arith.addi %max3A_29, %add3A_1073 : vector<16xi32>
        %select_n3A_1075 = arith.select %lt3A_1071, %add3A_1074, %max3A_29 : vector<16xi1>, vector<16xi32>
        %broadcast_in_dim3A_1076 = vector.shape_cast %select_n3A_1075 : vector<16xi32> to vector<16x1xi32>
        %gather3A_1077 = vector.shape_cast %broadcast_in_dim3A_1076 : vector<16x1xi32> to vector<16xi32>
        %gather3A_1078 = tpu.dynamic_gather %select_n3A_1068[%gather3A_1077] in [0] : vector<16xf32>, vector<16xi32> -> vector<16xf32>
        %max3A_1079 = arith.maximumf %select_n3A_1068, %gather3A_1078 : vector<16xf32>
        %select_n3A_1080 = arith.select %and3A_939, %max3A_1079, %select_n3A_1068 : vector<16xi1>, vector<16xf32>
        %lt3A_1081 = arith.constant 0 : i32
        %lt3A_1082 = vector.broadcast %lt3A_1081 : i32 to vector<16xi32>
        %lt3A_1083 = arith.cmpi slt, %max3A_35, %lt3A_1082 : vector<16xi32>
        %add3A_1084 = arith.constant 16 : i32
        %add3A_1085 = vector.broadcast %add3A_1084 : i32 to vector<16xi32>
        %add3A_1086 = arith.addi %max3A_35, %add3A_1085 : vector<16xi32>
        %select_n3A_1087 = arith.select %lt3A_1083, %add3A_1086, %max3A_35 : vector<16xi1>, vector<16xi32>
        %broadcast_in_dim3A_1088 = vector.shape_cast %select_n3A_1087 : vector<16xi32> to vector<16x1xi32>
        %gather3A_1089 = vector.shape_cast %broadcast_in_dim3A_1088 : vector<16x1xi32> to vector<16xi32>
        %gather3A_1090 = tpu.dynamic_gather %select_n3A_1080[%gather3A_1089] in [0] : vector<16xf32>, vector<16xi32> -> vector<16xf32>
        %max3A_1091 = arith.maximumf %select_n3A_1080, %gather3A_1090 : vector<16xf32>
        %select_n3A_1092 = arith.select %and3A_954, %max3A_1091, %select_n3A_1080 : vector<16xi1>, vector<16xf32>
        %gather3A_1093 = tpu.vector_load_idx %arg7[%add3A_1030] : memref<40000xf32, #tpu.memory_space<vmem>>[vector<16xi32>], vector<16xf32>,
        %max3A_1094 = arith.maximumf %select_n3A_1092, %gather3A_1093 : vector<16xf32>
        %add3A_1095 = arith.constant 20000 : i32
        %add3A_1096 = vector.broadcast %add3A_1095 : i32 to vector<16xi32>
        %add3A_1097 = arith.addi %gather3A_879, %add3A_1096 : vector<16xi32>
        %add3A_1098 = arith.constant 20000 : i32
        %add3A_1099 = vector.broadcast %add3A_1098 : i32 to vector<16xi32>
        %add3A_1100 = arith.addi %masked_sort3A_869, %add3A_1099 : vector<16xi32>
        %gather3A_1101 = tpu.vector_load_idx %arg6[%add3A_1097] : memref<40000xf32, #tpu.memory_space<vmem>>[vector<16xi32>], vector<16xf32>,
        %gather3A_1102 = tpu.vector_load_idx %arg6[%add3A_1100] : memref<40000xf32, #tpu.memory_space<vmem>>[vector<16xi32>], vector<16xf32>,
        %add3A_1103 = arith.addf %gather3A_1101, %gather3A_1102 : vector<16xf32>
        %neg3A_1104 = arith.constant 0.000000e+00 : f32
        %neg3A_1105 = vector.broadcast %neg3A_1104 : f32 to vector<16xf32>
        %neg3A_1106 = arith.subf %neg3A_1105, %add3A_1103 : vector<16xf32>
        %exp3A_1107 = math.exp %neg3A_1106 : vector<16xf32>
        %add3A_1108 = arith.constant 1.000000e+00 : f32
        %add3A_1109 = vector.broadcast %add3A_1108 : f32 to vector<16xf32>
        %add3A_1110 = arith.addf %add3A_1109, %exp3A_1107 : vector<16xf32>
        %div3A_1111 = arith.constant 1.000000e+00 : f32
        %div3A_1112 = vector.broadcast %div3A_1111 : f32 to vector<16xf32>
        %div3A_1113 = arith.divf %div3A_1112, %add3A_1110 : vector<16xf32>
        %mul3A_1114 = arith.mulf %div3A_1113, %gather3A_1101 : vector<16xf32>
        %lt3A_1115 = arith.constant 0 : i32
        %lt3A_1116 = vector.broadcast %lt3A_1115 : i32 to vector<16xi32>
        %lt3A_1117 = arith.cmpi slt, %max3A_17, %lt3A_1116 : vector<16xi32>
        %add3A_1118 = arith.constant 16 : i32
        %add3A_1119 = vector.broadcast %add3A_1118 : i32 to vector<16xi32>
        %add3A_1120 = arith.addi %max3A_17, %add3A_1119 : vector<16xi32>
        %select_n3A_1121 = arith.select %lt3A_1117, %add3A_1120, %max3A_17 : vector<16xi1>, vector<16xi32>
        %broadcast_in_dim3A_1122 = vector.shape_cast %select_n3A_1121 : vector<16xi32> to vector<16x1xi32>
        %gather3A_1123 = vector.shape_cast %broadcast_in_dim3A_1122 : vector<16x1xi32> to vector<16xi32>
        %gather3A_1124 = tpu.dynamic_gather %mul3A_1114[%gather3A_1123] in [0] : vector<16xf32>, vector<16xi32> -> vector<16xf32>
        %max3A_1125 = arith.maximumf %mul3A_1114, %gather3A_1124 : vector<16xf32>
        %select_n3A_1126 = arith.select %and3A_909, %max3A_1125, %mul3A_1114 : vector<16xi1>, vector<16xf32>
        %lt3A_1127 = arith.constant 0 : i32
        %lt3A_1128 = vector.broadcast %lt3A_1127 : i32 to vector<16xi32>
        %lt3A_1129 = arith.cmpi slt, %max3A_23, %lt3A_1128 : vector<16xi32>
        %add3A_1130 = arith.constant 16 : i32
        %add3A_1131 = vector.broadcast %add3A_1130 : i32 to vector<16xi32>
        %add3A_1132 = arith.addi %max3A_23, %add3A_1131 : vector<16xi32>
        %select_n3A_1133 = arith.select %lt3A_1129, %add3A_1132, %max3A_23 : vector<16xi1>, vector<16xi32>
        %broadcast_in_dim3A_1134 = vector.shape_cast %select_n3A_1133 : vector<16xi32> to vector<16x1xi32>
        %gather3A_1135 = vector.shape_cast %broadcast_in_dim3A_1134 : vector<16x1xi32> to vector<16xi32>
        %gather3A_1136 = tpu.dynamic_gather %select_n3A_1126[%gather3A_1135] in [0] : vector<16xf32>, vector<16xi32> -> vector<16xf32>
        %max3A_1137 = arith.maximumf %select_n3A_1126, %gather3A_1136 : vector<16xf32>
        %select_n3A_1138 = arith.select %and3A_924, %max3A_1137, %select_n3A_1126 : vector<16xi1>, vector<16xf32>
        %lt3A_1139 = arith.constant 0 : i32
        %lt3A_1140 = vector.broadcast %lt3A_1139 : i32 to vector<16xi32>
        %lt3A_1141 = arith.cmpi slt, %max3A_29, %lt3A_1140 : vector<16xi32>
        %add3A_1142 = arith.constant 16 : i32
        %add3A_1143 = vector.broadcast %add3A_1142 : i32 to vector<16xi32>
        %add3A_1144 = arith.addi %max3A_29, %add3A_1143 : vector<16xi32>
        %select_n3A_1145 = arith.select %lt3A_1141, %add3A_1144, %max3A_29 : vector<16xi1>, vector<16xi32>
        %broadcast_in_dim3A_1146 = vector.shape_cast %select_n3A_1145 : vector<16xi32> to vector<16x1xi32>
        %gather3A_1147 = vector.shape_cast %broadcast_in_dim3A_1146 : vector<16x1xi32> to vector<16xi32>
        %gather3A_1148 = tpu.dynamic_gather %select_n3A_1138[%gather3A_1147] in [0] : vector<16xf32>, vector<16xi32> -> vector<16xf32>
        %max3A_1149 = arith.maximumf %select_n3A_1138, %gather3A_1148 : vector<16xf32>
        %select_n3A_1150 = arith.select %and3A_939, %max3A_1149, %select_n3A_1138 : vector<16xi1>, vector<16xf32>
        %lt3A_1151 = arith.constant 0 : i32
        %lt3A_1152 = vector.broadcast %lt3A_1151 : i32 to vector<16xi32>
        %lt3A_1153 = arith.cmpi slt, %max3A_35, %lt3A_1152 : vector<16xi32>
        %add3A_1154 = arith.constant 16 : i32
        %add3A_1155 = vector.broadcast %add3A_1154 : i32 to vector<16xi32>
        %add3A_1156 = arith.addi %max3A_35, %add3A_1155 : vector<16xi32>
        %select_n3A_1157 = arith.select %lt3A_1153, %add3A_1156, %max3A_35 : vector<16xi1>, vector<16xi32>
        %broadcast_in_dim3A_1158 = vector.shape_cast %select_n3A_1157 : vector<16xi32> to vector<16x1xi32>
        %gather3A_1159 = vector.shape_cast %broadcast_in_dim3A_1158 : vector<16x1xi32> to vector<16xi32>
        %gather3A_1160 = tpu.dynamic_gather %select_n3A_1150[%gather3A_1159] in [0] : vector<16xf32>, vector<16xi32> -> vector<16xf32>
        %max3A_1161 = arith.maximumf %select_n3A_1150, %gather3A_1160 : vector<16xf32>
        %select_n3A_1162 = arith.select %and3A_954, %max3A_1161, %select_n3A_1150 : vector<16xi1>, vector<16xf32>
        %gather3A_1163 = tpu.vector_load_idx %arg7[%add3A_1100] : memref<40000xf32, #tpu.memory_space<vmem>>[vector<16xi32>], vector<16xf32>,
        %max3A_1164 = arith.maximumf %select_n3A_1162, %gather3A_1163 : vector<16xf32>
        %add3A_1165 = arith.constant 30000 : i32
        %add3A_1166 = vector.broadcast %add3A_1165 : i32 to vector<16xi32>
        %add3A_1167 = arith.addi %gather3A_879, %add3A_1166 : vector<16xi32>
        %add3A_1168 = arith.constant 30000 : i32
        %add3A_1169 = vector.broadcast %add3A_1168 : i32 to vector<16xi32>
        %add3A_1170 = arith.addi %masked_sort3A_869, %add3A_1169 : vector<16xi32>
        %gather3A_1171 = tpu.vector_load_idx %arg6[%add3A_1167] : memref<40000xf32, #tpu.memory_space<vmem>>[vector<16xi32>], vector<16xf32>,
        %gather3A_1172 = tpu.vector_load_idx %arg6[%add3A_1170] : memref<40000xf32, #tpu.memory_space<vmem>>[vector<16xi32>], vector<16xf32>,
        %add3A_1173 = arith.addf %gather3A_1171, %gather3A_1172 : vector<16xf32>
        %neg3A_1174 = arith.constant 0.000000e+00 : f32
        %neg3A_1175 = vector.broadcast %neg3A_1174 : f32 to vector<16xf32>
        %neg3A_1176 = arith.subf %neg3A_1175, %add3A_1173 : vector<16xf32>
        %exp3A_1177 = math.exp %neg3A_1176 : vector<16xf32>
        %add3A_1178 = arith.constant 1.000000e+00 : f32
        %add3A_1179 = vector.broadcast %add3A_1178 : f32 to vector<16xf32>
        %add3A_1180 = arith.addf %add3A_1179, %exp3A_1177 : vector<16xf32>
        %div3A_1181 = arith.constant 1.000000e+00 : f32
        %div3A_1182 = vector.broadcast %div3A_1181 : f32 to vector<16xf32>
        %div3A_1183 = arith.divf %div3A_1182, %add3A_1180 : vector<16xf32>
        %mul3A_1184 = arith.mulf %div3A_1183, %gather3A_1171 : vector<16xf32>
        %lt3A_1185 = arith.constant 0 : i32
        %lt3A_1186 = vector.broadcast %lt3A_1185 : i32 to vector<16xi32>
        %lt3A_1187 = arith.cmpi slt, %max3A_17, %lt3A_1186 : vector<16xi32>
        %add3A_1188 = arith.constant 16 : i32
        %add3A_1189 = vector.broadcast %add3A_1188 : i32 to vector<16xi32>
        %add3A_1190 = arith.addi %max3A_17, %add3A_1189 : vector<16xi32>
        %select_n3A_1191 = arith.select %lt3A_1187, %add3A_1190, %max3A_17 : vector<16xi1>, vector<16xi32>
        %broadcast_in_dim3A_1192 = vector.shape_cast %select_n3A_1191 : vector<16xi32> to vector<16x1xi32>
        %gather3A_1193 = vector.shape_cast %broadcast_in_dim3A_1192 : vector<16x1xi32> to vector<16xi32>
        %gather3A_1194 = tpu.dynamic_gather %mul3A_1184[%gather3A_1193] in [0] : vector<16xf32>, vector<16xi32> -> vector<16xf32>
        %max3A_1195 = arith.maximumf %mul3A_1184, %gather3A_1194 : vector<16xf32>
        %select_n3A_1196 = arith.select %and3A_909, %max3A_1195, %mul3A_1184 : vector<16xi1>, vector<16xf32>
        %lt3A_1197 = arith.constant 0 : i32
        %lt3A_1198 = vector.broadcast %lt3A_1197 : i32 to vector<16xi32>
        %lt3A_1199 = arith.cmpi slt, %max3A_23, %lt3A_1198 : vector<16xi32>
        %add3A_1200 = arith.constant 16 : i32
        %add3A_1201 = vector.broadcast %add3A_1200 : i32 to vector<16xi32>
        %add3A_1202 = arith.addi %max3A_23, %add3A_1201 : vector<16xi32>
        %select_n3A_1203 = arith.select %lt3A_1199, %add3A_1202, %max3A_23 : vector<16xi1>, vector<16xi32>
        %broadcast_in_dim3A_1204 = vector.shape_cast %select_n3A_1203 : vector<16xi32> to vector<16x1xi32>
        %gather3A_1205 = vector.shape_cast %broadcast_in_dim3A_1204 : vector<16x1xi32> to vector<16xi32>
        %gather3A_1206 = tpu.dynamic_gather %select_n3A_1196[%gather3A_1205] in [0] : vector<16xf32>, vector<16xi32> -> vector<16xf32>
        %max3A_1207 = arith.maximumf %select_n3A_1196, %gather3A_1206 : vector<16xf32>
        %select_n3A_1208 = arith.select %and3A_924, %max3A_1207, %select_n3A_1196 : vector<16xi1>, vector<16xf32>
        %lt3A_1209 = arith.constant 0 : i32
        %lt3A_1210 = vector.broadcast %lt3A_1209 : i32 to vector<16xi32>
        %lt3A_1211 = arith.cmpi slt, %max3A_29, %lt3A_1210 : vector<16xi32>
        %add3A_1212 = arith.constant 16 : i32
        %add3A_1213 = vector.broadcast %add3A_1212 : i32 to vector<16xi32>
        %add3A_1214 = arith.addi %max3A_29, %add3A_1213 : vector<16xi32>
        %select_n3A_1215 = arith.select %lt3A_1211, %add3A_1214, %max3A_29 : vector<16xi1>, vector<16xi32>
        %broadcast_in_dim3A_1216 = vector.shape_cast %select_n3A_1215 : vector<16xi32> to vector<16x1xi32>
        %gather3A_1217 = vector.shape_cast %broadcast_in_dim3A_1216 : vector<16x1xi32> to vector<16xi32>
        %gather3A_1218 = tpu.dynamic_gather %select_n3A_1208[%gather3A_1217] in [0] : vector<16xf32>, vector<16xi32> -> vector<16xf32>
        %max3A_1219 = arith.maximumf %select_n3A_1208, %gather3A_1218 : vector<16xf32>
        %select_n3A_1220 = arith.select %and3A_939, %max3A_1219, %select_n3A_1208 : vector<16xi1>, vector<16xf32>
        %lt3A_1221 = arith.constant 0 : i32
        %lt3A_1222 = vector.broadcast %lt3A_1221 : i32 to vector<16xi32>
        %lt3A_1223 = arith.cmpi slt, %max3A_35, %lt3A_1222 : vector<16xi32>
        %add3A_1224 = arith.constant 16 : i32
        %add3A_1225 = vector.broadcast %add3A_1224 : i32 to vector<16xi32>
        %add3A_1226 = arith.addi %max3A_35, %add3A_1225 : vector<16xi32>
        %select_n3A_1227 = arith.select %lt3A_1223, %add3A_1226, %max3A_35 : vector<16xi1>, vector<16xi32>
        %broadcast_in_dim3A_1228 = vector.shape_cast %select_n3A_1227 : vector<16xi32> to vector<16x1xi32>
        %gather3A_1229 = vector.shape_cast %broadcast_in_dim3A_1228 : vector<16x1xi32> to vector<16xi32>
        %gather3A_1230 = tpu.dynamic_gather %select_n3A_1220[%gather3A_1229] in [0] : vector<16xf32>, vector<16xi32> -> vector<16xf32>
        %max3A_1231 = arith.maximumf %select_n3A_1220, %gather3A_1230 : vector<16xf32>
        %select_n3A_1232 = arith.select %and3A_954, %max3A_1231, %select_n3A_1220 : vector<16xi1>, vector<16xf32>
        %gather3A_1233 = tpu.vector_load_idx %arg7[%add3A_1170] : memref<40000xf32, #tpu.memory_space<vmem>>[vector<16xi32>], vector<16xf32>,
        %max3A_1234 = arith.maximumf %select_n3A_1232, %gather3A_1233 : vector<16xf32>
        %mul3A_1235 = arith.constant 64 : i32
        %mul3A_1236 = arith.muli %scan3A_91, %mul3A_1235 : i32
        %add3A_1237 = arith.constant 48 : i32
        %add3A_1238 = arith.addi %mul3A_1236, %add3A_1237 : i32
        %get3A_1239 = arith.index_cast %add3A_1238 : i32 to index
        %get3A_1240 = tpu.vector_load %arg9[%get3A_1239] {strides = array<i32>} : memref<8000xi32, #tpu.memory_space<vmem>>, vector<16xi32>,
        %mul3A_1241 = arith.constant 64 : i32
        %mul3A_1242 = arith.muli %scan3A_91, %mul3A_1241 : i32
        %add3A_1243 = arith.constant 48 : i32
        %add3A_1244 = arith.addi %mul3A_1242, %add3A_1243 : i32
        %get3A_1245 = arith.index_cast %add3A_1244 : i32 to index
        %get3A_1246 = tpu.vector_load %arg11[%get3A_1245] {strides = array<i32>} : memref<8000xi32, #tpu.memory_space<vmem>>, vector<16xi32>,
        %masked_sort3A_1247 = arith.constant dense<true> : vector<16xi1>
        %masked_sort3A_1248 = arith.constant -2147483648 : i32
        %masked_sort3A_1249 = vector.broadcast %masked_sort3A_1248 : i32 to vector<16xi32>
        %masked_sort3A_1250 = arith.xori %get3A_1246, %masked_sort3A_1249 : vector<16xi32>
        %masked_sort3A_1251, %masked_sort3A_1252, %masked_sort3A_1253 = tpu.sort %masked_sort3A_1250, %iota3A masked %masked_sort3A_1247 : (vector<16xi32>, vector<16xi32>, vector<16xi1>) -> (vector<16xi1>, vector<16xi32>, vector<16xi32>)
        %masked_sort3A_1254 = arith.xori %masked_sort3A_1252, %masked_sort3A_1249 : vector<16xi32>
        %lt3A_1255 = arith.constant 0 : i32
        %lt3A_1256 = vector.broadcast %lt3A_1255 : i32 to vector<16xi32>
        %lt3A_1257 = arith.cmpi slt, %masked_sort3A_1253, %lt3A_1256 : vector<16xi32>
        %add3A_1258 = arith.constant 16 : i32
        %add3A_1259 = vector.broadcast %add3A_1258 : i32 to vector<16xi32>
        %add3A_1260 = arith.addi %masked_sort3A_1253, %add3A_1259 : vector<16xi32>
        %select_n3A_1261 = arith.select %lt3A_1257, %add3A_1260, %masked_sort3A_1253 : vector<16xi1>, vector<16xi32>
        %broadcast_in_dim3A_1262 = vector.shape_cast %select_n3A_1261 : vector<16xi32> to vector<16x1xi32>
        %gather3A_1263 = vector.shape_cast %broadcast_in_dim3A_1262 : vector<16x1xi32> to vector<16xi32>
        %gather3A_1264 = tpu.dynamic_gather %get3A_1240[%gather3A_1263] in [0] : vector<16xi32>, vector<16xi32> -> vector<16xi32>
        %lt3A_1265 = arith.constant 0 : i32
        %lt3A_1266 = vector.broadcast %lt3A_1265 : i32 to vector<16xi32>
        %lt3A_1267 = arith.cmpi slt, %min3A_13, %lt3A_1266 : vector<16xi32>
        %add3A_1268 = arith.constant 16 : i32
        %add3A_1269 = vector.broadcast %add3A_1268 : i32 to vector<16xi32>
        %add3A_1270 = arith.addi %min3A_13, %add3A_1269 : vector<16xi32>
        %select_n3A_1271 = arith.select %lt3A_1267, %add3A_1270, %min3A_13 : vector<16xi1>, vector<16xi32>
        %broadcast_in_dim3A_1272 = vector.shape_cast %select_n3A_1271 : vector<16xi32> to vector<16x1xi32>
        %gather3A_1273 = vector.shape_cast %broadcast_in_dim3A_1272 : vector<16x1xi32> to vector<16xi32>
        %gather3A_1274 = tpu.dynamic_gather %masked_sort3A_1254[%gather3A_1273] in [0] : vector<16xi32>, vector<16xi32> -> vector<16xi32>
        %ne3A_1275 = arith.cmpi ne, %masked_sort3A_1254, %gather3A_1274 : vector<16xi32>
        %eq3A_1276 = arith.constant 15 : i32
        %eq3A_1277 = vector.broadcast %eq3A_1276 : i32 to vector<16xi32>
        %eq3A_1278 = arith.cmpi eq, %iota3A, %eq3A_1277 : vector<16xi32>
        %or3A_1279 = arith.ori %ne3A_1275, %eq3A_1278 : vector<16xi1>
        %lt3A_1280 = arith.constant 0 : i32
        %lt3A_1281 = vector.broadcast %lt3A_1280 : i32 to vector<16xi32>
        %lt3A_1282 = arith.cmpi slt, %max3A_17, %lt3A_1281 : vector<16xi32>
        %add3A_1283 = arith.constant 16 : i32
        %add3A_1284 = vector.broadcast %add3A_1283 : i32 to vector<16xi32>
        %add3A_1285 = arith.addi %max3A_17, %add3A_1284 : vector<16xi32>
        %select_n3A_1286 = arith.select %lt3A_1282, %add3A_1285, %max3A_17 : vector<16xi1>, vector<16xi32>
        %broadcast_in_dim3A_1287 = vector.shape_cast %select_n3A_1286 : vector<16xi32> to vector<16x1xi32>
        %gather3A_1288 = vector.shape_cast %broadcast_in_dim3A_1287 : vector<16x1xi32> to vector<16xi32>
        %gather3A_1289 = tpu.dynamic_gather %masked_sort3A_1254[%gather3A_1288] in [0] : vector<16xi32>, vector<16xi32> -> vector<16xi32>
        %eq3A_1290 = arith.cmpi eq, %masked_sort3A_1254, %gather3A_1289 : vector<16xi32>
        %ge3A_1291 = arith.constant 1 : i32
        %ge3A_1292 = vector.broadcast %ge3A_1291 : i32 to vector<16xi32>
        %ge3A_1293 = arith.cmpi sge, %iota3A, %ge3A_1292 : vector<16xi32>
        %and3A_1294 = arith.andi %eq3A_1290, %ge3A_1293 : vector<16xi1>
        %lt3A_1295 = arith.constant 0 : i32
        %lt3A_1296 = vector.broadcast %lt3A_1295 : i32 to vector<16xi32>
        %lt3A_1297 = arith.cmpi slt, %max3A_23, %lt3A_1296 : vector<16xi32>
        %add3A_1298 = arith.constant 16 : i32
        %add3A_1299 = vector.broadcast %add3A_1298 : i32 to vector<16xi32>
        %add3A_1300 = arith.addi %max3A_23, %add3A_1299 : vector<16xi32>
        %select_n3A_1301 = arith.select %lt3A_1297, %add3A_1300, %max3A_23 : vector<16xi1>, vector<16xi32>
        %broadcast_in_dim3A_1302 = vector.shape_cast %select_n3A_1301 : vector<16xi32> to vector<16x1xi32>
        %gather3A_1303 = vector.shape_cast %broadcast_in_dim3A_1302 : vector<16x1xi32> to vector<16xi32>
        %gather3A_1304 = tpu.dynamic_gather %masked_sort3A_1254[%gather3A_1303] in [0] : vector<16xi32>, vector<16xi32> -> vector<16xi32>
        %eq3A_1305 = arith.cmpi eq, %masked_sort3A_1254, %gather3A_1304 : vector<16xi32>
        %ge3A_1306 = arith.constant 2 : i32
        %ge3A_1307 = vector.broadcast %ge3A_1306 : i32 to vector<16xi32>
        %ge3A_1308 = arith.cmpi sge, %iota3A, %ge3A_1307 : vector<16xi32>
        %and3A_1309 = arith.andi %eq3A_1305, %ge3A_1308 : vector<16xi1>
        %lt3A_1310 = arith.constant 0 : i32
        %lt3A_1311 = vector.broadcast %lt3A_1310 : i32 to vector<16xi32>
        %lt3A_1312 = arith.cmpi slt, %max3A_29, %lt3A_1311 : vector<16xi32>
        %add3A_1313 = arith.constant 16 : i32
        %add3A_1314 = vector.broadcast %add3A_1313 : i32 to vector<16xi32>
        %add3A_1315 = arith.addi %max3A_29, %add3A_1314 : vector<16xi32>
        %select_n3A_1316 = arith.select %lt3A_1312, %add3A_1315, %max3A_29 : vector<16xi1>, vector<16xi32>
        %broadcast_in_dim3A_1317 = vector.shape_cast %select_n3A_1316 : vector<16xi32> to vector<16x1xi32>
        %gather3A_1318 = vector.shape_cast %broadcast_in_dim3A_1317 : vector<16x1xi32> to vector<16xi32>
        %gather3A_1319 = tpu.dynamic_gather %masked_sort3A_1254[%gather3A_1318] in [0] : vector<16xi32>, vector<16xi32> -> vector<16xi32>
        %eq3A_1320 = arith.cmpi eq, %masked_sort3A_1254, %gather3A_1319 : vector<16xi32>
        %ge3A_1321 = arith.constant 4 : i32
        %ge3A_1322 = vector.broadcast %ge3A_1321 : i32 to vector<16xi32>
        %ge3A_1323 = arith.cmpi sge, %iota3A, %ge3A_1322 : vector<16xi32>
        %and3A_1324 = arith.andi %eq3A_1320, %ge3A_1323 : vector<16xi1>
        %lt3A_1325 = arith.constant 0 : i32
        %lt3A_1326 = vector.broadcast %lt3A_1325 : i32 to vector<16xi32>
        %lt3A_1327 = arith.cmpi slt, %max3A_35, %lt3A_1326 : vector<16xi32>
        %add3A_1328 = arith.constant 16 : i32
        %add3A_1329 = vector.broadcast %add3A_1328 : i32 to vector<16xi32>
        %add3A_1330 = arith.addi %max3A_35, %add3A_1329 : vector<16xi32>
        %select_n3A_1331 = arith.select %lt3A_1327, %add3A_1330, %max3A_35 : vector<16xi1>, vector<16xi32>
        %broadcast_in_dim3A_1332 = vector.shape_cast %select_n3A_1331 : vector<16xi32> to vector<16x1xi32>
        %gather3A_1333 = vector.shape_cast %broadcast_in_dim3A_1332 : vector<16x1xi32> to vector<16xi32>
        %gather3A_1334 = tpu.dynamic_gather %masked_sort3A_1254[%gather3A_1333] in [0] : vector<16xi32>, vector<16xi32> -> vector<16xi32>
        %eq3A_1335 = arith.cmpi eq, %masked_sort3A_1254, %gather3A_1334 : vector<16xi32>
        %ge3A_1336 = arith.constant 8 : i32
        %ge3A_1337 = vector.broadcast %ge3A_1336 : i32 to vector<16xi32>
        %ge3A_1338 = arith.cmpi sge, %iota3A, %ge3A_1337 : vector<16xi32>
        %and3A_1339 = arith.andi %eq3A_1335, %ge3A_1338 : vector<16xi1>
        %add3A_1340 = arith.constant 0 : i32
        %add3A_1341 = vector.broadcast %add3A_1340 : i32 to vector<16xi32>
        %add3A_1342 = arith.addi %gather3A_1264, %add3A_1341 : vector<16xi32>
        %add3A_1343 = arith.constant 0 : i32
        %add3A_1344 = vector.broadcast %add3A_1343 : i32 to vector<16xi32>
        %add3A_1345 = arith.addi %masked_sort3A_1254, %add3A_1344 : vector<16xi32>
        %gather3A_1346 = tpu.vector_load_idx %arg6[%add3A_1342] : memref<40000xf32, #tpu.memory_space<vmem>>[vector<16xi32>], vector<16xf32>,
        %gather3A_1347 = tpu.vector_load_idx %arg6[%add3A_1345] : memref<40000xf32, #tpu.memory_space<vmem>>[vector<16xi32>], vector<16xf32>,
        %add3A_1348 = arith.addf %gather3A_1346, %gather3A_1347 : vector<16xf32>
        %neg3A_1349 = arith.constant 0.000000e+00 : f32
        %neg3A_1350 = vector.broadcast %neg3A_1349 : f32 to vector<16xf32>
        %neg3A_1351 = arith.subf %neg3A_1350, %add3A_1348 : vector<16xf32>
        %exp3A_1352 = math.exp %neg3A_1351 : vector<16xf32>
        %add3A_1353 = arith.constant 1.000000e+00 : f32
        %add3A_1354 = vector.broadcast %add3A_1353 : f32 to vector<16xf32>
        %add3A_1355 = arith.addf %add3A_1354, %exp3A_1352 : vector<16xf32>
        %div3A_1356 = arith.constant 1.000000e+00 : f32
        %div3A_1357 = vector.broadcast %div3A_1356 : f32 to vector<16xf32>
        %div3A_1358 = arith.divf %div3A_1357, %add3A_1355 : vector<16xf32>
        %mul3A_1359 = arith.mulf %div3A_1358, %gather3A_1346 : vector<16xf32>
        %lt3A_1360 = arith.constant 0 : i32
        %lt3A_1361 = vector.broadcast %lt3A_1360 : i32 to vector<16xi32>
        %lt3A_1362 = arith.cmpi slt, %max3A_17, %lt3A_1361 : vector<16xi32>
        %add3A_1363 = arith.constant 16 : i32
        %add3A_1364 = vector.broadcast %add3A_1363 : i32 to vector<16xi32>
        %add3A_1365 = arith.addi %max3A_17, %add3A_1364 : vector<16xi32>
        %select_n3A_1366 = arith.select %lt3A_1362, %add3A_1365, %max3A_17 : vector<16xi1>, vector<16xi32>
        %broadcast_in_dim3A_1367 = vector.shape_cast %select_n3A_1366 : vector<16xi32> to vector<16x1xi32>
        %gather3A_1368 = vector.shape_cast %broadcast_in_dim3A_1367 : vector<16x1xi32> to vector<16xi32>
        %gather3A_1369 = tpu.dynamic_gather %mul3A_1359[%gather3A_1368] in [0] : vector<16xf32>, vector<16xi32> -> vector<16xf32>
        %max3A_1370 = arith.maximumf %mul3A_1359, %gather3A_1369 : vector<16xf32>
        %select_n3A_1371 = arith.select %and3A_1294, %max3A_1370, %mul3A_1359 : vector<16xi1>, vector<16xf32>
        %lt3A_1372 = arith.constant 0 : i32
        %lt3A_1373 = vector.broadcast %lt3A_1372 : i32 to vector<16xi32>
        %lt3A_1374 = arith.cmpi slt, %max3A_23, %lt3A_1373 : vector<16xi32>
        %add3A_1375 = arith.constant 16 : i32
        %add3A_1376 = vector.broadcast %add3A_1375 : i32 to vector<16xi32>
        %add3A_1377 = arith.addi %max3A_23, %add3A_1376 : vector<16xi32>
        %select_n3A_1378 = arith.select %lt3A_1374, %add3A_1377, %max3A_23 : vector<16xi1>, vector<16xi32>
        %broadcast_in_dim3A_1379 = vector.shape_cast %select_n3A_1378 : vector<16xi32> to vector<16x1xi32>
        %gather3A_1380 = vector.shape_cast %broadcast_in_dim3A_1379 : vector<16x1xi32> to vector<16xi32>
        %gather3A_1381 = tpu.dynamic_gather %select_n3A_1371[%gather3A_1380] in [0] : vector<16xf32>, vector<16xi32> -> vector<16xf32>
        %max3A_1382 = arith.maximumf %select_n3A_1371, %gather3A_1381 : vector<16xf32>
        %select_n3A_1383 = arith.select %and3A_1309, %max3A_1382, %select_n3A_1371 : vector<16xi1>, vector<16xf32>
        %lt3A_1384 = arith.constant 0 : i32
        %lt3A_1385 = vector.broadcast %lt3A_1384 : i32 to vector<16xi32>
        %lt3A_1386 = arith.cmpi slt, %max3A_29, %lt3A_1385 : vector<16xi32>
        %add3A_1387 = arith.constant 16 : i32
        %add3A_1388 = vector.broadcast %add3A_1387 : i32 to vector<16xi32>
        %add3A_1389 = arith.addi %max3A_29, %add3A_1388 : vector<16xi32>
        %select_n3A_1390 = arith.select %lt3A_1386, %add3A_1389, %max3A_29 : vector<16xi1>, vector<16xi32>
        %broadcast_in_dim3A_1391 = vector.shape_cast %select_n3A_1390 : vector<16xi32> to vector<16x1xi32>
        %gather3A_1392 = vector.shape_cast %broadcast_in_dim3A_1391 : vector<16x1xi32> to vector<16xi32>
        %gather3A_1393 = tpu.dynamic_gather %select_n3A_1383[%gather3A_1392] in [0] : vector<16xf32>, vector<16xi32> -> vector<16xf32>
        %max3A_1394 = arith.maximumf %select_n3A_1383, %gather3A_1393 : vector<16xf32>
        %select_n3A_1395 = arith.select %and3A_1324, %max3A_1394, %select_n3A_1383 : vector<16xi1>, vector<16xf32>
        %lt3A_1396 = arith.constant 0 : i32
        %lt3A_1397 = vector.broadcast %lt3A_1396 : i32 to vector<16xi32>
        %lt3A_1398 = arith.cmpi slt, %max3A_35, %lt3A_1397 : vector<16xi32>
        %add3A_1399 = arith.constant 16 : i32
        %add3A_1400 = vector.broadcast %add3A_1399 : i32 to vector<16xi32>
        %add3A_1401 = arith.addi %max3A_35, %add3A_1400 : vector<16xi32>
        %select_n3A_1402 = arith.select %lt3A_1398, %add3A_1401, %max3A_35 : vector<16xi1>, vector<16xi32>
        %broadcast_in_dim3A_1403 = vector.shape_cast %select_n3A_1402 : vector<16xi32> to vector<16x1xi32>
        %gather3A_1404 = vector.shape_cast %broadcast_in_dim3A_1403 : vector<16x1xi32> to vector<16xi32>
        %gather3A_1405 = tpu.dynamic_gather %select_n3A_1395[%gather3A_1404] in [0] : vector<16xf32>, vector<16xi32> -> vector<16xf32>
        %max3A_1406 = arith.maximumf %select_n3A_1395, %gather3A_1405 : vector<16xf32>
        %select_n3A_1407 = arith.select %and3A_1339, %max3A_1406, %select_n3A_1395 : vector<16xi1>, vector<16xf32>
        %gather3A_1408 = tpu.vector_load_idx %arg7[%add3A_1345] : memref<40000xf32, #tpu.memory_space<vmem>>[vector<16xi32>], vector<16xf32>,
        %max3A_1409 = arith.maximumf %select_n3A_1407, %gather3A_1408 : vector<16xf32>
        %add3A_1410 = arith.constant 10000 : i32
        %add3A_1411 = vector.broadcast %add3A_1410 : i32 to vector<16xi32>
        %add3A_1412 = arith.addi %gather3A_1264, %add3A_1411 : vector<16xi32>
        %add3A_1413 = arith.constant 10000 : i32
        %add3A_1414 = vector.broadcast %add3A_1413 : i32 to vector<16xi32>
        %add3A_1415 = arith.addi %masked_sort3A_1254, %add3A_1414 : vector<16xi32>
        %gather3A_1416 = tpu.vector_load_idx %arg6[%add3A_1412] : memref<40000xf32, #tpu.memory_space<vmem>>[vector<16xi32>], vector<16xf32>,
        %gather3A_1417 = tpu.vector_load_idx %arg6[%add3A_1415] : memref<40000xf32, #tpu.memory_space<vmem>>[vector<16xi32>], vector<16xf32>,
        %add3A_1418 = arith.addf %gather3A_1416, %gather3A_1417 : vector<16xf32>
        %neg3A_1419 = arith.constant 0.000000e+00 : f32
        %neg3A_1420 = vector.broadcast %neg3A_1419 : f32 to vector<16xf32>
        %neg3A_1421 = arith.subf %neg3A_1420, %add3A_1418 : vector<16xf32>
        %exp3A_1422 = math.exp %neg3A_1421 : vector<16xf32>
        %add3A_1423 = arith.constant 1.000000e+00 : f32
        %add3A_1424 = vector.broadcast %add3A_1423 : f32 to vector<16xf32>
        %add3A_1425 = arith.addf %add3A_1424, %exp3A_1422 : vector<16xf32>
        %div3A_1426 = arith.constant 1.000000e+00 : f32
        %div3A_1427 = vector.broadcast %div3A_1426 : f32 to vector<16xf32>
        %div3A_1428 = arith.divf %div3A_1427, %add3A_1425 : vector<16xf32>
        %mul3A_1429 = arith.mulf %div3A_1428, %gather3A_1416 : vector<16xf32>
        %lt3A_1430 = arith.constant 0 : i32
        %lt3A_1431 = vector.broadcast %lt3A_1430 : i32 to vector<16xi32>
        %lt3A_1432 = arith.cmpi slt, %max3A_17, %lt3A_1431 : vector<16xi32>
        %add3A_1433 = arith.constant 16 : i32
        %add3A_1434 = vector.broadcast %add3A_1433 : i32 to vector<16xi32>
        %add3A_1435 = arith.addi %max3A_17, %add3A_1434 : vector<16xi32>
        %select_n3A_1436 = arith.select %lt3A_1432, %add3A_1435, %max3A_17 : vector<16xi1>, vector<16xi32>
        %broadcast_in_dim3A_1437 = vector.shape_cast %select_n3A_1436 : vector<16xi32> to vector<16x1xi32>
        %gather3A_1438 = vector.shape_cast %broadcast_in_dim3A_1437 : vector<16x1xi32> to vector<16xi32>
        %gather3A_1439 = tpu.dynamic_gather %mul3A_1429[%gather3A_1438] in [0] : vector<16xf32>, vector<16xi32> -> vector<16xf32>
        %max3A_1440 = arith.maximumf %mul3A_1429, %gather3A_1439 : vector<16xf32>
        %select_n3A_1441 = arith.select %and3A_1294, %max3A_1440, %mul3A_1429 : vector<16xi1>, vector<16xf32>
        %lt3A_1442 = arith.constant 0 : i32
        %lt3A_1443 = vector.broadcast %lt3A_1442 : i32 to vector<16xi32>
        %lt3A_1444 = arith.cmpi slt, %max3A_23, %lt3A_1443 : vector<16xi32>
        %add3A_1445 = arith.constant 16 : i32
        %add3A_1446 = vector.broadcast %add3A_1445 : i32 to vector<16xi32>
        %add3A_1447 = arith.addi %max3A_23, %add3A_1446 : vector<16xi32>
        %select_n3A_1448 = arith.select %lt3A_1444, %add3A_1447, %max3A_23 : vector<16xi1>, vector<16xi32>
        %broadcast_in_dim3A_1449 = vector.shape_cast %select_n3A_1448 : vector<16xi32> to vector<16x1xi32>
        %gather3A_1450 = vector.shape_cast %broadcast_in_dim3A_1449 : vector<16x1xi32> to vector<16xi32>
        %gather3A_1451 = tpu.dynamic_gather %select_n3A_1441[%gather3A_1450] in [0] : vector<16xf32>, vector<16xi32> -> vector<16xf32>
        %max3A_1452 = arith.maximumf %select_n3A_1441, %gather3A_1451 : vector<16xf32>
        %select_n3A_1453 = arith.select %and3A_1309, %max3A_1452, %select_n3A_1441 : vector<16xi1>, vector<16xf32>
        %lt3A_1454 = arith.constant 0 : i32
        %lt3A_1455 = vector.broadcast %lt3A_1454 : i32 to vector<16xi32>
        %lt3A_1456 = arith.cmpi slt, %max3A_29, %lt3A_1455 : vector<16xi32>
        %add3A_1457 = arith.constant 16 : i32
        %add3A_1458 = vector.broadcast %add3A_1457 : i32 to vector<16xi32>
        %add3A_1459 = arith.addi %max3A_29, %add3A_1458 : vector<16xi32>
        %select_n3A_1460 = arith.select %lt3A_1456, %add3A_1459, %max3A_29 : vector<16xi1>, vector<16xi32>
        %broadcast_in_dim3A_1461 = vector.shape_cast %select_n3A_1460 : vector<16xi32> to vector<16x1xi32>
        %gather3A_1462 = vector.shape_cast %broadcast_in_dim3A_1461 : vector<16x1xi32> to vector<16xi32>
        %gather3A_1463 = tpu.dynamic_gather %select_n3A_1453[%gather3A_1462] in [0] : vector<16xf32>, vector<16xi32> -> vector<16xf32>
        %max3A_1464 = arith.maximumf %select_n3A_1453, %gather3A_1463 : vector<16xf32>
        %select_n3A_1465 = arith.select %and3A_1324, %max3A_1464, %select_n3A_1453 : vector<16xi1>, vector<16xf32>
        %lt3A_1466 = arith.constant 0 : i32
        %lt3A_1467 = vector.broadcast %lt3A_1466 : i32 to vector<16xi32>
        %lt3A_1468 = arith.cmpi slt, %max3A_35, %lt3A_1467 : vector<16xi32>
        %add3A_1469 = arith.constant 16 : i32
        %add3A_1470 = vector.broadcast %add3A_1469 : i32 to vector<16xi32>
        %add3A_1471 = arith.addi %max3A_35, %add3A_1470 : vector<16xi32>
        %select_n3A_1472 = arith.select %lt3A_1468, %add3A_1471, %max3A_35 : vector<16xi1>, vector<16xi32>
        %broadcast_in_dim3A_1473 = vector.shape_cast %select_n3A_1472 : vector<16xi32> to vector<16x1xi32>
        %gather3A_1474 = vector.shape_cast %broadcast_in_dim3A_1473 : vector<16x1xi32> to vector<16xi32>
        %gather3A_1475 = tpu.dynamic_gather %select_n3A_1465[%gather3A_1474] in [0] : vector<16xf32>, vector<16xi32> -> vector<16xf32>
        %max3A_1476 = arith.maximumf %select_n3A_1465, %gather3A_1475 : vector<16xf32>
        %select_n3A_1477 = arith.select %and3A_1339, %max3A_1476, %select_n3A_1465 : vector<16xi1>, vector<16xf32>
        %gather3A_1478 = tpu.vector_load_idx %arg7[%add3A_1415] : memref<40000xf32, #tpu.memory_space<vmem>>[vector<16xi32>], vector<16xf32>,
        %max3A_1479 = arith.maximumf %select_n3A_1477, %gather3A_1478 : vector<16xf32>
        %add3A_1480 = arith.constant 20000 : i32
        %add3A_1481 = vector.broadcast %add3A_1480 : i32 to vector<16xi32>
        %add3A_1482 = arith.addi %gather3A_1264, %add3A_1481 : vector<16xi32>
        %add3A_1483 = arith.constant 20000 : i32
        %add3A_1484 = vector.broadcast %add3A_1483 : i32 to vector<16xi32>
        %add3A_1485 = arith.addi %masked_sort3A_1254, %add3A_1484 : vector<16xi32>
        %gather3A_1486 = tpu.vector_load_idx %arg6[%add3A_1482] : memref<40000xf32, #tpu.memory_space<vmem>>[vector<16xi32>], vector<16xf32>,
        %gather3A_1487 = tpu.vector_load_idx %arg6[%add3A_1485] : memref<40000xf32, #tpu.memory_space<vmem>>[vector<16xi32>], vector<16xf32>,
        %add3A_1488 = arith.addf %gather3A_1486, %gather3A_1487 : vector<16xf32>
        %neg3A_1489 = arith.constant 0.000000e+00 : f32
        %neg3A_1490 = vector.broadcast %neg3A_1489 : f32 to vector<16xf32>
        %neg3A_1491 = arith.subf %neg3A_1490, %add3A_1488 : vector<16xf32>
        %exp3A_1492 = math.exp %neg3A_1491 : vector<16xf32>
        %add3A_1493 = arith.constant 1.000000e+00 : f32
        %add3A_1494 = vector.broadcast %add3A_1493 : f32 to vector<16xf32>
        %add3A_1495 = arith.addf %add3A_1494, %exp3A_1492 : vector<16xf32>
        %div3A_1496 = arith.constant 1.000000e+00 : f32
        %div3A_1497 = vector.broadcast %div3A_1496 : f32 to vector<16xf32>
        %div3A_1498 = arith.divf %div3A_1497, %add3A_1495 : vector<16xf32>
        %mul3A_1499 = arith.mulf %div3A_1498, %gather3A_1486 : vector<16xf32>
        %lt3A_1500 = arith.constant 0 : i32
        %lt3A_1501 = vector.broadcast %lt3A_1500 : i32 to vector<16xi32>
        %lt3A_1502 = arith.cmpi slt, %max3A_17, %lt3A_1501 : vector<16xi32>
        %add3A_1503 = arith.constant 16 : i32
        %add3A_1504 = vector.broadcast %add3A_1503 : i32 to vector<16xi32>
        %add3A_1505 = arith.addi %max3A_17, %add3A_1504 : vector<16xi32>
        %select_n3A_1506 = arith.select %lt3A_1502, %add3A_1505, %max3A_17 : vector<16xi1>, vector<16xi32>
        %broadcast_in_dim3A_1507 = vector.shape_cast %select_n3A_1506 : vector<16xi32> to vector<16x1xi32>
        %gather3A_1508 = vector.shape_cast %broadcast_in_dim3A_1507 : vector<16x1xi32> to vector<16xi32>
        %gather3A_1509 = tpu.dynamic_gather %mul3A_1499[%gather3A_1508] in [0] : vector<16xf32>, vector<16xi32> -> vector<16xf32>
        %max3A_1510 = arith.maximumf %mul3A_1499, %gather3A_1509 : vector<16xf32>
        %select_n3A_1511 = arith.select %and3A_1294, %max3A_1510, %mul3A_1499 : vector<16xi1>, vector<16xf32>
        %lt3A_1512 = arith.constant 0 : i32
        %lt3A_1513 = vector.broadcast %lt3A_1512 : i32 to vector<16xi32>
        %lt3A_1514 = arith.cmpi slt, %max3A_23, %lt3A_1513 : vector<16xi32>
        %add3A_1515 = arith.constant 16 : i32
        %add3A_1516 = vector.broadcast %add3A_1515 : i32 to vector<16xi32>
        %add3A_1517 = arith.addi %max3A_23, %add3A_1516 : vector<16xi32>
        %select_n3A_1518 = arith.select %lt3A_1514, %add3A_1517, %max3A_23 : vector<16xi1>, vector<16xi32>
        %broadcast_in_dim3A_1519 = vector.shape_cast %select_n3A_1518 : vector<16xi32> to vector<16x1xi32>
        %gather3A_1520 = vector.shape_cast %broadcast_in_dim3A_1519 : vector<16x1xi32> to vector<16xi32>
        %gather3A_1521 = tpu.dynamic_gather %select_n3A_1511[%gather3A_1520] in [0] : vector<16xf32>, vector<16xi32> -> vector<16xf32>
        %max3A_1522 = arith.maximumf %select_n3A_1511, %gather3A_1521 : vector<16xf32>
        %select_n3A_1523 = arith.select %and3A_1309, %max3A_1522, %select_n3A_1511 : vector<16xi1>, vector<16xf32>
        %lt3A_1524 = arith.constant 0 : i32
        %lt3A_1525 = vector.broadcast %lt3A_1524 : i32 to vector<16xi32>
        %lt3A_1526 = arith.cmpi slt, %max3A_29, %lt3A_1525 : vector<16xi32>
        %add3A_1527 = arith.constant 16 : i32
        %add3A_1528 = vector.broadcast %add3A_1527 : i32 to vector<16xi32>
        %add3A_1529 = arith.addi %max3A_29, %add3A_1528 : vector<16xi32>
        %select_n3A_1530 = arith.select %lt3A_1526, %add3A_1529, %max3A_29 : vector<16xi1>, vector<16xi32>
        %broadcast_in_dim3A_1531 = vector.shape_cast %select_n3A_1530 : vector<16xi32> to vector<16x1xi32>
        %gather3A_1532 = vector.shape_cast %broadcast_in_dim3A_1531 : vector<16x1xi32> to vector<16xi32>
        %gather3A_1533 = tpu.dynamic_gather %select_n3A_1523[%gather3A_1532] in [0] : vector<16xf32>, vector<16xi32> -> vector<16xf32>
        %max3A_1534 = arith.maximumf %select_n3A_1523, %gather3A_1533 : vector<16xf32>
        %select_n3A_1535 = arith.select %and3A_1324, %max3A_1534, %select_n3A_1523 : vector<16xi1>, vector<16xf32>
        %lt3A_1536 = arith.constant 0 : i32
        %lt3A_1537 = vector.broadcast %lt3A_1536 : i32 to vector<16xi32>
        %lt3A_1538 = arith.cmpi slt, %max3A_35, %lt3A_1537 : vector<16xi32>
        %add3A_1539 = arith.constant 16 : i32
        %add3A_1540 = vector.broadcast %add3A_1539 : i32 to vector<16xi32>
        %add3A_1541 = arith.addi %max3A_35, %add3A_1540 : vector<16xi32>
        %select_n3A_1542 = arith.select %lt3A_1538, %add3A_1541, %max3A_35 : vector<16xi1>, vector<16xi32>
        %broadcast_in_dim3A_1543 = vector.shape_cast %select_n3A_1542 : vector<16xi32> to vector<16x1xi32>
        %gather3A_1544 = vector.shape_cast %broadcast_in_dim3A_1543 : vector<16x1xi32> to vector<16xi32>
        %gather3A_1545 = tpu.dynamic_gather %select_n3A_1535[%gather3A_1544] in [0] : vector<16xf32>, vector<16xi32> -> vector<16xf32>
        %max3A_1546 = arith.maximumf %select_n3A_1535, %gather3A_1545 : vector<16xf32>
        %select_n3A_1547 = arith.select %and3A_1339, %max3A_1546, %select_n3A_1535 : vector<16xi1>, vector<16xf32>
        %gather3A_1548 = tpu.vector_load_idx %arg7[%add3A_1485] : memref<40000xf32, #tpu.memory_space<vmem>>[vector<16xi32>], vector<16xf32>,
        %max3A_1549 = arith.maximumf %select_n3A_1547, %gather3A_1548 : vector<16xf32>
        %add3A_1550 = arith.constant 30000 : i32
        %add3A_1551 = vector.broadcast %add3A_1550 : i32 to vector<16xi32>
        %add3A_1552 = arith.addi %gather3A_1264, %add3A_1551 : vector<16xi32>
        %add3A_1553 = arith.constant 30000 : i32
        %add3A_1554 = vector.broadcast %add3A_1553 : i32 to vector<16xi32>
        %add3A_1555 = arith.addi %masked_sort3A_1254, %add3A_1554 : vector<16xi32>
        %gather3A_1556 = tpu.vector_load_idx %arg6[%add3A_1552] : memref<40000xf32, #tpu.memory_space<vmem>>[vector<16xi32>], vector<16xf32>,
        %gather3A_1557 = tpu.vector_load_idx %arg6[%add3A_1555] : memref<40000xf32, #tpu.memory_space<vmem>>[vector<16xi32>], vector<16xf32>,
        %add3A_1558 = arith.addf %gather3A_1556, %gather3A_1557 : vector<16xf32>
        %neg3A_1559 = arith.constant 0.000000e+00 : f32
        %neg3A_1560 = vector.broadcast %neg3A_1559 : f32 to vector<16xf32>
        %neg3A_1561 = arith.subf %neg3A_1560, %add3A_1558 : vector<16xf32>
        %exp3A_1562 = math.exp %neg3A_1561 : vector<16xf32>
        %add3A_1563 = arith.constant 1.000000e+00 : f32
        %add3A_1564 = vector.broadcast %add3A_1563 : f32 to vector<16xf32>
        %add3A_1565 = arith.addf %add3A_1564, %exp3A_1562 : vector<16xf32>
        %div3A_1566 = arith.constant 1.000000e+00 : f32
        %div3A_1567 = vector.broadcast %div3A_1566 : f32 to vector<16xf32>
        %div3A_1568 = arith.divf %div3A_1567, %add3A_1565 : vector<16xf32>
        %mul3A_1569 = arith.mulf %div3A_1568, %gather3A_1556 : vector<16xf32>
        %lt3A_1570 = arith.constant 0 : i32
        %lt3A_1571 = vector.broadcast %lt3A_1570 : i32 to vector<16xi32>
        %lt3A_1572 = arith.cmpi slt, %max3A_17, %lt3A_1571 : vector<16xi32>
        %add3A_1573 = arith.constant 16 : i32
        %add3A_1574 = vector.broadcast %add3A_1573 : i32 to vector<16xi32>
        %add3A_1575 = arith.addi %max3A_17, %add3A_1574 : vector<16xi32>
        %select_n3A_1576 = arith.select %lt3A_1572, %add3A_1575, %max3A_17 : vector<16xi1>, vector<16xi32>
        %broadcast_in_dim3A_1577 = vector.shape_cast %select_n3A_1576 : vector<16xi32> to vector<16x1xi32>
        %gather3A_1578 = vector.shape_cast %broadcast_in_dim3A_1577 : vector<16x1xi32> to vector<16xi32>
        %gather3A_1579 = tpu.dynamic_gather %mul3A_1569[%gather3A_1578] in [0] : vector<16xf32>, vector<16xi32> -> vector<16xf32>
        %max3A_1580 = arith.maximumf %mul3A_1569, %gather3A_1579 : vector<16xf32>
        %select_n3A_1581 = arith.select %and3A_1294, %max3A_1580, %mul3A_1569 : vector<16xi1>, vector<16xf32>
        %lt3A_1582 = arith.constant 0 : i32
        %lt3A_1583 = vector.broadcast %lt3A_1582 : i32 to vector<16xi32>
        %lt3A_1584 = arith.cmpi slt, %max3A_23, %lt3A_1583 : vector<16xi32>
        %add3A_1585 = arith.constant 16 : i32
        %add3A_1586 = vector.broadcast %add3A_1585 : i32 to vector<16xi32>
        %add3A_1587 = arith.addi %max3A_23, %add3A_1586 : vector<16xi32>
        %select_n3A_1588 = arith.select %lt3A_1584, %add3A_1587, %max3A_23 : vector<16xi1>, vector<16xi32>
        %broadcast_in_dim3A_1589 = vector.shape_cast %select_n3A_1588 : vector<16xi32> to vector<16x1xi32>
        %gather3A_1590 = vector.shape_cast %broadcast_in_dim3A_1589 : vector<16x1xi32> to vector<16xi32>
        %gather3A_1591 = tpu.dynamic_gather %select_n3A_1581[%gather3A_1590] in [0] : vector<16xf32>, vector<16xi32> -> vector<16xf32>
        %max3A_1592 = arith.maximumf %select_n3A_1581, %gather3A_1591 : vector<16xf32>
        %select_n3A_1593 = arith.select %and3A_1309, %max3A_1592, %select_n3A_1581 : vector<16xi1>, vector<16xf32>
        %lt3A_1594 = arith.constant 0 : i32
        %lt3A_1595 = vector.broadcast %lt3A_1594 : i32 to vector<16xi32>
        %lt3A_1596 = arith.cmpi slt, %max3A_29, %lt3A_1595 : vector<16xi32>
        %add3A_1597 = arith.constant 16 : i32
        %add3A_1598 = vector.broadcast %add3A_1597 : i32 to vector<16xi32>
        %add3A_1599 = arith.addi %max3A_29, %add3A_1598 : vector<16xi32>
        %select_n3A_1600 = arith.select %lt3A_1596, %add3A_1599, %max3A_29 : vector<16xi1>, vector<16xi32>
        %broadcast_in_dim3A_1601 = vector.shape_cast %select_n3A_1600 : vector<16xi32> to vector<16x1xi32>
        %gather3A_1602 = vector.shape_cast %broadcast_in_dim3A_1601 : vector<16x1xi32> to vector<16xi32>
        %gather3A_1603 = tpu.dynamic_gather %select_n3A_1593[%gather3A_1602] in [0] : vector<16xf32>, vector<16xi32> -> vector<16xf32>
        %max3A_1604 = arith.maximumf %select_n3A_1593, %gather3A_1603 : vector<16xf32>
        %select_n3A_1605 = arith.select %and3A_1324, %max3A_1604, %select_n3A_1593 : vector<16xi1>, vector<16xf32>
        %lt3A_1606 = arith.constant 0 : i32
        %lt3A_1607 = vector.broadcast %lt3A_1606 : i32 to vector<16xi32>
        %lt3A_1608 = arith.cmpi slt, %max3A_35, %lt3A_1607 : vector<16xi32>
        %add3A_1609 = arith.constant 16 : i32
        %add3A_1610 = vector.broadcast %add3A_1609 : i32 to vector<16xi32>
        %add3A_1611 = arith.addi %max3A_35, %add3A_1610 : vector<16xi32>
        %select_n3A_1612 = arith.select %lt3A_1608, %add3A_1611, %max3A_35 : vector<16xi1>, vector<16xi32>
        %broadcast_in_dim3A_1613 = vector.shape_cast %select_n3A_1612 : vector<16xi32> to vector<16x1xi32>
        %gather3A_1614 = vector.shape_cast %broadcast_in_dim3A_1613 : vector<16x1xi32> to vector<16xi32>
        %gather3A_1615 = tpu.dynamic_gather %select_n3A_1605[%gather3A_1614] in [0] : vector<16xf32>, vector<16xi32> -> vector<16xf32>
        %max3A_1616 = arith.maximumf %select_n3A_1605, %gather3A_1615 : vector<16xf32>
        %select_n3A_1617 = arith.select %and3A_1339, %max3A_1616, %select_n3A_1605 : vector<16xi1>, vector<16xf32>
        %gather3A_1618 = tpu.vector_load_idx %arg7[%add3A_1555] : memref<40000xf32, #tpu.memory_space<vmem>>[vector<16xi32>], vector<16xf32>,
        %max3A_1619 = arith.maximumf %select_n3A_1617, %gather3A_1618 : vector<16xf32>
        tpu.vector_store_idx %arg7[%add3A_193], %max3A_254 masked %or3A : memref<40000xf32, #tpu.memory_space<vmem>>[vector<16xi32>], vector<16xf32>, vector<16xi1>
        tpu.vector_store_idx %arg7[%add3A_260], %max3A_324 masked %or3A : memref<40000xf32, #tpu.memory_space<vmem>>[vector<16xi32>], vector<16xf32>, vector<16xi1>
        tpu.vector_store_idx %arg7[%add3A_330], %max3A_394 masked %or3A : memref<40000xf32, #tpu.memory_space<vmem>>[vector<16xi32>], vector<16xf32>, vector<16xi1>
        tpu.vector_store_idx %arg7[%add3A_400], %max3A_464 masked %or3A : memref<40000xf32, #tpu.memory_space<vmem>>[vector<16xi32>], vector<16xf32>, vector<16xi1>
        tpu.vector_store_idx %arg7[%add3A_575], %max3A_639 masked %or3A_509 : memref<40000xf32, #tpu.memory_space<vmem>>[vector<16xi32>], vector<16xf32>, vector<16xi1>
        tpu.vector_store_idx %arg7[%add3A_645], %max3A_709 masked %or3A_509 : memref<40000xf32, #tpu.memory_space<vmem>>[vector<16xi32>], vector<16xf32>, vector<16xi1>
        tpu.vector_store_idx %arg7[%add3A_715], %max3A_779 masked %or3A_509 : memref<40000xf32, #tpu.memory_space<vmem>>[vector<16xi32>], vector<16xf32>, vector<16xi1>
        tpu.vector_store_idx %arg7[%add3A_785], %max3A_849 masked %or3A_509 : memref<40000xf32, #tpu.memory_space<vmem>>[vector<16xi32>], vector<16xf32>, vector<16xi1>
        tpu.vector_store_idx %arg7[%add3A_960], %max3A_1024 masked %or3A_894 : memref<40000xf32, #tpu.memory_space<vmem>>[vector<16xi32>], vector<16xf32>, vector<16xi1>
        tpu.vector_store_idx %arg7[%add3A_1030], %max3A_1094 masked %or3A_894 : memref<40000xf32, #tpu.memory_space<vmem>>[vector<16xi32>], vector<16xf32>, vector<16xi1>
        tpu.vector_store_idx %arg7[%add3A_1100], %max3A_1164 masked %or3A_894 : memref<40000xf32, #tpu.memory_space<vmem>>[vector<16xi32>], vector<16xf32>, vector<16xi1>
        tpu.vector_store_idx %arg7[%add3A_1170], %max3A_1234 masked %or3A_894 : memref<40000xf32, #tpu.memory_space<vmem>>[vector<16xi32>], vector<16xf32>, vector<16xi1>
        tpu.vector_store_idx %arg7[%add3A_1345], %max3A_1409 masked %or3A_1279 : memref<40000xf32, #tpu.memory_space<vmem>>[vector<16xi32>], vector<16xf32>, vector<16xi1>
        tpu.vector_store_idx %arg7[%add3A_1415], %max3A_1479 masked %or3A_1279 : memref<40000xf32, #tpu.memory_space<vmem>>[vector<16xi32>], vector<16xf32>, vector<16xi1>
        tpu.vector_store_idx %arg7[%add3A_1485], %max3A_1549 masked %or3A_1279 : memref<40000xf32, #tpu.memory_space<vmem>>[vector<16xi32>], vector<16xf32>, vector<16xi1>
        tpu.vector_store_idx %arg7[%add3A_1555], %max3A_1619 masked %or3A_1279 : memref<40000xf32, #tpu.memory_space<vmem>>[vector<16xi32>], vector<16xf32>, vector<16xi1>
        %gather3A_1620 = tpu.vector_load_idx %arg7[%add3A_193] : memref<40000xf32, #tpu.memory_space<vmem>>[vector<16xi32>], vector<16xf32>,
        %lt3A_1621 = arith.cmpf olt, %gather3A_1620, %max3A_254 : vector<16xf32>
        %and3A_1622 = arith.andi %or3A, %lt3A_1621 : vector<16xi1>
        %gather3A_1623 = tpu.vector_load_idx %arg7[%add3A_260] : memref<40000xf32, #tpu.memory_space<vmem>>[vector<16xi32>], vector<16xf32>,
        %lt3A_1624 = arith.cmpf olt, %gather3A_1623, %max3A_324 : vector<16xf32>
        %and3A_1625 = arith.andi %or3A, %lt3A_1624 : vector<16xi1>
        %gather3A_1626 = tpu.vector_load_idx %arg7[%add3A_330] : memref<40000xf32, #tpu.memory_space<vmem>>[vector<16xi32>], vector<16xf32>,
        %lt3A_1627 = arith.cmpf olt, %gather3A_1626, %max3A_394 : vector<16xf32>
        %and3A_1628 = arith.andi %or3A, %lt3A_1627 : vector<16xi1>
        %gather3A_1629 = tpu.vector_load_idx %arg7[%add3A_400] : memref<40000xf32, #tpu.memory_space<vmem>>[vector<16xi32>], vector<16xf32>,
        %lt3A_1630 = arith.cmpf olt, %gather3A_1629, %max3A_464 : vector<16xf32>
        %and3A_1631 = arith.andi %or3A, %lt3A_1630 : vector<16xi1>
        %gather3A_1632 = tpu.vector_load_idx %arg7[%add3A_575] : memref<40000xf32, #tpu.memory_space<vmem>>[vector<16xi32>], vector<16xf32>,
        %lt3A_1633 = arith.cmpf olt, %gather3A_1632, %max3A_639 : vector<16xf32>
        %and3A_1634 = arith.andi %or3A_509, %lt3A_1633 : vector<16xi1>
        %gather3A_1635 = tpu.vector_load_idx %arg7[%add3A_645] : memref<40000xf32, #tpu.memory_space<vmem>>[vector<16xi32>], vector<16xf32>,
        %lt3A_1636 = arith.cmpf olt, %gather3A_1635, %max3A_709 : vector<16xf32>
        %and3A_1637 = arith.andi %or3A_509, %lt3A_1636 : vector<16xi1>
        %gather3A_1638 = tpu.vector_load_idx %arg7[%add3A_715] : memref<40000xf32, #tpu.memory_space<vmem>>[vector<16xi32>], vector<16xf32>,
        %lt3A_1639 = arith.cmpf olt, %gather3A_1638, %max3A_779 : vector<16xf32>
        %and3A_1640 = arith.andi %or3A_509, %lt3A_1639 : vector<16xi1>
        %gather3A_1641 = tpu.vector_load_idx %arg7[%add3A_785] : memref<40000xf32, #tpu.memory_space<vmem>>[vector<16xi32>], vector<16xf32>,
        %lt3A_1642 = arith.cmpf olt, %gather3A_1641, %max3A_849 : vector<16xf32>
        %and3A_1643 = arith.andi %or3A_509, %lt3A_1642 : vector<16xi1>
        %gather3A_1644 = tpu.vector_load_idx %arg7[%add3A_960] : memref<40000xf32, #tpu.memory_space<vmem>>[vector<16xi32>], vector<16xf32>,
        %lt3A_1645 = arith.cmpf olt, %gather3A_1644, %max3A_1024 : vector<16xf32>
        %and3A_1646 = arith.andi %or3A_894, %lt3A_1645 : vector<16xi1>
        %gather3A_1647 = tpu.vector_load_idx %arg7[%add3A_1030] : memref<40000xf32, #tpu.memory_space<vmem>>[vector<16xi32>], vector<16xf32>,
        %lt3A_1648 = arith.cmpf olt, %gather3A_1647, %max3A_1094 : vector<16xf32>
        %and3A_1649 = arith.andi %or3A_894, %lt3A_1648 : vector<16xi1>
        %gather3A_1650 = tpu.vector_load_idx %arg7[%add3A_1100] : memref<40000xf32, #tpu.memory_space<vmem>>[vector<16xi32>], vector<16xf32>,
        %lt3A_1651 = arith.cmpf olt, %gather3A_1650, %max3A_1164 : vector<16xf32>
        %and3A_1652 = arith.andi %or3A_894, %lt3A_1651 : vector<16xi1>
        %gather3A_1653 = tpu.vector_load_idx %arg7[%add3A_1170] : memref<40000xf32, #tpu.memory_space<vmem>>[vector<16xi32>], vector<16xf32>,
        %lt3A_1654 = arith.cmpf olt, %gather3A_1653, %max3A_1234 : vector<16xf32>
        %and3A_1655 = arith.andi %or3A_894, %lt3A_1654 : vector<16xi1>
        %gather3A_1656 = tpu.vector_load_idx %arg7[%add3A_1345] : memref<40000xf32, #tpu.memory_space<vmem>>[vector<16xi32>], vector<16xf32>,
        %lt3A_1657 = arith.cmpf olt, %gather3A_1656, %max3A_1409 : vector<16xf32>
        %and3A_1658 = arith.andi %or3A_1279, %lt3A_1657 : vector<16xi1>
        %gather3A_1659 = tpu.vector_load_idx %arg7[%add3A_1415] : memref<40000xf32, #tpu.memory_space<vmem>>[vector<16xi32>], vector<16xf32>,
        %lt3A_1660 = arith.cmpf olt, %gather3A_1659, %max3A_1479 : vector<16xf32>
        %and3A_1661 = arith.andi %or3A_1279, %lt3A_1660 : vector<16xi1>
        %gather3A_1662 = tpu.vector_load_idx %arg7[%add3A_1485] : memref<40000xf32, #tpu.memory_space<vmem>>[vector<16xi32>], vector<16xf32>,
        %lt3A_1663 = arith.cmpf olt, %gather3A_1662, %max3A_1549 : vector<16xf32>
        %and3A_1664 = arith.andi %or3A_1279, %lt3A_1663 : vector<16xi1>
        %gather3A_1665 = tpu.vector_load_idx %arg7[%add3A_1555] : memref<40000xf32, #tpu.memory_space<vmem>>[vector<16xi32>], vector<16xf32>,
        %lt3A_1666 = arith.cmpf olt, %gather3A_1665, %max3A_1619 : vector<16xf32>
        %and3A_1667 = arith.andi %or3A_1279, %lt3A_1666 : vector<16xi1>
        %while3A:16 = scf.while (%while3A_1668 = %and3A_1622, %while3A_1669 = %and3A_1625, %while3A_1670 = %and3A_1628, %while3A_1671 = %and3A_1631, %while3A_1672 = %and3A_1634, %while3A_1673 = %and3A_1637, %while3A_1674 = %and3A_1640, %while3A_1675 = %and3A_1643, %while3A_1676 = %and3A_1646, %while3A_1677 = %and3A_1649, %while3A_1678 = %and3A_1652, %while3A_1679 = %and3A_1655, %while3A_1680 = %and3A_1658, %while3A_1681 = %and3A_1661, %while3A_1682 = %and3A_1664, %while3A_1683 = %and3A_1667) : (vector<16xi1>, vector<16xi1>, vector<16xi1>, vector<16xi1>, vector<16xi1>, vector<16xi1>, vector<16xi1>, vector<16xi1>, vector<16xi1>, vector<16xi1>, vector<16xi1>, vector<16xi1>, vector<16xi1>, vector<16xi1>, vector<16xi1>, vector<16xi1>) -> (vector<16xi1>, vector<16xi1>, vector<16xi1>, vector<16xi1>, vector<16xi1>, vector<16xi1>, vector<16xi1>, vector<16xi1>, vector<16xi1>, vector<16xi1>, vector<16xi1>, vector<16xi1>, vector<16xi1>, vector<16xi1>, vector<16xi1>, vector<16xi1>) {
          %or3A_1684 = arith.ori %while3A_1668, %while3A_1669 : vector<16xi1>
          %or3A_1685 = arith.ori %or3A_1684, %while3A_1670 : vector<16xi1>
          %or3A_1686 = arith.ori %or3A_1685, %while3A_1671 : vector<16xi1>
          %or3A_1687 = arith.ori %or3A_1686, %while3A_1672 : vector<16xi1>
          %or3A_1688 = arith.ori %or3A_1687, %while3A_1673 : vector<16xi1>
          %or3A_1689 = arith.ori %or3A_1688, %while3A_1674 : vector<16xi1>
          %or3A_1690 = arith.ori %or3A_1689, %while3A_1675 : vector<16xi1>
          %or3A_1691 = arith.ori %or3A_1690, %while3A_1676 : vector<16xi1>
          %or3A_1692 = arith.ori %or3A_1691, %while3A_1677 : vector<16xi1>
          %or3A_1693 = arith.ori %or3A_1692, %while3A_1678 : vector<16xi1>
          %or3A_1694 = arith.ori %or3A_1693, %while3A_1679 : vector<16xi1>
          %or3A_1695 = arith.ori %or3A_1694, %while3A_1680 : vector<16xi1>
          %or3A_1696 = arith.ori %or3A_1695, %while3A_1681 : vector<16xi1>
          %or3A_1697 = arith.ori %or3A_1696, %while3A_1682 : vector<16xi1>
          %or3A_1698 = arith.ori %or3A_1697, %while3A_1683 : vector<16xi1>
          %reduce_or3A = arith.constant 1.000000e+00 : f32
          %reduce_or3A_1699 = arith.constant 0.000000e+00 : f32
          %reduce_or3A_1700 = vector.broadcast %reduce_or3A : f32 to vector<16xf32>
          %reduce_or3A_1701 = vector.broadcast %reduce_or3A_1699 : f32 to vector<16xf32>
          %reduce_or3A_1702 = arith.select %or3A_1698, %reduce_or3A_1700, %reduce_or3A_1701 : vector<16xi1>, vector<16xf32>
          %reduce_or3A_1703 = arith.constant true
          %reduce_or3A_1704 = vector.broadcast %reduce_or3A_1703 : i1 to vector<16xi1>
          %reduce_or3A_1705 = tpu.scan <max>, %reduce_or3A_1702 masked %reduce_or3A_1704 : vector<16xf32>, vector<16xi1> -> vector<16xf32>
          %reduce_or3A_1706 = vector.extract %reduce_or3A_1705[15] : f32 from vector<16xf32>
          %reduce_or3A_1707 = arith.constant 0.000000e+00 : f32
          %reduce_or3A_1708 = arith.cmpf ogt, %reduce_or3A_1706, %reduce_or3A_1707 : f32
          scf.condition(%reduce_or3A_1708) %while3A_1668, %while3A_1669, %while3A_1670, %while3A_1671, %while3A_1672, %while3A_1673, %while3A_1674, %while3A_1675, %while3A_1676, %while3A_1677, %while3A_1678, %while3A_1679, %while3A_1680, %while3A_1681, %while3A_1682, %while3A_1683 : vector<16xi1>, vector<16xi1>, vector<16xi1>, vector<16xi1>, vector<16xi1>, vector<16xi1>, vector<16xi1>, vector<16xi1>, vector<16xi1>, vector<16xi1>, vector<16xi1>, vector<16xi1>, vector<16xi1>, vector<16xi1>, vector<16xi1>, vector<16xi1>
        } do {
        ^bb0(%while3A_1668: vector<16xi1>, %while3A_1669: vector<16xi1>, %while3A_1670: vector<16xi1>, %while3A_1671: vector<16xi1>, %while3A_1672: vector<16xi1>, %while3A_1673: vector<16xi1>, %while3A_1674: vector<16xi1>, %while3A_1675: vector<16xi1>, %while3A_1676: vector<16xi1>, %while3A_1677: vector<16xi1>, %while3A_1678: vector<16xi1>, %while3A_1679: vector<16xi1>, %while3A_1680: vector<16xi1>, %while3A_1681: vector<16xi1>, %while3A_1682: vector<16xi1>, %while3A_1683: vector<16xi1>):
          tpu.vector_store_idx %arg7[%add3A_193], %max3A_254 masked %while3A_1668 : memref<40000xf32, #tpu.memory_space<vmem>>[vector<16xi32>], vector<16xf32>, vector<16xi1>
          tpu.vector_store_idx %arg7[%add3A_260], %max3A_324 masked %while3A_1669 : memref<40000xf32, #tpu.memory_space<vmem>>[vector<16xi32>], vector<16xf32>, vector<16xi1>
          tpu.vector_store_idx %arg7[%add3A_330], %max3A_394 masked %while3A_1670 : memref<40000xf32, #tpu.memory_space<vmem>>[vector<16xi32>], vector<16xf32>, vector<16xi1>
          tpu.vector_store_idx %arg7[%add3A_400], %max3A_464 masked %while3A_1671 : memref<40000xf32, #tpu.memory_space<vmem>>[vector<16xi32>], vector<16xf32>, vector<16xi1>
          tpu.vector_store_idx %arg7[%add3A_575], %max3A_639 masked %while3A_1672 : memref<40000xf32, #tpu.memory_space<vmem>>[vector<16xi32>], vector<16xf32>, vector<16xi1>
          tpu.vector_store_idx %arg7[%add3A_645], %max3A_709 masked %while3A_1673 : memref<40000xf32, #tpu.memory_space<vmem>>[vector<16xi32>], vector<16xf32>, vector<16xi1>
          tpu.vector_store_idx %arg7[%add3A_715], %max3A_779 masked %while3A_1674 : memref<40000xf32, #tpu.memory_space<vmem>>[vector<16xi32>], vector<16xf32>, vector<16xi1>
          tpu.vector_store_idx %arg7[%add3A_785], %max3A_849 masked %while3A_1675 : memref<40000xf32, #tpu.memory_space<vmem>>[vector<16xi32>], vector<16xf32>, vector<16xi1>
          tpu.vector_store_idx %arg7[%add3A_960], %max3A_1024 masked %while3A_1676 : memref<40000xf32, #tpu.memory_space<vmem>>[vector<16xi32>], vector<16xf32>, vector<16xi1>
          tpu.vector_store_idx %arg7[%add3A_1030], %max3A_1094 masked %while3A_1677 : memref<40000xf32, #tpu.memory_space<vmem>>[vector<16xi32>], vector<16xf32>, vector<16xi1>
          tpu.vector_store_idx %arg7[%add3A_1100], %max3A_1164 masked %while3A_1678 : memref<40000xf32, #tpu.memory_space<vmem>>[vector<16xi32>], vector<16xf32>, vector<16xi1>
          tpu.vector_store_idx %arg7[%add3A_1170], %max3A_1234 masked %while3A_1679 : memref<40000xf32, #tpu.memory_space<vmem>>[vector<16xi32>], vector<16xf32>, vector<16xi1>
          tpu.vector_store_idx %arg7[%add3A_1345], %max3A_1409 masked %while3A_1680 : memref<40000xf32, #tpu.memory_space<vmem>>[vector<16xi32>], vector<16xf32>, vector<16xi1>
          tpu.vector_store_idx %arg7[%add3A_1415], %max3A_1479 masked %while3A_1681 : memref<40000xf32, #tpu.memory_space<vmem>>[vector<16xi32>], vector<16xf32>, vector<16xi1>
          tpu.vector_store_idx %arg7[%add3A_1485], %max3A_1549 masked %while3A_1682 : memref<40000xf32, #tpu.memory_space<vmem>>[vector<16xi32>], vector<16xf32>, vector<16xi1>
          tpu.vector_store_idx %arg7[%add3A_1555], %max3A_1619 masked %while3A_1683 : memref<40000xf32, #tpu.memory_space<vmem>>[vector<16xi32>], vector<16xf32>, vector<16xi1>
          %gather3A_1684 = tpu.vector_load_idx %arg7[%add3A_193] : memref<40000xf32, #tpu.memory_space<vmem>>[vector<16xi32>], vector<16xf32>,
          %lt3A_1685 = arith.cmpf olt, %gather3A_1684, %max3A_254 : vector<16xf32>
          %and3A_1686 = arith.andi %or3A, %lt3A_1685 : vector<16xi1>
          %gather3A_1687 = tpu.vector_load_idx %arg7[%add3A_260] : memref<40000xf32, #tpu.memory_space<vmem>>[vector<16xi32>], vector<16xf32>,
          %lt3A_1688 = arith.cmpf olt, %gather3A_1687, %max3A_324 : vector<16xf32>
          %and3A_1689 = arith.andi %or3A, %lt3A_1688 : vector<16xi1>
          %gather3A_1690 = tpu.vector_load_idx %arg7[%add3A_330] : memref<40000xf32, #tpu.memory_space<vmem>>[vector<16xi32>], vector<16xf32>,
          %lt3A_1691 = arith.cmpf olt, %gather3A_1690, %max3A_394 : vector<16xf32>
          %and3A_1692 = arith.andi %or3A, %lt3A_1691 : vector<16xi1>
          %gather3A_1693 = tpu.vector_load_idx %arg7[%add3A_400] : memref<40000xf32, #tpu.memory_space<vmem>>[vector<16xi32>], vector<16xf32>,
          %lt3A_1694 = arith.cmpf olt, %gather3A_1693, %max3A_464 : vector<16xf32>
          %and3A_1695 = arith.andi %or3A, %lt3A_1694 : vector<16xi1>
          %gather3A_1696 = tpu.vector_load_idx %arg7[%add3A_575] : memref<40000xf32, #tpu.memory_space<vmem>>[vector<16xi32>], vector<16xf32>,
          %lt3A_1697 = arith.cmpf olt, %gather3A_1696, %max3A_639 : vector<16xf32>
          %and3A_1698 = arith.andi %or3A_509, %lt3A_1697 : vector<16xi1>
          %gather3A_1699 = tpu.vector_load_idx %arg7[%add3A_645] : memref<40000xf32, #tpu.memory_space<vmem>>[vector<16xi32>], vector<16xf32>,
          %lt3A_1700 = arith.cmpf olt, %gather3A_1699, %max3A_709 : vector<16xf32>
          %and3A_1701 = arith.andi %or3A_509, %lt3A_1700 : vector<16xi1>
          %gather3A_1702 = tpu.vector_load_idx %arg7[%add3A_715] : memref<40000xf32, #tpu.memory_space<vmem>>[vector<16xi32>], vector<16xf32>,
          %lt3A_1703 = arith.cmpf olt, %gather3A_1702, %max3A_779 : vector<16xf32>
          %and3A_1704 = arith.andi %or3A_509, %lt3A_1703 : vector<16xi1>
          %gather3A_1705 = tpu.vector_load_idx %arg7[%add3A_785] : memref<40000xf32, #tpu.memory_space<vmem>>[vector<16xi32>], vector<16xf32>,
          %lt3A_1706 = arith.cmpf olt, %gather3A_1705, %max3A_849 : vector<16xf32>
          %and3A_1707 = arith.andi %or3A_509, %lt3A_1706 : vector<16xi1>
          %gather3A_1708 = tpu.vector_load_idx %arg7[%add3A_960] : memref<40000xf32, #tpu.memory_space<vmem>>[vector<16xi32>], vector<16xf32>,
          %lt3A_1709 = arith.cmpf olt, %gather3A_1708, %max3A_1024 : vector<16xf32>
          %and3A_1710 = arith.andi %or3A_894, %lt3A_1709 : vector<16xi1>
          %gather3A_1711 = tpu.vector_load_idx %arg7[%add3A_1030] : memref<40000xf32, #tpu.memory_space<vmem>>[vector<16xi32>], vector<16xf32>,
          %lt3A_1712 = arith.cmpf olt, %gather3A_1711, %max3A_1094 : vector<16xf32>
          %and3A_1713 = arith.andi %or3A_894, %lt3A_1712 : vector<16xi1>
          %gather3A_1714 = tpu.vector_load_idx %arg7[%add3A_1100] : memref<40000xf32, #tpu.memory_space<vmem>>[vector<16xi32>], vector<16xf32>,
          %lt3A_1715 = arith.cmpf olt, %gather3A_1714, %max3A_1164 : vector<16xf32>
          %and3A_1716 = arith.andi %or3A_894, %lt3A_1715 : vector<16xi1>
          %gather3A_1717 = tpu.vector_load_idx %arg7[%add3A_1170] : memref<40000xf32, #tpu.memory_space<vmem>>[vector<16xi32>], vector<16xf32>,
          %lt3A_1718 = arith.cmpf olt, %gather3A_1717, %max3A_1234 : vector<16xf32>
          %and3A_1719 = arith.andi %or3A_894, %lt3A_1718 : vector<16xi1>
          %gather3A_1720 = tpu.vector_load_idx %arg7[%add3A_1345] : memref<40000xf32, #tpu.memory_space<vmem>>[vector<16xi32>], vector<16xf32>,
          %lt3A_1721 = arith.cmpf olt, %gather3A_1720, %max3A_1409 : vector<16xf32>
          %and3A_1722 = arith.andi %or3A_1279, %lt3A_1721 : vector<16xi1>
          %gather3A_1723 = tpu.vector_load_idx %arg7[%add3A_1415] : memref<40000xf32, #tpu.memory_space<vmem>>[vector<16xi32>], vector<16xf32>,
          %lt3A_1724 = arith.cmpf olt, %gather3A_1723, %max3A_1479 : vector<16xf32>
          %and3A_1725 = arith.andi %or3A_1279, %lt3A_1724 : vector<16xi1>
          %gather3A_1726 = tpu.vector_load_idx %arg7[%add3A_1485] : memref<40000xf32, #tpu.memory_space<vmem>>[vector<16xi32>], vector<16xf32>,
          %lt3A_1727 = arith.cmpf olt, %gather3A_1726, %max3A_1549 : vector<16xf32>
          %and3A_1728 = arith.andi %or3A_1279, %lt3A_1727 : vector<16xi1>
          %gather3A_1729 = tpu.vector_load_idx %arg7[%add3A_1555] : memref<40000xf32, #tpu.memory_space<vmem>>[vector<16xi32>], vector<16xf32>,
          %lt3A_1730 = arith.cmpf olt, %gather3A_1729, %max3A_1619 : vector<16xf32>
          %and3A_1731 = arith.andi %or3A_1279, %lt3A_1730 : vector<16xi1>
          scf.yield %and3A_1686, %and3A_1689, %and3A_1692, %and3A_1695, %and3A_1698, %and3A_1701, %and3A_1704, %and3A_1707, %and3A_1710, %and3A_1713, %and3A_1716, %and3A_1719, %and3A_1722, %and3A_1725, %and3A_1728, %and3A_1731 : vector<16xi1>, vector<16xi1>, vector<16xi1>, vector<16xi1>, vector<16xi1>, vector<16xi1>, vector<16xi1>, vector<16xi1>, vector<16xi1>, vector<16xi1>, vector<16xi1>, vector<16xi1>, vector<16xi1>, vector<16xi1>, vector<16xi1>, vector<16xi1>
        }
      }
      %scan3A_90 = arith.constant 125 : i32
    }
    %scan3A_48 = arith.constant 20 : i32
    "tpu.region"() ({
      %run_scoped3A = tpu.sem_alloc : memref<!tpu.dma_semaphore, #tpu.memory_space<semaphore_mem>>
      %dma_start3A_49 = tpu.memref_slice %arg5[%mul3A_2] : memref<1280000xf32, #tpu.memory_space<hbm>> -> memref<40000xf32, #tpu.memory_space<hbm>>
      %dma_start3A_50 = tpu.memref_slice %arg5[%mul3A_2] : memref<1280000xf32, #tpu.memory_space<hbm>> -> memref<40000xf32, #tpu.memory_space<hbm>>
      tpu.enqueue_dma source(%arg7 : memref<40000xf32, #tpu.memory_space<vmem>>) target(%dma_start3A_50 : memref<40000xf32, #tpu.memory_space<hbm>>) target_semaphore(%run_scoped3A : memref<!tpu.dma_semaphore, #tpu.memory_space<semaphore_mem>>)
      %dma_wait3A = tpu.memref_slice %arg5[%mul3A_2] : memref<1280000xf32, #tpu.memory_space<hbm>> -> memref<40000xf32, #tpu.memory_space<hbm>>
      %dma_wait3A_51 = tpu.memref_slice %arg5[%mul3A_2] : memref<1280000xf32, #tpu.memory_space<hbm>> -> memref<40000xf32, #tpu.memory_space<hbm>>
      tpu.wait_dma2 semaphore(%run_scoped3A : memref<!tpu.dma_semaphore, #tpu.memory_space<semaphore_mem>>) src(%arg7 : memref<40000xf32, #tpu.memory_space<vmem>>) dst(%dma_wait3A_51 : memref<40000xf32, #tpu.memory_space<hbm>>)
      tpu.yield
    }) : () -> ()
    return
  }
}

module attributes {stable_mosaic.version = 14 : i64} {
  func.func @_tc_scale_body(%arg0: i32, %arg1: memref<1000x128xf32, #tpu.memory_space<vmem>>, %arg2: memref<1000x1xf32, #tpu.memory_space<vmem>>, %arg3: memref<1000x128xf32, #tpu.memory_space<vmem>>) attributes {dimension_semantics = [#tpu.dimension_semantics<arbitrary>], iteration_bounds = array<i64: 10>, scalar_prefetch = 0 : i64, scratch_operands = 0 : i64, tpu.core_type = #tpu.core_type<tc>, window_params = [{transform_indices = @transform_0, window_bounds = array<i64: 1000, 128>}, {transform_indices = @transform_1, window_bounds = array<i64: 1000, 1>}, {transform_indices = @transform_2, window_bounds = array<i64: 1000, 128>}]} {
    %get3A = arith.constant 0 : index
    %get3A_0 = arith.constant 0 : index
    %get3A_1 = vector.load %arg1[%get3A, %get3A_0] : memref<1000x128xf32, #tpu.memory_space<vmem>>, vector<1000x128xf32>
    %get3A_2 = arith.constant 0 : index
    %get3A_3 = arith.constant 0 : index
    %get3A_4 = vector.load %arg2[%get3A_2, %get3A_3] : memref<1000x1xf32, #tpu.memory_space<vmem>>, vector<1000x1xf32>
    %mul3A = vector.broadcast %get3A_4 : vector<1000x1xf32> to vector<1000x128xf32>
    %mul3A_5 = arith.mulf %get3A_1, %mul3A : vector<1000x128xf32>
    %swap3A = arith.constant 0 : index
    %swap3A_6 = arith.constant 0 : index
    %swap3A_7 = vector.load %arg3[%swap3A, %swap3A_6] : memref<1000x128xf32, #tpu.memory_space<vmem>>, vector<1000x128xf32>
    tpu.vector_store %arg3[%swap3A, %swap3A_6], %mul3A_5 {strides = array<i32>} : memref<1000x128xf32, #tpu.memory_space<vmem>>, vector<1000x128xf32>,
    return
  }
  func.func @transform_0(%arg0: i32) -> (i32, i32) {
    %c0_i32 = arith.constant 0 : i32
    %c0_i32_0 = arith.constant 0 : i32
    return %arg0, %c0_i32 : i32, i32
  }
  func.func @transform_1(%arg0: i32) -> (i32, i32) {
    %c0_i32 = arith.constant 0 : i32
    %c0_i32_0 = arith.constant 0 : i32
    return %arg0, %c0_i32 : i32, i32
  }
  func.func @transform_2(%arg0: i32) -> (i32, i32) {
    %c0_i32 = arith.constant 0 : i32
    %c0_i32_0 = arith.constant 0 : i32
    return %arg0, %c0_i32 : i32, i32
  }
}

module attributes {stable_mosaic.version = 14 : i64} {
  func.func @_tc_finish_body(%arg0: i32, %arg1: memref<1000x128xf32, #tpu.memory_space<vmem>>, %arg2: memref<1000x128xf32, #tpu.memory_space<vmem>>, %arg3: memref<1000x1xf32, #tpu.memory_space<vmem>>, %arg4: memref<1000x128xf32, #tpu.memory_space<vmem>>, %arg5: memref<1000x256xf32, #tpu.memory_space<vmem>>) attributes {dimension_semantics = [#tpu.dimension_semantics<arbitrary>], iteration_bounds = array<i64: 10>, scalar_prefetch = 0 : i64, scratch_operands = 0 : i64, tpu.core_type = #tpu.core_type<tc>, window_params = [{transform_indices = @transform_0, window_bounds = array<i64: 1000, 128>}, {transform_indices = @transform_1, window_bounds = array<i64: 1000, 128>}, {transform_indices = @transform_2, window_bounds = array<i64: 1000, 1>}, {transform_indices = @transform_3, window_bounds = array<i64: 1000, 128>}, {transform_indices = @transform_4, window_bounds = array<i64: 1000, 256>}]} {
    %get3A = arith.constant 0 : index
    %get3A_0 = arith.constant 0 : index
    %get3A_1 = vector.load %arg1[%get3A, %get3A_0] : memref<1000x128xf32, #tpu.memory_space<vmem>>, vector<1000x128xf32>
    %get3A_2 = arith.constant 0 : index
    %get3A_3 = arith.constant 0 : index
    %get3A_4 = vector.load %arg2[%get3A_2, %get3A_3] : memref<1000x128xf32, #tpu.memory_space<vmem>>, vector<1000x128xf32>
    %is_finite3A = tpu.weird %get3A_4 : vector<1000x128xf32> -> vector<1000x128xi1>
    %is_finite3A_5 = arith.constant dense<true> : vector<1000x128xi1>
    %is_finite3A_6 = arith.xori %is_finite3A, %is_finite3A_5 : vector<1000x128xi1>
    %jit3A = arith.constant 0.000000e+00 : f32
    %broadcast_in_dim3A = vector.broadcast %jit3A : f32 to vector<1000x128xf32>
    %select_n3A = arith.select %is_finite3A_6, %get3A_4, %broadcast_in_dim3A : vector<1000x128xi1>, vector<1000x128xf32>
    %mul3A = arith.mulf %get3A_1, %get3A_1 : vector<1000x128xf32>
    %reduce_sum3A = arith.constant dense<0.000000e+00> : vector<1000xf32>
    %reduce_sum3A_7 = vector.multi_reduction <add>, %mul3A, %reduce_sum3A [1] : vector<1000x128xf32> to vector<1000xf32>
    %broadcast_in_dim3A_8 = vector.shape_cast %reduce_sum3A_7 : vector<1000xf32> to vector<1000x1xf32>
    %mul3A_9 = arith.mulf %select_n3A, %select_n3A : vector<1000x128xf32>
    %reduce_sum3A_10 = arith.constant dense<0.000000e+00> : vector<1000xf32>
    %reduce_sum3A_11 = vector.multi_reduction <add>, %mul3A_9, %reduce_sum3A_10 [1] : vector<1000x128xf32> to vector<1000xf32>
    %broadcast_in_dim3A_12 = vector.shape_cast %reduce_sum3A_11 : vector<1000xf32> to vector<1000x1xf32>
    %add3A = arith.addf %broadcast_in_dim3A_8, %broadcast_in_dim3A_12 : vector<1000x1xf32>
    %sqrt3A = math.sqrt %add3A : vector<1000x1xf32>
    %max3A = arith.constant 9.99999996E-13 : f32
    %max3A_13 = vector.broadcast %max3A : f32 to vector<1000x1xf32>
    %max3A_14 = arith.maximumf %sqrt3A, %max3A_13 : vector<1000x1xf32>
    %div3A = arith.constant 1.000000e+00 : f32
    %div3A_15 = vector.broadcast %div3A : f32 to vector<1000x1xf32>
    %div3A_16 = arith.divf %div3A_15, %max3A_14 : vector<1000x1xf32>
    %get3A_17 = arith.constant 0 : index
    %get3A_18 = arith.constant 0 : index
    %get3A_19 = vector.load %arg3[%get3A_17, %get3A_18] : memref<1000x1xf32, #tpu.memory_space<vmem>>, vector<1000x1xf32>
    %mul3A_20 = vector.broadcast %get3A_19 : vector<1000x1xf32> to vector<1000x128xf32>
    %mul3A_21 = arith.mulf %select_n3A, %mul3A_20 : vector<1000x128xf32>
    %swap3A = arith.constant 0 : index
    %swap3A_22 = arith.constant 0 : index
    %swap3A_23 = vector.load %arg4[%swap3A, %swap3A_22] : memref<1000x128xf32, #tpu.memory_space<vmem>>, vector<1000x128xf32>
    tpu.vector_store %arg4[%swap3A, %swap3A_22], %mul3A_21 {strides = array<i32>} : memref<1000x128xf32, #tpu.memory_space<vmem>>, vector<1000x128xf32>,
    %mul3A_24 = vector.broadcast %div3A_16 : vector<1000x1xf32> to vector<1000x128xf32>
    %mul3A_25 = arith.mulf %get3A_1, %mul3A_24 : vector<1000x128xf32>
    %mul3A_26 = vector.broadcast %div3A_16 : vector<1000x1xf32> to vector<1000x128xf32>
    %mul3A_27 = arith.mulf %select_n3A, %mul3A_26 : vector<1000x128xf32>
    %concatenate3A = tpu.concatenate %mul3A_25, %mul3A_27 in 1 : vector<1000x128xf32>, vector<1000x128xf32> -> vector<1000x256xf32>
    %swap3A_28 = arith.constant 0 : index
    %swap3A_29 = arith.constant 0 : index
    %swap3A_30 = vector.load %arg5[%swap3A_28, %swap3A_29] : memref<1000x256xf32, #tpu.memory_space<vmem>>, vector<1000x256xf32>
    tpu.vector_store %arg5[%swap3A_28, %swap3A_29], %concatenate3A {strides = array<i32>} : memref<1000x256xf32, #tpu.memory_space<vmem>>, vector<1000x256xf32>,
    return
  }
  func.func @transform_0(%arg0: i32) -> (i32, i32) {
    %c0_i32 = arith.constant 0 : i32
    %c0_i32_0 = arith.constant 0 : i32
    return %arg0, %c0_i32 : i32, i32
  }
  func.func @transform_1(%arg0: i32) -> (i32, i32) {
    %c0_i32 = arith.constant 0 : i32
    %c0_i32_0 = arith.constant 0 : i32
    return %arg0, %c0_i32 : i32, i32
  }
  func.func @transform_2(%arg0: i32) -> (i32, i32) {
    %c0_i32 = arith.constant 0 : i32
    %c0_i32_0 = arith.constant 0 : i32
    return %arg0, %c0_i32 : i32, i32
  }
  func.func @transform_3(%arg0: i32) -> (i32, i32) {
    %c0_i32 = arith.constant 0 : i32
    %c0_i32_0 = arith.constant 0 : i32
    return %arg0, %c0_i32 : i32, i32
  }
  func.func @transform_4(%arg0: i32) -> (i32, i32) {
    %c0_i32 = arith.constant 0 : i32
    %c0_i32_0 = arith.constant 0 : i32
    return %arg0, %c0_i32 : i32, i32
  }
}

</mosaic_0001>

<sc_bundles>
// kernel: kernel.5.cloned.1.call-start
scs
__scs_entry_jumppad:
0x0: {  	(pc) =	sbr.rel $0x88, $3  }
0x1: {  	(tag) =	ssettag $0x0;
	lr =	simm.s32 $0x1  }
0x2: {  	[smem:$0x3F9E] =	sst lr;
	_ =	strace $0xD0000000  }
0x3: {  	_ = 	snop  }
0x4: {  	_ = 	snop  }
0x5: {  	_ = 	snop  }
0x6: {  	_ = 	snop  }
0x7: {  	_ = 	snop  }
__scs_overlays_trampoline_lowered:
0x8: {  	[smem:$0x3FAD] =	sst s0  }
0x9: {  	[smem:$0x3FAE] =	sst s1  }
0xa: {  	[smem:$0x3FAF] =	sst s2  }
0xb: {  	[smem:$0x3FB0] =	sst s3  }
0xc: {  	[smem:$0x3FB1] =	sst s4  }
0xd: {  	[smem:$0x3FB2] =	sst s5  }
0xe: {  	[smem:$0x3FB3] =	sst s6  }
0xf: {  	[smem:$0x3FB4] =	sst s7  }
0x10: {  	[smem:$0x3FB5] =	sst s8  }
0x11: {  	[smem:$0x3FB6] =	sst s9;
	s0 =	simm.s32 @!p0 $0x0  }
0x12: {  	s1 =	sld [smem:$0x3F9C];
	s0 =	simm.s32 @p0 $0x1  }
0x13: {  	[smem:$0x3FB7] =	sst s0;
	s0 =	simm.s32 @!p1 $0x0  }
0x14: {  	s2 =	sld [smem:$0x3F9B];
	s0 =	simm.s32 @p1 $0x1  }
0x15: {  	[smem:$0x3FB8] =	sst s0;
	s0 =	simm.s32 @!p2 $0x0  }
0x16: {  	s3 =	sld [smem:$0x3FDB];
	s0 =	simm.s32 @p2 $0x1  }
0x17: {  	s4 =	simm.s32 $0x1BF5;
	[smem:$0x3FBA] =	sst s0  }
0x18: {  	s0 =	sld [smem:$0x3F9D];
	_ =	swait.ge [sflag:s4], $0x0  }
0x19: {  	s7 =	sld [smem:$0x3F9E]  }
0x1a: {  	s8 =	sadd.s32 $0xFFFFE003, lr  }
0x1b: {  	s9 =	sadd.s32 $0xFFFFFEF7, lr;
	s5 =	simm.s32 $0xFFFFFFFF;
	p2 =	slt.u32 s8, $0xFFFFF086  }
0x1c: {  	p1 =	slt.u32 s9, $0xF7A;
	s5 =	simm.s32 @!p2 $0x0  }
0x1d: {  	s5 =	simm.s32 @p1 $0x1;
	p0 =	seq.s32 s7, s2  }
0x1e: {  	s7 =	smul.u32 @!p0 $0xF7A, s2;
	p2 =	seq.s32 @!p0 s5, $0x0  }
0x1f: {  	s9 =	smul.u32 $0xF7A, s1;
	s8 =	simm.s32 @!p0 $0x1BF5;
	p2 =	por !p2, p0  }
0x20: {  	[sflag:s8] =	ssyncset.s32 @!p0 $0xFFFFF086;
	s6 =	sadd.s32 @!p0 s3, s7;
	s7 =	simm.s32 @!p0 $0x108  }
0x21: {  	s3 =	sadd.s32 s3, s9;
	s6 =	sadd.s32 @!p0 $0x88, s6;
	s7 =	simm.s32 @p2 $0x1082  }
0x22: {  	[simem:s7], [sflag:s8] =	dma.local @!p0 [hbm:s6], $0xF7A  }
0x23: {  	s9 =	sor.u32 $0xD0000000, s2;
	s6 =	simm.s32 $0x108;
	_ =	swait.ge @!p0 [sflag:s8], $0x0  }
0x24: {  	s3 =	sadd.s32 $0x88, s3;
	s6 =	simm.s32 @!p1 $0x1082;
	[sflag:s4] =	ssyncset.s32 $0xFFFFF086  }
0x25: {  	[simem:s6], [sflag:s4] =	dma.local [hbm:s3], $0xF7A  }
0x26: {  	[smem:$0x3F9E] =	sst s1;
	(tag) =	ssettag s2;
	_ =	strace s9  }
0x27: {  	s1 =	sld [smem:$0x3FAE]  }
0x28: {  	s2 =	sld [smem:$0x3FAF]  }
0x29: {  	s4 =	sld [smem:$0x3FB1]  }
0x2a: {  	p0 =	seq.s32 s5, $0x0;
	s5 =	sld [smem:$0x3FB2]  }
0x2b: {  	s6 =	sld [smem:$0x3FB3]  }
0x2c: {  	s7 =	sld [smem:$0x3FB4]  }
0x2d: {  	s3 =	simm.s32 $0x108;
	s8 =	sld [smem:$0x3FB5]  }
0x2e: {  	s3 =	simm.s32 @!p0 $0x1082;
	s9 =	sld [smem:$0x3FB6]  }
0x2f: {  	lr =	sadd.s32 s0, s3;
	s0 =	sld [smem:$0x3FAD]  }
0x30: {  	s3 =	sld [smem:$0x3FB0]  }
0x31: {  	[smem:$0x3FB9] =	sst s10  }
0x32: {  	s10 =	sld [smem:$0x3FB7];
	_ =	sdelay $0x3  }
0x33: {  	p0 =	seq.s32 s10, $0x1;
	s10 =	sld [smem:$0x3FB9];
	_ =	sdelay $0x3  }
0x34: {  	[smem:$0x3FB9] =	sst s10  }
0x35: {  	s10 =	sld [smem:$0x3FB8];
	_ =	sdelay $0x3  }
0x36: {  	p1 =	seq.s32 s10, $0x1;
	s10 =	sld [smem:$0x3FB9];
	_ =	sdelay $0x3  }
0x37: {  	[smem:$0x3FB9] =	sst s10  }
0x38: {  	s10 =	sld [smem:$0x3FBA]  }
0x39: {  	_ = 	snop;
	(pc) =	sbr.ind lr, $3  }
0x3a: {  	_ = 	snop  }
0x3b: {  	_ = 	snop  }
0x3c: {  	p2 =	seq.s32 s10, $0x1;
	s10 =	sld [smem:$0x3FB9]  }
0x3d: {  	_ =	shalt  }
0x3e: {  	_ =	shalt  }
0x3f: {  	_ =	shalt  }
0x40: {  	_ =	shalt  }
0x41: {  	_ =	shalt  }
0x42: {  	_ =	shalt  }
0x43: {  	_ =	shalt  }
0x44: {  	_ =	shalt  }
0x45: {  	_ =	shalt  }
0x46: {  	_ =	shalt  }
0x47: {  	_ =	shalt  }
0x48: {  	_ =	shalt  }
0x49: {  	_ =	shalt  }
0x4a: {  	_ =	shalt  }
0x4b: {  	_ =	shalt  }
0x4c: {  	_ =	shalt  }
0x4d: {  	_ =	shalt  }
0x4e: {  	_ =	shalt  }
0x4f: {  	_ =	shalt  }
0x50: {  	_ =	shalt  }
0x51: {  	_ =	shalt  }
0x52: {  	_ =	shalt  }
0x53: {  	_ =	shalt  }
0x54: {  	_ =	shalt  }
0x55: {  	_ =	shalt  }
0x56: {  	_ =	shalt  }
0x57: {  	_ =	shalt  }
0x58: {  	_ =	shalt  }
0x59: {  	_ =	shalt  }
0x5a: {  	_ =	shalt  }
0x5b: {  	_ =	shalt  }
0x5c: {  	_ =	shalt  }
0x5d: {  	_ =	shalt  }
0x5e: {  	_ =	shalt  }
0x5f: {  	_ =	shalt  }
0x60: {  	_ =	shalt  }
0x61: {  	_ =	shalt  }
0x62: {  	_ =	shalt  }
0x63: {  	_ =	shalt  }
0x64: {  	_ =	shalt  }
0x65: {  	_ =	shalt  }
0x66: {  	_ =	shalt  }
0x67: {  	_ =	shalt  }
0x68: {  	_ =	shalt  }
0x69: {  	_ =	shalt  }
0x6a: {  	_ =	shalt  }
0x6b: {  	_ =	shalt  }
0x6c: {  	_ =	shalt  }
0x6d: {  	_ =	shalt  }
0x6e: {  	_ =	shalt  }
0x6f: {  	_ =	shalt  }
0x70: {  	_ =	shalt  }
0x71: {  	_ =	shalt  }
0x72: {  	_ =	shalt  }
0x73: {  	_ =	shalt  }
0x74: {  	_ =	shalt  }
0x75: {  	_ =	shalt  }
0x76: {  	_ =	shalt  }
0x77: {  	_ =	shalt  }
0x78: {  	_ =	shalt  }
0x79: {  	_ =	shalt  }
0x7a: {  	_ =	shalt  }
0x7b: {  	_ =	shalt  }
0x7c: {  	_ =	shalt  }
0x7d: {  	_ =	shalt  }
0x7e: {  	_ =	shalt  }
0x7f: {  	_ =	shalt  }
0x80: {  	_ =	shalt  }
0x81: {  	_ =	shalt  }
0x82: {  	_ =	shalt  }
0x83: {  	_ =	shalt  }
0x84: {  	_ =	shalt  }
0x85: {  	_ =	shalt  }
0x86: {  	_ =	shalt  }
0x87: {  	_ =	shalt  }
.Lfunc_end0:
.L_simem_size_0:
called_computation_lowered:
.L_overlay_start_0:
0x88: {  	s2 =	sld [smem:$0x3FD9]  }
0x89: {  	s3 =	sld [smem:$0x3FFE];
	_ =	sdelay $0x1  }
0x8a: {  	s1 =	srdreg.scid  }
0x8b: {  	s0 =	sand.u32 $0x1, s1  }
0x8c: {  	s14 =	sshll.u32 s0, $0xA;
	s2 =	sadd.s32 s3, s2  }
0x8d: {  	s2 =	sadd.s32 s2, s14  }
0x8e: {  	[smem:$0x3FC5] =	sst s2  }
0x8f: {  	_ = 	snop  }
0x90: {  	s2 =	sld [smem:$0x3FD0];
	_ =	sdelay $0x2  }
0x91: {  	s15 =	simm.s32 $0xA;
	s4 =	simm.s32 $0x10  }
0x92: {  	[smem:s4], [sflag:s15] =	dma.local [hbm:s2], $0x1  }
0x93: {  	_ =	swait.eq [sflag:s15], $0x1  }
0x94: {  	[sflag:s15] =	ssyncset.done $0x0  }
0x95: {  	s16 =	sld [smem:$0x10];
	[sflag:s15] =	ssyncadd.s32 $0xFFFFFFFF  }
0x96: {  	s17 =	sld [smem:$0x11];
	(tm) =	ssettm $0x1  }
0x97: {  	s18 =	sld [smem:$0x3FFB];
	_ =	sdelay $0x3  }
0x98: {  	_ =	strace s18  }
0x99: {  	s4 =	sld [smem:$0x3FFC];
	_ =	sdelay $0x3  }
0x9a: {  	_ =	strace s4  }
0x9b: {  	s4 =	sld [smem:$0x3FFD];
	_ =	sdelay $0x3  }
0x9c: {  	_ =	strace s4  }
0x9d: {  	_ =	strace $0x8FFFFFFF  }
0x9e: {  	s19 =	sld [smem:$0x3FDB];
	_ =	sdelay $0x1  }
0x9f: {  	s5 =	simm.s32 $_scs_section_size  }
0xa0: {  	s6 =	simm.s32 $_size__tile_overlayer_lowered;
	s7 =	simm.s32 $_tile_overlayer_lowered  }
0xa1: {  	s22 =	simm.s32 $0x1BFF;
	s21 =	sshll.u32 s7, $0x1;
	s4 =	sadd.s32 s5, s19  }
0xa2: {  	s8 =	simm.s32 $0x0;
	s20 =	sshll.u32 s6, $0x1;
	s6 =	sadd.s32 s21, s4  }
0xa3: {  	[timem:s8], [sflag:s22] =	dma.local [hbm:s6], s20  }
0xa4: {  	_ =	swait.ge [sflag:s22], s20  }
0xa5: {  	s5 =	ssub.s32 $0x0, s20;
	[sflag:s22] =	ssyncset.done $0x0  }
0xa6: {  	[sflag:s22] =	ssyncadd.s32 s5;
	_ =	sdelay $0x1  }
0xa7: {  	s23 =	simm.s32 $0x1B8B  }
0xa8: {  	_ =	swait.ge [sflag:s23], $0x1  }
0xa9: {  	[sflag:s23] =	ssyncset.done $0x0  }
0xaa: {  	s25 =	simm.s32 $0x1B8E;
	s24 =	sld [smem:$0x3FFE];
	[sflag:s23] =	ssyncadd.s32 $0xFFFFFFFF  }
0xab: {  	s26 =	simm.s32 $execute0_lowered;
	[smem:$0x3FD2] =	sst s25  }
0xac: {  	s6 =	sshll.u32 s26, $0x1;
	_ =	strace $0x80000046;
	[dreg:$0x1] =	wrdreg $0xFFFFFFFF  }
0xad: {  	s28 =	simm.s32 $_size_execute0_lowered;
	s4 =	sadd.s32 s4, s6;
	[dreg:$0x0] =	wrdreg $0x0  }
0xae: {  	s6 =	sshll.u32 s28, $0x1;
	[dreg:$0x2] =	wrdreg s4  }
0xaf: {  	[dreg:$0x3] =	wrdreg s6  }
0xb0: {  	[dreg:$0x4] =	wrdreg $0xC0  }
0xb1: {  	_ =	task [dreg:s8], $0x5FFFF  }
0xb2: {  	[dreg:$0x1] =	wrdreg $0xFFFFFFFF  }
0xb3: {  	[dreg:$0x0] =	wrdreg $0x60  }
0xb4: {  	[dreg:$0x2] =	wrdreg s16  }
0xb5: {  	[dreg:$0x3] =	wrdreg s24  }
0xb6: {  	[dreg:$0x4] =	wrdreg s17  }
0xb7: {  	[dreg:$0x5] =	wrdreg $0x9  }
0xb8: {  	_ =	task.clear_ibuf [dreg:s8], $0x6FFFF;
	_ =	strace $0x90000046  }
0xb9: {  	s29 =	simm.s32 $0x9;
	_ =	strace $0x80000048  }
0xba: {  	_ =	swait.ge [sflag:s29], $0x1  }
0xbb: {  	[sflag:s29] =	ssyncadd.s32 $0xFFFFFFFF  }
0xbc: {  	_ =	strace $0x90000048  }
0xbd: {  	_ =	sfence  }
0xbe: {  	s30 =	sld [smem:$0x0];
	_ =	sdelay $0x2  }
0xbf: {  	s31 =	sshll.u32 s1, $0xD;
	s1 =	sshrl.u32 s1, $0x2  }
0xc0: {  	s3 =	sand.u32 $0x4000, s31;
	s1 =	sadd.s32 s1, s30  }
0xc1: {  	s0 =	sor.u32 s3, s0;
	s1 =	sshll.u32 s1, $0x11  }
0xc2: {  	s0 =	sor.u32 s1, s0  }
0xc3: {  	s0 =	sadd.s32 $0x8F2B, s0  }
0xc4: {  	[sflag:s0] =	ssyncadd.remote.s32 $0x1  }
0xc5: {  	_ =	sfence.sel $0xFFFF  }
0xc6: {  	[dreg:$0x0] =	wrdreg $0xFFFFFFFF;
	(pc) =	sbr.abs _section_cstart, $3  }
0xc7: {  	[dreg:$0x1] =	wrdreg $0xFFFFFFFF  }
0xc8: {  	_ =	task.clear_ibuf [dreg:s8], $0x2FFFF;
	_ =	strace $0x9FFFFFFF  }
0xc9: {  	(tm) =	ssettm $0x7FFFFFFF  }
tec
execute0_lowered:
.L_overlay_start_1:
0x0: {  	(tag) =	ssettag $0x1  }
0x1: {  	v0 =	vimm.s32 $0xFFEDCBA9;
	v2 =	vimm.s32 $0xEDCBA987  }
0x2: {  	v1 =	vimm.s32 $0x87654321;
	v3 =	vimm.s32 $0x65432100;
	v2 =	vunpack.c.l.s4.s8 v2  }
0x3: {  	v4 =	vimm.s32 $0x54321000;
	v0 =	vunpack.c.l.s4.s8 v0;
	v1 =	vunpack.c.l.s4.s8 v1  }
0x4: {  	v5 =	vimm.s32 $0xDCBA9876;
	v3 =	vunpack.c.l.s4.s8 v3;
	v2 =	vunpack.c.0.s8.s32 v2  }
0x5: {  	s5 =	rddreg [dreg:$0x0];
	v5 =	vunpack.c.l.s4.s8 v5;
	v0 =	vunpack.c.0.s8.s32 v0;
	v1 =	vunpack.c.0.s8.s32 v1  }
0x6: {  	s0 =	rddreg [dreg:$0x1];
	v4 =	vunpack.c.l.s4.s8 v4;
	v3 =	vunpack.c.0.s8.s32 v3;
	v2 =	vand.u32 $0xF, v2  }
0x7: {  	s6 =	rddreg [dreg:$0x2];
	v6 =	vcombine.low v1, v0;
	v1 =	vunpack.c.0.s8.s32 v5;
	v5 =	vimm.s32 $0xE40000  }
0x8: {  	s3 =	srdreg.scid;
	s1 =	stileid.u32;
	v0 =	vcombine.low v3, v2;
	v2 =	vunpack.c.0.s8.s32 v4;
	v3 =	vimm.s32 $0xBA987654  }
0x9: {  	s2 =	rddreg [dreg:$0x3];
	s10 =	simm.s32 $0x17800;
	s11 =	simm.s32 $0x15880;
	v4 =	vimm.s32 $0x32100000;
	v5 =	vunpack.c.l.s2.s4 v5;
	v3 =	vunpack.c.l.s4.s8 v3  }
0xa: {  	s12 =	simm.s32 $0x19780;
	s13 =	simm.s32 $0x1;
	s14 =	simm.s32 $0x2;
	v7 =	vand.u32 $0xF, v1;
	v4 =	vunpack.c.l.s4.s8 v4  }
0xb: {  	s15 =	simm.s32 $0x9C80;
	s4 =	sand.u32 $0x1, s3;
	s7 =	sshll.u32 s1, $0x1;
	v2 =	vcombine.low v2, v7;
	v9 =	vunpack.c.l.s4.s8 v5;
	v7 =	vunpack.c.0.s8.s32 v3  }
0xc: {  	s3 =	simm.s32 $0x0;
	s8 =	ssub.s32 $0x2, s4;
	s4 =	sor.u32 s4, s7;
	v8 =	vunpack.c.0.s8.s32 v4;
	v4 =	vand.u32 $0xF, v6  }
0xd: {  	s16 =	simm.s32 $0x0;
	[smem:$0x7FF] =	sst s3;
	s9 =	smul.u32 $0x1388, s4;
	v6 =	vimm.s32 $0x7060504;
	v5 =	vand.u32 $0xF, v7;
	v7 =	vunpack.c.0.s8.s32 v9  }
0xe: {  	vm0 =	vcmask $0x3F30;
	s31 =	sshrl.u32 s8, $0x1;
	_ =	strace $0x80000047;
	s4 =	sadd.s32 $0x9E00, s0;
	v6 =	vunpack.c.0.s8.s32 v6  }
0xf: {  	s7 =	ssub.s32 s8, s31;
	s8 =	simm.s32 $0x3;
	s5 =	sadd.s32 s5, s9;
	v1 =	vimm.f32 $-Inf;
	v3 =	vlaneseq.u32;
	v7 =	vand.u32 $0x3, v7  }
0x10: {  	s6 =	sadd.s32 s6, s9;
	s7 =	smax.u32 s7, $0x1;
	s9 =	simm.s32 $0x13900;
	v5 =	vcombine.low v8, v5;
	v6 =	vsel vm0, v6, v7;
	v7 =	vimm.f32 $0.0e+00  }
.LBB2_1:
0x11: {  	[tilespmem:s3], [sflag:$0x3] =	stream.linear.gather [hbm4b:s5+s3], $0x9C40, $0x38;
	[tilespmem:$0x1B700] =	vst v63  }
0x12: {  	_ =	swait.ge [sflag:s8], $0x9C40  }
0x13: {  	[sflag:s8] =	ssyncset.done $0x0  }
0x14: {  	s17 =	simm.s32 $0x0;
	s18 =	simm.s32 $0x200;
	[sflag:s8] =	ssyncadd.s32 $0xFFFF63C0  }
.LBB2_2:
0x15: {  	p0 =	sne.s32 s18, $0x26E00;
	[tilespmem:s17+$0x9CF0] =	vst v1  }
0x16: {  	[tilespmem:s17+$0x9C80] =	vst v1  }
0x17: {  	[tilespmem:s17+$0x9C90] =	vst v1  }
.Ltmp0:
0x18: {  	[tilespmem:s17+$0x9CA0] =	vst v1;
	(pc) =	sbr.rel @p0 .LBB2_2-.Ltmp0, $4  }
0x19: {  	[tilespmem:s17+$0x9CB0] =	vst v1  }
0x1a: {  	[tilespmem:s17+$0x9CC0] =	vst v1  }
0x1b: {  	[tilespmem:s17+$0x9CD0] =	vst v1  }
0x1c: {  	[tilespmem:s17+$0x9CE0] =	vst v1;
	s17 =	sshra.s32 s18, $0x2;
	s18 =	sadd.s32 $0x200, s18  }
0x1d: {  	[tilespmem:s17+$0x9CF0] =	vst v1  }
0x1e: {  	[tilespmem:s17+$0x9C80] =	vst v1  }
0x1f: {  	[tilespmem:s17+$0x9C90] =	vst v1  }
0x20: {  	[tilespmem:s17+$0x9CA0] =	vst v1  }
0x21: {  	[tilespmem:s17+$0x9CB0] =	vst v1  }
0x22: {  	[tilespmem:s17+$0x9CC0] =	vst v1  }
0x23: {  	[tilespmem:s17+$0x9CD0] =	vst v1  }
0x24: {  	[tilespmem:s17+$0x9CE0] =	vst v1;
	s17 =	simm.s32 $0x0  }
0x25: {  	[tilespmem:s9], [sflag:$0x1] =	stream.linear.gather [hbm4b:s4+s17], $0x1F40, $0x38;
	[tilespmem:$0x1B700] =	vst v63  }
0x26: {  	s18 =	simm.s32 $0x0  }
0x27: {  	[tilespmem:s10], [sflag:$0x2] =	stream.linear.gather [hbm4b:s0+s17], $0x1F40, $0x38;
	[tilespmem:$0x1B700] =	vst v63  }
.LBB2_4:
0x28: {  	s19 =	smul.u32 $0x3E80, s18;
	_ =	sdelay $0x1  }
0x29: {  	s20 =	sshrl.u32 s19, $0x3  }
0x2a: {  	s20 =	sadd.s32 $0x3E8, s20  }
0x2b: {  	s21 =	sadd.s32 s4, s20  }
0x2c: {  	[tilespmem:s11], [sflag:$0x1] =	stream.linear.gather [hbm4b:s21+s17], $0x1F40, $0x38;
	[tilespmem:$0x1B700] =	vst v63  }
0x2d: {  	s20 =	sadd.s32 s0, s20  }
0x2e: {  	[tilespmem:s12], [sflag:$0x2] =	stream.linear.gather [hbm4b:s20+s17], $0x1F40, $0x38;
	[tilespmem:$0x1B700] =	vst v63  }
0x2f: {  	_ =	swait.ge [sflag:s13], $0x1F40  }
0x30: {  	[sflag:s13] =	ssyncset.done $0x0  }
0x31: {  	[sflag:s13] =	ssyncadd.s32 $0xFFFFE0C0  }
0x32: {  	_ =	swait.ge [sflag:s14], $0x1F40  }
0x33: {  	[sflag:s14] =	ssyncset.done $0x0  }
0x34: {  	s20 =	simm.s32 $0x0;
	[sflag:s14] =	ssyncadd.s32 $0xFFFFE0C0  }
.LBB2_5:
0x35: {  	s21 =	sshll.u32 s20, $0x6  }
0x36: {  	v8 =	vld [tilespmem:s21+$0x17800];
	_ =	sdelay $0x4  }
0x37: {  	v8 =	vxor.u32 $0x80000000, v8  }
0x38: {  	(xrf1) =	vsort.ascd.msk.u32 $0xffff, v8, v3;
	_ =	sdelay $0xa  }
0x39: {  	v8 =	vld [tilespmem:s21+$0x13900];
	_ =	sdelay $0x2  }
0x3a: {  	v11, v9, _ =	vpop (xrf1)  }
0x3b: {  	v9 =	vadd.s32 $0x10, v9  }
0x3c: {  	v12 =	vperm.xlane v8, v9;
	v8 =	vxor.u32 $0x80000000, v11;
	_ =	sdelay $0x4  }
0x3d: {  	v9 =	vld.idx.msk [tilespmem:v8+s3+$0x0], $0xffff  }
0x3e: {  	v19 =	vld.idx.msk [tilespmem:v12+s3+$0x0], $0xffff;
	_ =	sdelay $0x4  }
0x3f: {  	v9 =	vadd.f32 v9, v19;
	_ =	sdelay $0x1  }
0x40: {  	v13 =	vadd.s32 $0x2710, v12;
	v10 =	vsub.f32 $0.0e+00, v9  }
0x41: {  	v9 =	vadd.s32 $0x80002710, v11  }
0x42: {  	v10 =	vmul.f32 $1.442695020e+00, v10;
	_ =	sdelay $0x1  }
0x43: {  	(erf) = vpow2.f32 v10  }
0x44: {  	v22 =	vld.idx.msk [tilespmem:v13+s3+$0x0], $0xffff  }
0x45: {  	v10 =	vld.idx.msk [tilespmem:v9+s3+$0x0], $0xffff;
	_ =	sdelay $0x4  }
0x46: {  	v10 =	vadd.f32 v10, v22;
	_ =	sdelay $0x1  }
0x47: {  	v15 =	vadd.s32 $0x4E20, v12;
	v14 =	vsub.f32 $0.0e+00, v10;
	v13 =	vpop (erf)  }
0x48: {  	v10 =	vadd.s32 $0x80004E20, v11;
	v13 =	vadd.f32 $1.000000000e+00, v13  }
0x49: {  	v14 =	vmul.f32 $1.442695020e+00, v14  }
0x4a: {  	(erf) = vrcp.f32 v13  }
0x4b: {  	v13 =	vld [tilespmem:s21+$0x17810];
	(erf) = vpow2.f32 v14  }
0x4c: {  	v20 =	vld.idx.msk [tilespmem:v15+s3+$0x0], $0xffff  }
0x4d: {  	v14 =	vld.idx.msk [tilespmem:v10+s3+$0x0], $0xffff;
	_ =	sdelay $0x2  }
0x4e: {  	v13 =	vxor.u32 $0x80000000, v13  }
0x4f: {  	(xrf1) =	vsort.ascd.msk.u32 $0xffff, v13, v3  }
0x50: {  	v13 =	vadd.f32 v14, v20  }
0x51: {  	v23 =	vpop (erf)  }
0x52: {  	v12 =	vadd.s32 $0x7530, v12;
	v13 =	vsub.f32 $0.0e+00, v13;
	v14 =	vpop (erf)  }
0x53: {  	v11 =	vadd.s32 $0x80007530, v11;
	v14 =	vadd.f32 $1.000000000e+00, v14  }
0x54: {  	v13 =	vmul.f32 $1.442695020e+00, v13  }
0x55: {  	(erf) = vrcp.f32 v14  }
0x56: {  	(erf) = vpow2.f32 v13  }
0x57: {  	v21 =	vld.idx.msk [tilespmem:v12+s3+$0x0], $0xffff  }
0x58: {  	v12 =	vld.idx.msk [tilespmem:v11+s3+$0x0], $0xffff;
	_ =	sdelay $0x1  }
0x59: {  	v13 =	vld [tilespmem:s21+$0x13910];
	_ =	sdelay $0x2  }
0x5a: {  	v12 =	vadd.f32 v12, v21;
	v15, v14, _ =	vpop (xrf1)  }
0x5b: {  	v14 =	vadd.s32 $0x10, v14;
	v34 =	vpop (erf)  }
0x5c: {  	v16 =	vperm.xlane v13, v14;
	v14 =	vsub.f32 $0.0e+00, v12;
	v12 =	vxor.u32 $0x80000000, v15;
	v13 =	vpop (erf)  }
0x5d: {  	v13 =	vadd.f32 $1.000000000e+00, v13  }
0x5e: {  	v14 =	vmul.f32 $1.442695020e+00, v14  }
0x5f: {  	(erf) = vrcp.f32 v13  }
0x60: {  	(erf) = vpow2.f32 v14  }
0x61: {  	v13 =	vld.idx.msk [tilespmem:v12+s3+$0x0], $0xffff  }
0x62: {  	v24 =	vld.idx.msk [tilespmem:v16+s3+$0x0], $0xffff;
	_ =	sdelay $0x4  }
0x63: {  	v13 =	vadd.f32 v13, v24  }
0x64: {  	v35 =	vpop (erf)  }
0x65: {  	v18 =	vadd.s32 $0x2710, v16;
	v17 =	vsub.f32 $0.0e+00, v13;
	v14 =	vpop (erf)  }
0x66: {  	v13 =	vadd.s32 $0x80002710, v15;
	v14 =	vadd.f32 $1.000000000e+00, v14  }
0x67: {  	v17 =	vmul.f32 $1.442695020e+00, v17  }
0x68: {  	(erf) = vrcp.f32 v14  }
0x69: {  	(erf) = vpow2.f32 v17  }
0x6a: {  	v26 =	vld.idx.msk [tilespmem:v18+s3+$0x0], $0xffff  }
0x6b: {  	v14 =	vld.idx.msk [tilespmem:v13+s3+$0x0], $0xffff;
	_ =	sdelay $0x4  }
0x6c: {  	v14 =	vadd.f32 v14, v26  }
0x6d: {  	v36 =	vpop (erf)  }
0x6e: {  	v25 =	vadd.s32 $0x4E20, v16;
	v18 =	vsub.f32 $0.0e+00, v14;
	v17 =	vpop (erf)  }
0x6f: {  	v14 =	vadd.s32 $0x80004E20, v15;
	v17 =	vadd.f32 $1.000000000e+00, v17  }
0x70: {  	v18 =	vmul.f32 $1.442695020e+00, v18  }
0x71: {  	(erf) = vrcp.f32 v17  }
0x72: {  	v17 =	vld [tilespmem:s21+$0x17820];
	(erf) = vpow2.f32 v18  }
0x73: {  	v27 =	vld.idx.msk [tilespmem:v25+s3+$0x0], $0xffff  }
0x74: {  	v18 =	vld.idx.msk [tilespmem:v14+s3+$0x0], $0xffff;
	_ =	sdelay $0x2  }
0x75: {  	v17 =	vxor.u32 $0x80000000, v17  }
0x76: {  	(xrf1) =	vsort.ascd.msk.u32 $0xffff, v17, v3  }
0x77: {  	v17 =	vadd.f32 v18, v27  }
0x78: {  	v25 =	vpop (erf)  }
0x79: {  	v16 =	vadd.s32 $0x7530, v16;
	v17 =	vsub.f32 $0.0e+00, v17;
	v18 =	vpop (erf)  }
0x7a: {  	v15 =	vadd.s32 $0x80007530, v15;
	v18 =	vadd.f32 $1.000000000e+00, v18  }
0x7b: {  	v17 =	vmul.f32 $1.442695020e+00, v17  }
0x7c: {  	(erf) = vrcp.f32 v18  }
0x7d: {  	(erf) = vpow2.f32 v17  }
0x7e: {  	v28 =	vld.idx.msk [tilespmem:v16+s3+$0x0], $0xffff  }
0x7f: {  	v16 =	vld.idx.msk [tilespmem:v15+s3+$0x0], $0xffff;
	_ =	sdelay $0x1  }
0x80: {  	v17 =	vld [tilespmem:s21+$0x13920];
	_ =	sdelay $0x2  }
0x81: {  	v16 =	vadd.f32 v16, v28;
	v37, v18, _ =	vpop (xrf1)  }
0x82: {  	v18 =	vadd.s32 $0x10, v18;
	v29 =	vpop (erf)  }
0x83: {  	v40 =	vperm.xlane v17, v18;
	v18 =	vsub.f32 $0.0e+00, v16;
	v16 =	vxor.u32 $0x80000000, v37;
	v17 =	vpop (erf)  }
0x84: {  	v17 =	vadd.f32 $1.000000000e+00, v17  }
0x85: {  	v18 =	vmul.f32 $1.442695020e+00, v18  }
0x86: {  	(erf) = vrcp.f32 v17  }
0x87: {  	(erf) = vpow2.f32 v18  }
0x88: {  	v17 =	vld.idx.msk [tilespmem:v16+s3+$0x0], $0xffff  }
0x89: {  	v30 =	vld.idx.msk [tilespmem:v40+s3+$0x0], $0xffff;
	_ =	sdelay $0x4  }
0x8a: {  	v17 =	vadd.f32 v17, v30  }
0x8b: {  	v39 =	vpop (erf)  }
0x8c: {  	v32 =	vadd.s32 $0x2710, v40;
	v31 =	vsub.f32 $0.0e+00, v17;
	v18 =	vpop (erf)  }
0x8d: {  	v17 =	vadd.s32 $0x80002710, v37;
	v18 =	vadd.f32 $1.000000000e+00, v18  }
0x8e: {  	v31 =	vmul.f32 $1.442695020e+00, v31  }
0x8f: {  	(erf) = vrcp.f32 v18  }
0x90: {  	(erf) = vpow2.f32 v31  }
0x91: {  	v32 =	vld.idx.msk [tilespmem:v32+s3+$0x0], $0xffff  }
0x92: {  	v18 =	vld.idx.msk [tilespmem:v17+s3+$0x0], $0xffff;
	_ =	sdelay $0x4  }
0x93: {  	v18 =	vadd.f32 v18, v32  }
0x94: {  	v38 =	vpop (erf)  }
0x95: {  	v33 =	vsub.f32 $0.0e+00, v18;
	v18 =	vadd.s32 $0x80004E20, v37;
	v31 =	vpop (erf)  }
0x96: {  	v41 =	vadd.s32 $0x4E20, v40;
	v31 =	vadd.f32 $1.000000000e+00, v31  }
0x97: {  	v33 =	vmul.f32 $1.442695020e+00, v33  }
0x98: {  	(erf) = vrcp.f32 v31;
	v31 =	vld [tilespmem:s21+$0x17830]  }
0x99: {  	(erf) = vpow2.f32 v33  }
0x9a: {  	v51 =	vld.idx.msk [tilespmem:v18+s3+$0x0], $0xffff  }
0x9b: {  	v33 =	vld.idx.msk [tilespmem:v41+s3+$0x0], $0xffff;
	_ =	sdelay $0x1  }
0x9c: {  	vm3 =	vcmask $0x3F04;
	v31 =	vxor.u32 $0x80000000, v31  }
0x9d: {  	vm4 =	vcmask $0x3F08;
	vm10 =	vcmask $0x3F10;
	v42 =	vperm.xlane v8, v0;
	(xrf1) =	vsort.ascd.msk.u32 $0xffff, v31, v3  }
0x9e: {  	vm11 =	vcmask $0x3F20;
	v53 =	vperm.xlane v8, v2;
	v54 =	vperm.xlane v8, v5  }
0x9f: {  	v57 =	vperm.xlane v8, v4;
	v23 =	vmul.f32 v23, v19;
	v41 =	vadd.f32 v51, v33  }
0xa0: {  	v44 =	vperm.xlane v8, v6;
	vm0 =	veq.s32 v8, v42;
	v40 =	vadd.s32 $0x7530, v40;
	v31 =	vpop (erf)  }
0xa1: {  	v52 =	vperm.xlane v23, v0;
	v22 =	vmul.f32 v34, v22;
	v41 =	vsub.f32 $0.0e+00, v41;
	v19 =	vpop (erf)  }
0xa2: {  	vm5 =	vmand vm0, vm3;
	v43 =	vadd.f32 $1.000000000e+00, v19;
	v19 =	vadd.s32 $0x80007530, v37  }
0xa3: {  	v55 =	vperm.xlane v22, v0;
	v41 =	vmul.f32 $1.442695020e+00, v41;
	v37 =	vmax.f32 v23, v52  }
0xa4: {  	vm0 =	veq.s32 v8, v53;
	v23 =	vsel vm5, v37, v23;
	(erf) = vrcp.f32 v43  }
0xa5: {  	v34 =	vld.idx.msk [tilespmem:v40+s3+$0x0], $0xffff;
	v40 =	vmax.f32 v22, v55;
	v37 =	vperm.xlane v23, v2;
	(erf) = vpow2.f32 v41  }
0xa6: {  	vm7 =	vmand vm0, vm4;
	vm0 =	veq.s32 v8, v54;
	v22 =	vsel vm5, v40, v22  }
0xa7: {  	vm6 =	vmand vm0, vm10;
	v59 =	vperm.xlane v22, v2;
	v37 =	vmax.f32 v23, v37;
	v56 =	vld.idx.msk [tilespmem:v19+s3+$0x0], $0xffff  }
0xa8: {  	v58 =	vld [tilespmem:s21+$0x13930];
	v35 =	vmul.f32 v35, v20;
	v21 =	vmul.f32 v36, v21;
	v23 =	vsel vm7, v37, v23  }
0xa9: {  	vm0 =	veq.s32 v8, v44;
	v44 =	vmax.f32 v22, v59;
	v37 =	vperm.xlane v23, v5  }
0xaa: {  	v62 =	vperm.xlane v35, v0;
	v50 =	vperm.xlane v21, v0;
	v22 =	vsel vm7, v44, v22  }
0xab: {  	vm0 =	vmand vm0, vm11;
	v29 =	vmul.f32 v29, v26;
	v49 =	vperm.xlane v22, v5;
	v40, v45, _ =	vpop (xrf1)  }
0xac: {  	v27 =	vmul.f32 v39, v27;
	v20 =	vadd.f32 v56, v34;
	v60 =	vadd.s32 $0x10, v45  }
0xad: {  	v44 =	vmax.f32 v22, v49;
	v61 =	vmax.f32 v23, v37;
	v37 =	vpop (erf);
	v42 =	vperm.xlane v58, v60  }
0xae: {  	v52 =	vmax.f32 v21, v50;
	v41 =	vmax.f32 v35, v62;
	v63 =	vpop (erf);
	v46 =	vsub.f32 $0.0e+00, v20  }
0xaf: {  	v41 =	vsel vm5, v41, v35;
	v20 =	vxor.u32 $0x80000000, v40;
	v48 =	vadd.f32 $1.000000000e+00, v63  }
0xb0: {  	v21 =	vsel vm5, v52, v21;
	v51 =	vperm.xlane v41, v2;
	v46 =	vmul.f32 $1.442695020e+00, v46  }
0xb1: {  	v22 =	vsel vm6, v44, v22;
	v54 =	vperm.xlane v21, v2;
	(erf) = vrcp.f32 v48  }
0xb2: {  	v47 =	vld.idx.msk [tilespmem:v8+s15+$0x0], $0xffff;
	v28 =	vmul.f32 v38, v28;
	v36 =	vmax.f32 v41, v51;
	(erf) = vpow2.f32 v46  }
0xb3: {  	v36 =	vsel vm7, v36, v41;
	v41 =	vmax.f32 v21, v54;
	v23 =	vsel vm6, v61, v23;
	v35 =	vld.idx.msk [tilespmem:v42+s3+$0x0], $0xffff  }
0xb4: {  	v59 =	vsel vm7, v41, v21;
	v45 =	vperm.xlane v23, v6;
	v56 =	vperm.xlane v22, v6;
	v53 =	vld.idx.msk [tilespmem:v20+s3+$0x0], $0xffff  }
0xb5: {  	vm5 =	vne.s32 v8, v57;
	v54 =	vmul.f32 v25, v24;
	v61 =	vperm.xlane v59, v5  }
0xb6: {  	v55 =	vmax.f32 v23, v45;
	v57 =	vmax.f32 v22, v56;
	v56 =	vperm.xlane v12, v0  }
0xb7: {  	v60 =	vld.idx.msk [tilespmem:v9+s15+$0x0], $0xffff;
	v32 =	vmul.f32 v37, v32;
	v23 =	vsel vm0, v55, v23;
	v49 =	vadd.s32 $0x2710, v42  }
0xb8: {  	v55 =	vperm.xlane v12, v4;
	v21 =	vmax.f32 v23, v47;
	v23 =	vsel vm0, v57, v22  }
0xb9: {  	v22 =	vmax.f32 v59, v61;
	v57 =	vperm.xlane v54, v0;
	v46 =	vadd.f32 v53, v35  }
0xba: {  	v61 =	vperm.xlane v12, v6;
	v48 =	vperm.xlane v36, v5;
	v45 =	vsel vm6, v22, v59;
	v41 =	vpop (erf)  }
0xbb: {  	v22 =	vadd.s32 $0x80002710, v40;
	v59 =	vperm.xlane v12, v2;
	v46 =	vsub.f32 $0.0e+00, v46;
	v52 =	vpop (erf)  }
0xbc: {  	v23 =	vmax.f32 v23, v60;
	v58 =	vmax.f32 v36, v48;
	v44 =	vadd.f32 $1.000000000e+00, v52  }
0xbd: {  	v60 =	vperm.xlane v12, v5;
	v36 =	vsel vm6, v58, v36;
	v46 =	vmul.f32 $1.442695020e+00, v46  }
0xbe: {  	v62 =	vperm.xlane v36, v6;
	(erf) = vrcp.f32 v44  }
0xbf: {  	v63 =	vld.idx.msk [tilespmem:v10+s15+$0x0], $0xffff;
	v51 =	vperm.xlane v45, v6;
	(erf) = vpow2.f32 v46  }
0xc0: {  	vm6 =	vne.s32 v12, v55;
	vm2 =	veq.s32 v12, v60;
	v58 =	vld.idx.msk [tilespmem:v22+s3+$0x0], $0xffff;
	v43 =	vmax.f32 v36, v62  }
0xc1: {  	vm7 =	vmand vm2, vm10;
	vm2 =	veq.s32 v12, v61;
	v43 =	vsel vm0, v43, v36;
	v36 =	vld.idx.msk [tilespmem:v49+s3+$0x0], $0xffff  }
0xc2: {  	v61 =	vperm.xlane v28, v0;
	v62 =	vperm.xlane v29, v0;
	v53 =	vmax.f32 v45, v51  }
0xc3: {  	v49 =	vperm.xlane v16, v5;
	v25 =	vsel vm0, v53, v45;
	vm0 =	veq.s32 v12, v56  }
0xc4: {  	v24 =	vmax.f32 v43, v63;
	v43 =	vmax.f32 v54, v57;
	vm1 =	vmand vm0, vm3  }
0xc5: {  	v53 =	vmax.f32 v29, v62;
	vm0 =	veq.s32 v12, v59;
	v43 =	vsel vm1, v43, v54  }
0xc6: {  	vm0 =	vmand vm0, vm4;
	v54 =	vperm.xlane v27, v0;
	v26 =	vadd.f32 v58, v36  }
0xc7: {  	v29 =	vsel vm1, v53, v29;
	v33 =	vmul.f32 v41, v33;
	v52 =	vadd.s32 $0x4E20, v42;
	v46 =	vpop (erf)  }
0xc8: {  	v56 =	vmax.f32 v27, v54;
	v44 =	vperm.xlane v43, v2;
	v47 =	vsub.f32 $0.0e+00, v26;
	v63 =	vpop (erf)  }
0xc9: {  	v50 =	vld.idx.msk [tilespmem:v11+s15+$0x0], $0xffff;
	v58 =	vperm.xlane v29, v2;
	v26 =	vadd.s32 $0x80004E20, v40;
	v39 =	vadd.f32 $1.000000000e+00, v63  }
0xca: {  	v27 =	vsel vm1, v56, v27;
	v44 =	vmax.f32 v43, v44;
	v47 =	vmul.f32 $1.442695020e+00, v47  }
0xcb: {  	v45 =	vmax.f32 v29, v58;
	v43 =	vsel vm0, v44, v43;
	(erf) = vrcp.f32 v39  }
0xcc: {  	v29 =	vsel vm0, v45, v29;
	v55 =	vperm.xlane v43, v5;
	(erf) = vpow2.f32 v47  }
0xcd: {  	vm8 =	vmand vm2, vm11;
	v60 =	vperm.xlane v27, v2;
	v38 =	vld.idx.msk [tilespmem:v52+s3+$0x0], $0xffff;
	v45 =	vperm.xlane v29, v5  }
0xce: {  	v25 =	vmax.f32 v25, v50;
	v41 =	vperm.xlane v33, v0;
	v57 =	vmax.f32 v43, v55;
	v62 =	vld.idx.msk [tilespmem:v26+s3+$0x0], $0xffff  }
0xcf: {  	v54 =	vmax.f32 v29, v45;
	v59 =	vsel vm7, v57, v43;
	v43 =	vmax.f32 v27, v60  }
0xd0: {  	v44 =	vmax.f32 v28, v61;
	v29 =	vsel vm7, v54, v29;
	v43 =	vsel vm0, v43, v27  }
0xd1: {  	v61 =	vperm.xlane v29, v6;
	v27 =	vsel vm1, v44, v28;
	v52 =	vperm.xlane v43, v5  }
0xd2: {  	v42 =	vadd.s32 $0x7530, v42;
	v53 =	vperm.xlane v27, v2;
	v34 =	vmul.f32 v46, v34  }
0xd3: {  	v63 =	vperm.xlane v59, v6;
	v55 =	vadd.f32 v62, v38;
	v56 =	vmax.f32 v43, v52  }
0xd4: {  	v57 =	vmax.f32 v27, v53;
	v52 =	vperm.xlane v16, v6;
	v53 =	vperm.xlane v32, v0;
	v47 =	vpop (erf)  }
0xd5: {  	v44 =	vsel vm0, v57, v27;
	v28 =	vmax.f32 v59, v63;
	v45 =	vsub.f32 $0.0e+00, v55;
	v27 =	vpop (erf)  }
0xd6: {  	v58 =	vld.idx.msk [tilespmem:v13+s15+$0x0], $0xffff;
	v39 =	vsel vm7, v56, v43;
	v60 =	vadd.f32 $1.000000000e+00, v27;
	v27 =	vadd.s32 $0x80007530, v40  }
0xd7: {  	v28 =	vsel vm8, v28, v59;
	v59 =	vperm.xlane v44, v5;
	v62 =	vmul.f32 $1.442695020e+00, v45  }
0xd8: {  	v54 =	vld.idx.msk [tilespmem:v14+s15+$0x0], $0xffff;
	vm2 =	veq.s32 v16, v52;
	v63 =	vperm.xlane v39, v6;
	(erf) = vrcp.f32 v60  }
0xd9: {  	v50 =	vmax.f32 v44, v59;
	v40 =	vmax.f32 v29, v61;
	(erf) = vpow2.f32 v62  }
0xda: {  	v42 =	vld.idx.msk [tilespmem:v42+s3+$0x0], $0xffff;
	v59 =	vmul.f32 v31, v30;
	v31 =	vperm.xlane v16, v0;
	v29 =	vsel vm8, v40, v29  }
0xdb: {  	v56 =	vmax.f32 v39, v63;
	v44 =	vsel vm7, v50, v44;
	v29 =	vmax.f32 v29, v58;
	v58 =	vld.idx.msk [tilespmem:v27+s3+$0x0], $0xffff  }
0xdc: {  	v39 =	vsel vm8, v56, v39;
	v57 =	vperm.xlane v44, v6;
	vm0 =	veq.s32 v16, v31  }
0xdd: {  	v55 =	vld.idx.msk [tilespmem:v15+s15+$0x0], $0xffff;
	vm9 =	vmand vm2, vm11;
	v30 =	vmax.f32 v39, v54;
	vm1 =	vmand vm0, vm3  }
0xde: {  	v45 =	vmax.f32 v44, v57;
	v57 =	vmax.f32 v33, v41;
	v61 =	vperm.xlane v16, v4  }
0xdf: {  	v63 =	vperm.xlane v59, v0;
	v33 =	vsel vm1, v57, v33;
	v35 =	vmul.f32 v47, v35  }
0xe0: {  	v60 =	vsel vm8, v45, v44;
	vm7 =	vne.s32 v16, v61;
	v40 =	vadd.f32 v58, v42  }
0xe1: {  	v45 =	vmax.f32 v59, v63;
	v61 =	vperm.xlane v33, v2;
	v62 =	vperm.xlane v16, v2;
	v44 =	vpop (erf)  }
0xe2: {  	v31 =	vmax.f32 v60, v55;
	v39 =	vsel vm1, v45, v59;
	v51 =	vpop (erf);
	v40 =	vsub.f32 $0.0e+00, v40  }
0xe3: {  	v55 =	vmax.f32 v32, v53;
	v50 =	vperm.xlane v39, v2;
	v37 =	vadd.f32 $1.000000000e+00, v51  }
0xe4: {  	v60 =	vperm.xlane v34, v0;
	vm0 =	veq.s32 v16, v62;
	v40 =	vmul.f32 $1.442695020e+00, v40  }
0xe5: {  	vm8 =	vmand vm0, vm4;
	v45 =	vmax.f32 v39, v50;
	(erf) = vrcp.f32 v37  }
0xe6: {  	v32 =	vsel vm1, v55, v32;
	v39 =	vsel vm8, v45, v39;
	(erf) = vpow2.f32 v40  }
0xe7: {  	v48 =	vld.idx.msk [tilespmem:v12+s15+$0x0], $0xffff;
	v62 =	vmax.f32 v34, v60;
	vm0 =	veq.s32 v16, v49;
	v54 =	vperm.xlane v39, v5  }
0xe8: {  	v56 =	vperm.xlane v32, v2;
	v34 =	vsel vm1, v62, v34;
	vm0 =	vmand vm0, vm10  }
0xe9: {  	v45 =	vmax.f32 v33, v61;
	v61 =	vperm.xlane v20, v2;
	v37 =	vmax.f32 v39, v54  }
0xea: {  	v59 =	vld.idx.msk [tilespmem:v16+s15+$0x0], $0xffff;
	v33 =	vsel vm8, v45, v33;
	v37 =	vsel vm0, v37, v39;
	v39 =	vmax.f32 v32, v56  }
0xeb: {  	v45 =	vperm.xlane v34, v2;
	v58 =	vperm.xlane v37, v6;
	v39 =	vsel vm8, v39, v32  }
0xec: {  	v28 =	vmax.f32 v28, v48;
	v48 =	vperm.xlane v33, v5;
	v63 =	vperm.xlane v39, v5  }
0xed: {  	v36 =	vmul.f32 v44, v36;
	v41 =	vmax.f32 v37, v58;
	v58 =	vperm.xlane v20, v0  }
0xee: {  	v41 =	vsel vm9, v41, v37;
	v40 =	vmax.f32 v39, v63;
	v37 =	vmax.f32 v34, v45;
	v46 =	vpop (erf)  }
0xef: {  	v32 =	vmax.f32 v41, v59;
	v39 =	vsel vm0, v40, v39;
	v41 =	vmax.f32 v33, v48;
	v49 =	vpop (erf)  }
0xf0: {  	v34 =	vsel vm8, v37, v34;
	v59 =	vperm.xlane v35, v0;
	v50 =	vadd.f32 $1.000000000e+00, v49  }
0xf1: {  	v51 =	vperm.xlane v39, v6;
	v33 =	vsel vm0, v41, v33;
	v53 =	vperm.xlane v34, v5  }
0xf2: {  	v52 =	vld.idx.msk [tilespmem:v17+s15+$0x0], $0xffff;
	v55 =	vperm.xlane v33, v6;
	(erf) = vrcp.f32 v50  }
0xf3: {  	v62 =	vmax.f32 v35, v59;
	v54 =	vmax.f32 v39, v51;
	v57 =	vmax.f32 v34, v53  }
0xf4: {  	v51 =	vperm.xlane v20, v5;
	v39 =	vsel vm9, v54, v39;
	v43 =	vmax.f32 v33, v55  }
0xf5: {  	v56 =	vld.idx.msk [tilespmem:v18+s15+$0x0], $0xffff;
	v40 =	vsel vm0, v57, v34;
	vm0 =	veq.s32 v20, v58;
	v38 =	vmul.f32 v46, v38  }
0xf6: {  	v54 =	vperm.xlane v36, v0;
	v43 =	vsel vm9, v43, v33;
	v60 =	vperm.xlane v40, v6  }
0xf7: {  	vm1 =	vmand vm0, vm3;
	v33 =	vmax.f32 v39, v52;
	vm0 =	veq.s32 v20, v61  }
0xf8: {  	v63 =	vld.idx.msk [tilespmem:v19+s15+$0x0], $0xffff;
	v61 =	vperm.xlane v20, v6;
	v35 =	vsel vm1, v62, v35;
	vm2 =	vmand vm0, vm4  }
0xf9: {  	vm0 =	veq.s32 v20, v51;
	v55 =	vperm.xlane v38, v0;
	v50 =	vperm.xlane v35, v2  }
0xfa: {  	v34 =	vmax.f32 v43, v56;
	v49 =	vmax.f32 v40, v60;
	vm0 =	vmand vm0, vm10  }
0xfb: {  	v39 =	vsel vm9, v49, v40;
	v56 =	vmax.f32 v38, v55;
	v41 =	vmax.f32 v35, v50;
	v52 =	vpop (erf)  }
0xfc: {  	v38 =	vsel vm1, v56, v38;
	v41 =	vsel vm2, v41, v35;
	v42 =	vmul.f32 v52, v42  }
0xfd: {  	v35 =	vmax.f32 v39, v63;
	v39 =	vmax.f32 v36, v54;
	v53 =	vperm.xlane v41, v5  }
0xfe: {  	v60 =	vperm.xlane v38, v2;
	v36 =	vsel vm1, v39, v36;
	v44 =	vperm.xlane v42, v0  }
0xff: {  	v40 =	vperm.xlane v20, v4;
	v58 =	vperm.xlane v36, v2;
	v37 =	vmax.f32 v41, v53  }
0x100: {  	v37 =	vsel vm0, v37, v41;
	v41 =	vmax.f32 v38, v60;
	v57 =	vmax.f32 v42, v44  }
0x101: {  	v62 =	vperm.xlane v37, v6;
	v38 =	vsel vm2, v41, v38;
	v59 =	vsel vm1, v57, v42  }
0x102: {  	v60 =	vimm.s32 $0x0;
	v48 =	vperm.xlane v38, v5;
	v42 =	vperm.xlane v59, v2  }
0x103: {  	v45 =	vmax.f32 v37, v62;
	v62 =	vimm.s32 $0x0;
	v44 =	vmax.f32 v36, v58  }
0x104: {  	v51 =	vmax.f32 v38, v48;
	v36 =	vsel vm2, v44, v36;
	v42 =	vmax.f32 v59, v42  }
0x105: {  	v63 =	vld.idx.msk [tilespmem:v20+s15+$0x0], $0xffff;
	v38 =	vsel vm0, v51, v38;
	v44 =	vperm.xlane v36, v5;
	v39 =	vsel vm2, v42, v59  }
0x106: {  	v54 =	vld.idx.msk [tilespmem:v26+s15+$0x0], $0xffff;
	v56 =	vperm.xlane v38, v6;
	vm1 =	veq.s32 v20, v61;
	v49 =	vperm.xlane v39, v5  }
0x107: {  	v61 =	vimm.s32 $0x0;
	vm1 =	vmand vm1, vm11;
	v44 =	vmax.f32 v36, v44  }
0x108: {  	v50 =	vld.idx.msk [tilespmem:v22+s15+$0x0], $0xffff;
	v55 =	vsel vm1, v45, v37;
	v44 =	vsel vm0, v44, v36;
	v52 =	vmax.f32 v39, v49  }
0x109: {  	v37 =	vmax.f32 v38, v56;
	v53 =	vperm.xlane v44, v6;
	v39 =	vsel vm0, v52, v39  }
0x10a: {  	v57 =	vld.idx.msk [tilespmem:v27+s15+$0x0], $0xffff;
	v38 =	vsel vm1, v37, v38;
	v36 =	vmax.f32 v55, v63;
	v42 =	vperm.xlane v39, v6  }
0x10b: {  	v38 =	vmax.f32 v38, v54;
	v63 =	vimm.s32 $0x0;
	v58 =	vmax.f32 v44, v53  }
0x10c: {  	vm0 =	vne.s32 v20, v40;
	v40 =	vsel vm1, v58, v44;
	v59 =	vmax.f32 v39, v42  }
0x10d: {  	v37 =	vmax.f32 v40, v50;
	v39 =	vsel vm1, v59, v39;
	vm1 =	vcmask $0x3F3C  }
0x10e: {  	vm12 =	vmor vm5, vm1;
	vm6 =	vmor vm6, vm1;
	vm3 =	vmor vm7, vm1  }
0x10f: {  	vm4 =	vmor vm0, vm1;
	v39 =	vmax.f32 v39, v57;
	vm10 =	vmmov vm12  }
0x110: {  	vm9 =	vmmov vm12;
	vm11 =	vmmov vm12;
	v40 =	vsel vm12, $0xFFFFFFFF, v60  }
0x111: {  	vm13 =	vmmov vm6;
	vm14 =	vmmov vm6;
	[tilespmem:$0x1FFC0] =	vst v40;
	v40 =	vsel vm6, $0xFFFFFFFF, v61  }
0x112: {  	vm15 =	vmmov vm6;
	vm7 =	vmmov vm3;
	[tilespmem:$0x1FFD0] =	vst v40;
	v40 =	vsel vm3, $0xFFFFFFFF, v62  }
0x113: {  	vm1 =	vmmov vm3;
	vm2 =	vmmov vm3;
	[tilespmem:$0x1FFE0] =	vst v40;
	v40 =	vsel vm4, $0xFFFFFFFF, v63  }
0x114: {  	vm8 =	vmmov vm4;
	vm5 =	vmmov vm4;
	vm0 =	vmmov vm4;
	[tilespmem:$0x1FFF0] =	vst v40  }
.LBB2_6:
0x115: {  	_ =	sdelay $0x4  }
0x116: {  	[tilespmem:v8+s15+$0x0] =	vst.idx.msk vm10, v21  }
0x117: {  	[tilespmem:v9+s15+$0x0] =	vst.idx.msk vm9, v23  }
0x118: {  	[tilespmem:v10+s15+$0x0] =	vst.idx.msk vm11, v24  }
0x119: {  	[tilespmem:v11+s15+$0x0] =	vst.idx.msk vm12, v25  }
0x11a: {  	[tilespmem:v12+s15+$0x0] =	vst.idx.msk vm13, v28  }
0x11b: {  	[tilespmem:v13+s15+$0x0] =	vst.idx.msk vm14, v29  }
0x11c: {  	[tilespmem:v14+s15+$0x0] =	vst.idx.msk vm15, v30  }
0x11d: {  	[tilespmem:v15+s15+$0x0] =	vst.idx.msk vm6, v31  }
0x11e: {  	[tilespmem:v16+s15+$0x0] =	vst.idx.msk vm7, v32  }
0x11f: {  	[tilespmem:v17+s15+$0x0] =	vst.idx.msk vm1, v33  }
0x120: {  	[tilespmem:v18+s15+$0x0] =	vst.idx.msk vm2, v34  }
0x121: {  	[tilespmem:v19+s15+$0x0] =	vst.idx.msk vm3, v35  }
0x122: {  	[tilespmem:v20+s15+$0x0] =	vst.idx.msk vm8, v36  }
0x123: {  	v47 =	vld [tilespmem:$0x1FFC0];
	[tilespmem:v22+s15+$0x0] =	vst.idx.msk vm5, v37  }
0x124: {  	v58 =	vld [tilespmem:$0x1FFE0];
	[tilespmem:v26+s15+$0x0] =	vst.idx.msk vm0, v38  }
0x125: {  	v60 =	vld [tilespmem:$0x1FFF0];
	[tilespmem:v27+s15+$0x0] =	vst.idx.msk vm4, v39  }
0x126: {  	v40 =	vld.idx.msk [tilespmem:v8+s15+$0x0], $0xffff  }
0x127: {  	v41 =	vld.idx.msk [tilespmem:v9+s15+$0x0], $0xffff  }
0x128: {  	v42 =	vld.idx.msk [tilespmem:v10+s15+$0x0], $0xffff  }
0x129: {  	v43 =	vld.idx.msk [tilespmem:v11+s15+$0x0], $0xffff  }
0x12a: {  	v48 =	vimm.s32 $0x0;
	v44 =	vld.idx.msk [tilespmem:v12+s15+$0x0], $0xffff  }
0x12b: {  	v49 =	vimm.s32 $0x0;
	v53 =	vld [tilespmem:$0x1FFD0];
	vm10 =	vnez.u8 v60;
	vm3 =	vnez.u8 v47  }
0x12c: {  	vm5 =	vnez.u8 v58;
	v45 =	vld.idx.msk [tilespmem:v13+s15+$0x0], $0xffff;
	vm0 =	vlt.f32 v41, v23;
	vm1 =	vlt.f32 v40, v21  }
0x12d: {  	v46 =	vld.idx.msk [tilespmem:v14+s15+$0x0], $0xffff;
	vm2 =	vlt.f32 v42, v24;
	vm4 =	vmand vm3, vm0;
	vm1 =	vmand vm3, vm1  }
0x12e: {  	v63 =	vld.idx.msk [tilespmem:v15+s15+$0x0], $0xffff;
	vm0 =	vlt.f32 v43, v25;
	vm11 =	vmand vm3, vm2;
	v41 =	vsel vm4, $0xFFFFFFFF, v48  }
0x12f: {  	v50 =	vld.idx.msk [tilespmem:v16+s15+$0x0], $0xffff;
	vm2 =	vlt.f32 v44, v28;
	[tilespmem:$0x1FFB0] =	vst v41;
	v41 =	vsel vm1, $0xFFFFFFFF, v49;
	vm1 =	vmor vm1, vm4  }
0x130: {  	v51 =	vld.idx.msk [tilespmem:v17+s15+$0x0], $0xffff;
	vm12 =	vmand vm3, vm0;
	vm3 =	vnez.u8 v53;
	vm0 =	vmor vm1, vm11  }
0x131: {  	v52 =	vld.idx.msk [tilespmem:v18+s15+$0x0], $0xffff;
	vm13 =	vmand vm3, vm2;
	vm1 =	vlt.f32 v45, v29;
	vm0 =	vmor vm0, vm12  }
0x132: {  	v54 =	vld.idx.msk [tilespmem:v19+s15+$0x0], $0xffff;
	vm2 =	vlt.f32 v46, v30;
	vm14 =	vmand vm3, vm1;
	vm0 =	vmor vm0, vm13  }
0x133: {  	v55 =	vld.idx.msk [tilespmem:v20+s15+$0x0], $0xffff;
	vm15 =	vmand vm3, vm2;
	vm1 =	vlt.f32 v63, v31;
	vm0 =	vmor vm0, vm14  }
0x134: {  	v56 =	vld.idx.msk [tilespmem:v22+s15+$0x0], $0xffff;
	vm2 =	vlt.f32 v50, v32;
	vm6 =	vmand vm3, vm1;
	vm0 =	vmor vm0, vm15  }
0x135: {  	v57 =	vld.idx.msk [tilespmem:v26+s15+$0x0], $0xffff;
	vm7 =	vmand vm5, vm2;
	vm1 =	vlt.f32 v51, v33;
	vm0 =	vmor vm0, vm6  }
0x136: {  	v59 =	vld.idx.msk [tilespmem:v27+s15+$0x0], $0xffff;
	vm2 =	vlt.f32 v52, v34;
	vm1 =	vmand vm5, vm1;
	vm0 =	vmor vm0, vm7  }
0x137: {  	vm3 =	vlt.f32 v54, v35;
	vm2 =	vmand vm5, vm2;
	vm0 =	vmor vm0, vm1  }
0x138: {  	vm4 =	vlt.f32 v55, v36;
	vm3 =	vmand vm5, vm3;
	vm0 =	vmor vm0, vm2  }
0x139: {  	vm8 =	vmand vm10, vm4;
	vm5 =	vlt.f32 v56, v37;
	vm0 =	vmor vm0, vm3  }
0x13a: {  	vm4 =	vlt.f32 v57, v38;
	vm5 =	vmand vm10, vm5;
	vm9 =	vmor vm0, vm8  }
0x13b: {  	vm0 =	vmand vm10, vm4;
	vm4 =	vlt.f32 v59, v39;
	vm9 =	vmor vm9, vm5  }
0x13c: {  	vm4 =	vmand vm10, vm4;
	vm9 =	vmor vm9, vm0  }
0x13d: {  	vm9 =	vmor vm9, vm4  }
0x13e: {  	v62 =	vsel vm9, $0x3F800000, v7  }
0x13f: {  	(xrf0) =	vmax.scan.msk.f32 $0xffff, v62;
	_ =	sdelay $0x5  }
0x140: {  	v40, _, _ =	vpop (xrf0)  }
0x141: {  	(v2sf) =	vpush v40, $0xF;
	_ =	sdelay $0xd  }
0x142: {  	[tilespmem:$0x1FFA0] =	vst v41  }
0x143: {  	v61 =	vld [tilespmem:$0x1FFA0];
	s21 =	spop (v2sf)  }
0x144: {  	v63 =	vld [tilespmem:$0x1FFB0];
	p0 =	sgt.f32 s21, $0.0e+00  }
.Ltmp1:
0x145: {  	_ = 	snop;
	(pc) =	sbr.rel @p0 .LBB2_6-.Ltmp1, $2  }
0x146: {  	_ =	sdelay $0x2  }
0x147: {  	vm10 =	vnez.u8 v61;
	vm9 =	vnez.u8 v63  }
0x148: {  	s20 =	sadd.s32 $0x1, s20  }
0x149: {  	p0 =	sne.s32 s20, $0x7D  }
.Ltmp2:
0x14a: {  	_ = 	snop;
	(pc) =	sbr.rel @p0 .LBB2_5-.Ltmp2, $1  }
0x14b: {  	_ =	sdelay $0x3  }
0x14c: {  	p0 =	seq.s32 s18, $0x13  }
0x14d: {  	s19 =	sshrl.u32 @!p0 s19, $0x3  }
0x14e: {  	s19 =	sadd.s32 @!p0 $0x7D0, s19  }
0x14f: {  	s21 =	simm.s32 @!p0 $0x0;
	s22 =	simm.s32 @!p0 $0x13900;
	s20 =	sadd.s32 @!p0 s4, s19  }
0x150: {  	[tilespmem:s22], [sflag:$0x1] =	stream.linear.gather @!p0 [hbm4b:s20+s21], $0x1F40, $0x38;
	[tilespmem:$0x1B700] =	vst v63  }
0x151: {  	s19 =	sadd.s32 @!p0 s0, s19;
	s20 =	simm.s32 @!p0 $0x17800  }
0x152: {  	[tilespmem:s20], [sflag:$0x2] =	stream.linear.gather @!p0 [hbm4b:s19+s21], $0x1F40, $0x38;
	[tilespmem:$0x1B700] =	vst v63  }
0x153: {  	_ =	swait.ge [sflag:s13], $0x1F40  }
0x154: {  	[sflag:s13] =	ssyncset.done $0x0  }
0x155: {  	[sflag:s13] =	ssyncadd.s32 $0xFFFFE0C0  }
0x156: {  	_ =	swait.ge [sflag:s14], $0x1F40  }
0x157: {  	[sflag:s14] =	ssyncset.done $0x0  }
0x158: {  	s19 =	simm.s32 $0x0;
	[sflag:s14] =	ssyncadd.s32 $0xFFFFE0C0  }
.LBB2_9:
0x159: {  	s20 =	sshll.u32 s19, $0x6  }
0x15a: {  	v8 =	vld [tilespmem:s20+$0x19780];
	_ =	sdelay $0x4  }
0x15b: {  	v8 =	vxor.u32 $0x80000000, v8  }
0x15c: {  	(xrf1) =	vsort.ascd.msk.u32 $0xffff, v8, v3;
	_ =	sdelay $0xa  }
0x15d: {  	v8 =	vld [tilespmem:s20+$0x15880];
	_ =	sdelay $0x2  }
0x15e: {  	v11, v9, _ =	vpop (xrf1)  }
0x15f: {  	v9 =	vadd.s32 $0x10, v9  }
0x160: {  	v12 =	vperm.xlane v8, v9;
	v8 =	vxor.u32 $0x80000000, v11;
	_ =	sdelay $0x4  }
0x161: {  	v9 =	vld.idx.msk [tilespmem:v8+s3+$0x0], $0xffff  }
0x162: {  	v19 =	vld.idx.msk [tilespmem:v12+s3+$0x0], $0xffff;
	_ =	sdelay $0x4  }
0x163: {  	v9 =	vadd.f32 v9, v19;
	_ =	sdelay $0x1  }
0x164: {  	v13 =	vadd.s32 $0x2710, v12;
	v10 =	vsub.f32 $0.0e+00, v9  }
0x165: {  	v9 =	vadd.s32 $0x80002710, v11  }
0x166: {  	v10 =	vmul.f32 $1.442695020e+00, v10;
	_ =	sdelay $0x1  }
0x167: {  	(erf) = vpow2.f32 v10  }
0x168: {  	v22 =	vld.idx.msk [tilespmem:v13+s3+$0x0], $0xffff  }
0x169: {  	v10 =	vld.idx.msk [tilespmem:v9+s3+$0x0], $0xffff;
	_ =	sdelay $0x4  }
0x16a: {  	v10 =	vadd.f32 v10, v22;
	_ =	sdelay $0x1  }
0x16b: {  	v15 =	vadd.s32 $0x4E20, v12;
	v14 =	vsub.f32 $0.0e+00, v10;
	v13 =	vpop (erf)  }
0x16c: {  	v10 =	vadd.s32 $0x80004E20, v11;
	v13 =	vadd.f32 $1.000000000e+00, v13  }
0x16d: {  	v14 =	vmul.f32 $1.442695020e+00, v14  }
0x16e: {  	(erf) = vrcp.f32 v13  }
0x16f: {  	v13 =	vld [tilespmem:s20+$0x19790];
	(erf) = vpow2.f32 v14  }
0x170: {  	v20 =	vld.idx.msk [tilespmem:v15+s3+$0x0], $0xffff  }
0x171: {  	v14 =	vld.idx.msk [tilespmem:v10+s3+$0x0], $0xffff;
	_ =	sdelay $0x2  }
0x172: {  	v13 =	vxor.u32 $0x80000000, v13  }
0x173: {  	(xrf1) =	vsort.ascd.msk.u32 $0xffff, v13, v3  }
0x174: {  	v13 =	vadd.f32 v14, v20  }
0x175: {  	v23 =	vpop (erf)  }
0x176: {  	v12 =	vadd.s32 $0x7530, v12;
	v13 =	vsub.f32 $0.0e+00, v13;
	v14 =	vpop (erf)  }
0x177: {  	v11 =	vadd.s32 $0x80007530, v11;
	v14 =	vadd.f32 $1.000000000e+00, v14  }
0x178: {  	v13 =	vmul.f32 $1.442695020e+00, v13  }
0x179: {  	(erf) = vrcp.f32 v14  }
0x17a: {  	(erf) = vpow2.f32 v13  }
0x17b: {  	v21 =	vld.idx.msk [tilespmem:v12+s3+$0x0], $0xffff  }
0x17c: {  	v12 =	vld.idx.msk [tilespmem:v11+s3+$0x0], $0xffff;
	_ =	sdelay $0x1  }
0x17d: {  	v13 =	vld [tilespmem:s20+$0x15890];
	_ =	sdelay $0x2  }
0x17e: {  	v12 =	vadd.f32 v12, v21;
	v15, v14, _ =	vpop (xrf1)  }
0x17f: {  	v14 =	vadd.s32 $0x10, v14;
	v34 =	vpop (erf)  }
0x180: {  	v16 =	vperm.xlane v13, v14;
	v14 =	vsub.f32 $0.0e+00, v12;
	v12 =	vxor.u32 $0x80000000, v15;
	v13 =	vpop (erf)  }
0x181: {  	v13 =	vadd.f32 $1.000000000e+00, v13  }
0x182: {  	v14 =	vmul.f32 $1.442695020e+00, v14  }
0x183: {  	(erf) = vrcp.f32 v13  }
0x184: {  	(erf) = vpow2.f32 v14  }
0x185: {  	v13 =	vld.idx.msk [tilespmem:v12+s3+$0x0], $0xffff  }
0x186: {  	v24 =	vld.idx.msk [tilespmem:v16+s3+$0x0], $0xffff;
	_ =	sdelay $0x4  }
0x187: {  	v13 =	vadd.f32 v13, v24  }
0x188: {  	v35 =	vpop (erf)  }
0x189: {  	v18 =	vadd.s32 $0x2710, v16;
	v17 =	vsub.f32 $0.0e+00, v13;
	v14 =	vpop (erf)  }
0x18a: {  	v13 =	vadd.s32 $0x80002710, v15;
	v14 =	vadd.f32 $1.000000000e+00, v14  }
0x18b: {  	v17 =	vmul.f32 $1.442695020e+00, v17  }
0x18c: {  	(erf) = vrcp.f32 v14  }
0x18d: {  	(erf) = vpow2.f32 v17  }
0x18e: {  	v26 =	vld.idx.msk [tilespmem:v18+s3+$0x0], $0xffff  }
0x18f: {  	v14 =	vld.idx.msk [tilespmem:v13+s3+$0x0], $0xffff;
	_ =	sdelay $0x4  }
0x190: {  	v14 =	vadd.f32 v14, v26  }
0x191: {  	v36 =	vpop (erf)  }
0x192: {  	v25 =	vadd.s32 $0x4E20, v16;
	v18 =	vsub.f32 $0.0e+00, v14;
	v17 =	vpop (erf)  }
0x193: {  	v14 =	vadd.s32 $0x80004E20, v15;
	v17 =	vadd.f32 $1.000000000e+00, v17  }
0x194: {  	v18 =	vmul.f32 $1.442695020e+00, v18  }
0x195: {  	(erf) = vrcp.f32 v17  }
0x196: {  	v17 =	vld [tilespmem:s20+$0x197A0];
	(erf) = vpow2.f32 v18  }
0x197: {  	v27 =	vld.idx.msk [tilespmem:v25+s3+$0x0], $0xffff  }
0x198: {  	v18 =	vld.idx.msk [tilespmem:v14+s3+$0x0], $0xffff;
	_ =	sdelay $0x2  }
0x199: {  	v17 =	vxor.u32 $0x80000000, v17  }
0x19a: {  	(xrf1) =	vsort.ascd.msk.u32 $0xffff, v17, v3  }
0x19b: {  	v17 =	vadd.f32 v18, v27  }
0x19c: {  	v25 =	vpop (erf)  }
0x19d: {  	v16 =	vadd.s32 $0x7530, v16;
	v17 =	vsub.f32 $0.0e+00, v17;
	v18 =	vpop (erf)  }
0x19e: {  	v15 =	vadd.s32 $0x80007530, v15;
	v18 =	vadd.f32 $1.000000000e+00, v18  }
0x19f: {  	v17 =	vmul.f32 $1.442695020e+00, v17  }
0x1a0: {  	(erf) = vrcp.f32 v18  }
0x1a1: {  	(erf) = vpow2.f32 v17  }
0x1a2: {  	v28 =	vld.idx.msk [tilespmem:v16+s3+$0x0], $0xffff  }
0x1a3: {  	v16 =	vld.idx.msk [tilespmem:v15+s3+$0x0], $0xffff;
	_ =	sdelay $0x1  }
0x1a4: {  	v17 =	vld [tilespmem:s20+$0x158A0];
	_ =	sdelay $0x2  }
0x1a5: {  	v16 =	vadd.f32 v16, v28;
	v37, v18, _ =	vpop (xrf1)  }
0x1a6: {  	v18 =	vadd.s32 $0x10, v18;
	v29 =	vpop (erf)  }
0x1a7: {  	v40 =	vperm.xlane v17, v18;
	v18 =	vsub.f32 $0.0e+00, v16;
	v16 =	vxor.u32 $0x80000000, v37;
	v17 =	vpop (erf)  }
0x1a8: {  	v17 =	vadd.f32 $1.000000000e+00, v17  }
0x1a9: {  	v18 =	vmul.f32 $1.442695020e+00, v18  }
0x1aa: {  	(erf) = vrcp.f32 v17  }
0x1ab: {  	(erf) = vpow2.f32 v18  }
0x1ac: {  	v17 =	vld.idx.msk [tilespmem:v16+s3+$0x0], $0xffff  }
0x1ad: {  	v30 =	vld.idx.msk [tilespmem:v40+s3+$0x0], $0xffff;
	_ =	sdelay $0x4  }
0x1ae: {  	v17 =	vadd.f32 v17, v30  }
0x1af: {  	v39 =	vpop (erf)  }
0x1b0: {  	v32 =	vadd.s32 $0x2710, v40;
	v31 =	vsub.f32 $0.0e+00, v17;
	v18 =	vpop (erf)  }
0x1b1: {  	v17 =	vadd.s32 $0x80002710, v37;
	v18 =	vadd.f32 $1.000000000e+00, v18  }
0x1b2: {  	v31 =	vmul.f32 $1.442695020e+00, v31  }
0x1b3: {  	(erf) = vrcp.f32 v18  }
0x1b4: {  	(erf) = vpow2.f32 v31  }
0x1b5: {  	v32 =	vld.idx.msk [tilespmem:v32+s3+$0x0], $0xffff  }
0x1b6: {  	v18 =	vld.idx.msk [tilespmem:v17+s3+$0x0], $0xffff;
	_ =	sdelay $0x4  }
0x1b7: {  	v18 =	vadd.f32 v18, v32  }
0x1b8: {  	v38 =	vpop (erf)  }
0x1b9: {  	v33 =	vsub.f32 $0.0e+00, v18;
	v18 =	vadd.s32 $0x80004E20, v37;
	v31 =	vpop (erf)  }
0x1ba: {  	v41 =	vadd.s32 $0x4E20, v40;
	v31 =	vadd.f32 $1.000000000e+00, v31  }
0x1bb: {  	v33 =	vmul.f32 $1.442695020e+00, v33  }
0x1bc: {  	(erf) = vrcp.f32 v31;
	v31 =	vld [tilespmem:s20+$0x197B0]  }
0x1bd: {  	(erf) = vpow2.f32 v33  }
0x1be: {  	v51 =	vld.idx.msk [tilespmem:v18+s3+$0x0], $0xffff  }
0x1bf: {  	v33 =	vld.idx.msk [tilespmem:v41+s3+$0x0], $0xffff;
	_ =	sdelay $0x1  }
0x1c0: {  	v31 =	vxor.u32 $0x80000000, v31  }
0x1c1: {  	vm3 =	vcmask $0x3F04;
	(xrf1) =	vsort.ascd.msk.u32 $0xffff, v31, v3  }
0x1c2: {  	vm4 =	vcmask $0x3F08;
	vm10 =	vcmask $0x3F10;
	v42 =	vperm.xlane v8, v0  }
0x1c3: {  	v53 =	vperm.xlane v8, v2;
	v23 =	vmul.f32 v23, v19;
	v41 =	vadd.f32 v51, v33  }
0x1c4: {  	vm11 =	vcmask $0x3F20;
	v54 =	vperm.xlane v8, v5;
	v57 =	vperm.xlane v8, v4;
	v31 =	vpop (erf)  }
0x1c5: {  	v52 =	vperm.xlane v23, v0;
	v40 =	vadd.s32 $0x7530, v40;
	v41 =	vsub.f32 $0.0e+00, v41;
	v19 =	vpop (erf)  }
0x1c6: {  	vm0 =	veq.s32 v8, v42;
	v43 =	vadd.f32 $1.000000000e+00, v19;
	v19 =	vadd.s32 $0x80007530, v37  }
0x1c7: {  	vm5 =	vmand vm0, vm3;
	v41 =	vmul.f32 $1.442695020e+00, v41;
	v37 =	vmax.f32 v23, v52  }
0x1c8: {  	v22 =	vmul.f32 v34, v22;
	v23 =	vsel vm5, v37, v23;
	(erf) = vrcp.f32 v43  }
0x1c9: {  	vm0 =	veq.s32 v8, v53;
	v37 =	vperm.xlane v23, v2;
	(erf) = vpow2.f32 v41  }
0x1ca: {  	vm7 =	vmand vm0, vm4;
	vm0 =	veq.s32 v8, v54;
	v55 =	vperm.xlane v22, v0;
	v34 =	vld.idx.msk [tilespmem:v40+s3+$0x0], $0xffff  }
0x1cb: {  	v44 =	vperm.xlane v8, v6;
	vm6 =	vmand vm0, vm10;
	v37 =	vmax.f32 v23, v37;
	v56 =	vld.idx.msk [tilespmem:v19+s3+$0x0], $0xffff  }
0x1cc: {  	v58 =	vld [tilespmem:s20+$0x158B0];
	v35 =	vmul.f32 v35, v20;
	v40 =	vmax.f32 v22, v55;
	v23 =	vsel vm7, v37, v23  }
0x1cd: {  	v21 =	vmul.f32 v36, v21;
	v22 =	vsel vm5, v40, v22;
	v37 =	vperm.xlane v23, v5  }
0x1ce: {  	vm0 =	veq.s32 v8, v44;
	v62 =	vperm.xlane v35, v0;
	v59 =	vperm.xlane v22, v2  }
0x1cf: {  	vm0 =	vmand vm0, vm11;
	v50 =	vperm.xlane v21, v0;
	v29 =	vmul.f32 v29, v26;
	v40, v45, _ =	vpop (xrf1)  }
0x1d0: {  	v44 =	vmax.f32 v22, v59;
	v20 =	vadd.f32 v56, v34;
	v60 =	vadd.s32 $0x10, v45  }
0x1d1: {  	v22 =	vsel vm7, v44, v22;
	v61 =	vmax.f32 v23, v37;
	v37 =	vpop (erf);
	v42 =	vperm.xlane v58, v60  }
0x1d2: {  	v27 =	vmul.f32 v39, v27;
	v49 =	vperm.xlane v22, v5;
	v63 =	vpop (erf);
	v46 =	vsub.f32 $0.0e+00, v20  }
0x1d3: {  	v41 =	vmax.f32 v35, v62;
	v20 =	vxor.u32 $0x80000000, v40;
	v48 =	vadd.f32 $1.000000000e+00, v63  }
0x1d4: {  	v52 =	vmax.f32 v21, v50;
	v41 =	vsel vm5, v41, v35;
	v46 =	vmul.f32 $1.442695020e+00, v46  }
0x1d5: {  	v21 =	vsel vm5, v52, v21;
	v51 =	vperm.xlane v41, v2;
	(erf) = vrcp.f32 v48  }
0x1d6: {  	v47 =	vld.idx.msk [tilespmem:v8+s15+$0x0], $0xffff;
	v44 =	vmax.f32 v22, v49;
	v54 =	vperm.xlane v21, v2;
	(erf) = vpow2.f32 v46  }
0x1d7: {  	v22 =	vsel vm6, v44, v22;
	v28 =	vmul.f32 v38, v28;
	v36 =	vmax.f32 v41, v51;
	v35 =	vld.idx.msk [tilespmem:v42+s3+$0x0], $0xffff  }
0x1d8: {  	v36 =	vsel vm7, v36, v41;
	v41 =	vmax.f32 v21, v54;
	v23 =	vsel vm6, v61, v23;
	v53 =	vld.idx.msk [tilespmem:v20+s3+$0x0], $0xffff  }
0x1d9: {  	v59 =	vsel vm7, v41, v21;
	v45 =	vperm.xlane v23, v6;
	v56 =	vperm.xlane v22, v6  }
0x1da: {  	vm5 =	vne.s32 v8, v57;
	v54 =	vmul.f32 v25, v24;
	v61 =	vperm.xlane v59, v5  }
0x1db: {  	v55 =	vmax.f32 v23, v45;
	v57 =	vmax.f32 v22, v56;
	v56 =	vperm.xlane v12, v0  }
0x1dc: {  	v32 =	vmul.f32 v37, v32;
	v23 =	vsel vm0, v55, v23;
	v49 =	vadd.s32 $0x2710, v42  }
0x1dd: {  	v55 =	vperm.xlane v12, v4;
	v21 =	vmax.f32 v23, v47;
	v46 =	vadd.f32 v53, v35  }
0x1de: {  	v60 =	vld.idx.msk [tilespmem:v9+s15+$0x0], $0xffff;
	v23 =	vsel vm0, v57, v22;
	v22 =	vmax.f32 v59, v61;
	v48 =	vperm.xlane v36, v5;
	v41 =	vpop (erf)  }
0x1df: {  	v45 =	vsel vm6, v22, v59;
	v22 =	vadd.s32 $0x80002710, v40;
	v46 =	vsub.f32 $0.0e+00, v46;
	v52 =	vpop (erf)  }
0x1e0: {  	v57 =	vperm.xlane v54, v0;
	v58 =	vmax.f32 v36, v48;
	v44 =	vadd.f32 $1.000000000e+00, v52  }
0x1e1: {  	v61 =	vperm.xlane v12, v6;
	v36 =	vsel vm6, v58, v36;
	v46 =	vmul.f32 $1.442695020e+00, v46  }
0x1e2: {  	v62 =	vperm.xlane v36, v6;
	(erf) = vrcp.f32 v44  }
0x1e3: {  	v63 =	vld.idx.msk [tilespmem:v10+s15+$0x0], $0xffff;
	v23 =	vmax.f32 v23, v60;
	v60 =	vperm.xlane v12, v5;
	(erf) = vpow2.f32 v46  }
0x1e4: {  	v59 =	vperm.xlane v12, v2;
	v51 =	vperm.xlane v45, v6;
	v58 =	vld.idx.msk [tilespmem:v22+s3+$0x0], $0xffff;
	v43 =	vmax.f32 v36, v62  }
0x1e5: {  	vm6 =	vne.s32 v12, v55;
	vm2 =	veq.s32 v12, v60;
	v43 =	vsel vm0, v43, v36;
	v36 =	vld.idx.msk [tilespmem:v49+s3+$0x0], $0xffff  }
0x1e6: {  	v50 =	vld.idx.msk [tilespmem:v11+s15+$0x0], $0xffff;
	vm7 =	vmand vm2, vm10;
	vm2 =	veq.s32 v12, v61;
	v61 =	vperm.xlane v28, v0  }
0x1e7: {  	vm8 =	vmand vm2, vm11;
	v62 =	vperm.xlane v29, v0;
	v53 =	vmax.f32 v45, v51  }
0x1e8: {  	v49 =	vperm.xlane v16, v5;
	v25 =	vsel vm0, v53, v45;
	v24 =	vmax.f32 v43, v63  }
0x1e9: {  	vm0 =	veq.s32 v12, v56;
	v43 =	vmax.f32 v54, v57;
	v53 =	vmax.f32 v29, v62  }
0x1ea: {  	vm1 =	vmand vm0, vm3;
	vm0 =	veq.s32 v12, v59;
	v26 =	vadd.f32 v58, v36  }
0x1eb: {  	v25 =	vmax.f32 v25, v50;
	v43 =	vsel vm1, v43, v54;
	vm0 =	vmand vm0, vm4;
	v46 =	vpop (erf)  }
0x1ec: {  	v54 =	vperm.xlane v27, v0;
	v52 =	vadd.s32 $0x4E20, v42;
	v47 =	vsub.f32 $0.0e+00, v26;
	v63 =	vpop (erf)  }
0x1ed: {  	v44 =	vperm.xlane v43, v2;
	v26 =	vadd.s32 $0x80004E20, v40;
	v39 =	vadd.f32 $1.000000000e+00, v63  }
0x1ee: {  	v29 =	vsel vm1, v53, v29;
	v33 =	vmul.f32 v41, v33;
	v47 =	vmul.f32 $1.442695020e+00, v47  }
0x1ef: {  	v58 =	vperm.xlane v29, v2;
	v44 =	vmax.f32 v43, v44;
	(erf) = vrcp.f32 v39  }
0x1f0: {  	v56 =	vmax.f32 v27, v54;
	v43 =	vsel vm0, v44, v43;
	(erf) = vpow2.f32 v47  }
0x1f1: {  	v27 =	vsel vm1, v56, v27;
	v45 =	vmax.f32 v29, v58;
	v38 =	vld.idx.msk [tilespmem:v52+s3+$0x0], $0xffff;
	v55 =	vperm.xlane v43, v5  }
0x1f2: {  	v42 =	vadd.s32 $0x7530, v42;
	v60 =	vperm.xlane v27, v2;
	v29 =	vsel vm0, v45, v29;
	v62 =	vld.idx.msk [tilespmem:v26+s3+$0x0], $0xffff  }
0x1f3: {  	v41 =	vperm.xlane v33, v0;
	v45 =	vperm.xlane v29, v5;
	v57 =	vmax.f32 v43, v55  }
0x1f4: {  	v44 =	vmax.f32 v28, v61;
	v59 =	vsel vm7, v57, v43;
	v43 =	vmax.f32 v27, v60  }
0x1f5: {  	v54 =	vmax.f32 v29, v45;
	v43 =	vsel vm0, v43, v27;
	v27 =	vsel vm1, v44, v28  }
0x1f6: {  	v29 =	vsel vm7, v54, v29;
	v52 =	vperm.xlane v43, v5;
	v53 =	vperm.xlane v27, v2  }
0x1f7: {  	v61 =	vperm.xlane v29, v6;
	v34 =	vmul.f32 v46, v34;
	v55 =	vadd.f32 v62, v38  }
0x1f8: {  	v63 =	vperm.xlane v59, v6;
	v56 =	vmax.f32 v43, v52;
	v57 =	vmax.f32 v27, v53;
	v47 =	vpop (erf)  }
0x1f9: {  	v52 =	vperm.xlane v16, v6;
	v44 =	vsel vm0, v57, v27;
	v45 =	vsub.f32 $0.0e+00, v55;
	v27 =	vpop (erf)  }
0x1fa: {  	v58 =	vld.idx.msk [tilespmem:v13+s15+$0x0], $0xffff;
	v28 =	vmax.f32 v59, v63;
	v60 =	vadd.f32 $1.000000000e+00, v27;
	v27 =	vadd.s32 $0x80007530, v40  }
0x1fb: {  	v39 =	vsel vm7, v56, v43;
	vm2 =	veq.s32 v16, v52;
	v62 =	vmul.f32 $1.442695020e+00, v45  }
0x1fc: {  	v48 =	vld.idx.msk [tilespmem:v12+s15+$0x0], $0xffff;
	v28 =	vsel vm8, v28, v59;
	v59 =	vperm.xlane v44, v5;
	(erf) = vrcp.f32 v60  }
0x1fd: {  	v54 =	vld.idx.msk [tilespmem:v14+s15+$0x0], $0xffff;
	v63 =	vperm.xlane v39, v6;
	v40 =	vmax.f32 v29, v61;
	(erf) = vpow2.f32 v62  }
0x1fe: {  	v42 =	vld.idx.msk [tilespmem:v42+s3+$0x0], $0xffff;
	v53 =	vperm.xlane v32, v0;
	vm9 =	vmand vm2, vm11;
	v29 =	vsel vm8, v40, v29  }
0x1ff: {  	v50 =	vmax.f32 v44, v59;
	v56 =	vmax.f32 v39, v63;
	v29 =	vmax.f32 v29, v58;
	v58 =	vld.idx.msk [tilespmem:v27+s3+$0x0], $0xffff  }
0x200: {  	v59 =	vmul.f32 v31, v30;
	v31 =	vperm.xlane v16, v0;
	v44 =	vsel vm7, v50, v44  }
0x201: {  	v28 =	vmax.f32 v28, v48;
	v39 =	vsel vm8, v56, v39;
	v57 =	vperm.xlane v44, v6  }
0x202: {  	v30 =	vmax.f32 v39, v54;
	vm0 =	veq.s32 v16, v31;
	v63 =	vperm.xlane v59, v0  }
0x203: {  	v55 =	vld.idx.msk [tilespmem:v15+s15+$0x0], $0xffff;
	vm1 =	vmand vm0, vm3;
	v45 =	vmax.f32 v44, v57;
	v57 =	vmax.f32 v33, v41  }
0x204: {  	v33 =	vsel vm1, v57, v33;
	v35 =	vmul.f32 v47, v35;
	v40 =	vadd.f32 v58, v42  }
0x205: {  	v61 =	vperm.xlane v16, v4;
	v60 =	vsel vm8, v45, v44;
	v45 =	vmax.f32 v59, v63;
	v44 =	vpop (erf)  }
0x206: {  	v62 =	vperm.xlane v16, v2;
	v39 =	vsel vm1, v45, v59;
	v51 =	vpop (erf);
	v40 =	vsub.f32 $0.0e+00, v40  }
0x207: {  	vm7 =	vne.s32 v16, v61;
	v50 =	vperm.xlane v39, v2;
	v37 =	vadd.f32 $1.000000000e+00, v51  }
0x208: {  	v31 =	vmax.f32 v60, v55;
	vm0 =	veq.s32 v16, v62;
	v40 =	vmul.f32 $1.442695020e+00, v40  }
0x209: {  	vm8 =	vmand vm0, vm4;
	v45 =	vmax.f32 v39, v50;
	(erf) = vrcp.f32 v37  }
0x20a: {  	v55 =	vmax.f32 v32, v53;
	v39 =	vsel vm8, v45, v39;
	(erf) = vpow2.f32 v40  }
0x20b: {  	v60 =	vperm.xlane v34, v0;
	v32 =	vsel vm1, v55, v32;
	v54 =	vperm.xlane v39, v5  }
0x20c: {  	v61 =	vperm.xlane v33, v2;
	v56 =	vperm.xlane v32, v2;
	vm0 =	veq.s32 v16, v49  }
0x20d: {  	v62 =	vmax.f32 v34, v60;
	vm0 =	vmand vm0, vm10;
	v37 =	vmax.f32 v39, v54  }
0x20e: {  	v59 =	vld.idx.msk [tilespmem:v16+s15+$0x0], $0xffff;
	v34 =	vsel vm1, v62, v34;
	v45 =	vmax.f32 v33, v61;
	v37 =	vsel vm0, v37, v39  }
0x20f: {  	v61 =	vperm.xlane v20, v2;
	v39 =	vmax.f32 v32, v56;
	v58 =	vperm.xlane v37, v6  }
0x210: {  	v33 =	vsel vm8, v45, v33;
	v45 =	vperm.xlane v34, v2;
	v39 =	vsel vm8, v39, v32  }
0x211: {  	v48 =	vperm.xlane v33, v5;
	v63 =	vperm.xlane v39, v5;
	v41 =	vmax.f32 v37, v58  }
0x212: {  	v36 =	vmul.f32 v44, v36;
	v58 =	vperm.xlane v20, v0;
	v41 =	vsel vm9, v41, v37;
	v46 =	vpop (erf)  }
0x213: {  	v40 =	vmax.f32 v39, v63;
	v37 =	vmax.f32 v34, v45;
	v32 =	vmax.f32 v41, v59;
	v49 =	vpop (erf)  }
0x214: {  	v39 =	vsel vm0, v40, v39;
	v41 =	vmax.f32 v33, v48;
	v50 =	vadd.f32 $1.000000000e+00, v49  }
0x215: {  	v34 =	vsel vm8, v37, v34;
	v59 =	vperm.xlane v35, v0;
	v51 =	vperm.xlane v39, v6  }
0x216: {  	v52 =	vld.idx.msk [tilespmem:v17+s15+$0x0], $0xffff;
	v33 =	vsel vm0, v41, v33;
	v53 =	vperm.xlane v34, v5;
	(erf) = vrcp.f32 v50  }
0x217: {  	v55 =	vperm.xlane v33, v6;
	v62 =	vmax.f32 v35, v59;
	v54 =	vmax.f32 v39, v51  }
0x218: {  	v56 =	vld.idx.msk [tilespmem:v18+s15+$0x0], $0xffff;
	v57 =	vmax.f32 v34, v53;
	v51 =	vperm.xlane v20, v5;
	v39 =	vsel vm9, v54, v39  }
0x219: {  	v43 =	vmax.f32 v33, v55;
	v40 =	vsel vm0, v57, v34;
	vm0 =	veq.s32 v20, v58  }
0x21a: {  	v38 =	vmul.f32 v46, v38;
	v54 =	vperm.xlane v36, v0;
	v43 =	vsel vm9, v43, v33  }
0x21b: {  	v60 =	vperm.xlane v40, v6;
	vm1 =	vmand vm0, vm3;
	v33 =	vmax.f32 v39, v52  }
0x21c: {  	v63 =	vld.idx.msk [tilespmem:v19+s15+$0x0], $0xffff;
	vm0 =	veq.s32 v20, v61;
	v61 =	vperm.xlane v20, v6;
	v35 =	vsel vm1, v62, v35  }
0x21d: {  	v34 =	vmax.f32 v43, v56;
	v55 =	vperm.xlane v38, v0;
	v50 =	vperm.xlane v35, v2  }
0x21e: {  	vm2 =	vmand vm0, vm4;
	vm0 =	veq.s32 v20, v51;
	v49 =	vmax.f32 v40, v60  }
0x21f: {  	v39 =	vsel vm9, v49, v40;
	v56 =	vmax.f32 v38, v55;
	v41 =	vmax.f32 v35, v50;
	v52 =	vpop (erf)  }
0x220: {  	v38 =	vsel vm1, v56, v38;
	v41 =	vsel vm2, v41, v35;
	v42 =	vmul.f32 v52, v42  }
0x221: {  	v35 =	vmax.f32 v39, v63;
	v39 =	vmax.f32 v36, v54;
	v53 =	vperm.xlane v41, v5  }
0x222: {  	v60 =	vperm.xlane v38, v2;
	v36 =	vsel vm1, v39, v36;
	v44 =	vperm.xlane v42, v0  }
0x223: {  	vm0 =	vmand vm0, vm10;
	v58 =	vperm.xlane v36, v2;
	v37 =	vmax.f32 v41, v53  }
0x224: {  	v37 =	vsel vm0, v37, v41;
	v41 =	vmax.f32 v38, v60;
	v57 =	vmax.f32 v42, v44  }
0x225: {  	v62 =	vperm.xlane v37, v6;
	v38 =	vsel vm2, v41, v38;
	v59 =	vsel vm1, v57, v42  }
0x226: {  	v48 =	vperm.xlane v38, v5;
	v42 =	vperm.xlane v59, v2  }
0x227: {  	v40 =	vperm.xlane v20, v4;
	v60 =	vimm.s32 $0x0;
	v45 =	vmax.f32 v37, v62  }
0x228: {  	v51 =	vmax.f32 v38, v48;
	v44 =	vmax.f32 v36, v58;
	v42 =	vmax.f32 v59, v42  }
0x229: {  	v63 =	vld.idx.msk [tilespmem:v20+s15+$0x0], $0xffff;
	v38 =	vsel vm0, v51, v38;
	v36 =	vsel vm2, v44, v36;
	v39 =	vsel vm2, v42, v59  }
0x22a: {  	v54 =	vld.idx.msk [tilespmem:v26+s15+$0x0], $0xffff;
	vm1 =	veq.s32 v20, v61;
	v44 =	vperm.xlane v36, v5;
	v49 =	vperm.xlane v39, v5  }
0x22b: {  	v62 =	vimm.s32 $0x0;
	v56 =	vperm.xlane v38, v6;
	vm1 =	vmand vm1, vm11  }
0x22c: {  	v55 =	vsel vm1, v45, v37;
	v44 =	vmax.f32 v36, v44;
	v52 =	vmax.f32 v39, v49  }
0x22d: {  	v50 =	vld.idx.msk [tilespmem:v22+s15+$0x0], $0xffff;
	v37 =	vmax.f32 v38, v56;
	v44 =	vsel vm0, v44, v36;
	v39 =	vsel vm0, v52, v39  }
0x22e: {  	v38 =	vsel vm1, v37, v38;
	v53 =	vperm.xlane v44, v6;
	v42 =	vperm.xlane v39, v6  }
0x22f: {  	v57 =	vld.idx.msk [tilespmem:v27+s15+$0x0], $0xffff;
	v61 =	vimm.s32 $0x0;
	v36 =	vmax.f32 v55, v63;
	v38 =	vmax.f32 v38, v54  }
0x230: {  	v58 =	vmax.f32 v44, v53;
	vm0 =	vne.s32 v20, v40;
	v59 =	vmax.f32 v39, v42  }
0x231: {  	v40 =	vsel vm1, v58, v44;
	v39 =	vsel vm1, v59, v39;
	vm1 =	vcmask $0x3F3C  }
0x232: {  	v63 =	vimm.s32 $0x0;
	v37 =	vmax.f32 v40, v50;
	vm12 =	vmor vm5, vm1  }
0x233: {  	vm2 =	vmor vm6, vm1;
	vm4 =	vmor vm7, vm1;
	vm7 =	vmor vm0, vm1  }
0x234: {  	v39 =	vmax.f32 v39, v57;
	vm10 =	vmmov vm12;
	vm9 =	vmmov vm12  }
0x235: {  	vm11 =	vmmov vm12;
	v40 =	vsel vm12, $0xFFFFFFFF, v60;
	vm13 =	vmmov vm2  }
0x236: {  	vm14 =	vmmov vm2;
	vm15 =	vmmov vm2;
	[tilespmem:$0x1FF60] =	vst v40;
	v40 =	vsel vm2, $0xFFFFFFFF, v61  }
0x237: {  	vm0 =	vmmov vm2;
	vm1 =	vmmov vm4;
	[tilespmem:$0x1FF70] =	vst v40;
	v40 =	vsel vm4, $0xFFFFFFFF, v62  }
0x238: {  	vm3 =	vmmov vm4;
	vm8 =	vmmov vm7;
	[tilespmem:$0x1FF80] =	vst v40;
	v40 =	vsel vm7, $0xFFFFFFFF, v63  }
0x239: {  	vm5 =	vmmov vm7;
	vm6 =	vmmov vm7;
	vm2 =	vmmov vm4;
	[tilespmem:$0x1FF90] =	vst v40  }
.LBB2_10:
0x23a: {  	_ =	sdelay $0x4  }
0x23b: {  	[tilespmem:v8+s15+$0x0] =	vst.idx.msk vm10, v21  }
0x23c: {  	[tilespmem:v9+s15+$0x0] =	vst.idx.msk vm9, v23  }
0x23d: {  	[tilespmem:v10+s15+$0x0] =	vst.idx.msk vm11, v24  }
0x23e: {  	[tilespmem:v11+s15+$0x0] =	vst.idx.msk vm12, v25  }
0x23f: {  	[tilespmem:v12+s15+$0x0] =	vst.idx.msk vm13, v28  }
0x240: {  	[tilespmem:v13+s15+$0x0] =	vst.idx.msk vm14, v29  }
0x241: {  	[tilespmem:v14+s15+$0x0] =	vst.idx.msk vm15, v30  }
0x242: {  	[tilespmem:v15+s15+$0x0] =	vst.idx.msk vm0, v31  }
0x243: {  	[tilespmem:v16+s15+$0x0] =	vst.idx.msk vm1, v32  }
0x244: {  	[tilespmem:v17+s15+$0x0] =	vst.idx.msk vm2, v33  }
0x245: {  	[tilespmem:v18+s15+$0x0] =	vst.idx.msk vm3, v34  }
0x246: {  	[tilespmem:v19+s15+$0x0] =	vst.idx.msk vm4, v35  }
0x247: {  	[tilespmem:v20+s15+$0x0] =	vst.idx.msk vm8, v36  }
0x248: {  	v47 =	vld [tilespmem:$0x1FF60];
	[tilespmem:v22+s15+$0x0] =	vst.idx.msk vm5, v37  }
0x249: {  	v58 =	vld [tilespmem:$0x1FF80];
	[tilespmem:v26+s15+$0x0] =	vst.idx.msk vm6, v38  }
0x24a: {  	v60 =	vld [tilespmem:$0x1FF90];
	[tilespmem:v27+s15+$0x0] =	vst.idx.msk vm7, v39  }
0x24b: {  	v40 =	vld.idx.msk [tilespmem:v8+s15+$0x0], $0xffff  }
0x24c: {  	v41 =	vld.idx.msk [tilespmem:v9+s15+$0x0], $0xffff  }
0x24d: {  	v42 =	vld.idx.msk [tilespmem:v10+s15+$0x0], $0xffff  }
0x24e: {  	v43 =	vld.idx.msk [tilespmem:v11+s15+$0x0], $0xffff  }
0x24f: {  	v48 =	vimm.s32 $0x0;
	v44 =	vld.idx.msk [tilespmem:v12+s15+$0x0], $0xffff  }
0x250: {  	v49 =	vimm.s32 $0x0;
	v53 =	vld [tilespmem:$0x1FF70];
	vm10 =	vnez.u8 v60;
	vm3 =	vnez.u8 v47  }
0x251: {  	vm8 =	vnez.u8 v58;
	v45 =	vld.idx.msk [tilespmem:v13+s15+$0x0], $0xffff;
	vm0 =	vlt.f32 v41, v23;
	vm1 =	vlt.f32 v40, v21  }
0x252: {  	v46 =	vld.idx.msk [tilespmem:v14+s15+$0x0], $0xffff;
	vm2 =	vlt.f32 v42, v24;
	vm4 =	vmand vm3, vm0;
	vm1 =	vmand vm3, vm1  }
0x253: {  	v63 =	vld.idx.msk [tilespmem:v15+s15+$0x0], $0xffff;
	vm0 =	vlt.f32 v43, v25;
	vm11 =	vmand vm3, vm2;
	v41 =	vsel vm4, $0xFFFFFFFF, v48  }
0x254: {  	v50 =	vld.idx.msk [tilespmem:v16+s15+$0x0], $0xffff;
	vm2 =	vlt.f32 v44, v28;
	[tilespmem:$0x1FF50] =	vst v41;
	v41 =	vsel vm1, $0xFFFFFFFF, v49;
	vm1 =	vmor vm1, vm4  }
0x255: {  	v51 =	vld.idx.msk [tilespmem:v17+s15+$0x0], $0xffff;
	vm12 =	vmand vm3, vm0;
	vm4 =	vnez.u8 v53;
	vm0 =	vmor vm1, vm11  }
0x256: {  	v52 =	vld.idx.msk [tilespmem:v18+s15+$0x0], $0xffff;
	vm1 =	vlt.f32 v45, v29;
	vm13 =	vmand vm4, vm2;
	vm0 =	vmor vm0, vm12  }
0x257: {  	v54 =	vld.idx.msk [tilespmem:v19+s15+$0x0], $0xffff;
	vm2 =	vlt.f32 v46, v30;
	vm14 =	vmand vm4, vm1;
	vm0 =	vmor vm0, vm13  }
0x258: {  	v55 =	vld.idx.msk [tilespmem:v20+s15+$0x0], $0xffff;
	vm1 =	vlt.f32 v63, v31;
	vm15 =	vmand vm4, vm2;
	vm2 =	vmor vm0, vm14  }
0x259: {  	v56 =	vld.idx.msk [tilespmem:v22+s15+$0x0], $0xffff;
	vm3 =	vlt.f32 v50, v32;
	vm0 =	vmand vm4, vm1;
	vm2 =	vmor vm2, vm15  }
0x25a: {  	v57 =	vld.idx.msk [tilespmem:v26+s15+$0x0], $0xffff;
	vm4 =	vlt.f32 v51, v33;
	vm1 =	vmand vm8, vm3;
	vm3 =	vmor vm2, vm0  }
0x25b: {  	v59 =	vld.idx.msk [tilespmem:v27+s15+$0x0], $0xffff;
	vm5 =	vlt.f32 v52, v34;
	vm2 =	vmand vm8, vm4;
	vm4 =	vmor vm3, vm1  }
0x25c: {  	vm6 =	vlt.f32 v54, v35;
	vm3 =	vmand vm8, vm5;
	vm5 =	vmor vm4, vm2  }
0x25d: {  	vm7 =	vlt.f32 v55, v36;
	vm4 =	vmand vm8, vm6;
	vm5 =	vmor vm5, vm3  }
0x25e: {  	vm6 =	vlt.f32 v56, v37;
	vm8 =	vmand vm10, vm7;
	vm7 =	vmor vm5, vm4  }
0x25f: {  	vm9 =	vlt.f32 v57, v38;
	vm5 =	vmand vm10, vm6;
	vm7 =	vmor vm7, vm8  }
0x260: {  	vm6 =	vmand vm10, vm9;
	vm9 =	vmor vm7, vm5;
	vm7 =	vlt.f32 v59, v39  }
0x261: {  	vm7 =	vmand vm10, vm7;
	vm9 =	vmor vm9, vm6  }
0x262: {  	vm9 =	vmor vm9, vm7  }
0x263: {  	v62 =	vsel vm9, $0x3F800000, v7  }
0x264: {  	(xrf0) =	vmax.scan.msk.f32 $0xffff, v62;
	_ =	sdelay $0x5  }
0x265: {  	v40, _, _ =	vpop (xrf0)  }
0x266: {  	(v2sf) =	vpush v40, $0xF;
	_ =	sdelay $0xd  }
0x267: {  	[tilespmem:$0x1FF40] =	vst v41  }
0x268: {  	v61 =	vld [tilespmem:$0x1FF40];
	s20 =	spop (v2sf)  }
0x269: {  	v63 =	vld [tilespmem:$0x1FF50];
	p0 =	sgt.f32 s20, $0.0e+00  }
.Ltmp3:
0x26a: {  	_ = 	snop;
	(pc) =	sbr.rel @p0 .LBB2_10-.Ltmp3, $2  }
0x26b: {  	_ =	sdelay $0x2  }
0x26c: {  	vm10 =	vnez.u8 v61;
	vm9 =	vnez.u8 v63  }
0x26d: {  	s19 =	sadd.s32 $0x1, s19  }
0x26e: {  	p0 =	sne.s32 s19, $0x7D  }
.Ltmp4:
0x26f: {  	_ = 	snop;
	(pc) =	sbr.rel @p0 .LBB2_9-.Ltmp4, $1  }
0x270: {  	_ =	sdelay $0x3  }
0x271: {  	s18 =	sadd.s32 $0x1, s18  }
0x272: {  	p0 =	sne.s32 s18, $0x14  }
.Ltmp5:
0x273: {  	_ = 	snop;
	(pc) =	sbr.rel @p0 .LBB2_4-.Ltmp5, $1  }
0x274: {  	_ =	sdelay $0x3  }
0x275: {  	s16 =	sadd.s32 $0x1, s16  }
0x276: {  	p0 =	sne.s32 s16, s7  }
.Ltmp6:
0x277: {  	_ = 	snop;
	(pc) =	sbr.rel @p0 .LBB2_1-.Ltmp6, $4  }
0x278: {  	[hbm4b:s6+s3] =	stream.linear.scatter [tilespmem:s15], [sflag:$0x3], $0x9C40, $0x38;
	[tilespmem:$0x1B700] =	vst v63  }
0x279: {  	_ =	swait.ge [sflag:s8], $0x9C40  }
0x27a: {  	[sflag:s8] =	ssyncset.done $0x0  }
0x27b: {  	[sflag:s8] =	ssyncadd.s32 $0xFFFF63C0  }
0x27c: {  	_ =	sfence.sel $0x180000  }
0x27d: {  	[bflag:$0x0] =	sbarrier.arrive $0xFFFF  }
0x27e: {  	p0 =	sne.s32 s1, $0x0;
	_ =	strace $0x90000047  }
0x27f: {  	s0 =	sadd.s32 @!p0 $0x100000, s2;
	[bflag:$0x2] =	sbarrier.arrive $0xFFFF  }
0x280: {  	[sflag:s0] =	ssyncadd.tile.s32 @!p0 $0x1;
	_ =	shalt  }
.Lfunc_end2:
_tile_overlayer_lowered:
.L_overlay_start_2:
0x281: {  	(tag) =	ssettag $0x2  }
0x282: {  	s0 =	rddreg [dreg:$0x0];
	s2 =	stileid.u32  }
0x283: {  	s1 =	rddreg [dreg:$0x1];
	p0 =	sne.s32 s2, $0x0  }
0x284: {  	s3 =	rddreg [dreg:$0x2];
	[bflag:$0x3] =	sbarrier.arrive $0xFFFF;
	s2 =	simm.s32 @!p0 $0x1C03  }
0x285: {  	[timem:s3], [sflag:s2] =	dma.local @!p0 [hbm:s0], s1  }
0x286: {  	s0 =	simm.s32 @!p0 $0x3  }
0x287: {  	_ =	swait.ge @!p0 [sflag:s0], s1  }
0x288: {  	s1 =	ssub.s32 @!p0 $0x0, s1;
	[sflag:s0] =	ssyncset.done @!p0 $0x0  }
0x289: {  	[sflag:s0] =	ssyncadd.s32 @!p0 s1  }
0x28a: {  	[bflag:$0x3] =	sbarrier.arrive $0xFFFF  }
0x28b: {  	_ =	shalt  }

</sc_bundles>
